<compile_context>
chip_gen: v7x
topology: tpu7x:2x2x1
jax: 0.10.2.dev20260603
libtpu: 0.0.44.dev20260713+nightly
codegen_flags: <defaults>
</compile_context>

<pallas_src>
import functools

import jax
import jax.numpy as jnp
from jax import lax
from jax.experimental import pallas as pl
from jax.experimental.pallas import tpu as pltpu
from jax.experimental.pallas import tpu_sc as plsc

B = 16384
D = 16
L = 50
NF = 26
NC = 2
NS = 16
NW = NC * NS
BPW = B // NW
HCH = 64
NCH = BPW // HCH
EMB_W = (NF + 1) * D
NFM = 25
EMBM_W = (NFM + 1) * D

import numpy as _np
_DIDX_PAT = _np.repeat(_np.arange(HCH, dtype=_np.int32), L)


def _sc_field(idx, tbl, out, fidx_v, frows_v, fsem):
    cid = lax.axis_index("c")
    sid = lax.axis_index("s")
    base = (cid * NS + sid) * BPW
    pltpu.sync_copy(idx.at[pl.ds(base, BPW)], fidx_v)
    pltpu.async_copy(tbl.at[fidx_v], frows_v, fsem).wait()
    pltpu.sync_copy(frows_v, out.at[pl.ds(base, BPW), :])


_sc_item_call = functools.partial(
    pl.kernel,
    out_type=jax.ShapeDtypeStruct((B, D), jnp.float32),
    mesh=plsc.VectorSubcoreMesh(core_axis_name="c", subcore_axis_name="s",
                                num_cores=NC, num_subcores=NS),
    compiler_params=pltpu.CompilerParams(use_tc_tiling_on_sc=False),
    scratch_types=[
        pltpu.VMEM((BPW,), jnp.int32),
        pltpu.VMEM((BPW, D), jnp.float32),
        pltpu.SemaphoreType.DMA,
    ],
)(_sc_field)


def _sc_gather(*args):
    idxs = args[:NFM]
    hist_flat = args[NFM]
    didx_pat = args[NFM + 1]
    tbls = args[NFM + 2:2 * NFM + 2]
    t_hist = args[2 * NFM + 2]
    out = args[2 * NFM + 3]
    (idx_v, rows_a, rows_b, hidx_v, hrows_v, didx_v, zero_v, accout_v,
     acc_sh, sem_i, sem_a, sem_b) = args[2 * NFM + 4:]

    cid = lax.axis_index("c")
    sid = lax.axis_index("s")
    wid = cid * NS + sid
    base = wid * BPW

    idescs = [
        pltpu.async_copy(idxs[t].at[pl.ds(base, BPW)], idx_v.at[t], sem_i)
        for t in range(NFM)
    ]
    for dsc in idescs:
        dsc.wait()

    bufs = (rows_a, rows_b)
    sems = (sem_a, sem_b)
    descs = [None, None]
    descs[0] = pltpu.async_copy(tbls[0].at[idx_v.at[0]], bufs[0], sems[0])
    for t in range(NFM):
        if t + 1 < NFM:
            nb = (t + 1) % 2
            descs[nb] = pltpu.async_copy(
                tbls[t + 1].at[idx_v.at[t + 1]], bufs[nb], sems[nb])
        descs[t % 2].wait()
        pltpu.sync_copy(bufs[t % 2],
                        out.at[pl.ds(base, BPW), pl.ds(t * D, D)])

    pltpu.sync_copy(didx_pat, didx_v)
    off = sid * HCH

    def _bd(i, c):
        sl = pl.ds(i * D, D)
        didx_v[sl] = didx_v[sl] + off
        return c
    lax.fori_loop(0, HCH * L // D, _bd, 0)

    def _bz(i, c):
        zero_v[i, :] = jnp.zeros((D,), jnp.float32)
        return c
    lax.fori_loop(0, HCH, _bz, 0)

    for c in range(NCH):
        off = base * L + c * HCH * L
        pltpu.sync_copy(hist_flat.at[pl.ds(off, HCH * L)], hidx_v)
        pltpu.async_copy(t_hist.at[hidx_v], hrows_v, sem_a).wait()
        pltpu.sync_copy(zero_v, acc_sh.at[pl.ds(sid * HCH, HCH)])
        pltpu.sync_copy(hrows_v, acc_sh.at[didx_v], add=True)
        pltpu.sync_copy(acc_sh.at[pl.ds(sid * HCH, HCH)], accout_v)
        pltpu.sync_copy(
            accout_v,
            out.at[pl.ds(base + c * HCH, HCH), pl.ds(NFM * D, D)])


_sc_gather_call = functools.partial(
    pl.kernel,
    out_type=jax.ShapeDtypeStruct((B, EMBM_W), jnp.float32),
    mesh=plsc.VectorSubcoreMesh(core_axis_name="c", subcore_axis_name="s",
                                num_cores=NC, num_subcores=NS),
    compiler_params=pltpu.CompilerParams(use_tc_tiling_on_sc=False),
    scratch_types=[
        pltpu.VMEM((NFM, BPW), jnp.int32),
        pltpu.VMEM((BPW, D), jnp.float32),
        pltpu.VMEM((BPW, D), jnp.float32),
        pltpu.VMEM((HCH * L,), jnp.int32),
        pltpu.VMEM((HCH * L, D), jnp.float32),
        pltpu.VMEM((HCH * L,), jnp.int32),
        pltpu.VMEM((HCH, D), jnp.float32),
        pltpu.VMEM((HCH, D), jnp.float32),
        pltpu.VMEM_SHARED((NS * HCH, D), jnp.float32),
        pltpu.SemaphoreType.DMA,
        pltpu.SemaphoreType.DMA,
        pltpu.SemaphoreType.DMA,
    ],
)(_sc_gather)


BB = 1024
GRID = B // BB


def _tc_body(emb_ref, price_ref, A_ref, w0_ref, wpe_ref, b0_ref, w1_ref,
             b1_ref, w2_ref, v_ref, scal_ref, out_ref):
    e = emb_ref[...]
    p = price_ref[...]
    w_lin = scal_ref[0:1, 0:1]
    b2 = scal_ref[0:1, 1:2]
    sv2 = scal_ref[0:1, 2:3]

    s = jnp.dot(e, A_ref[...], preferred_element_type=jnp.float32)
    s = s + p * v_ref[...]
    ss = jnp.sum(e * e, axis=1, keepdims=True) + p * p * sv2
    fm = 0.5 * (jnp.sum(s * s, axis=1, keepdims=True) - ss)

    h = jnp.dot(e, w0_ref[...], preferred_element_type=jnp.float32)
    h = jnp.maximum(h + p * wpe_ref[...] + b0_ref[...], 0.0)
    h = jnp.maximum(
        jnp.dot(h, w1_ref[...], preferred_element_type=jnp.float32)
        + b1_ref[...], 0.0)
    mlp = jnp.sum(h * w2_ref[...], axis=1, keepdims=True) + b2

    res = p * w_lin + fm + mlp
    out_ref[...] = (1.0 / (1.0 + jnp.exp(-res)))[:, 0]


def _tc_head(emb, price, A, w0, wpe, b0, w1, b1, w2, v, scal):
    full = lambda shape: pl.BlockSpec(shape, lambda i: (0, 0))
    return pl.pallas_call(
        _tc_body,
        grid=(GRID,),
        in_specs=[
            pl.BlockSpec((BB, EMB_W), lambda i: (i, 0)),
            pl.BlockSpec((BB, 1), lambda i: (i, 0)),
            full(A.shape), full(w0.shape), full(wpe.shape), full(b0.shape),
            full(w1.shape), full(b1.shape), full(w2.shape), full(v.shape),
            full(scal.shape),
        ],
        out_specs=pl.BlockSpec((BB,), lambda i: (i,)),
        out_shape=jax.ShapeDtypeStruct((B,), jnp.float32),
    )(emb, price, A, w0, wpe, b0, w1, b1, w2, v, scal)


def kernel(item_id, f01, f02, f03, f04, f05, f06, f07, f08, f09, f10, f11,
           f12, f13, f14, f15, f16, f17, f18, f19, f20, f21, f22, f23, f24,
           f25, hist, price, T_item_id, T_f01, T_f02, T_f03, T_f04, T_f05,
           T_f06, T_f07, T_f08, T_f09, T_f10, T_f11, T_f12, T_f13, T_f14,
           T_f15, T_f16, T_f17, T_f18, T_f19, T_f20, T_f21, T_f22, T_f23,
           T_f24, T_f25, T_hist, ctn_emb_price, ctn_lin_price, W0, b0, W1,
           b1, W2, b2):
    fields = (item_id, f01, f02, f03, f04, f05, f06, f07, f08, f09, f10,
              f11, f12, f13, f14, f15, f16, f17, f18, f19, f20, f21, f22,
              f23, f24, f25)
    tables = (T_item_id, T_f01, T_f02, T_f03, T_f04, T_f05, T_f06, T_f07,
              T_f08, T_f09, T_f10, T_f11, T_f12, T_f13, T_f14, T_f15,
              T_f16, T_f17, T_f18, T_f19, T_f20, T_f21, T_f22, T_f23,
              T_f24, T_f25)

    idx_in = [f.astype(jnp.int32).reshape(B) for f in fields]
    hist_flat = hist.astype(jnp.int32).reshape(B * L)
    didx_pat = jnp.asarray(_DIDX_PAT)

    item_slab = _sc_item_call(idx_in[0], tables[0])
    rest = _sc_gather_call(*idx_in[1:], hist_flat, didx_pat, *tables[1:],
                           T_hist)
    emb = jnp.concatenate([item_slab, rest], axis=1)

    v = ctn_emb_price.reshape(1, D).astype(jnp.float32)
    A = jnp.tile(jnp.eye(D, dtype=jnp.float32), (NF + 1, 1))
    w0_main = W0[:EMB_W, :]
    wpe = v @ W0[EMB_W:, :]
    scal = jnp.stack([ctn_lin_price[0, 0], b2[0],
                      jnp.sum(v * v)]).reshape(1, 3)
    return _tc_head(emb, price.astype(jnp.float32), A, w0_main, wpe,
                    b0.reshape(1, -1), W1, b1.reshape(1, -1),
                    W2.reshape(1, -1), v, scal)

# --- scband reference (transcript-rebuilt; emitter-appended) ---
"""Pipeline reference for scband-deep-factorization-machine-model-21543555957057 (READ-ONLY COPY).

The authoritative reference and input builder live on the scoring server;
editing this copy changes nothing except your own understanding.
"""

import jax, jax.numpy as jnp
import numpy as np

B = 16384
D = 16
L = 50
FNAMES = ["f%02d" % i for i in range(1, 26)]


def setup_inputs(seed: int = 0) -> dict:
    key = jax.random.key(seed)
    k = lambda i: jax.random.fold_in(key, i)
    inp = {}
    inp["item_id"] = jax.random.randint(k(0), (B, 1), 0, 1000000)
    for i, n in enumerate(FNAMES):
        inp[n] = jax.random.randint(k(1 + i), (B, 1), 0, 100000)
    inp["hist"] = jax.random.randint(k(30), (B, L), 0, 100000)
    inp["price"] = jax.random.uniform(k(31), (B, 1), dtype=jnp.float32)
    # learned parameters sized per init_kwargs
    inp["T_item_id"] = jax.random.normal(k(32), (1000000, D), dtype=jnp.float32) * 0.01
    for i, n in enumerate(FNAMES):
        inp["T_" + n] = jax.random.normal(k(33 + i), (100000, D), dtype=jnp.float32) * 0.01
    inp["T_hist"] = jax.random.normal(k(60), (100000, D), dtype=jnp.float32) * 0.01
    inp["ctn_emb_price"] = jax.random.normal(k(61), (1, D), dtype=jnp.float32) * 0.01
    inp["ctn_lin_price"] = jax.random.normal(k(62), (1, 1), dtype=jnp.float32) * 0.01
    dims = [28 * D, 128, 64]
    inp["W0"] = jax.random.normal(k(63), (dims[0], dims[1]), dtype=jnp.float32) * 0.05
    inp["b0"] = jnp.zeros((dims[1],), jnp.float32)
    inp["W1"] = jax.random.normal(k(64), (dims[1], dims[2]), dtype=jnp.float32) * 0.05
    inp["b1"] = jnp.zeros((dims[2],), jnp.float32)
    inp["W2"] = jax.random.normal(k(65), (dims[2], 1), dtype=jnp.float32) * 0.05
    inp["b2"] = jnp.zeros((1,), jnp.float32)
    return inp


def _forward(params, item_id, fidx, hist, price):
    # item_id embedding, unsqueezed to [B, 1, D]
    embs = [jnp.take(params["T_item_id"], item_id[:, 0], axis=0)[:, None, :]]
    # sparse fields, each [B, 1, D]
    for n in FNAMES:
        embs.append(jnp.take(params["T_" + n], fidx[n][:, 0], axis=0)[:, None, :])
    # seq feature: embed + sum over sequence length -> [B, 1, D]
    embs.append(jnp.sum(jnp.take(params["T_hist"], hist, axis=0), axis=1, keepdims=True))
    # ctn feature: learned vector scaled by value -> [B, 1, D]
    embs.append((params["ctn_emb_price"] * price)[:, None, :])
    # ctn linear part: Linear(1, 1, bias=False)
    linear_part = price @ params["ctn_lin_price"].T  # [B, 1]
    emb = jnp.concatenate(embs, axis=1)  # [B, 28, D]
    # FactorizationMachine: 0.5 * ((sum_f x)^2 - sum_f x^2) summed over D -> [B, 1]
    s = jnp.sum(emb, axis=1)
    ss = jnp.sum(emb * emb, axis=1)
    fm = 0.5 * jnp.sum(s * s - ss, axis=1, keepdims=True)
    # MLP on flattened embeddings (dropout inactive at inference)
    h = emb.reshape(emb.shape[0], -1)
    h = jax.nn.relu(h @ params["W0"] + params["b0"])
    h = jax.nn.relu(h @ params["W1"] + params["b1"])
    mlp = h @ params["W2"] + params["b2"]
    res = (linear_part + fm + mlp)[:, 0]
    return jax.nn.sigmoid(res)


def reference(
    item_id,
    f01, f02, f03, f04, f05, f06, f07, f08, f09, f10,
    f11, f12, f13, f14, f15, f16, f17, f18, f19, f20,
    f21, f22, f23, f24, f25,
    hist,
    price,
    T_item_id,
    T_f01, T_f02, T_f03, T_f04, T_f05, T_f06, T_f07, T_f08, T_f09, T_f10,
    T_f11, T_f12, T_f13, T_f14, T_f15, T_f16, T_f17, T_f18, T_f19, T_f20,
    T_f21, T_f22, T_f23, T_f24, T_f25,
    T_hist,
    ctn_emb_price,
    ctn_lin_price,
    W0, b0, W1, b1, W2, b2,
):
    inp = dict(locals())
    fidx = {n: inp[n] for n in FNAMES}
    return _forward(inp, inp["item_id"], fidx, inp["hist"], inp["price"])

if __name__ == "__main__":
    import jax
    _d = setup_inputs()
    print(jax.jit(kernel)(*tuple(_d.values())))

</pallas_src>

<mosaic_0001>
#map = affine_map<(d0, d1) -> (0)>
#map1 = affine_map<(d0, d1) -> (0, 0)>
module attributes {stable_mosaic.version = 14 : i64} {
  func.func @_sc_gather(%arg0: i32, %arg1: i32, %arg2: memref<16384xi32, #tpu.memory_space<hbm>>, %arg3: memref<16384xi32, #tpu.memory_space<hbm>>, %arg4: memref<16384xi32, #tpu.memory_space<hbm>>, %arg5: memref<16384xi32, #tpu.memory_space<hbm>>, %arg6: memref<16384xi32, #tpu.memory_space<hbm>>, %arg7: memref<16384xi32, #tpu.memory_space<hbm>>, %arg8: memref<16384xi32, #tpu.memory_space<hbm>>, %arg9: memref<16384xi32, #tpu.memory_space<hbm>>, %arg10: memref<16384xi32, #tpu.memory_space<hbm>>, %arg11: memref<16384xi32, #tpu.memory_space<hbm>>, %arg12: memref<16384xi32, #tpu.memory_space<hbm>>, %arg13: memref<16384xi32, #tpu.memory_space<hbm>>, %arg14: memref<16384xi32, #tpu.memory_space<hbm>>, %arg15: memref<16384xi32, #tpu.memory_space<hbm>>, %arg16: memref<16384xi32, #tpu.memory_space<hbm>>, %arg17: memref<16384xi32, #tpu.memory_space<hbm>>, %arg18: memref<16384xi32, #tpu.memory_space<hbm>>, %arg19: memref<16384xi32, #tpu.memory_space<hbm>>, %arg20: memref<16384xi32, #tpu.memory_space<hbm>>, %arg21: memref<16384xi32, #tpu.memory_space<hbm>>, %arg22: memref<16384xi32, #tpu.memory_space<hbm>>, %arg23: memref<16384xi32, #tpu.memory_space<hbm>>, %arg24: memref<16384xi32, #tpu.memory_space<hbm>>, %arg25: memref<16384xi32, #tpu.memory_space<hbm>>, %arg26: memref<16384xi32, #tpu.memory_space<hbm>>, %arg27: memref<819200xi32, #tpu.memory_space<hbm>>, %arg28: memref<3200xi32, #tpu.memory_space<hbm>>, %arg29: memref<100000x16xf32, #tpu.memory_space<hbm>>, %arg30: memref<100000x16xf32, #tpu.memory_space<hbm>>, %arg31: memref<100000x16xf32, #tpu.memory_space<hbm>>, %arg32: memref<100000x16xf32, #tpu.memory_space<hbm>>, %arg33: memref<100000x16xf32, #tpu.memory_space<hbm>>, %arg34: memref<100000x16xf32, #tpu.memory_space<hbm>>, %arg35: memref<100000x16xf32, #tpu.memory_space<hbm>>, %arg36: memref<100000x16xf32, #tpu.memory_space<hbm>>, %arg37: memref<100000x16xf32, #tpu.memory_space<hbm>>, %arg38: memref<100000x16xf32, #tpu.memory_space<hbm>>, %arg39: memref<100000x16xf32, #tpu.memory_space<hbm>>, %arg40: memref<100000x16xf32, #tpu.memory_space<hbm>>, %arg41: memref<100000x16xf32, #tpu.memory_space<hbm>>, %arg42: memref<100000x16xf32, #tpu.memory_space<hbm>>, %arg43: memref<100000x16xf32, #tpu.memory_space<hbm>>, %arg44: memref<100000x16xf32, #tpu.memory_space<hbm>>, %arg45: memref<100000x16xf32, #tpu.memory_space<hbm>>, %arg46: memref<100000x16xf32, #tpu.memory_space<hbm>>, %arg47: memref<100000x16xf32, #tpu.memory_space<hbm>>, %arg48: memref<100000x16xf32, #tpu.memory_space<hbm>>, %arg49: memref<100000x16xf32, #tpu.memory_space<hbm>>, %arg50: memref<100000x16xf32, #tpu.memory_space<hbm>>, %arg51: memref<100000x16xf32, #tpu.memory_space<hbm>>, %arg52: memref<100000x16xf32, #tpu.memory_space<hbm>>, %arg53: memref<100000x16xf32, #tpu.memory_space<hbm>>, %arg54: memref<100000x16xf32, #tpu.memory_space<hbm>>, %arg55: memref<16384x416xf32, #tpu.memory_space<hbm>>, %arg56: memref<25x512xi32, #tpu.memory_space<vmem>>, %arg57: memref<512x16xf32, #tpu.memory_space<vmem>>, %arg58: memref<512x16xf32, #tpu.memory_space<vmem>>, %arg59: memref<3200xi32, #tpu.memory_space<vmem>>, %arg60: memref<3200x16xf32, #tpu.memory_space<vmem>>, %arg61: memref<3200xi32, #tpu.memory_space<vmem>>, %arg62: memref<64x16xf32, #tpu.memory_space<vmem>>, %arg63: memref<64x16xf32, #tpu.memory_space<vmem>>, %arg64: memref<1024x16xf32, #tpu.memory_space<vmem_shared>>, %arg65: memref<!tpu.dma_semaphore, #tpu.memory_space<semaphore_mem>>, %arg66: memref<!tpu.dma_semaphore, #tpu.memory_space<semaphore_mem>>, %arg67: memref<!tpu.dma_semaphore, #tpu.memory_space<semaphore_mem>>) attributes {dimension_semantics = [#tpu.dimension_semantics<core_parallel>, #tpu.dimension_semantics<subcore_parallel>], iteration_bounds = array<i64: 2, 16>, scalar_prefetch = 0 : i64, scratch_operands = 12 : i64, tpu.core_type = #tpu.core_type<sc_vector_subcore>, window_params = [{transform_indices = #map}, {transform_indices = #map}, {transform_indices = #map}, {transform_indices = #map}, {transform_indices = #map}, {transform_indices = #map}, {transform_indices = #map}, {transform_indices = #map}, {transform_indices = #map}, {transform_indices = #map}, {transform_indices = #map}, {transform_indices = #map}, {transform_indices = #map}, {transform_indices = #map}, {transform_indices = #map}, {transform_indices = #map}, {transform_indices = #map}, {transform_indices = #map}, {transform_indices = #map}, {transform_indices = #map}, {transform_indices = #map}, {transform_indices = #map}, {transform_indices = #map}, {transform_indices = #map}, {transform_indices = #map}, {transform_indices = #map}, {transform_indices = #map}, {transform_indices = #map1}, {transform_indices = #map1}, {transform_indices = #map1}, {transform_indices = #map1}, {transform_indices = #map1}, {transform_indices = #map1}, {transform_indices = #map1}, {transform_indices = #map1}, {transform_indices = #map1}, {transform_indices = #map1}, {transform_indices = #map1}, {transform_indices = #map1}, {transform_indices = #map1}, {transform_indices = #map1}, {transform_indices = #map1}, {transform_indices = #map1}, {transform_indices = #map1}, {transform_indices = #map1}, {transform_indices = #map1}, {transform_indices = #map1}, {transform_indices = #map1}, {transform_indices = #map1}, {transform_indices = #map1}, {transform_indices = #map1}, {transform_indices = #map1}, {transform_indices = #map1}, {transform_indices = #map1}]} {
    %mul3A = arith.constant 16 : i32
    %mul3A_0 = arith.muli %arg0, %mul3A : i32
    %add3A = arith.addi %mul3A_0, %arg1 : i32
    %mul3A_1 = arith.constant 512 : i32
    %mul3A_2 = arith.muli %add3A, %mul3A_1 : i32
    %dma_start3A = arith.constant 0 : i32
    %dma_start3A_3 = arith.constant 0 : i32
    %dma_start3A_4 = tpu.memref_slice %arg56[%dma_start3A, %dma_start3A_3] : memref<25x512xi32, #tpu.memory_space<vmem>> -> memref<1x512xi32, #tpu.memory_space<vmem>>
    %dma_start3A_5 = tpu.memref_squeeze %dma_start3A_4 : memref<1x512xi32, #tpu.memory_space<vmem>> -> memref<512xi32, #tpu.memory_space<vmem>>
    %dma_start3A_6 = tpu.memref_slice %arg2[%mul3A_2] : memref<16384xi32, #tpu.memory_space<hbm>> -> memref<512xi32, #tpu.memory_space<hbm>>
    %dma_start3A_7 = arith.constant 0 : i32
    %dma_start3A_8 = tpu.memref_slice %arg56[%dma_start3A, %dma_start3A_7] : memref<25x512xi32, #tpu.memory_space<vmem>> -> memref<1x512xi32, #tpu.memory_space<vmem>>
    %dma_start3A_9 = tpu.memref_squeeze %dma_start3A_8 : memref<1x512xi32, #tpu.memory_space<vmem>> -> memref<512xi32, #tpu.memory_space<vmem>>
    %dma_start3A_10 = tpu.memref_slice %arg2[%mul3A_2] : memref<16384xi32, #tpu.memory_space<hbm>> -> memref<512xi32, #tpu.memory_space<hbm>>
    tpu.enqueue_dma source(%dma_start3A_10 : memref<512xi32, #tpu.memory_space<hbm>>) target(%dma_start3A_9 : memref<512xi32, #tpu.memory_space<vmem>>) target_semaphore(%arg65 : memref<!tpu.dma_semaphore, #tpu.memory_space<semaphore_mem>>)
    %dma_start3A_11 = arith.constant 1 : i32
    %dma_start3A_12 = arith.constant 0 : i32
    %dma_start3A_13 = tpu.memref_slice %arg56[%dma_start3A_11, %dma_start3A_12] : memref<25x512xi32, #tpu.memory_space<vmem>> -> memref<1x512xi32, #tpu.memory_space<vmem>>
    %dma_start3A_14 = tpu.memref_squeeze %dma_start3A_13 : memref<1x512xi32, #tpu.memory_space<vmem>> -> memref<512xi32, #tpu.memory_space<vmem>>
    %dma_start3A_15 = tpu.memref_slice %arg3[%mul3A_2] : memref<16384xi32, #tpu.memory_space<hbm>> -> memref<512xi32, #tpu.memory_space<hbm>>
    %dma_start3A_16 = arith.constant 0 : i32
    %dma_start3A_17 = tpu.memref_slice %arg56[%dma_start3A_11, %dma_start3A_16] : memref<25x512xi32, #tpu.memory_space<vmem>> -> memref<1x512xi32, #tpu.memory_space<vmem>>
    %dma_start3A_18 = tpu.memref_squeeze %dma_start3A_17 : memref<1x512xi32, #tpu.memory_space<vmem>> -> memref<512xi32, #tpu.memory_space<vmem>>
    %dma_start3A_19 = tpu.memref_slice %arg3[%mul3A_2] : memref<16384xi32, #tpu.memory_space<hbm>> -> memref<512xi32, #tpu.memory_space<hbm>>
    tpu.enqueue_dma source(%dma_start3A_19 : memref<512xi32, #tpu.memory_space<hbm>>) target(%dma_start3A_18 : memref<512xi32, #tpu.memory_space<vmem>>) target_semaphore(%arg65 : memref<!tpu.dma_semaphore, #tpu.memory_space<semaphore_mem>>)
    %dma_start3A_20 = arith.constant 2 : i32
    %dma_start3A_21 = arith.constant 0 : i32
    %dma_start3A_22 = tpu.memref_slice %arg56[%dma_start3A_20, %dma_start3A_21] : memref<25x512xi32, #tpu.memory_space<vmem>> -> memref<1x512xi32, #tpu.memory_space<vmem>>
    %dma_start3A_23 = tpu.memref_squeeze %dma_start3A_22 : memref<1x512xi32, #tpu.memory_space<vmem>> -> memref<512xi32, #tpu.memory_space<vmem>>
    %dma_start3A_24 = tpu.memref_slice %arg4[%mul3A_2] : memref<16384xi32, #tpu.memory_space<hbm>> -> memref<512xi32, #tpu.memory_space<hbm>>
    %dma_start3A_25 = arith.constant 0 : i32
    %dma_start3A_26 = tpu.memref_slice %arg56[%dma_start3A_20, %dma_start3A_25] : memref<25x512xi32, #tpu.memory_space<vmem>> -> memref<1x512xi32, #tpu.memory_space<vmem>>
    %dma_start3A_27 = tpu.memref_squeeze %dma_start3A_26 : memref<1x512xi32, #tpu.memory_space<vmem>> -> memref<512xi32, #tpu.memory_space<vmem>>
    %dma_start3A_28 = tpu.memref_slice %arg4[%mul3A_2] : memref<16384xi32, #tpu.memory_space<hbm>> -> memref<512xi32, #tpu.memory_space<hbm>>
    tpu.enqueue_dma source(%dma_start3A_28 : memref<512xi32, #tpu.memory_space<hbm>>) target(%dma_start3A_27 : memref<512xi32, #tpu.memory_space<vmem>>) target_semaphore(%arg65 : memref<!tpu.dma_semaphore, #tpu.memory_space<semaphore_mem>>)
    %dma_start3A_29 = arith.constant 3 : i32
    %dma_start3A_30 = arith.constant 0 : i32
    %dma_start3A_31 = tpu.memref_slice %arg56[%dma_start3A_29, %dma_start3A_30] : memref<25x512xi32, #tpu.memory_space<vmem>> -> memref<1x512xi32, #tpu.memory_space<vmem>>
    %dma_start3A_32 = tpu.memref_squeeze %dma_start3A_31 : memref<1x512xi32, #tpu.memory_space<vmem>> -> memref<512xi32, #tpu.memory_space<vmem>>
    %dma_start3A_33 = tpu.memref_slice %arg5[%mul3A_2] : memref<16384xi32, #tpu.memory_space<hbm>> -> memref<512xi32, #tpu.memory_space<hbm>>
    %dma_start3A_34 = arith.constant 0 : i32
    %dma_start3A_35 = tpu.memref_slice %arg56[%dma_start3A_29, %dma_start3A_34] : memref<25x512xi32, #tpu.memory_space<vmem>> -> memref<1x512xi32, #tpu.memory_space<vmem>>
    %dma_start3A_36 = tpu.memref_squeeze %dma_start3A_35 : memref<1x512xi32, #tpu.memory_space<vmem>> -> memref<512xi32, #tpu.memory_space<vmem>>
    %dma_start3A_37 = tpu.memref_slice %arg5[%mul3A_2] : memref<16384xi32, #tpu.memory_space<hbm>> -> memref<512xi32, #tpu.memory_space<hbm>>
    tpu.enqueue_dma source(%dma_start3A_37 : memref<512xi32, #tpu.memory_space<hbm>>) target(%dma_start3A_36 : memref<512xi32, #tpu.memory_space<vmem>>) target_semaphore(%arg65 : memref<!tpu.dma_semaphore, #tpu.memory_space<semaphore_mem>>)
    %dma_start3A_38 = arith.constant 4 : i32
    %dma_start3A_39 = arith.constant 0 : i32
    %dma_start3A_40 = tpu.memref_slice %arg56[%dma_start3A_38, %dma_start3A_39] : memref<25x512xi32, #tpu.memory_space<vmem>> -> memref<1x512xi32, #tpu.memory_space<vmem>>
    %dma_start3A_41 = tpu.memref_squeeze %dma_start3A_40 : memref<1x512xi32, #tpu.memory_space<vmem>> -> memref<512xi32, #tpu.memory_space<vmem>>
    %dma_start3A_42 = tpu.memref_slice %arg6[%mul3A_2] : memref<16384xi32, #tpu.memory_space<hbm>> -> memref<512xi32, #tpu.memory_space<hbm>>
    %dma_start3A_43 = arith.constant 0 : i32
    %dma_start3A_44 = tpu.memref_slice %arg56[%dma_start3A_38, %dma_start3A_43] : memref<25x512xi32, #tpu.memory_space<vmem>> -> memref<1x512xi32, #tpu.memory_space<vmem>>
    %dma_start3A_45 = tpu.memref_squeeze %dma_start3A_44 : memref<1x512xi32, #tpu.memory_space<vmem>> -> memref<512xi32, #tpu.memory_space<vmem>>
    %dma_start3A_46 = tpu.memref_slice %arg6[%mul3A_2] : memref<16384xi32, #tpu.memory_space<hbm>> -> memref<512xi32, #tpu.memory_space<hbm>>
    tpu.enqueue_dma source(%dma_start3A_46 : memref<512xi32, #tpu.memory_space<hbm>>) target(%dma_start3A_45 : memref<512xi32, #tpu.memory_space<vmem>>) target_semaphore(%arg65 : memref<!tpu.dma_semaphore, #tpu.memory_space<semaphore_mem>>)
    %dma_start3A_47 = arith.constant 5 : i32
    %dma_start3A_48 = arith.constant 0 : i32
    %dma_start3A_49 = tpu.memref_slice %arg56[%dma_start3A_47, %dma_start3A_48] : memref<25x512xi32, #tpu.memory_space<vmem>> -> memref<1x512xi32, #tpu.memory_space<vmem>>
    %dma_start3A_50 = tpu.memref_squeeze %dma_start3A_49 : memref<1x512xi32, #tpu.memory_space<vmem>> -> memref<512xi32, #tpu.memory_space<vmem>>
    %dma_start3A_51 = tpu.memref_slice %arg7[%mul3A_2] : memref<16384xi32, #tpu.memory_space<hbm>> -> memref<512xi32, #tpu.memory_space<hbm>>
    %dma_start3A_52 = arith.constant 0 : i32
    %dma_start3A_53 = tpu.memref_slice %arg56[%dma_start3A_47, %dma_start3A_52] : memref<25x512xi32, #tpu.memory_space<vmem>> -> memref<1x512xi32, #tpu.memory_space<vmem>>
    %dma_start3A_54 = tpu.memref_squeeze %dma_start3A_53 : memref<1x512xi32, #tpu.memory_space<vmem>> -> memref<512xi32, #tpu.memory_space<vmem>>
    %dma_start3A_55 = tpu.memref_slice %arg7[%mul3A_2] : memref<16384xi32, #tpu.memory_space<hbm>> -> memref<512xi32, #tpu.memory_space<hbm>>
    tpu.enqueue_dma source(%dma_start3A_55 : memref<512xi32, #tpu.memory_space<hbm>>) target(%dma_start3A_54 : memref<512xi32, #tpu.memory_space<vmem>>) target_semaphore(%arg65 : memref<!tpu.dma_semaphore, #tpu.memory_space<semaphore_mem>>)
    %dma_start3A_56 = arith.constant 6 : i32
    %dma_start3A_57 = arith.constant 0 : i32
    %dma_start3A_58 = tpu.memref_slice %arg56[%dma_start3A_56, %dma_start3A_57] : memref<25x512xi32, #tpu.memory_space<vmem>> -> memref<1x512xi32, #tpu.memory_space<vmem>>
    %dma_start3A_59 = tpu.memref_squeeze %dma_start3A_58 : memref<1x512xi32, #tpu.memory_space<vmem>> -> memref<512xi32, #tpu.memory_space<vmem>>
    %dma_start3A_60 = tpu.memref_slice %arg8[%mul3A_2] : memref<16384xi32, #tpu.memory_space<hbm>> -> memref<512xi32, #tpu.memory_space<hbm>>
    %dma_start3A_61 = arith.constant 0 : i32
    %dma_start3A_62 = tpu.memref_slice %arg56[%dma_start3A_56, %dma_start3A_61] : memref<25x512xi32, #tpu.memory_space<vmem>> -> memref<1x512xi32, #tpu.memory_space<vmem>>
    %dma_start3A_63 = tpu.memref_squeeze %dma_start3A_62 : memref<1x512xi32, #tpu.memory_space<vmem>> -> memref<512xi32, #tpu.memory_space<vmem>>
    %dma_start3A_64 = tpu.memref_slice %arg8[%mul3A_2] : memref<16384xi32, #tpu.memory_space<hbm>> -> memref<512xi32, #tpu.memory_space<hbm>>
    tpu.enqueue_dma source(%dma_start3A_64 : memref<512xi32, #tpu.memory_space<hbm>>) target(%dma_start3A_63 : memref<512xi32, #tpu.memory_space<vmem>>) target_semaphore(%arg65 : memref<!tpu.dma_semaphore, #tpu.memory_space<semaphore_mem>>)
    %dma_start3A_65 = arith.constant 7 : i32
    %dma_start3A_66 = arith.constant 0 : i32
    %dma_start3A_67 = tpu.memref_slice %arg56[%dma_start3A_65, %dma_start3A_66] : memref<25x512xi32, #tpu.memory_space<vmem>> -> memref<1x512xi32, #tpu.memory_space<vmem>>
    %dma_start3A_68 = tpu.memref_squeeze %dma_start3A_67 : memref<1x512xi32, #tpu.memory_space<vmem>> -> memref<512xi32, #tpu.memory_space<vmem>>
    %dma_start3A_69 = tpu.memref_slice %arg9[%mul3A_2] : memref<16384xi32, #tpu.memory_space<hbm>> -> memref<512xi32, #tpu.memory_space<hbm>>
    %dma_start3A_70 = arith.constant 0 : i32
    %dma_start3A_71 = tpu.memref_slice %arg56[%dma_start3A_65, %dma_start3A_70] : memref<25x512xi32, #tpu.memory_space<vmem>> -> memref<1x512xi32, #tpu.memory_space<vmem>>
    %dma_start3A_72 = tpu.memref_squeeze %dma_start3A_71 : memref<1x512xi32, #tpu.memory_space<vmem>> -> memref<512xi32, #tpu.memory_space<vmem>>
    %dma_start3A_73 = tpu.memref_slice %arg9[%mul3A_2] : memref<16384xi32, #tpu.memory_space<hbm>> -> memref<512xi32, #tpu.memory_space<hbm>>
    tpu.enqueue_dma source(%dma_start3A_73 : memref<512xi32, #tpu.memory_space<hbm>>) target(%dma_start3A_72 : memref<512xi32, #tpu.memory_space<vmem>>) target_semaphore(%arg65 : memref<!tpu.dma_semaphore, #tpu.memory_space<semaphore_mem>>)
    %dma_start3A_74 = arith.constant 8 : i32
    %dma_start3A_75 = arith.constant 0 : i32
    %dma_start3A_76 = tpu.memref_slice %arg56[%dma_start3A_74, %dma_start3A_75] : memref<25x512xi32, #tpu.memory_space<vmem>> -> memref<1x512xi32, #tpu.memory_space<vmem>>
    %dma_start3A_77 = tpu.memref_squeeze %dma_start3A_76 : memref<1x512xi32, #tpu.memory_space<vmem>> -> memref<512xi32, #tpu.memory_space<vmem>>
    %dma_start3A_78 = tpu.memref_slice %arg10[%mul3A_2] : memref<16384xi32, #tpu.memory_space<hbm>> -> memref<512xi32, #tpu.memory_space<hbm>>
    %dma_start3A_79 = arith.constant 0 : i32
    %dma_start3A_80 = tpu.memref_slice %arg56[%dma_start3A_74, %dma_start3A_79] : memref<25x512xi32, #tpu.memory_space<vmem>> -> memref<1x512xi32, #tpu.memory_space<vmem>>
    %dma_start3A_81 = tpu.memref_squeeze %dma_start3A_80 : memref<1x512xi32, #tpu.memory_space<vmem>> -> memref<512xi32, #tpu.memory_space<vmem>>
    %dma_start3A_82 = tpu.memref_slice %arg10[%mul3A_2] : memref<16384xi32, #tpu.memory_space<hbm>> -> memref<512xi32, #tpu.memory_space<hbm>>
    tpu.enqueue_dma source(%dma_start3A_82 : memref<512xi32, #tpu.memory_space<hbm>>) target(%dma_start3A_81 : memref<512xi32, #tpu.memory_space<vmem>>) target_semaphore(%arg65 : memref<!tpu.dma_semaphore, #tpu.memory_space<semaphore_mem>>)
    %dma_start3A_83 = arith.constant 9 : i32
    %dma_start3A_84 = arith.constant 0 : i32
    %dma_start3A_85 = tpu.memref_slice %arg56[%dma_start3A_83, %dma_start3A_84] : memref<25x512xi32, #tpu.memory_space<vmem>> -> memref<1x512xi32, #tpu.memory_space<vmem>>
    %dma_start3A_86 = tpu.memref_squeeze %dma_start3A_85 : memref<1x512xi32, #tpu.memory_space<vmem>> -> memref<512xi32, #tpu.memory_space<vmem>>
    %dma_start3A_87 = tpu.memref_slice %arg11[%mul3A_2] : memref<16384xi32, #tpu.memory_space<hbm>> -> memref<512xi32, #tpu.memory_space<hbm>>
    %dma_start3A_88 = arith.constant 0 : i32
    %dma_start3A_89 = tpu.memref_slice %arg56[%dma_start3A_83, %dma_start3A_88] : memref<25x512xi32, #tpu.memory_space<vmem>> -> memref<1x512xi32, #tpu.memory_space<vmem>>
    %dma_start3A_90 = tpu.memref_squeeze %dma_start3A_89 : memref<1x512xi32, #tpu.memory_space<vmem>> -> memref<512xi32, #tpu.memory_space<vmem>>
    %dma_start3A_91 = tpu.memref_slice %arg11[%mul3A_2] : memref<16384xi32, #tpu.memory_space<hbm>> -> memref<512xi32, #tpu.memory_space<hbm>>
    tpu.enqueue_dma source(%dma_start3A_91 : memref<512xi32, #tpu.memory_space<hbm>>) target(%dma_start3A_90 : memref<512xi32, #tpu.memory_space<vmem>>) target_semaphore(%arg65 : memref<!tpu.dma_semaphore, #tpu.memory_space<semaphore_mem>>)
    %dma_start3A_92 = arith.constant 10 : i32
    %dma_start3A_93 = arith.constant 0 : i32
    %dma_start3A_94 = tpu.memref_slice %arg56[%dma_start3A_92, %dma_start3A_93] : memref<25x512xi32, #tpu.memory_space<vmem>> -> memref<1x512xi32, #tpu.memory_space<vmem>>
    %dma_start3A_95 = tpu.memref_squeeze %dma_start3A_94 : memref<1x512xi32, #tpu.memory_space<vmem>> -> memref<512xi32, #tpu.memory_space<vmem>>
    %dma_start3A_96 = tpu.memref_slice %arg12[%mul3A_2] : memref<16384xi32, #tpu.memory_space<hbm>> -> memref<512xi32, #tpu.memory_space<hbm>>
    %dma_start3A_97 = arith.constant 0 : i32
    %dma_start3A_98 = tpu.memref_slice %arg56[%dma_start3A_92, %dma_start3A_97] : memref<25x512xi32, #tpu.memory_space<vmem>> -> memref<1x512xi32, #tpu.memory_space<vmem>>
    %dma_start3A_99 = tpu.memref_squeeze %dma_start3A_98 : memref<1x512xi32, #tpu.memory_space<vmem>> -> memref<512xi32, #tpu.memory_space<vmem>>
    %dma_start3A_100 = tpu.memref_slice %arg12[%mul3A_2] : memref<16384xi32, #tpu.memory_space<hbm>> -> memref<512xi32, #tpu.memory_space<hbm>>
    tpu.enqueue_dma source(%dma_start3A_100 : memref<512xi32, #tpu.memory_space<hbm>>) target(%dma_start3A_99 : memref<512xi32, #tpu.memory_space<vmem>>) target_semaphore(%arg65 : memref<!tpu.dma_semaphore, #tpu.memory_space<semaphore_mem>>)
    %dma_start3A_101 = arith.constant 11 : i32
    %dma_start3A_102 = arith.constant 0 : i32
    %dma_start3A_103 = tpu.memref_slice %arg56[%dma_start3A_101, %dma_start3A_102] : memref<25x512xi32, #tpu.memory_space<vmem>> -> memref<1x512xi32, #tpu.memory_space<vmem>>
    %dma_start3A_104 = tpu.memref_squeeze %dma_start3A_103 : memref<1x512xi32, #tpu.memory_space<vmem>> -> memref<512xi32, #tpu.memory_space<vmem>>
    %dma_start3A_105 = tpu.memref_slice %arg13[%mul3A_2] : memref<16384xi32, #tpu.memory_space<hbm>> -> memref<512xi32, #tpu.memory_space<hbm>>
    %dma_start3A_106 = arith.constant 0 : i32
    %dma_start3A_107 = tpu.memref_slice %arg56[%dma_start3A_101, %dma_start3A_106] : memref<25x512xi32, #tpu.memory_space<vmem>> -> memref<1x512xi32, #tpu.memory_space<vmem>>
    %dma_start3A_108 = tpu.memref_squeeze %dma_start3A_107 : memref<1x512xi32, #tpu.memory_space<vmem>> -> memref<512xi32, #tpu.memory_space<vmem>>
    %dma_start3A_109 = tpu.memref_slice %arg13[%mul3A_2] : memref<16384xi32, #tpu.memory_space<hbm>> -> memref<512xi32, #tpu.memory_space<hbm>>
    tpu.enqueue_dma source(%dma_start3A_109 : memref<512xi32, #tpu.memory_space<hbm>>) target(%dma_start3A_108 : memref<512xi32, #tpu.memory_space<vmem>>) target_semaphore(%arg65 : memref<!tpu.dma_semaphore, #tpu.memory_space<semaphore_mem>>)
    %dma_start3A_110 = arith.constant 12 : i32
    %dma_start3A_111 = arith.constant 0 : i32
    %dma_start3A_112 = tpu.memref_slice %arg56[%dma_start3A_110, %dma_start3A_111] : memref<25x512xi32, #tpu.memory_space<vmem>> -> memref<1x512xi32, #tpu.memory_space<vmem>>
    %dma_start3A_113 = tpu.memref_squeeze %dma_start3A_112 : memref<1x512xi32, #tpu.memory_space<vmem>> -> memref<512xi32, #tpu.memory_space<vmem>>
    %dma_start3A_114 = tpu.memref_slice %arg14[%mul3A_2] : memref<16384xi32, #tpu.memory_space<hbm>> -> memref<512xi32, #tpu.memory_space<hbm>>
    %dma_start3A_115 = arith.constant 0 : i32
    %dma_start3A_116 = tpu.memref_slice %arg56[%dma_start3A_110, %dma_start3A_115] : memref<25x512xi32, #tpu.memory_space<vmem>> -> memref<1x512xi32, #tpu.memory_space<vmem>>
    %dma_start3A_117 = tpu.memref_squeeze %dma_start3A_116 : memref<1x512xi32, #tpu.memory_space<vmem>> -> memref<512xi32, #tpu.memory_space<vmem>>
    %dma_start3A_118 = tpu.memref_slice %arg14[%mul3A_2] : memref<16384xi32, #tpu.memory_space<hbm>> -> memref<512xi32, #tpu.memory_space<hbm>>
    tpu.enqueue_dma source(%dma_start3A_118 : memref<512xi32, #tpu.memory_space<hbm>>) target(%dma_start3A_117 : memref<512xi32, #tpu.memory_space<vmem>>) target_semaphore(%arg65 : memref<!tpu.dma_semaphore, #tpu.memory_space<semaphore_mem>>)
    %dma_start3A_119 = arith.constant 13 : i32
    %dma_start3A_120 = arith.constant 0 : i32
    %dma_start3A_121 = tpu.memref_slice %arg56[%dma_start3A_119, %dma_start3A_120] : memref<25x512xi32, #tpu.memory_space<vmem>> -> memref<1x512xi32, #tpu.memory_space<vmem>>
    %dma_start3A_122 = tpu.memref_squeeze %dma_start3A_121 : memref<1x512xi32, #tpu.memory_space<vmem>> -> memref<512xi32, #tpu.memory_space<vmem>>
    %dma_start3A_123 = tpu.memref_slice %arg15[%mul3A_2] : memref<16384xi32, #tpu.memory_space<hbm>> -> memref<512xi32, #tpu.memory_space<hbm>>
    %dma_start3A_124 = arith.constant 0 : i32
    %dma_start3A_125 = tpu.memref_slice %arg56[%dma_start3A_119, %dma_start3A_124] : memref<25x512xi32, #tpu.memory_space<vmem>> -> memref<1x512xi32, #tpu.memory_space<vmem>>
    %dma_start3A_126 = tpu.memref_squeeze %dma_start3A_125 : memref<1x512xi32, #tpu.memory_space<vmem>> -> memref<512xi32, #tpu.memory_space<vmem>>
    %dma_start3A_127 = tpu.memref_slice %arg15[%mul3A_2] : memref<16384xi32, #tpu.memory_space<hbm>> -> memref<512xi32, #tpu.memory_space<hbm>>
    tpu.enqueue_dma source(%dma_start3A_127 : memref<512xi32, #tpu.memory_space<hbm>>) target(%dma_start3A_126 : memref<512xi32, #tpu.memory_space<vmem>>) target_semaphore(%arg65 : memref<!tpu.dma_semaphore, #tpu.memory_space<semaphore_mem>>)
    %dma_start3A_128 = arith.constant 14 : i32
    %dma_start3A_129 = arith.constant 0 : i32
    %dma_start3A_130 = tpu.memref_slice %arg56[%dma_start3A_128, %dma_start3A_129] : memref<25x512xi32, #tpu.memory_space<vmem>> -> memref<1x512xi32, #tpu.memory_space<vmem>>
    %dma_start3A_131 = tpu.memref_squeeze %dma_start3A_130 : memref<1x512xi32, #tpu.memory_space<vmem>> -> memref<512xi32, #tpu.memory_space<vmem>>
    %dma_start3A_132 = tpu.memref_slice %arg16[%mul3A_2] : memref<16384xi32, #tpu.memory_space<hbm>> -> memref<512xi32, #tpu.memory_space<hbm>>
    %dma_start3A_133 = arith.constant 0 : i32
    %dma_start3A_134 = tpu.memref_slice %arg56[%dma_start3A_128, %dma_start3A_133] : memref<25x512xi32, #tpu.memory_space<vmem>> -> memref<1x512xi32, #tpu.memory_space<vmem>>
    %dma_start3A_135 = tpu.memref_squeeze %dma_start3A_134 : memref<1x512xi32, #tpu.memory_space<vmem>> -> memref<512xi32, #tpu.memory_space<vmem>>
    %dma_start3A_136 = tpu.memref_slice %arg16[%mul3A_2] : memref<16384xi32, #tpu.memory_space<hbm>> -> memref<512xi32, #tpu.memory_space<hbm>>
    tpu.enqueue_dma source(%dma_start3A_136 : memref<512xi32, #tpu.memory_space<hbm>>) target(%dma_start3A_135 : memref<512xi32, #tpu.memory_space<vmem>>) target_semaphore(%arg65 : memref<!tpu.dma_semaphore, #tpu.memory_space<semaphore_mem>>)
    %dma_start3A_137 = arith.constant 15 : i32
    %dma_start3A_138 = arith.constant 0 : i32
    %dma_start3A_139 = tpu.memref_slice %arg56[%dma_start3A_137, %dma_start3A_138] : memref<25x512xi32, #tpu.memory_space<vmem>> -> memref<1x512xi32, #tpu.memory_space<vmem>>
    %dma_start3A_140 = tpu.memref_squeeze %dma_start3A_139 : memref<1x512xi32, #tpu.memory_space<vmem>> -> memref<512xi32, #tpu.memory_space<vmem>>
    %dma_start3A_141 = tpu.memref_slice %arg17[%mul3A_2] : memref<16384xi32, #tpu.memory_space<hbm>> -> memref<512xi32, #tpu.memory_space<hbm>>
    %dma_start3A_142 = arith.constant 0 : i32
    %dma_start3A_143 = tpu.memref_slice %arg56[%dma_start3A_137, %dma_start3A_142] : memref<25x512xi32, #tpu.memory_space<vmem>> -> memref<1x512xi32, #tpu.memory_space<vmem>>
    %dma_start3A_144 = tpu.memref_squeeze %dma_start3A_143 : memref<1x512xi32, #tpu.memory_space<vmem>> -> memref<512xi32, #tpu.memory_space<vmem>>
    %dma_start3A_145 = tpu.memref_slice %arg17[%mul3A_2] : memref<16384xi32, #tpu.memory_space<hbm>> -> memref<512xi32, #tpu.memory_space<hbm>>
    tpu.enqueue_dma source(%dma_start3A_145 : memref<512xi32, #tpu.memory_space<hbm>>) target(%dma_start3A_144 : memref<512xi32, #tpu.memory_space<vmem>>) target_semaphore(%arg65 : memref<!tpu.dma_semaphore, #tpu.memory_space<semaphore_mem>>)
    %dma_start3A_146 = arith.constant 16 : i32
    %dma_start3A_147 = arith.constant 0 : i32
    %dma_start3A_148 = tpu.memref_slice %arg56[%dma_start3A_146, %dma_start3A_147] : memref<25x512xi32, #tpu.memory_space<vmem>> -> memref<1x512xi32, #tpu.memory_space<vmem>>
    %dma_start3A_149 = tpu.memref_squeeze %dma_start3A_148 : memref<1x512xi32, #tpu.memory_space<vmem>> -> memref<512xi32, #tpu.memory_space<vmem>>
    %dma_start3A_150 = tpu.memref_slice %arg18[%mul3A_2] : memref<16384xi32, #tpu.memory_space<hbm>> -> memref<512xi32, #tpu.memory_space<hbm>>
    %dma_start3A_151 = arith.constant 0 : i32
    %dma_start3A_152 = tpu.memref_slice %arg56[%dma_start3A_146, %dma_start3A_151] : memref<25x512xi32, #tpu.memory_space<vmem>> -> memref<1x512xi32, #tpu.memory_space<vmem>>
    %dma_start3A_153 = tpu.memref_squeeze %dma_start3A_152 : memref<1x512xi32, #tpu.memory_space<vmem>> -> memref<512xi32, #tpu.memory_space<vmem>>
    %dma_start3A_154 = tpu.memref_slice %arg18[%mul3A_2] : memref<16384xi32, #tpu.memory_space<hbm>> -> memref<512xi32, #tpu.memory_space<hbm>>
    tpu.enqueue_dma source(%dma_start3A_154 : memref<512xi32, #tpu.memory_space<hbm>>) target(%dma_start3A_153 : memref<512xi32, #tpu.memory_space<vmem>>) target_semaphore(%arg65 : memref<!tpu.dma_semaphore, #tpu.memory_space<semaphore_mem>>)
    %dma_start3A_155 = arith.constant 17 : i32
    %dma_start3A_156 = arith.constant 0 : i32
    %dma_start3A_157 = tpu.memref_slice %arg56[%dma_start3A_155, %dma_start3A_156] : memref<25x512xi32, #tpu.memory_space<vmem>> -> memref<1x512xi32, #tpu.memory_space<vmem>>
    %dma_start3A_158 = tpu.memref_squeeze %dma_start3A_157 : memref<1x512xi32, #tpu.memory_space<vmem>> -> memref<512xi32, #tpu.memory_space<vmem>>
    %dma_start3A_159 = tpu.memref_slice %arg19[%mul3A_2] : memref<16384xi32, #tpu.memory_space<hbm>> -> memref<512xi32, #tpu.memory_space<hbm>>
    %dma_start3A_160 = arith.constant 0 : i32
    %dma_start3A_161 = tpu.memref_slice %arg56[%dma_start3A_155, %dma_start3A_160] : memref<25x512xi32, #tpu.memory_space<vmem>> -> memref<1x512xi32, #tpu.memory_space<vmem>>
    %dma_start3A_162 = tpu.memref_squeeze %dma_start3A_161 : memref<1x512xi32, #tpu.memory_space<vmem>> -> memref<512xi32, #tpu.memory_space<vmem>>
    %dma_start3A_163 = tpu.memref_slice %arg19[%mul3A_2] : memref<16384xi32, #tpu.memory_space<hbm>> -> memref<512xi32, #tpu.memory_space<hbm>>
    tpu.enqueue_dma source(%dma_start3A_163 : memref<512xi32, #tpu.memory_space<hbm>>) target(%dma_start3A_162 : memref<512xi32, #tpu.memory_space<vmem>>) target_semaphore(%arg65 : memref<!tpu.dma_semaphore, #tpu.memory_space<semaphore_mem>>)
    %dma_start3A_164 = arith.constant 18 : i32
    %dma_start3A_165 = arith.constant 0 : i32
    %dma_start3A_166 = tpu.memref_slice %arg56[%dma_start3A_164, %dma_start3A_165] : memref<25x512xi32, #tpu.memory_space<vmem>> -> memref<1x512xi32, #tpu.memory_space<vmem>>
    %dma_start3A_167 = tpu.memref_squeeze %dma_start3A_166 : memref<1x512xi32, #tpu.memory_space<vmem>> -> memref<512xi32, #tpu.memory_space<vmem>>
    %dma_start3A_168 = tpu.memref_slice %arg20[%mul3A_2] : memref<16384xi32, #tpu.memory_space<hbm>> -> memref<512xi32, #tpu.memory_space<hbm>>
    %dma_start3A_169 = arith.constant 0 : i32
    %dma_start3A_170 = tpu.memref_slice %arg56[%dma_start3A_164, %dma_start3A_169] : memref<25x512xi32, #tpu.memory_space<vmem>> -> memref<1x512xi32, #tpu.memory_space<vmem>>
    %dma_start3A_171 = tpu.memref_squeeze %dma_start3A_170 : memref<1x512xi32, #tpu.memory_space<vmem>> -> memref<512xi32, #tpu.memory_space<vmem>>
    %dma_start3A_172 = tpu.memref_slice %arg20[%mul3A_2] : memref<16384xi32, #tpu.memory_space<hbm>> -> memref<512xi32, #tpu.memory_space<hbm>>
    tpu.enqueue_dma source(%dma_start3A_172 : memref<512xi32, #tpu.memory_space<hbm>>) target(%dma_start3A_171 : memref<512xi32, #tpu.memory_space<vmem>>) target_semaphore(%arg65 : memref<!tpu.dma_semaphore, #tpu.memory_space<semaphore_mem>>)
    %dma_start3A_173 = arith.constant 19 : i32
    %dma_start3A_174 = arith.constant 0 : i32
    %dma_start3A_175 = tpu.memref_slice %arg56[%dma_start3A_173, %dma_start3A_174] : memref<25x512xi32, #tpu.memory_space<vmem>> -> memref<1x512xi32, #tpu.memory_space<vmem>>
    %dma_start3A_176 = tpu.memref_squeeze %dma_start3A_175 : memref<1x512xi32, #tpu.memory_space<vmem>> -> memref<512xi32, #tpu.memory_space<vmem>>
    %dma_start3A_177 = tpu.memref_slice %arg21[%mul3A_2] : memref<16384xi32, #tpu.memory_space<hbm>> -> memref<512xi32, #tpu.memory_space<hbm>>
    %dma_start3A_178 = arith.constant 0 : i32
    %dma_start3A_179 = tpu.memref_slice %arg56[%dma_start3A_173, %dma_start3A_178] : memref<25x512xi32, #tpu.memory_space<vmem>> -> memref<1x512xi32, #tpu.memory_space<vmem>>
    %dma_start3A_180 = tpu.memref_squeeze %dma_start3A_179 : memref<1x512xi32, #tpu.memory_space<vmem>> -> memref<512xi32, #tpu.memory_space<vmem>>
    %dma_start3A_181 = tpu.memref_slice %arg21[%mul3A_2] : memref<16384xi32, #tpu.memory_space<hbm>> -> memref<512xi32, #tpu.memory_space<hbm>>
    tpu.enqueue_dma source(%dma_start3A_181 : memref<512xi32, #tpu.memory_space<hbm>>) target(%dma_start3A_180 : memref<512xi32, #tpu.memory_space<vmem>>) target_semaphore(%arg65 : memref<!tpu.dma_semaphore, #tpu.memory_space<semaphore_mem>>)
    %dma_start3A_182 = arith.constant 20 : i32
    %dma_start3A_183 = arith.constant 0 : i32
    %dma_start3A_184 = tpu.memref_slice %arg56[%dma_start3A_182, %dma_start3A_183] : memref<25x512xi32, #tpu.memory_space<vmem>> -> memref<1x512xi32, #tpu.memory_space<vmem>>
    %dma_start3A_185 = tpu.memref_squeeze %dma_start3A_184 : memref<1x512xi32, #tpu.memory_space<vmem>> -> memref<512xi32, #tpu.memory_space<vmem>>
    %dma_start3A_186 = tpu.memref_slice %arg22[%mul3A_2] : memref<16384xi32, #tpu.memory_space<hbm>> -> memref<512xi32, #tpu.memory_space<hbm>>
    %dma_start3A_187 = arith.constant 0 : i32
    %dma_start3A_188 = tpu.memref_slice %arg56[%dma_start3A_182, %dma_start3A_187] : memref<25x512xi32, #tpu.memory_space<vmem>> -> memref<1x512xi32, #tpu.memory_space<vmem>>
    %dma_start3A_189 = tpu.memref_squeeze %dma_start3A_188 : memref<1x512xi32, #tpu.memory_space<vmem>> -> memref<512xi32, #tpu.memory_space<vmem>>
    %dma_start3A_190 = tpu.memref_slice %arg22[%mul3A_2] : memref<16384xi32, #tpu.memory_space<hbm>> -> memref<512xi32, #tpu.memory_space<hbm>>
    tpu.enqueue_dma source(%dma_start3A_190 : memref<512xi32, #tpu.memory_space<hbm>>) target(%dma_start3A_189 : memref<512xi32, #tpu.memory_space<vmem>>) target_semaphore(%arg65 : memref<!tpu.dma_semaphore, #tpu.memory_space<semaphore_mem>>)
    %dma_start3A_191 = arith.constant 21 : i32
    %dma_start3A_192 = arith.constant 0 : i32
    %dma_start3A_193 = tpu.memref_slice %arg56[%dma_start3A_191, %dma_start3A_192] : memref<25x512xi32, #tpu.memory_space<vmem>> -> memref<1x512xi32, #tpu.memory_space<vmem>>
    %dma_start3A_194 = tpu.memref_squeeze %dma_start3A_193 : memref<1x512xi32, #tpu.memory_space<vmem>> -> memref<512xi32, #tpu.memory_space<vmem>>
    %dma_start3A_195 = tpu.memref_slice %arg23[%mul3A_2] : memref<16384xi32, #tpu.memory_space<hbm>> -> memref<512xi32, #tpu.memory_space<hbm>>
    %dma_start3A_196 = arith.constant 0 : i32
    %dma_start3A_197 = tpu.memref_slice %arg56[%dma_start3A_191, %dma_start3A_196] : memref<25x512xi32, #tpu.memory_space<vmem>> -> memref<1x512xi32, #tpu.memory_space<vmem>>
    %dma_start3A_198 = tpu.memref_squeeze %dma_start3A_197 : memref<1x512xi32, #tpu.memory_space<vmem>> -> memref<512xi32, #tpu.memory_space<vmem>>
    %dma_start3A_199 = tpu.memref_slice %arg23[%mul3A_2] : memref<16384xi32, #tpu.memory_space<hbm>> -> memref<512xi32, #tpu.memory_space<hbm>>
    tpu.enqueue_dma source(%dma_start3A_199 : memref<512xi32, #tpu.memory_space<hbm>>) target(%dma_start3A_198 : memref<512xi32, #tpu.memory_space<vmem>>) target_semaphore(%arg65 : memref<!tpu.dma_semaphore, #tpu.memory_space<semaphore_mem>>)
    %dma_start3A_200 = arith.constant 22 : i32
    %dma_start3A_201 = arith.constant 0 : i32
    %dma_start3A_202 = tpu.memref_slice %arg56[%dma_start3A_200, %dma_start3A_201] : memref<25x512xi32, #tpu.memory_space<vmem>> -> memref<1x512xi32, #tpu.memory_space<vmem>>
    %dma_start3A_203 = tpu.memref_squeeze %dma_start3A_202 : memref<1x512xi32, #tpu.memory_space<vmem>> -> memref<512xi32, #tpu.memory_space<vmem>>
    %dma_start3A_204 = tpu.memref_slice %arg24[%mul3A_2] : memref<16384xi32, #tpu.memory_space<hbm>> -> memref<512xi32, #tpu.memory_space<hbm>>
    %dma_start3A_205 = arith.constant 0 : i32
    %dma_start3A_206 = tpu.memref_slice %arg56[%dma_start3A_200, %dma_start3A_205] : memref<25x512xi32, #tpu.memory_space<vmem>> -> memref<1x512xi32, #tpu.memory_space<vmem>>
    %dma_start3A_207 = tpu.memref_squeeze %dma_start3A_206 : memref<1x512xi32, #tpu.memory_space<vmem>> -> memref<512xi32, #tpu.memory_space<vmem>>
    %dma_start3A_208 = tpu.memref_slice %arg24[%mul3A_2] : memref<16384xi32, #tpu.memory_space<hbm>> -> memref<512xi32, #tpu.memory_space<hbm>>
    tpu.enqueue_dma source(%dma_start3A_208 : memref<512xi32, #tpu.memory_space<hbm>>) target(%dma_start3A_207 : memref<512xi32, #tpu.memory_space<vmem>>) target_semaphore(%arg65 : memref<!tpu.dma_semaphore, #tpu.memory_space<semaphore_mem>>)
    %dma_start3A_209 = arith.constant 23 : i32
    %dma_start3A_210 = arith.constant 0 : i32
    %dma_start3A_211 = tpu.memref_slice %arg56[%dma_start3A_209, %dma_start3A_210] : memref<25x512xi32, #tpu.memory_space<vmem>> -> memref<1x512xi32, #tpu.memory_space<vmem>>
    %dma_start3A_212 = tpu.memref_squeeze %dma_start3A_211 : memref<1x512xi32, #tpu.memory_space<vmem>> -> memref<512xi32, #tpu.memory_space<vmem>>
    %dma_start3A_213 = tpu.memref_slice %arg25[%mul3A_2] : memref<16384xi32, #tpu.memory_space<hbm>> -> memref<512xi32, #tpu.memory_space<hbm>>
    %dma_start3A_214 = arith.constant 0 : i32
    %dma_start3A_215 = tpu.memref_slice %arg56[%dma_start3A_209, %dma_start3A_214] : memref<25x512xi32, #tpu.memory_space<vmem>> -> memref<1x512xi32, #tpu.memory_space<vmem>>
    %dma_start3A_216 = tpu.memref_squeeze %dma_start3A_215 : memref<1x512xi32, #tpu.memory_space<vmem>> -> memref<512xi32, #tpu.memory_space<vmem>>
    %dma_start3A_217 = tpu.memref_slice %arg25[%mul3A_2] : memref<16384xi32, #tpu.memory_space<hbm>> -> memref<512xi32, #tpu.memory_space<hbm>>
    tpu.enqueue_dma source(%dma_start3A_217 : memref<512xi32, #tpu.memory_space<hbm>>) target(%dma_start3A_216 : memref<512xi32, #tpu.memory_space<vmem>>) target_semaphore(%arg65 : memref<!tpu.dma_semaphore, #tpu.memory_space<semaphore_mem>>)
    %dma_start3A_218 = arith.constant 24 : i32
    %dma_start3A_219 = arith.constant 0 : i32
    %dma_start3A_220 = tpu.memref_slice %arg56[%dma_start3A_218, %dma_start3A_219] : memref<25x512xi32, #tpu.memory_space<vmem>> -> memref<1x512xi32, #tpu.memory_space<vmem>>
    %dma_start3A_221 = tpu.memref_squeeze %dma_start3A_220 : memref<1x512xi32, #tpu.memory_space<vmem>> -> memref<512xi32, #tpu.memory_space<vmem>>
    %dma_start3A_222 = tpu.memref_slice %arg26[%mul3A_2] : memref<16384xi32, #tpu.memory_space<hbm>> -> memref<512xi32, #tpu.memory_space<hbm>>
    %dma_start3A_223 = arith.constant 0 : i32
    %dma_start3A_224 = tpu.memref_slice %arg56[%dma_start3A_218, %dma_start3A_223] : memref<25x512xi32, #tpu.memory_space<vmem>> -> memref<1x512xi32, #tpu.memory_space<vmem>>
    %dma_start3A_225 = tpu.memref_squeeze %dma_start3A_224 : memref<1x512xi32, #tpu.memory_space<vmem>> -> memref<512xi32, #tpu.memory_space<vmem>>
    %dma_start3A_226 = tpu.memref_slice %arg26[%mul3A_2] : memref<16384xi32, #tpu.memory_space<hbm>> -> memref<512xi32, #tpu.memory_space<hbm>>
    tpu.enqueue_dma source(%dma_start3A_226 : memref<512xi32, #tpu.memory_space<hbm>>) target(%dma_start3A_225 : memref<512xi32, #tpu.memory_space<vmem>>) target_semaphore(%arg65 : memref<!tpu.dma_semaphore, #tpu.memory_space<semaphore_mem>>)
    %dma_wait3A = arith.constant 0 : i32
    %dma_wait3A_227 = arith.constant 0 : i32
    %dma_wait3A_228 = tpu.memref_slice %arg56[%dma_wait3A, %dma_wait3A_227] : memref<25x512xi32, #tpu.memory_space<vmem>> -> memref<1x512xi32, #tpu.memory_space<vmem>>
    %dma_wait3A_229 = tpu.memref_squeeze %dma_wait3A_228 : memref<1x512xi32, #tpu.memory_space<vmem>> -> memref<512xi32, #tpu.memory_space<vmem>>
    %dma_wait3A_230 = tpu.memref_slice %arg2[%mul3A_2] : memref<16384xi32, #tpu.memory_space<hbm>> -> memref<512xi32, #tpu.memory_space<hbm>>
    %dma_wait3A_231 = arith.constant 0 : i32
    %dma_wait3A_232 = tpu.memref_slice %arg56[%dma_wait3A, %dma_wait3A_231] : memref<25x512xi32, #tpu.memory_space<vmem>> -> memref<1x512xi32, #tpu.memory_space<vmem>>
    %dma_wait3A_233 = tpu.memref_squeeze %dma_wait3A_232 : memref<1x512xi32, #tpu.memory_space<vmem>> -> memref<512xi32, #tpu.memory_space<vmem>>
    %dma_wait3A_234 = tpu.memref_slice %arg2[%mul3A_2] : memref<16384xi32, #tpu.memory_space<hbm>> -> memref<512xi32, #tpu.memory_space<hbm>>
    tpu.wait_dma2 semaphore(%arg65 : memref<!tpu.dma_semaphore, #tpu.memory_space<semaphore_mem>>) src(%dma_wait3A_234 : memref<512xi32, #tpu.memory_space<hbm>>) dst(%dma_wait3A_233 : memref<512xi32, #tpu.memory_space<vmem>>)
    %dma_wait3A_235 = arith.constant 1 : i32
    %dma_wait3A_236 = arith.constant 0 : i32
    %dma_wait3A_237 = tpu.memref_slice %arg56[%dma_wait3A_235, %dma_wait3A_236] : memref<25x512xi32, #tpu.memory_space<vmem>> -> memref<1x512xi32, #tpu.memory_space<vmem>>
    %dma_wait3A_238 = tpu.memref_squeeze %dma_wait3A_237 : memref<1x512xi32, #tpu.memory_space<vmem>> -> memref<512xi32, #tpu.memory_space<vmem>>
    %dma_wait3A_239 = tpu.memref_slice %arg3[%mul3A_2] : memref<16384xi32, #tpu.memory_space<hbm>> -> memref<512xi32, #tpu.memory_space<hbm>>
    %dma_wait3A_240 = arith.constant 0 : i32
    %dma_wait3A_241 = tpu.memref_slice %arg56[%dma_wait3A_235, %dma_wait3A_240] : memref<25x512xi32, #tpu.memory_space<vmem>> -> memref<1x512xi32, #tpu.memory_space<vmem>>
    %dma_wait3A_242 = tpu.memref_squeeze %dma_wait3A_241 : memref<1x512xi32, #tpu.memory_space<vmem>> -> memref<512xi32, #tpu.memory_space<vmem>>
    %dma_wait3A_243 = tpu.memref_slice %arg3[%mul3A_2] : memref<16384xi32, #tpu.memory_space<hbm>> -> memref<512xi32, #tpu.memory_space<hbm>>
    tpu.wait_dma2 semaphore(%arg65 : memref<!tpu.dma_semaphore, #tpu.memory_space<semaphore_mem>>) src(%dma_wait3A_243 : memref<512xi32, #tpu.memory_space<hbm>>) dst(%dma_wait3A_242 : memref<512xi32, #tpu.memory_space<vmem>>)
    %dma_wait3A_244 = arith.constant 2 : i32
    %dma_wait3A_245 = arith.constant 0 : i32
    %dma_wait3A_246 = tpu.memref_slice %arg56[%dma_wait3A_244, %dma_wait3A_245] : memref<25x512xi32, #tpu.memory_space<vmem>> -> memref<1x512xi32, #tpu.memory_space<vmem>>
    %dma_wait3A_247 = tpu.memref_squeeze %dma_wait3A_246 : memref<1x512xi32, #tpu.memory_space<vmem>> -> memref<512xi32, #tpu.memory_space<vmem>>
    %dma_wait3A_248 = tpu.memref_slice %arg4[%mul3A_2] : memref<16384xi32, #tpu.memory_space<hbm>> -> memref<512xi32, #tpu.memory_space<hbm>>
    %dma_wait3A_249 = arith.constant 0 : i32
    %dma_wait3A_250 = tpu.memref_slice %arg56[%dma_wait3A_244, %dma_wait3A_249] : memref<25x512xi32, #tpu.memory_space<vmem>> -> memref<1x512xi32, #tpu.memory_space<vmem>>
    %dma_wait3A_251 = tpu.memref_squeeze %dma_wait3A_250 : memref<1x512xi32, #tpu.memory_space<vmem>> -> memref<512xi32, #tpu.memory_space<vmem>>
    %dma_wait3A_252 = tpu.memref_slice %arg4[%mul3A_2] : memref<16384xi32, #tpu.memory_space<hbm>> -> memref<512xi32, #tpu.memory_space<hbm>>
    tpu.wait_dma2 semaphore(%arg65 : memref<!tpu.dma_semaphore, #tpu.memory_space<semaphore_mem>>) src(%dma_wait3A_252 : memref<512xi32, #tpu.memory_space<hbm>>) dst(%dma_wait3A_251 : memref<512xi32, #tpu.memory_space<vmem>>)
    %dma_wait3A_253 = arith.constant 3 : i32
    %dma_wait3A_254 = arith.constant 0 : i32
    %dma_wait3A_255 = tpu.memref_slice %arg56[%dma_wait3A_253, %dma_wait3A_254] : memref<25x512xi32, #tpu.memory_space<vmem>> -> memref<1x512xi32, #tpu.memory_space<vmem>>
    %dma_wait3A_256 = tpu.memref_squeeze %dma_wait3A_255 : memref<1x512xi32, #tpu.memory_space<vmem>> -> memref<512xi32, #tpu.memory_space<vmem>>
    %dma_wait3A_257 = tpu.memref_slice %arg5[%mul3A_2] : memref<16384xi32, #tpu.memory_space<hbm>> -> memref<512xi32, #tpu.memory_space<hbm>>
    %dma_wait3A_258 = arith.constant 0 : i32
    %dma_wait3A_259 = tpu.memref_slice %arg56[%dma_wait3A_253, %dma_wait3A_258] : memref<25x512xi32, #tpu.memory_space<vmem>> -> memref<1x512xi32, #tpu.memory_space<vmem>>
    %dma_wait3A_260 = tpu.memref_squeeze %dma_wait3A_259 : memref<1x512xi32, #tpu.memory_space<vmem>> -> memref<512xi32, #tpu.memory_space<vmem>>
    %dma_wait3A_261 = tpu.memref_slice %arg5[%mul3A_2] : memref<16384xi32, #tpu.memory_space<hbm>> -> memref<512xi32, #tpu.memory_space<hbm>>
    tpu.wait_dma2 semaphore(%arg65 : memref<!tpu.dma_semaphore, #tpu.memory_space<semaphore_mem>>) src(%dma_wait3A_261 : memref<512xi32, #tpu.memory_space<hbm>>) dst(%dma_wait3A_260 : memref<512xi32, #tpu.memory_space<vmem>>)
    %dma_wait3A_262 = arith.constant 4 : i32
    %dma_wait3A_263 = arith.constant 0 : i32
    %dma_wait3A_264 = tpu.memref_slice %arg56[%dma_wait3A_262, %dma_wait3A_263] : memref<25x512xi32, #tpu.memory_space<vmem>> -> memref<1x512xi32, #tpu.memory_space<vmem>>
    %dma_wait3A_265 = tpu.memref_squeeze %dma_wait3A_264 : memref<1x512xi32, #tpu.memory_space<vmem>> -> memref<512xi32, #tpu.memory_space<vmem>>
    %dma_wait3A_266 = tpu.memref_slice %arg6[%mul3A_2] : memref<16384xi32, #tpu.memory_space<hbm>> -> memref<512xi32, #tpu.memory_space<hbm>>
    %dma_wait3A_267 = arith.constant 0 : i32
    %dma_wait3A_268 = tpu.memref_slice %arg56[%dma_wait3A_262, %dma_wait3A_267] : memref<25x512xi32, #tpu.memory_space<vmem>> -> memref<1x512xi32, #tpu.memory_space<vmem>>
    %dma_wait3A_269 = tpu.memref_squeeze %dma_wait3A_268 : memref<1x512xi32, #tpu.memory_space<vmem>> -> memref<512xi32, #tpu.memory_space<vmem>>
    %dma_wait3A_270 = tpu.memref_slice %arg6[%mul3A_2] : memref<16384xi32, #tpu.memory_space<hbm>> -> memref<512xi32, #tpu.memory_space<hbm>>
    tpu.wait_dma2 semaphore(%arg65 : memref<!tpu.dma_semaphore, #tpu.memory_space<semaphore_mem>>) src(%dma_wait3A_270 : memref<512xi32, #tpu.memory_space<hbm>>) dst(%dma_wait3A_269 : memref<512xi32, #tpu.memory_space<vmem>>)
    %dma_wait3A_271 = arith.constant 5 : i32
    %dma_wait3A_272 = arith.constant 0 : i32
    %dma_wait3A_273 = tpu.memref_slice %arg56[%dma_wait3A_271, %dma_wait3A_272] : memref<25x512xi32, #tpu.memory_space<vmem>> -> memref<1x512xi32, #tpu.memory_space<vmem>>
    %dma_wait3A_274 = tpu.memref_squeeze %dma_wait3A_273 : memref<1x512xi32, #tpu.memory_space<vmem>> -> memref<512xi32, #tpu.memory_space<vmem>>
    %dma_wait3A_275 = tpu.memref_slice %arg7[%mul3A_2] : memref<16384xi32, #tpu.memory_space<hbm>> -> memref<512xi32, #tpu.memory_space<hbm>>
    %dma_wait3A_276 = arith.constant 0 : i32
    %dma_wait3A_277 = tpu.memref_slice %arg56[%dma_wait3A_271, %dma_wait3A_276] : memref<25x512xi32, #tpu.memory_space<vmem>> -> memref<1x512xi32, #tpu.memory_space<vmem>>
    %dma_wait3A_278 = tpu.memref_squeeze %dma_wait3A_277 : memref<1x512xi32, #tpu.memory_space<vmem>> -> memref<512xi32, #tpu.memory_space<vmem>>
    %dma_wait3A_279 = tpu.memref_slice %arg7[%mul3A_2] : memref<16384xi32, #tpu.memory_space<hbm>> -> memref<512xi32, #tpu.memory_space<hbm>>
    tpu.wait_dma2 semaphore(%arg65 : memref<!tpu.dma_semaphore, #tpu.memory_space<semaphore_mem>>) src(%dma_wait3A_279 : memref<512xi32, #tpu.memory_space<hbm>>) dst(%dma_wait3A_278 : memref<512xi32, #tpu.memory_space<vmem>>)
    %dma_wait3A_280 = arith.constant 6 : i32
    %dma_wait3A_281 = arith.constant 0 : i32
    %dma_wait3A_282 = tpu.memref_slice %arg56[%dma_wait3A_280, %dma_wait3A_281] : memref<25x512xi32, #tpu.memory_space<vmem>> -> memref<1x512xi32, #tpu.memory_space<vmem>>
    %dma_wait3A_283 = tpu.memref_squeeze %dma_wait3A_282 : memref<1x512xi32, #tpu.memory_space<vmem>> -> memref<512xi32, #tpu.memory_space<vmem>>
    %dma_wait3A_284 = tpu.memref_slice %arg8[%mul3A_2] : memref<16384xi32, #tpu.memory_space<hbm>> -> memref<512xi32, #tpu.memory_space<hbm>>
    %dma_wait3A_285 = arith.constant 0 : i32
    %dma_wait3A_286 = tpu.memref_slice %arg56[%dma_wait3A_280, %dma_wait3A_285] : memref<25x512xi32, #tpu.memory_space<vmem>> -> memref<1x512xi32, #tpu.memory_space<vmem>>
    %dma_wait3A_287 = tpu.memref_squeeze %dma_wait3A_286 : memref<1x512xi32, #tpu.memory_space<vmem>> -> memref<512xi32, #tpu.memory_space<vmem>>
    %dma_wait3A_288 = tpu.memref_slice %arg8[%mul3A_2] : memref<16384xi32, #tpu.memory_space<hbm>> -> memref<512xi32, #tpu.memory_space<hbm>>
    tpu.wait_dma2 semaphore(%arg65 : memref<!tpu.dma_semaphore, #tpu.memory_space<semaphore_mem>>) src(%dma_wait3A_288 : memref<512xi32, #tpu.memory_space<hbm>>) dst(%dma_wait3A_287 : memref<512xi32, #tpu.memory_space<vmem>>)
    %dma_wait3A_289 = arith.constant 7 : i32
    %dma_wait3A_290 = arith.constant 0 : i32
    %dma_wait3A_291 = tpu.memref_slice %arg56[%dma_wait3A_289, %dma_wait3A_290] : memref<25x512xi32, #tpu.memory_space<vmem>> -> memref<1x512xi32, #tpu.memory_space<vmem>>
    %dma_wait3A_292 = tpu.memref_squeeze %dma_wait3A_291 : memref<1x512xi32, #tpu.memory_space<vmem>> -> memref<512xi32, #tpu.memory_space<vmem>>
    %dma_wait3A_293 = tpu.memref_slice %arg9[%mul3A_2] : memref<16384xi32, #tpu.memory_space<hbm>> -> memref<512xi32, #tpu.memory_space<hbm>>
    %dma_wait3A_294 = arith.constant 0 : i32
    %dma_wait3A_295 = tpu.memref_slice %arg56[%dma_wait3A_289, %dma_wait3A_294] : memref<25x512xi32, #tpu.memory_space<vmem>> -> memref<1x512xi32, #tpu.memory_space<vmem>>
    %dma_wait3A_296 = tpu.memref_squeeze %dma_wait3A_295 : memref<1x512xi32, #tpu.memory_space<vmem>> -> memref<512xi32, #tpu.memory_space<vmem>>
    %dma_wait3A_297 = tpu.memref_slice %arg9[%mul3A_2] : memref<16384xi32, #tpu.memory_space<hbm>> -> memref<512xi32, #tpu.memory_space<hbm>>
    tpu.wait_dma2 semaphore(%arg65 : memref<!tpu.dma_semaphore, #tpu.memory_space<semaphore_mem>>) src(%dma_wait3A_297 : memref<512xi32, #tpu.memory_space<hbm>>) dst(%dma_wait3A_296 : memref<512xi32, #tpu.memory_space<vmem>>)
    %dma_wait3A_298 = arith.constant 8 : i32
    %dma_wait3A_299 = arith.constant 0 : i32
    %dma_wait3A_300 = tpu.memref_slice %arg56[%dma_wait3A_298, %dma_wait3A_299] : memref<25x512xi32, #tpu.memory_space<vmem>> -> memref<1x512xi32, #tpu.memory_space<vmem>>
    %dma_wait3A_301 = tpu.memref_squeeze %dma_wait3A_300 : memref<1x512xi32, #tpu.memory_space<vmem>> -> memref<512xi32, #tpu.memory_space<vmem>>
    %dma_wait3A_302 = tpu.memref_slice %arg10[%mul3A_2] : memref<16384xi32, #tpu.memory_space<hbm>> -> memref<512xi32, #tpu.memory_space<hbm>>
    %dma_wait3A_303 = arith.constant 0 : i32
    %dma_wait3A_304 = tpu.memref_slice %arg56[%dma_wait3A_298, %dma_wait3A_303] : memref<25x512xi32, #tpu.memory_space<vmem>> -> memref<1x512xi32, #tpu.memory_space<vmem>>
    %dma_wait3A_305 = tpu.memref_squeeze %dma_wait3A_304 : memref<1x512xi32, #tpu.memory_space<vmem>> -> memref<512xi32, #tpu.memory_space<vmem>>
    %dma_wait3A_306 = tpu.memref_slice %arg10[%mul3A_2] : memref<16384xi32, #tpu.memory_space<hbm>> -> memref<512xi32, #tpu.memory_space<hbm>>
    tpu.wait_dma2 semaphore(%arg65 : memref<!tpu.dma_semaphore, #tpu.memory_space<semaphore_mem>>) src(%dma_wait3A_306 : memref<512xi32, #tpu.memory_space<hbm>>) dst(%dma_wait3A_305 : memref<512xi32, #tpu.memory_space<vmem>>)
    %dma_wait3A_307 = arith.constant 9 : i32
    %dma_wait3A_308 = arith.constant 0 : i32
    %dma_wait3A_309 = tpu.memref_slice %arg56[%dma_wait3A_307, %dma_wait3A_308] : memref<25x512xi32, #tpu.memory_space<vmem>> -> memref<1x512xi32, #tpu.memory_space<vmem>>
    %dma_wait3A_310 = tpu.memref_squeeze %dma_wait3A_309 : memref<1x512xi32, #tpu.memory_space<vmem>> -> memref<512xi32, #tpu.memory_space<vmem>>
    %dma_wait3A_311 = tpu.memref_slice %arg11[%mul3A_2] : memref<16384xi32, #tpu.memory_space<hbm>> -> memref<512xi32, #tpu.memory_space<hbm>>
    %dma_wait3A_312 = arith.constant 0 : i32
    %dma_wait3A_313 = tpu.memref_slice %arg56[%dma_wait3A_307, %dma_wait3A_312] : memref<25x512xi32, #tpu.memory_space<vmem>> -> memref<1x512xi32, #tpu.memory_space<vmem>>
    %dma_wait3A_314 = tpu.memref_squeeze %dma_wait3A_313 : memref<1x512xi32, #tpu.memory_space<vmem>> -> memref<512xi32, #tpu.memory_space<vmem>>
    %dma_wait3A_315 = tpu.memref_slice %arg11[%mul3A_2] : memref<16384xi32, #tpu.memory_space<hbm>> -> memref<512xi32, #tpu.memory_space<hbm>>
    tpu.wait_dma2 semaphore(%arg65 : memref<!tpu.dma_semaphore, #tpu.memory_space<semaphore_mem>>) src(%dma_wait3A_315 : memref<512xi32, #tpu.memory_space<hbm>>) dst(%dma_wait3A_314 : memref<512xi32, #tpu.memory_space<vmem>>)
    %dma_wait3A_316 = arith.constant 10 : i32
    %dma_wait3A_317 = arith.constant 0 : i32
    %dma_wait3A_318 = tpu.memref_slice %arg56[%dma_wait3A_316, %dma_wait3A_317] : memref<25x512xi32, #tpu.memory_space<vmem>> -> memref<1x512xi32, #tpu.memory_space<vmem>>
    %dma_wait3A_319 = tpu.memref_squeeze %dma_wait3A_318 : memref<1x512xi32, #tpu.memory_space<vmem>> -> memref<512xi32, #tpu.memory_space<vmem>>
    %dma_wait3A_320 = tpu.memref_slice %arg12[%mul3A_2] : memref<16384xi32, #tpu.memory_space<hbm>> -> memref<512xi32, #tpu.memory_space<hbm>>
    %dma_wait3A_321 = arith.constant 0 : i32
    %dma_wait3A_322 = tpu.memref_slice %arg56[%dma_wait3A_316, %dma_wait3A_321] : memref<25x512xi32, #tpu.memory_space<vmem>> -> memref<1x512xi32, #tpu.memory_space<vmem>>
    %dma_wait3A_323 = tpu.memref_squeeze %dma_wait3A_322 : memref<1x512xi32, #tpu.memory_space<vmem>> -> memref<512xi32, #tpu.memory_space<vmem>>
    %dma_wait3A_324 = tpu.memref_slice %arg12[%mul3A_2] : memref<16384xi32, #tpu.memory_space<hbm>> -> memref<512xi32, #tpu.memory_space<hbm>>
    tpu.wait_dma2 semaphore(%arg65 : memref<!tpu.dma_semaphore, #tpu.memory_space<semaphore_mem>>) src(%dma_wait3A_324 : memref<512xi32, #tpu.memory_space<hbm>>) dst(%dma_wait3A_323 : memref<512xi32, #tpu.memory_space<vmem>>)
    %dma_wait3A_325 = arith.constant 11 : i32
    %dma_wait3A_326 = arith.constant 0 : i32
    %dma_wait3A_327 = tpu.memref_slice %arg56[%dma_wait3A_325, %dma_wait3A_326] : memref<25x512xi32, #tpu.memory_space<vmem>> -> memref<1x512xi32, #tpu.memory_space<vmem>>
    %dma_wait3A_328 = tpu.memref_squeeze %dma_wait3A_327 : memref<1x512xi32, #tpu.memory_space<vmem>> -> memref<512xi32, #tpu.memory_space<vmem>>
    %dma_wait3A_329 = tpu.memref_slice %arg13[%mul3A_2] : memref<16384xi32, #tpu.memory_space<hbm>> -> memref<512xi32, #tpu.memory_space<hbm>>
    %dma_wait3A_330 = arith.constant 0 : i32
    %dma_wait3A_331 = tpu.memref_slice %arg56[%dma_wait3A_325, %dma_wait3A_330] : memref<25x512xi32, #tpu.memory_space<vmem>> -> memref<1x512xi32, #tpu.memory_space<vmem>>
    %dma_wait3A_332 = tpu.memref_squeeze %dma_wait3A_331 : memref<1x512xi32, #tpu.memory_space<vmem>> -> memref<512xi32, #tpu.memory_space<vmem>>
    %dma_wait3A_333 = tpu.memref_slice %arg13[%mul3A_2] : memref<16384xi32, #tpu.memory_space<hbm>> -> memref<512xi32, #tpu.memory_space<hbm>>
    tpu.wait_dma2 semaphore(%arg65 : memref<!tpu.dma_semaphore, #tpu.memory_space<semaphore_mem>>) src(%dma_wait3A_333 : memref<512xi32, #tpu.memory_space<hbm>>) dst(%dma_wait3A_332 : memref<512xi32, #tpu.memory_space<vmem>>)
    %dma_wait3A_334 = arith.constant 12 : i32
    %dma_wait3A_335 = arith.constant 0 : i32
    %dma_wait3A_336 = tpu.memref_slice %arg56[%dma_wait3A_334, %dma_wait3A_335] : memref<25x512xi32, #tpu.memory_space<vmem>> -> memref<1x512xi32, #tpu.memory_space<vmem>>
    %dma_wait3A_337 = tpu.memref_squeeze %dma_wait3A_336 : memref<1x512xi32, #tpu.memory_space<vmem>> -> memref<512xi32, #tpu.memory_space<vmem>>
    %dma_wait3A_338 = tpu.memref_slice %arg14[%mul3A_2] : memref<16384xi32, #tpu.memory_space<hbm>> -> memref<512xi32, #tpu.memory_space<hbm>>
    %dma_wait3A_339 = arith.constant 0 : i32
    %dma_wait3A_340 = tpu.memref_slice %arg56[%dma_wait3A_334, %dma_wait3A_339] : memref<25x512xi32, #tpu.memory_space<vmem>> -> memref<1x512xi32, #tpu.memory_space<vmem>>
    %dma_wait3A_341 = tpu.memref_squeeze %dma_wait3A_340 : memref<1x512xi32, #tpu.memory_space<vmem>> -> memref<512xi32, #tpu.memory_space<vmem>>
    %dma_wait3A_342 = tpu.memref_slice %arg14[%mul3A_2] : memref<16384xi32, #tpu.memory_space<hbm>> -> memref<512xi32, #tpu.memory_space<hbm>>
    tpu.wait_dma2 semaphore(%arg65 : memref<!tpu.dma_semaphore, #tpu.memory_space<semaphore_mem>>) src(%dma_wait3A_342 : memref<512xi32, #tpu.memory_space<hbm>>) dst(%dma_wait3A_341 : memref<512xi32, #tpu.memory_space<vmem>>)
    %dma_wait3A_343 = arith.constant 13 : i32
    %dma_wait3A_344 = arith.constant 0 : i32
    %dma_wait3A_345 = tpu.memref_slice %arg56[%dma_wait3A_343, %dma_wait3A_344] : memref<25x512xi32, #tpu.memory_space<vmem>> -> memref<1x512xi32, #tpu.memory_space<vmem>>
    %dma_wait3A_346 = tpu.memref_squeeze %dma_wait3A_345 : memref<1x512xi32, #tpu.memory_space<vmem>> -> memref<512xi32, #tpu.memory_space<vmem>>
    %dma_wait3A_347 = tpu.memref_slice %arg15[%mul3A_2] : memref<16384xi32, #tpu.memory_space<hbm>> -> memref<512xi32, #tpu.memory_space<hbm>>
    %dma_wait3A_348 = arith.constant 0 : i32
    %dma_wait3A_349 = tpu.memref_slice %arg56[%dma_wait3A_343, %dma_wait3A_348] : memref<25x512xi32, #tpu.memory_space<vmem>> -> memref<1x512xi32, #tpu.memory_space<vmem>>
    %dma_wait3A_350 = tpu.memref_squeeze %dma_wait3A_349 : memref<1x512xi32, #tpu.memory_space<vmem>> -> memref<512xi32, #tpu.memory_space<vmem>>
    %dma_wait3A_351 = tpu.memref_slice %arg15[%mul3A_2] : memref<16384xi32, #tpu.memory_space<hbm>> -> memref<512xi32, #tpu.memory_space<hbm>>
    tpu.wait_dma2 semaphore(%arg65 : memref<!tpu.dma_semaphore, #tpu.memory_space<semaphore_mem>>) src(%dma_wait3A_351 : memref<512xi32, #tpu.memory_space<hbm>>) dst(%dma_wait3A_350 : memref<512xi32, #tpu.memory_space<vmem>>)
    %dma_wait3A_352 = arith.constant 14 : i32
    %dma_wait3A_353 = arith.constant 0 : i32
    %dma_wait3A_354 = tpu.memref_slice %arg56[%dma_wait3A_352, %dma_wait3A_353] : memref<25x512xi32, #tpu.memory_space<vmem>> -> memref<1x512xi32, #tpu.memory_space<vmem>>
    %dma_wait3A_355 = tpu.memref_squeeze %dma_wait3A_354 : memref<1x512xi32, #tpu.memory_space<vmem>> -> memref<512xi32, #tpu.memory_space<vmem>>
    %dma_wait3A_356 = tpu.memref_slice %arg16[%mul3A_2] : memref<16384xi32, #tpu.memory_space<hbm>> -> memref<512xi32, #tpu.memory_space<hbm>>
    %dma_wait3A_357 = arith.constant 0 : i32
    %dma_wait3A_358 = tpu.memref_slice %arg56[%dma_wait3A_352, %dma_wait3A_357] : memref<25x512xi32, #tpu.memory_space<vmem>> -> memref<1x512xi32, #tpu.memory_space<vmem>>
    %dma_wait3A_359 = tpu.memref_squeeze %dma_wait3A_358 : memref<1x512xi32, #tpu.memory_space<vmem>> -> memref<512xi32, #tpu.memory_space<vmem>>
    %dma_wait3A_360 = tpu.memref_slice %arg16[%mul3A_2] : memref<16384xi32, #tpu.memory_space<hbm>> -> memref<512xi32, #tpu.memory_space<hbm>>
    tpu.wait_dma2 semaphore(%arg65 : memref<!tpu.dma_semaphore, #tpu.memory_space<semaphore_mem>>) src(%dma_wait3A_360 : memref<512xi32, #tpu.memory_space<hbm>>) dst(%dma_wait3A_359 : memref<512xi32, #tpu.memory_space<vmem>>)
    %dma_wait3A_361 = arith.constant 15 : i32
    %dma_wait3A_362 = arith.constant 0 : i32
    %dma_wait3A_363 = tpu.memref_slice %arg56[%dma_wait3A_361, %dma_wait3A_362] : memref<25x512xi32, #tpu.memory_space<vmem>> -> memref<1x512xi32, #tpu.memory_space<vmem>>
    %dma_wait3A_364 = tpu.memref_squeeze %dma_wait3A_363 : memref<1x512xi32, #tpu.memory_space<vmem>> -> memref<512xi32, #tpu.memory_space<vmem>>
    %dma_wait3A_365 = tpu.memref_slice %arg17[%mul3A_2] : memref<16384xi32, #tpu.memory_space<hbm>> -> memref<512xi32, #tpu.memory_space<hbm>>
    %dma_wait3A_366 = arith.constant 0 : i32
    %dma_wait3A_367 = tpu.memref_slice %arg56[%dma_wait3A_361, %dma_wait3A_366] : memref<25x512xi32, #tpu.memory_space<vmem>> -> memref<1x512xi32, #tpu.memory_space<vmem>>
    %dma_wait3A_368 = tpu.memref_squeeze %dma_wait3A_367 : memref<1x512xi32, #tpu.memory_space<vmem>> -> memref<512xi32, #tpu.memory_space<vmem>>
    %dma_wait3A_369 = tpu.memref_slice %arg17[%mul3A_2] : memref<16384xi32, #tpu.memory_space<hbm>> -> memref<512xi32, #tpu.memory_space<hbm>>
    tpu.wait_dma2 semaphore(%arg65 : memref<!tpu.dma_semaphore, #tpu.memory_space<semaphore_mem>>) src(%dma_wait3A_369 : memref<512xi32, #tpu.memory_space<hbm>>) dst(%dma_wait3A_368 : memref<512xi32, #tpu.memory_space<vmem>>)
    %dma_wait3A_370 = arith.constant 16 : i32
    %dma_wait3A_371 = arith.constant 0 : i32
    %dma_wait3A_372 = tpu.memref_slice %arg56[%dma_wait3A_370, %dma_wait3A_371] : memref<25x512xi32, #tpu.memory_space<vmem>> -> memref<1x512xi32, #tpu.memory_space<vmem>>
    %dma_wait3A_373 = tpu.memref_squeeze %dma_wait3A_372 : memref<1x512xi32, #tpu.memory_space<vmem>> -> memref<512xi32, #tpu.memory_space<vmem>>
    %dma_wait3A_374 = tpu.memref_slice %arg18[%mul3A_2] : memref<16384xi32, #tpu.memory_space<hbm>> -> memref<512xi32, #tpu.memory_space<hbm>>
    %dma_wait3A_375 = arith.constant 0 : i32
    %dma_wait3A_376 = tpu.memref_slice %arg56[%dma_wait3A_370, %dma_wait3A_375] : memref<25x512xi32, #tpu.memory_space<vmem>> -> memref<1x512xi32, #tpu.memory_space<vmem>>
    %dma_wait3A_377 = tpu.memref_squeeze %dma_wait3A_376 : memref<1x512xi32, #tpu.memory_space<vmem>> -> memref<512xi32, #tpu.memory_space<vmem>>
    %dma_wait3A_378 = tpu.memref_slice %arg18[%mul3A_2] : memref<16384xi32, #tpu.memory_space<hbm>> -> memref<512xi32, #tpu.memory_space<hbm>>
    tpu.wait_dma2 semaphore(%arg65 : memref<!tpu.dma_semaphore, #tpu.memory_space<semaphore_mem>>) src(%dma_wait3A_378 : memref<512xi32, #tpu.memory_space<hbm>>) dst(%dma_wait3A_377 : memref<512xi32, #tpu.memory_space<vmem>>)
    %dma_wait3A_379 = arith.constant 17 : i32
    %dma_wait3A_380 = arith.constant 0 : i32
    %dma_wait3A_381 = tpu.memref_slice %arg56[%dma_wait3A_379, %dma_wait3A_380] : memref<25x512xi32, #tpu.memory_space<vmem>> -> memref<1x512xi32, #tpu.memory_space<vmem>>
    %dma_wait3A_382 = tpu.memref_squeeze %dma_wait3A_381 : memref<1x512xi32, #tpu.memory_space<vmem>> -> memref<512xi32, #tpu.memory_space<vmem>>
    %dma_wait3A_383 = tpu.memref_slice %arg19[%mul3A_2] : memref<16384xi32, #tpu.memory_space<hbm>> -> memref<512xi32, #tpu.memory_space<hbm>>
    %dma_wait3A_384 = arith.constant 0 : i32
    %dma_wait3A_385 = tpu.memref_slice %arg56[%dma_wait3A_379, %dma_wait3A_384] : memref<25x512xi32, #tpu.memory_space<vmem>> -> memref<1x512xi32, #tpu.memory_space<vmem>>
    %dma_wait3A_386 = tpu.memref_squeeze %dma_wait3A_385 : memref<1x512xi32, #tpu.memory_space<vmem>> -> memref<512xi32, #tpu.memory_space<vmem>>
    %dma_wait3A_387 = tpu.memref_slice %arg19[%mul3A_2] : memref<16384xi32, #tpu.memory_space<hbm>> -> memref<512xi32, #tpu.memory_space<hbm>>
    tpu.wait_dma2 semaphore(%arg65 : memref<!tpu.dma_semaphore, #tpu.memory_space<semaphore_mem>>) src(%dma_wait3A_387 : memref<512xi32, #tpu.memory_space<hbm>>) dst(%dma_wait3A_386 : memref<512xi32, #tpu.memory_space<vmem>>)
    %dma_wait3A_388 = arith.constant 18 : i32
    %dma_wait3A_389 = arith.constant 0 : i32
    %dma_wait3A_390 = tpu.memref_slice %arg56[%dma_wait3A_388, %dma_wait3A_389] : memref<25x512xi32, #tpu.memory_space<vmem>> -> memref<1x512xi32, #tpu.memory_space<vmem>>
    %dma_wait3A_391 = tpu.memref_squeeze %dma_wait3A_390 : memref<1x512xi32, #tpu.memory_space<vmem>> -> memref<512xi32, #tpu.memory_space<vmem>>
    %dma_wait3A_392 = tpu.memref_slice %arg20[%mul3A_2] : memref<16384xi32, #tpu.memory_space<hbm>> -> memref<512xi32, #tpu.memory_space<hbm>>
    %dma_wait3A_393 = arith.constant 0 : i32
    %dma_wait3A_394 = tpu.memref_slice %arg56[%dma_wait3A_388, %dma_wait3A_393] : memref<25x512xi32, #tpu.memory_space<vmem>> -> memref<1x512xi32, #tpu.memory_space<vmem>>
    %dma_wait3A_395 = tpu.memref_squeeze %dma_wait3A_394 : memref<1x512xi32, #tpu.memory_space<vmem>> -> memref<512xi32, #tpu.memory_space<vmem>>
    %dma_wait3A_396 = tpu.memref_slice %arg20[%mul3A_2] : memref<16384xi32, #tpu.memory_space<hbm>> -> memref<512xi32, #tpu.memory_space<hbm>>
    tpu.wait_dma2 semaphore(%arg65 : memref<!tpu.dma_semaphore, #tpu.memory_space<semaphore_mem>>) src(%dma_wait3A_396 : memref<512xi32, #tpu.memory_space<hbm>>) dst(%dma_wait3A_395 : memref<512xi32, #tpu.memory_space<vmem>>)
    %dma_wait3A_397 = arith.constant 19 : i32
    %dma_wait3A_398 = arith.constant 0 : i32
    %dma_wait3A_399 = tpu.memref_slice %arg56[%dma_wait3A_397, %dma_wait3A_398] : memref<25x512xi32, #tpu.memory_space<vmem>> -> memref<1x512xi32, #tpu.memory_space<vmem>>
    %dma_wait3A_400 = tpu.memref_squeeze %dma_wait3A_399 : memref<1x512xi32, #tpu.memory_space<vmem>> -> memref<512xi32, #tpu.memory_space<vmem>>
    %dma_wait3A_401 = tpu.memref_slice %arg21[%mul3A_2] : memref<16384xi32, #tpu.memory_space<hbm>> -> memref<512xi32, #tpu.memory_space<hbm>>
    %dma_wait3A_402 = arith.constant 0 : i32
    %dma_wait3A_403 = tpu.memref_slice %arg56[%dma_wait3A_397, %dma_wait3A_402] : memref<25x512xi32, #tpu.memory_space<vmem>> -> memref<1x512xi32, #tpu.memory_space<vmem>>
    %dma_wait3A_404 = tpu.memref_squeeze %dma_wait3A_403 : memref<1x512xi32, #tpu.memory_space<vmem>> -> memref<512xi32, #tpu.memory_space<vmem>>
    %dma_wait3A_405 = tpu.memref_slice %arg21[%mul3A_2] : memref<16384xi32, #tpu.memory_space<hbm>> -> memref<512xi32, #tpu.memory_space<hbm>>
    tpu.wait_dma2 semaphore(%arg65 : memref<!tpu.dma_semaphore, #tpu.memory_space<semaphore_mem>>) src(%dma_wait3A_405 : memref<512xi32, #tpu.memory_space<hbm>>) dst(%dma_wait3A_404 : memref<512xi32, #tpu.memory_space<vmem>>)
    %dma_wait3A_406 = arith.constant 20 : i32
    %dma_wait3A_407 = arith.constant 0 : i32
    %dma_wait3A_408 = tpu.memref_slice %arg56[%dma_wait3A_406, %dma_wait3A_407] : memref<25x512xi32, #tpu.memory_space<vmem>> -> memref<1x512xi32, #tpu.memory_space<vmem>>
    %dma_wait3A_409 = tpu.memref_squeeze %dma_wait3A_408 : memref<1x512xi32, #tpu.memory_space<vmem>> -> memref<512xi32, #tpu.memory_space<vmem>>
    %dma_wait3A_410 = tpu.memref_slice %arg22[%mul3A_2] : memref<16384xi32, #tpu.memory_space<hbm>> -> memref<512xi32, #tpu.memory_space<hbm>>
    %dma_wait3A_411 = arith.constant 0 : i32
    %dma_wait3A_412 = tpu.memref_slice %arg56[%dma_wait3A_406, %dma_wait3A_411] : memref<25x512xi32, #tpu.memory_space<vmem>> -> memref<1x512xi32, #tpu.memory_space<vmem>>
    %dma_wait3A_413 = tpu.memref_squeeze %dma_wait3A_412 : memref<1x512xi32, #tpu.memory_space<vmem>> -> memref<512xi32, #tpu.memory_space<vmem>>
    %dma_wait3A_414 = tpu.memref_slice %arg22[%mul3A_2] : memref<16384xi32, #tpu.memory_space<hbm>> -> memref<512xi32, #tpu.memory_space<hbm>>
    tpu.wait_dma2 semaphore(%arg65 : memref<!tpu.dma_semaphore, #tpu.memory_space<semaphore_mem>>) src(%dma_wait3A_414 : memref<512xi32, #tpu.memory_space<hbm>>) dst(%dma_wait3A_413 : memref<512xi32, #tpu.memory_space<vmem>>)
    %dma_wait3A_415 = arith.constant 21 : i32
    %dma_wait3A_416 = arith.constant 0 : i32
    %dma_wait3A_417 = tpu.memref_slice %arg56[%dma_wait3A_415, %dma_wait3A_416] : memref<25x512xi32, #tpu.memory_space<vmem>> -> memref<1x512xi32, #tpu.memory_space<vmem>>
    %dma_wait3A_418 = tpu.memref_squeeze %dma_wait3A_417 : memref<1x512xi32, #tpu.memory_space<vmem>> -> memref<512xi32, #tpu.memory_space<vmem>>
    %dma_wait3A_419 = tpu.memref_slice %arg23[%mul3A_2] : memref<16384xi32, #tpu.memory_space<hbm>> -> memref<512xi32, #tpu.memory_space<hbm>>
    %dma_wait3A_420 = arith.constant 0 : i32
    %dma_wait3A_421 = tpu.memref_slice %arg56[%dma_wait3A_415, %dma_wait3A_420] : memref<25x512xi32, #tpu.memory_space<vmem>> -> memref<1x512xi32, #tpu.memory_space<vmem>>
    %dma_wait3A_422 = tpu.memref_squeeze %dma_wait3A_421 : memref<1x512xi32, #tpu.memory_space<vmem>> -> memref<512xi32, #tpu.memory_space<vmem>>
    %dma_wait3A_423 = tpu.memref_slice %arg23[%mul3A_2] : memref<16384xi32, #tpu.memory_space<hbm>> -> memref<512xi32, #tpu.memory_space<hbm>>
    tpu.wait_dma2 semaphore(%arg65 : memref<!tpu.dma_semaphore, #tpu.memory_space<semaphore_mem>>) src(%dma_wait3A_423 : memref<512xi32, #tpu.memory_space<hbm>>) dst(%dma_wait3A_422 : memref<512xi32, #tpu.memory_space<vmem>>)
    %dma_wait3A_424 = arith.constant 22 : i32
    %dma_wait3A_425 = arith.constant 0 : i32
    %dma_wait3A_426 = tpu.memref_slice %arg56[%dma_wait3A_424, %dma_wait3A_425] : memref<25x512xi32, #tpu.memory_space<vmem>> -> memref<1x512xi32, #tpu.memory_space<vmem>>
    %dma_wait3A_427 = tpu.memref_squeeze %dma_wait3A_426 : memref<1x512xi32, #tpu.memory_space<vmem>> -> memref<512xi32, #tpu.memory_space<vmem>>
    %dma_wait3A_428 = tpu.memref_slice %arg24[%mul3A_2] : memref<16384xi32, #tpu.memory_space<hbm>> -> memref<512xi32, #tpu.memory_space<hbm>>
    %dma_wait3A_429 = arith.constant 0 : i32
    %dma_wait3A_430 = tpu.memref_slice %arg56[%dma_wait3A_424, %dma_wait3A_429] : memref<25x512xi32, #tpu.memory_space<vmem>> -> memref<1x512xi32, #tpu.memory_space<vmem>>
    %dma_wait3A_431 = tpu.memref_squeeze %dma_wait3A_430 : memref<1x512xi32, #tpu.memory_space<vmem>> -> memref<512xi32, #tpu.memory_space<vmem>>
    %dma_wait3A_432 = tpu.memref_slice %arg24[%mul3A_2] : memref<16384xi32, #tpu.memory_space<hbm>> -> memref<512xi32, #tpu.memory_space<hbm>>
    tpu.wait_dma2 semaphore(%arg65 : memref<!tpu.dma_semaphore, #tpu.memory_space<semaphore_mem>>) src(%dma_wait3A_432 : memref<512xi32, #tpu.memory_space<hbm>>) dst(%dma_wait3A_431 : memref<512xi32, #tpu.memory_space<vmem>>)
    %dma_wait3A_433 = arith.constant 23 : i32
    %dma_wait3A_434 = arith.constant 0 : i32
    %dma_wait3A_435 = tpu.memref_slice %arg56[%dma_wait3A_433, %dma_wait3A_434] : memref<25x512xi32, #tpu.memory_space<vmem>> -> memref<1x512xi32, #tpu.memory_space<vmem>>
    %dma_wait3A_436 = tpu.memref_squeeze %dma_wait3A_435 : memref<1x512xi32, #tpu.memory_space<vmem>> -> memref<512xi32, #tpu.memory_space<vmem>>
    %dma_wait3A_437 = tpu.memref_slice %arg25[%mul3A_2] : memref<16384xi32, #tpu.memory_space<hbm>> -> memref<512xi32, #tpu.memory_space<hbm>>
    %dma_wait3A_438 = arith.constant 0 : i32
    %dma_wait3A_439 = tpu.memref_slice %arg56[%dma_wait3A_433, %dma_wait3A_438] : memref<25x512xi32, #tpu.memory_space<vmem>> -> memref<1x512xi32, #tpu.memory_space<vmem>>
    %dma_wait3A_440 = tpu.memref_squeeze %dma_wait3A_439 : memref<1x512xi32, #tpu.memory_space<vmem>> -> memref<512xi32, #tpu.memory_space<vmem>>
    %dma_wait3A_441 = tpu.memref_slice %arg25[%mul3A_2] : memref<16384xi32, #tpu.memory_space<hbm>> -> memref<512xi32, #tpu.memory_space<hbm>>
    tpu.wait_dma2 semaphore(%arg65 : memref<!tpu.dma_semaphore, #tpu.memory_space<semaphore_mem>>) src(%dma_wait3A_441 : memref<512xi32, #tpu.memory_space<hbm>>) dst(%dma_wait3A_440 : memref<512xi32, #tpu.memory_space<vmem>>)
    %dma_wait3A_442 = arith.constant 24 : i32
    %dma_wait3A_443 = arith.constant 0 : i32
    %dma_wait3A_444 = tpu.memref_slice %arg56[%dma_wait3A_442, %dma_wait3A_443] : memref<25x512xi32, #tpu.memory_space<vmem>> -> memref<1x512xi32, #tpu.memory_space<vmem>>
    %dma_wait3A_445 = tpu.memref_squeeze %dma_wait3A_444 : memref<1x512xi32, #tpu.memory_space<vmem>> -> memref<512xi32, #tpu.memory_space<vmem>>
    %dma_wait3A_446 = tpu.memref_slice %arg26[%mul3A_2] : memref<16384xi32, #tpu.memory_space<hbm>> -> memref<512xi32, #tpu.memory_space<hbm>>
    %dma_wait3A_447 = arith.constant 0 : i32
    %dma_wait3A_448 = tpu.memref_slice %arg56[%dma_wait3A_442, %dma_wait3A_447] : memref<25x512xi32, #tpu.memory_space<vmem>> -> memref<1x512xi32, #tpu.memory_space<vmem>>
    %dma_wait3A_449 = tpu.memref_squeeze %dma_wait3A_448 : memref<1x512xi32, #tpu.memory_space<vmem>> -> memref<512xi32, #tpu.memory_space<vmem>>
    %dma_wait3A_450 = tpu.memref_slice %arg26[%mul3A_2] : memref<16384xi32, #tpu.memory_space<hbm>> -> memref<512xi32, #tpu.memory_space<hbm>>
    tpu.wait_dma2 semaphore(%arg65 : memref<!tpu.dma_semaphore, #tpu.memory_space<semaphore_mem>>) src(%dma_wait3A_450 : memref<512xi32, #tpu.memory_space<hbm>>) dst(%dma_wait3A_449 : memref<512xi32, #tpu.memory_space<vmem>>)
    %dma_start3A_451 = arith.constant 0 : i32
    %dma_start3A_452 = arith.constant 0 : i32
    %dma_start3A_453 = tpu.memref_slice %arg56[%dma_start3A_451, %dma_start3A_452] : memref<25x512xi32, #tpu.memory_space<vmem>> -> memref<1x512xi32, #tpu.memory_space<vmem>>
    %dma_start3A_454 = tpu.memref_squeeze %dma_start3A_453 : memref<1x512xi32, #tpu.memory_space<vmem>> -> memref<512xi32, #tpu.memory_space<vmem>>
    %dma_start3A_455 = arith.constant 0 : i32
    %dma_start3A_456 = arith.constant 0 : i32
    %dma_start3A_457 = tpu.memref_slice %arg29[%dma_start3A_455, %dma_start3A_456] : memref<100000x16xf32, #tpu.memory_space<hbm>> -> memref<100000x16xf32, #tpu.memory_space<hbm>>
    tpu.enqueue_indirect_dma source(%dma_start3A_457 : memref<100000x16xf32, #tpu.memory_space<hbm>>) target(%arg57 : memref<512x16xf32, #tpu.memory_space<vmem>>) offsets(%dma_start3A_454 : memref<512xi32, #tpu.memory_space<vmem>>) semaphore(%arg66 : memref<!tpu.dma_semaphore, #tpu.memory_space<semaphore_mem>>)
    %dma_start3A_458 = arith.constant 1 : i32
    %dma_start3A_459 = arith.constant 0 : i32
    %dma_start3A_460 = tpu.memref_slice %arg56[%dma_start3A_458, %dma_start3A_459] : memref<25x512xi32, #tpu.memory_space<vmem>> -> memref<1x512xi32, #tpu.memory_space<vmem>>
    %dma_start3A_461 = tpu.memref_squeeze %dma_start3A_460 : memref<1x512xi32, #tpu.memory_space<vmem>> -> memref<512xi32, #tpu.memory_space<vmem>>
    %dma_start3A_462 = arith.constant 0 : i32
    %dma_start3A_463 = arith.constant 0 : i32
    %dma_start3A_464 = tpu.memref_slice %arg30[%dma_start3A_462, %dma_start3A_463] : memref<100000x16xf32, #tpu.memory_space<hbm>> -> memref<100000x16xf32, #tpu.memory_space<hbm>>
    tpu.enqueue_indirect_dma source(%dma_start3A_464 : memref<100000x16xf32, #tpu.memory_space<hbm>>) target(%arg58 : memref<512x16xf32, #tpu.memory_space<vmem>>) offsets(%dma_start3A_461 : memref<512xi32, #tpu.memory_space<vmem>>) semaphore(%arg67 : memref<!tpu.dma_semaphore, #tpu.memory_space<semaphore_mem>>)
    %dma_wait3A_465 = arith.constant 0 : i32
    %dma_wait3A_466 = arith.constant 0 : i32
    %dma_wait3A_467 = tpu.memref_slice %arg56[%dma_wait3A_465, %dma_wait3A_466] : memref<25x512xi32, #tpu.memory_space<vmem>> -> memref<1x512xi32, #tpu.memory_space<vmem>>
    %dma_wait3A_468 = tpu.memref_squeeze %dma_wait3A_467 : memref<1x512xi32, #tpu.memory_space<vmem>> -> memref<512xi32, #tpu.memory_space<vmem>>
    %dma_wait3A_469 = arith.constant 0 : i32
    %dma_wait3A_470 = arith.constant 0 : i32
    %dma_wait3A_471 = tpu.memref_slice %arg29[%dma_wait3A_469, %dma_wait3A_470] : memref<100000x16xf32, #tpu.memory_space<hbm>> -> memref<100000x16xf32, #tpu.memory_space<hbm>>
    tpu.wait_indirect_dma semaphore(%arg66 : memref<!tpu.dma_semaphore, #tpu.memory_space<semaphore_mem>>) src(%dma_wait3A_471 : memref<100000x16xf32, #tpu.memory_space<hbm>>) dst(%arg57 : memref<512x16xf32, #tpu.memory_space<vmem>>)
    "tpu.region"() ({
      %run_scoped3A = tpu.sem_alloc : memref<!tpu.dma_semaphore, #tpu.memory_space<semaphore_mem>>
      %dma_start3A_942 = arith.constant 0 : i32
      %dma_start3A_943 = tpu.memref_slice %arg55[%mul3A_2, %dma_start3A_942] : memref<16384x416xf32, #tpu.memory_space<hbm>> -> memref<512x16xf32, #tpu.memory_space<hbm>>
      %dma_start3A_944 = arith.constant 0 : i32
      %dma_start3A_945 = tpu.memref_slice %arg55[%mul3A_2, %dma_start3A_944] : memref<16384x416xf32, #tpu.memory_space<hbm>> -> memref<512x16xf32, #tpu.memory_space<hbm>>
      tpu.enqueue_dma source(%arg57 : memref<512x16xf32, #tpu.memory_space<vmem>>) target(%dma_start3A_945 : memref<512x16xf32, #tpu.memory_space<hbm>>) target_semaphore(%run_scoped3A : memref<!tpu.dma_semaphore, #tpu.memory_space<semaphore_mem>>)
      %dma_wait3A_946 = arith.constant 0 : i32
      %dma_wait3A_947 = tpu.memref_slice %arg55[%mul3A_2, %dma_wait3A_946] : memref<16384x416xf32, #tpu.memory_space<hbm>> -> memref<512x16xf32, #tpu.memory_space<hbm>>
      %dma_wait3A_948 = arith.constant 0 : i32
      %dma_wait3A_949 = tpu.memref_slice %arg55[%mul3A_2, %dma_wait3A_948] : memref<16384x416xf32, #tpu.memory_space<hbm>> -> memref<512x16xf32, #tpu.memory_space<hbm>>
      tpu.wait_dma2 semaphore(%run_scoped3A : memref<!tpu.dma_semaphore, #tpu.memory_space<semaphore_mem>>) src(%arg57 : memref<512x16xf32, #tpu.memory_space<vmem>>) dst(%dma_wait3A_949 : memref<512x16xf32, #tpu.memory_space<hbm>>)
      tpu.yield
    }) : () -> ()
    %dma_start3A_472 = arith.constant 2 : i32
    %dma_start3A_473 = arith.constant 0 : i32
    %dma_start3A_474 = tpu.memref_slice %arg56[%dma_start3A_472, %dma_start3A_473] : memref<25x512xi32, #tpu.memory_space<vmem>> -> memref<1x512xi32, #tpu.memory_space<vmem>>
    %dma_start3A_475 = tpu.memref_squeeze %dma_start3A_474 : memref<1x512xi32, #tpu.memory_space<vmem>> -> memref<512xi32, #tpu.memory_space<vmem>>
    %dma_start3A_476 = arith.constant 0 : i32
    %dma_start3A_477 = arith.constant 0 : i32
    %dma_start3A_478 = tpu.memref_slice %arg31[%dma_start3A_476, %dma_start3A_477] : memref<100000x16xf32, #tpu.memory_space<hbm>> -> memref<100000x16xf32, #tpu.memory_space<hbm>>
    tpu.enqueue_indirect_dma source(%dma_start3A_478 : memref<100000x16xf32, #tpu.memory_space<hbm>>) target(%arg57 : memref<512x16xf32, #tpu.memory_space<vmem>>) offsets(%dma_start3A_475 : memref<512xi32, #tpu.memory_space<vmem>>) semaphore(%arg66 : memref<!tpu.dma_semaphore, #tpu.memory_space<semaphore_mem>>)
    %dma_wait3A_479 = arith.constant 1 : i32
    %dma_wait3A_480 = arith.constant 0 : i32
    %dma_wait3A_481 = tpu.memref_slice %arg56[%dma_wait3A_479, %dma_wait3A_480] : memref<25x512xi32, #tpu.memory_space<vmem>> -> memref<1x512xi32, #tpu.memory_space<vmem>>
    %dma_wait3A_482 = tpu.memref_squeeze %dma_wait3A_481 : memref<1x512xi32, #tpu.memory_space<vmem>> -> memref<512xi32, #tpu.memory_space<vmem>>
    %dma_wait3A_483 = arith.constant 0 : i32
    %dma_wait3A_484 = arith.constant 0 : i32
    %dma_wait3A_485 = tpu.memref_slice %arg30[%dma_wait3A_483, %dma_wait3A_484] : memref<100000x16xf32, #tpu.memory_space<hbm>> -> memref<100000x16xf32, #tpu.memory_space<hbm>>
    tpu.wait_indirect_dma semaphore(%arg67 : memref<!tpu.dma_semaphore, #tpu.memory_space<semaphore_mem>>) src(%dma_wait3A_485 : memref<100000x16xf32, #tpu.memory_space<hbm>>) dst(%arg58 : memref<512x16xf32, #tpu.memory_space<vmem>>)
    "tpu.region"() ({
      %run_scoped3A = tpu.sem_alloc : memref<!tpu.dma_semaphore, #tpu.memory_space<semaphore_mem>>
      %dma_start3A_942 = arith.constant 16 : i32
      %dma_start3A_943 = tpu.memref_slice %arg55[%mul3A_2, %dma_start3A_942] : memref<16384x416xf32, #tpu.memory_space<hbm>> -> memref<512x16xf32, #tpu.memory_space<hbm>>
      %dma_start3A_944 = arith.constant 16 : i32
      %dma_start3A_945 = tpu.memref_slice %arg55[%mul3A_2, %dma_start3A_944] : memref<16384x416xf32, #tpu.memory_space<hbm>> -> memref<512x16xf32, #tpu.memory_space<hbm>>
      tpu.enqueue_dma source(%arg58 : memref<512x16xf32, #tpu.memory_space<vmem>>) target(%dma_start3A_945 : memref<512x16xf32, #tpu.memory_space<hbm>>) target_semaphore(%run_scoped3A : memref<!tpu.dma_semaphore, #tpu.memory_space<semaphore_mem>>)
      %dma_wait3A_946 = arith.constant 16 : i32
      %dma_wait3A_947 = tpu.memref_slice %arg55[%mul3A_2, %dma_wait3A_946] : memref<16384x416xf32, #tpu.memory_space<hbm>> -> memref<512x16xf32, #tpu.memory_space<hbm>>
      %dma_wait3A_948 = arith.constant 16 : i32
      %dma_wait3A_949 = tpu.memref_slice %arg55[%mul3A_2, %dma_wait3A_948] : memref<16384x416xf32, #tpu.memory_space<hbm>> -> memref<512x16xf32, #tpu.memory_space<hbm>>
      tpu.wait_dma2 semaphore(%run_scoped3A : memref<!tpu.dma_semaphore, #tpu.memory_space<semaphore_mem>>) src(%arg58 : memref<512x16xf32, #tpu.memory_space<vmem>>) dst(%dma_wait3A_949 : memref<512x16xf32, #tpu.memory_space<hbm>>)
      tpu.yield
    }) : () -> ()
    %dma_start3A_486 = arith.constant 3 : i32
    %dma_start3A_487 = arith.constant 0 : i32
    %dma_start3A_488 = tpu.memref_slice %arg56[%dma_start3A_486, %dma_start3A_487] : memref<25x512xi32, #tpu.memory_space<vmem>> -> memref<1x512xi32, #tpu.memory_space<vmem>>
    %dma_start3A_489 = tpu.memref_squeeze %dma_start3A_488 : memref<1x512xi32, #tpu.memory_space<vmem>> -> memref<512xi32, #tpu.memory_space<vmem>>
    %dma_start3A_490 = arith.constant 0 : i32
    %dma_start3A_491 = arith.constant 0 : i32
    %dma_start3A_492 = tpu.memref_slice %arg32[%dma_start3A_490, %dma_start3A_491] : memref<100000x16xf32, #tpu.memory_space<hbm>> -> memref<100000x16xf32, #tpu.memory_space<hbm>>
    tpu.enqueue_indirect_dma source(%dma_start3A_492 : memref<100000x16xf32, #tpu.memory_space<hbm>>) target(%arg58 : memref<512x16xf32, #tpu.memory_space<vmem>>) offsets(%dma_start3A_489 : memref<512xi32, #tpu.memory_space<vmem>>) semaphore(%arg67 : memref<!tpu.dma_semaphore, #tpu.memory_space<semaphore_mem>>)
    %dma_wait3A_493 = arith.constant 2 : i32
    %dma_wait3A_494 = arith.constant 0 : i32
    %dma_wait3A_495 = tpu.memref_slice %arg56[%dma_wait3A_493, %dma_wait3A_494] : memref<25x512xi32, #tpu.memory_space<vmem>> -> memref<1x512xi32, #tpu.memory_space<vmem>>
    %dma_wait3A_496 = tpu.memref_squeeze %dma_wait3A_495 : memref<1x512xi32, #tpu.memory_space<vmem>> -> memref<512xi32, #tpu.memory_space<vmem>>
    %dma_wait3A_497 = arith.constant 0 : i32
    %dma_wait3A_498 = arith.constant 0 : i32
    %dma_wait3A_499 = tpu.memref_slice %arg31[%dma_wait3A_497, %dma_wait3A_498] : memref<100000x16xf32, #tpu.memory_space<hbm>> -> memref<100000x16xf32, #tpu.memory_space<hbm>>
    tpu.wait_indirect_dma semaphore(%arg66 : memref<!tpu.dma_semaphore, #tpu.memory_space<semaphore_mem>>) src(%dma_wait3A_499 : memref<100000x16xf32, #tpu.memory_space<hbm>>) dst(%arg57 : memref<512x16xf32, #tpu.memory_space<vmem>>)
    "tpu.region"() ({
      %run_scoped3A = tpu.sem_alloc : memref<!tpu.dma_semaphore, #tpu.memory_space<semaphore_mem>>
      %dma_start3A_942 = arith.constant 32 : i32
      %dma_start3A_943 = tpu.memref_slice %arg55[%mul3A_2, %dma_start3A_942] : memref<16384x416xf32, #tpu.memory_space<hbm>> -> memref<512x16xf32, #tpu.memory_space<hbm>>
      %dma_start3A_944 = arith.constant 32 : i32
      %dma_start3A_945 = tpu.memref_slice %arg55[%mul3A_2, %dma_start3A_944] : memref<16384x416xf32, #tpu.memory_space<hbm>> -> memref<512x16xf32, #tpu.memory_space<hbm>>
      tpu.enqueue_dma source(%arg57 : memref<512x16xf32, #tpu.memory_space<vmem>>) target(%dma_start3A_945 : memref<512x16xf32, #tpu.memory_space<hbm>>) target_semaphore(%run_scoped3A : memref<!tpu.dma_semaphore, #tpu.memory_space<semaphore_mem>>)
      %dma_wait3A_946 = arith.constant 32 : i32
      %dma_wait3A_947 = tpu.memref_slice %arg55[%mul3A_2, %dma_wait3A_946] : memref<16384x416xf32, #tpu.memory_space<hbm>> -> memref<512x16xf32, #tpu.memory_space<hbm>>
      %dma_wait3A_948 = arith.constant 32 : i32
      %dma_wait3A_949 = tpu.memref_slice %arg55[%mul3A_2, %dma_wait3A_948] : memref<16384x416xf32, #tpu.memory_space<hbm>> -> memref<512x16xf32, #tpu.memory_space<hbm>>
      tpu.wait_dma2 semaphore(%run_scoped3A : memref<!tpu.dma_semaphore, #tpu.memory_space<semaphore_mem>>) src(%arg57 : memref<512x16xf32, #tpu.memory_space<vmem>>) dst(%dma_wait3A_949 : memref<512x16xf32, #tpu.memory_space<hbm>>)
      tpu.yield
    }) : () -> ()
    %dma_start3A_500 = arith.constant 4 : i32
    %dma_start3A_501 = arith.constant 0 : i32
    %dma_start3A_502 = tpu.memref_slice %arg56[%dma_start3A_500, %dma_start3A_501] : memref<25x512xi32, #tpu.memory_space<vmem>> -> memref<1x512xi32, #tpu.memory_space<vmem>>
    %dma_start3A_503 = tpu.memref_squeeze %dma_start3A_502 : memref<1x512xi32, #tpu.memory_space<vmem>> -> memref<512xi32, #tpu.memory_space<vmem>>
    %dma_start3A_504 = arith.constant 0 : i32
    %dma_start3A_505 = arith.constant 0 : i32
    %dma_start3A_506 = tpu.memref_slice %arg33[%dma_start3A_504, %dma_start3A_505] : memref<100000x16xf32, #tpu.memory_space<hbm>> -> memref<100000x16xf32, #tpu.memory_space<hbm>>
    tpu.enqueue_indirect_dma source(%dma_start3A_506 : memref<100000x16xf32, #tpu.memory_space<hbm>>) target(%arg57 : memref<512x16xf32, #tpu.memory_space<vmem>>) offsets(%dma_start3A_503 : memref<512xi32, #tpu.memory_space<vmem>>) semaphore(%arg66 : memref<!tpu.dma_semaphore, #tpu.memory_space<semaphore_mem>>)
    %dma_wait3A_507 = arith.constant 3 : i32
    %dma_wait3A_508 = arith.constant 0 : i32
    %dma_wait3A_509 = tpu.memref_slice %arg56[%dma_wait3A_507, %dma_wait3A_508] : memref<25x512xi32, #tpu.memory_space<vmem>> -> memref<1x512xi32, #tpu.memory_space<vmem>>
    %dma_wait3A_510 = tpu.memref_squeeze %dma_wait3A_509 : memref<1x512xi32, #tpu.memory_space<vmem>> -> memref<512xi32, #tpu.memory_space<vmem>>
    %dma_wait3A_511 = arith.constant 0 : i32
    %dma_wait3A_512 = arith.constant 0 : i32
    %dma_wait3A_513 = tpu.memref_slice %arg32[%dma_wait3A_511, %dma_wait3A_512] : memref<100000x16xf32, #tpu.memory_space<hbm>> -> memref<100000x16xf32, #tpu.memory_space<hbm>>
    tpu.wait_indirect_dma semaphore(%arg67 : memref<!tpu.dma_semaphore, #tpu.memory_space<semaphore_mem>>) src(%dma_wait3A_513 : memref<100000x16xf32, #tpu.memory_space<hbm>>) dst(%arg58 : memref<512x16xf32, #tpu.memory_space<vmem>>)
    "tpu.region"() ({
      %run_scoped3A = tpu.sem_alloc : memref<!tpu.dma_semaphore, #tpu.memory_space<semaphore_mem>>
      %dma_start3A_942 = arith.constant 48 : i32
      %dma_start3A_943 = tpu.memref_slice %arg55[%mul3A_2, %dma_start3A_942] : memref<16384x416xf32, #tpu.memory_space<hbm>> -> memref<512x16xf32, #tpu.memory_space<hbm>>
      %dma_start3A_944 = arith.constant 48 : i32
      %dma_start3A_945 = tpu.memref_slice %arg55[%mul3A_2, %dma_start3A_944] : memref<16384x416xf32, #tpu.memory_space<hbm>> -> memref<512x16xf32, #tpu.memory_space<hbm>>
      tpu.enqueue_dma source(%arg58 : memref<512x16xf32, #tpu.memory_space<vmem>>) target(%dma_start3A_945 : memref<512x16xf32, #tpu.memory_space<hbm>>) target_semaphore(%run_scoped3A : memref<!tpu.dma_semaphore, #tpu.memory_space<semaphore_mem>>)
      %dma_wait3A_946 = arith.constant 48 : i32
      %dma_wait3A_947 = tpu.memref_slice %arg55[%mul3A_2, %dma_wait3A_946] : memref<16384x416xf32, #tpu.memory_space<hbm>> -> memref<512x16xf32, #tpu.memory_space<hbm>>
      %dma_wait3A_948 = arith.constant 48 : i32
      %dma_wait3A_949 = tpu.memref_slice %arg55[%mul3A_2, %dma_wait3A_948] : memref<16384x416xf32, #tpu.memory_space<hbm>> -> memref<512x16xf32, #tpu.memory_space<hbm>>
      tpu.wait_dma2 semaphore(%run_scoped3A : memref<!tpu.dma_semaphore, #tpu.memory_space<semaphore_mem>>) src(%arg58 : memref<512x16xf32, #tpu.memory_space<vmem>>) dst(%dma_wait3A_949 : memref<512x16xf32, #tpu.memory_space<hbm>>)
      tpu.yield
    }) : () -> ()
    %dma_start3A_514 = arith.constant 5 : i32
    %dma_start3A_515 = arith.constant 0 : i32
    %dma_start3A_516 = tpu.memref_slice %arg56[%dma_start3A_514, %dma_start3A_515] : memref<25x512xi32, #tpu.memory_space<vmem>> -> memref<1x512xi32, #tpu.memory_space<vmem>>
    %dma_start3A_517 = tpu.memref_squeeze %dma_start3A_516 : memref<1x512xi32, #tpu.memory_space<vmem>> -> memref<512xi32, #tpu.memory_space<vmem>>
    %dma_start3A_518 = arith.constant 0 : i32
    %dma_start3A_519 = arith.constant 0 : i32
    %dma_start3A_520 = tpu.memref_slice %arg34[%dma_start3A_518, %dma_start3A_519] : memref<100000x16xf32, #tpu.memory_space<hbm>> -> memref<100000x16xf32, #tpu.memory_space<hbm>>
    tpu.enqueue_indirect_dma source(%dma_start3A_520 : memref<100000x16xf32, #tpu.memory_space<hbm>>) target(%arg58 : memref<512x16xf32, #tpu.memory_space<vmem>>) offsets(%dma_start3A_517 : memref<512xi32, #tpu.memory_space<vmem>>) semaphore(%arg67 : memref<!tpu.dma_semaphore, #tpu.memory_space<semaphore_mem>>)
    %dma_wait3A_521 = arith.constant 4 : i32
    %dma_wait3A_522 = arith.constant 0 : i32
    %dma_wait3A_523 = tpu.memref_slice %arg56[%dma_wait3A_521, %dma_wait3A_522] : memref<25x512xi32, #tpu.memory_space<vmem>> -> memref<1x512xi32, #tpu.memory_space<vmem>>
    %dma_wait3A_524 = tpu.memref_squeeze %dma_wait3A_523 : memref<1x512xi32, #tpu.memory_space<vmem>> -> memref<512xi32, #tpu.memory_space<vmem>>
    %dma_wait3A_525 = arith.constant 0 : i32
    %dma_wait3A_526 = arith.constant 0 : i32
    %dma_wait3A_527 = tpu.memref_slice %arg33[%dma_wait3A_525, %dma_wait3A_526] : memref<100000x16xf32, #tpu.memory_space<hbm>> -> memref<100000x16xf32, #tpu.memory_space<hbm>>
    tpu.wait_indirect_dma semaphore(%arg66 : memref<!tpu.dma_semaphore, #tpu.memory_space<semaphore_mem>>) src(%dma_wait3A_527 : memref<100000x16xf32, #tpu.memory_space<hbm>>) dst(%arg57 : memref<512x16xf32, #tpu.memory_space<vmem>>)
    "tpu.region"() ({
      %run_scoped3A = tpu.sem_alloc : memref<!tpu.dma_semaphore, #tpu.memory_space<semaphore_mem>>
      %dma_start3A_942 = arith.constant 64 : i32
      %dma_start3A_943 = tpu.memref_slice %arg55[%mul3A_2, %dma_start3A_942] : memref<16384x416xf32, #tpu.memory_space<hbm>> -> memref<512x16xf32, #tpu.memory_space<hbm>>
      %dma_start3A_944 = arith.constant 64 : i32
      %dma_start3A_945 = tpu.memref_slice %arg55[%mul3A_2, %dma_start3A_944] : memref<16384x416xf32, #tpu.memory_space<hbm>> -> memref<512x16xf32, #tpu.memory_space<hbm>>
      tpu.enqueue_dma source(%arg57 : memref<512x16xf32, #tpu.memory_space<vmem>>) target(%dma_start3A_945 : memref<512x16xf32, #tpu.memory_space<hbm>>) target_semaphore(%run_scoped3A : memref<!tpu.dma_semaphore, #tpu.memory_space<semaphore_mem>>)
      %dma_wait3A_946 = arith.constant 64 : i32
      %dma_wait3A_947 = tpu.memref_slice %arg55[%mul3A_2, %dma_wait3A_946] : memref<16384x416xf32, #tpu.memory_space<hbm>> -> memref<512x16xf32, #tpu.memory_space<hbm>>
      %dma_wait3A_948 = arith.constant 64 : i32
      %dma_wait3A_949 = tpu.memref_slice %arg55[%mul3A_2, %dma_wait3A_948] : memref<16384x416xf32, #tpu.memory_space<hbm>> -> memref<512x16xf32, #tpu.memory_space<hbm>>
      tpu.wait_dma2 semaphore(%run_scoped3A : memref<!tpu.dma_semaphore, #tpu.memory_space<semaphore_mem>>) src(%arg57 : memref<512x16xf32, #tpu.memory_space<vmem>>) dst(%dma_wait3A_949 : memref<512x16xf32, #tpu.memory_space<hbm>>)
      tpu.yield
    }) : () -> ()
    %dma_start3A_528 = arith.constant 6 : i32
    %dma_start3A_529 = arith.constant 0 : i32
    %dma_start3A_530 = tpu.memref_slice %arg56[%dma_start3A_528, %dma_start3A_529] : memref<25x512xi32, #tpu.memory_space<vmem>> -> memref<1x512xi32, #tpu.memory_space<vmem>>
    %dma_start3A_531 = tpu.memref_squeeze %dma_start3A_530 : memref<1x512xi32, #tpu.memory_space<vmem>> -> memref<512xi32, #tpu.memory_space<vmem>>
    %dma_start3A_532 = arith.constant 0 : i32
    %dma_start3A_533 = arith.constant 0 : i32
    %dma_start3A_534 = tpu.memref_slice %arg35[%dma_start3A_532, %dma_start3A_533] : memref<100000x16xf32, #tpu.memory_space<hbm>> -> memref<100000x16xf32, #tpu.memory_space<hbm>>
    tpu.enqueue_indirect_dma source(%dma_start3A_534 : memref<100000x16xf32, #tpu.memory_space<hbm>>) target(%arg57 : memref<512x16xf32, #tpu.memory_space<vmem>>) offsets(%dma_start3A_531 : memref<512xi32, #tpu.memory_space<vmem>>) semaphore(%arg66 : memref<!tpu.dma_semaphore, #tpu.memory_space<semaphore_mem>>)
    %dma_wait3A_535 = arith.constant 5 : i32
    %dma_wait3A_536 = arith.constant 0 : i32
    %dma_wait3A_537 = tpu.memref_slice %arg56[%dma_wait3A_535, %dma_wait3A_536] : memref<25x512xi32, #tpu.memory_space<vmem>> -> memref<1x512xi32, #tpu.memory_space<vmem>>
    %dma_wait3A_538 = tpu.memref_squeeze %dma_wait3A_537 : memref<1x512xi32, #tpu.memory_space<vmem>> -> memref<512xi32, #tpu.memory_space<vmem>>
    %dma_wait3A_539 = arith.constant 0 : i32
    %dma_wait3A_540 = arith.constant 0 : i32
    %dma_wait3A_541 = tpu.memref_slice %arg34[%dma_wait3A_539, %dma_wait3A_540] : memref<100000x16xf32, #tpu.memory_space<hbm>> -> memref<100000x16xf32, #tpu.memory_space<hbm>>
    tpu.wait_indirect_dma semaphore(%arg67 : memref<!tpu.dma_semaphore, #tpu.memory_space<semaphore_mem>>) src(%dma_wait3A_541 : memref<100000x16xf32, #tpu.memory_space<hbm>>) dst(%arg58 : memref<512x16xf32, #tpu.memory_space<vmem>>)
    "tpu.region"() ({
      %run_scoped3A = tpu.sem_alloc : memref<!tpu.dma_semaphore, #tpu.memory_space<semaphore_mem>>
      %dma_start3A_942 = arith.constant 80 : i32
      %dma_start3A_943 = tpu.memref_slice %arg55[%mul3A_2, %dma_start3A_942] : memref<16384x416xf32, #tpu.memory_space<hbm>> -> memref<512x16xf32, #tpu.memory_space<hbm>>
      %dma_start3A_944 = arith.constant 80 : i32
      %dma_start3A_945 = tpu.memref_slice %arg55[%mul3A_2, %dma_start3A_944] : memref<16384x416xf32, #tpu.memory_space<hbm>> -> memref<512x16xf32, #tpu.memory_space<hbm>>
      tpu.enqueue_dma source(%arg58 : memref<512x16xf32, #tpu.memory_space<vmem>>) target(%dma_start3A_945 : memref<512x16xf32, #tpu.memory_space<hbm>>) target_semaphore(%run_scoped3A : memref<!tpu.dma_semaphore, #tpu.memory_space<semaphore_mem>>)
      %dma_wait3A_946 = arith.constant 80 : i32
      %dma_wait3A_947 = tpu.memref_slice %arg55[%mul3A_2, %dma_wait3A_946] : memref<16384x416xf32, #tpu.memory_space<hbm>> -> memref<512x16xf32, #tpu.memory_space<hbm>>
      %dma_wait3A_948 = arith.constant 80 : i32
      %dma_wait3A_949 = tpu.memref_slice %arg55[%mul3A_2, %dma_wait3A_948] : memref<16384x416xf32, #tpu.memory_space<hbm>> -> memref<512x16xf32, #tpu.memory_space<hbm>>
      tpu.wait_dma2 semaphore(%run_scoped3A : memref<!tpu.dma_semaphore, #tpu.memory_space<semaphore_mem>>) src(%arg58 : memref<512x16xf32, #tpu.memory_space<vmem>>) dst(%dma_wait3A_949 : memref<512x16xf32, #tpu.memory_space<hbm>>)
      tpu.yield
    }) : () -> ()
    %dma_start3A_542 = arith.constant 7 : i32
    %dma_start3A_543 = arith.constant 0 : i32
    %dma_start3A_544 = tpu.memref_slice %arg56[%dma_start3A_542, %dma_start3A_543] : memref<25x512xi32, #tpu.memory_space<vmem>> -> memref<1x512xi32, #tpu.memory_space<vmem>>
    %dma_start3A_545 = tpu.memref_squeeze %dma_start3A_544 : memref<1x512xi32, #tpu.memory_space<vmem>> -> memref<512xi32, #tpu.memory_space<vmem>>
    %dma_start3A_546 = arith.constant 0 : i32
    %dma_start3A_547 = arith.constant 0 : i32
    %dma_start3A_548 = tpu.memref_slice %arg36[%dma_start3A_546, %dma_start3A_547] : memref<100000x16xf32, #tpu.memory_space<hbm>> -> memref<100000x16xf32, #tpu.memory_space<hbm>>
    tpu.enqueue_indirect_dma source(%dma_start3A_548 : memref<100000x16xf32, #tpu.memory_space<hbm>>) target(%arg58 : memref<512x16xf32, #tpu.memory_space<vmem>>) offsets(%dma_start3A_545 : memref<512xi32, #tpu.memory_space<vmem>>) semaphore(%arg67 : memref<!tpu.dma_semaphore, #tpu.memory_space<semaphore_mem>>)
    %dma_wait3A_549 = arith.constant 6 : i32
    %dma_wait3A_550 = arith.constant 0 : i32
    %dma_wait3A_551 = tpu.memref_slice %arg56[%dma_wait3A_549, %dma_wait3A_550] : memref<25x512xi32, #tpu.memory_space<vmem>> -> memref<1x512xi32, #tpu.memory_space<vmem>>
    %dma_wait3A_552 = tpu.memref_squeeze %dma_wait3A_551 : memref<1x512xi32, #tpu.memory_space<vmem>> -> memref<512xi32, #tpu.memory_space<vmem>>
    %dma_wait3A_553 = arith.constant 0 : i32
    %dma_wait3A_554 = arith.constant 0 : i32
    %dma_wait3A_555 = tpu.memref_slice %arg35[%dma_wait3A_553, %dma_wait3A_554] : memref<100000x16xf32, #tpu.memory_space<hbm>> -> memref<100000x16xf32, #tpu.memory_space<hbm>>
    tpu.wait_indirect_dma semaphore(%arg66 : memref<!tpu.dma_semaphore, #tpu.memory_space<semaphore_mem>>) src(%dma_wait3A_555 : memref<100000x16xf32, #tpu.memory_space<hbm>>) dst(%arg57 : memref<512x16xf32, #tpu.memory_space<vmem>>)
    "tpu.region"() ({
      %run_scoped3A = tpu.sem_alloc : memref<!tpu.dma_semaphore, #tpu.memory_space<semaphore_mem>>
      %dma_start3A_942 = arith.constant 96 : i32
      %dma_start3A_943 = tpu.memref_slice %arg55[%mul3A_2, %dma_start3A_942] : memref<16384x416xf32, #tpu.memory_space<hbm>> -> memref<512x16xf32, #tpu.memory_space<hbm>>
      %dma_start3A_944 = arith.constant 96 : i32
      %dma_start3A_945 = tpu.memref_slice %arg55[%mul3A_2, %dma_start3A_944] : memref<16384x416xf32, #tpu.memory_space<hbm>> -> memref<512x16xf32, #tpu.memory_space<hbm>>
      tpu.enqueue_dma source(%arg57 : memref<512x16xf32, #tpu.memory_space<vmem>>) target(%dma_start3A_945 : memref<512x16xf32, #tpu.memory_space<hbm>>) target_semaphore(%run_scoped3A : memref<!tpu.dma_semaphore, #tpu.memory_space<semaphore_mem>>)
      %dma_wait3A_946 = arith.constant 96 : i32
      %dma_wait3A_947 = tpu.memref_slice %arg55[%mul3A_2, %dma_wait3A_946] : memref<16384x416xf32, #tpu.memory_space<hbm>> -> memref<512x16xf32, #tpu.memory_space<hbm>>
      %dma_wait3A_948 = arith.constant 96 : i32
      %dma_wait3A_949 = tpu.memref_slice %arg55[%mul3A_2, %dma_wait3A_948] : memref<16384x416xf32, #tpu.memory_space<hbm>> -> memref<512x16xf32, #tpu.memory_space<hbm>>
      tpu.wait_dma2 semaphore(%run_scoped3A : memref<!tpu.dma_semaphore, #tpu.memory_space<semaphore_mem>>) src(%arg57 : memref<512x16xf32, #tpu.memory_space<vmem>>) dst(%dma_wait3A_949 : memref<512x16xf32, #tpu.memory_space<hbm>>)
      tpu.yield
    }) : () -> ()
    %dma_start3A_556 = arith.constant 8 : i32
    %dma_start3A_557 = arith.constant 0 : i32
    %dma_start3A_558 = tpu.memref_slice %arg56[%dma_start3A_556, %dma_start3A_557] : memref<25x512xi32, #tpu.memory_space<vmem>> -> memref<1x512xi32, #tpu.memory_space<vmem>>
    %dma_start3A_559 = tpu.memref_squeeze %dma_start3A_558 : memref<1x512xi32, #tpu.memory_space<vmem>> -> memref<512xi32, #tpu.memory_space<vmem>>
    %dma_start3A_560 = arith.constant 0 : i32
    %dma_start3A_561 = arith.constant 0 : i32
    %dma_start3A_562 = tpu.memref_slice %arg37[%dma_start3A_560, %dma_start3A_561] : memref<100000x16xf32, #tpu.memory_space<hbm>> -> memref<100000x16xf32, #tpu.memory_space<hbm>>
    tpu.enqueue_indirect_dma source(%dma_start3A_562 : memref<100000x16xf32, #tpu.memory_space<hbm>>) target(%arg57 : memref<512x16xf32, #tpu.memory_space<vmem>>) offsets(%dma_start3A_559 : memref<512xi32, #tpu.memory_space<vmem>>) semaphore(%arg66 : memref<!tpu.dma_semaphore, #tpu.memory_space<semaphore_mem>>)
    %dma_wait3A_563 = arith.constant 7 : i32
    %dma_wait3A_564 = arith.constant 0 : i32
    %dma_wait3A_565 = tpu.memref_slice %arg56[%dma_wait3A_563, %dma_wait3A_564] : memref<25x512xi32, #tpu.memory_space<vmem>> -> memref<1x512xi32, #tpu.memory_space<vmem>>
    %dma_wait3A_566 = tpu.memref_squeeze %dma_wait3A_565 : memref<1x512xi32, #tpu.memory_space<vmem>> -> memref<512xi32, #tpu.memory_space<vmem>>
    %dma_wait3A_567 = arith.constant 0 : i32
    %dma_wait3A_568 = arith.constant 0 : i32
    %dma_wait3A_569 = tpu.memref_slice %arg36[%dma_wait3A_567, %dma_wait3A_568] : memref<100000x16xf32, #tpu.memory_space<hbm>> -> memref<100000x16xf32, #tpu.memory_space<hbm>>
    tpu.wait_indirect_dma semaphore(%arg67 : memref<!tpu.dma_semaphore, #tpu.memory_space<semaphore_mem>>) src(%dma_wait3A_569 : memref<100000x16xf32, #tpu.memory_space<hbm>>) dst(%arg58 : memref<512x16xf32, #tpu.memory_space<vmem>>)
    "tpu.region"() ({
      %run_scoped3A = tpu.sem_alloc : memref<!tpu.dma_semaphore, #tpu.memory_space<semaphore_mem>>
      %dma_start3A_942 = arith.constant 112 : i32
      %dma_start3A_943 = tpu.memref_slice %arg55[%mul3A_2, %dma_start3A_942] : memref<16384x416xf32, #tpu.memory_space<hbm>> -> memref<512x16xf32, #tpu.memory_space<hbm>>
      %dma_start3A_944 = arith.constant 112 : i32
      %dma_start3A_945 = tpu.memref_slice %arg55[%mul3A_2, %dma_start3A_944] : memref<16384x416xf32, #tpu.memory_space<hbm>> -> memref<512x16xf32, #tpu.memory_space<hbm>>
      tpu.enqueue_dma source(%arg58 : memref<512x16xf32, #tpu.memory_space<vmem>>) target(%dma_start3A_945 : memref<512x16xf32, #tpu.memory_space<hbm>>) target_semaphore(%run_scoped3A : memref<!tpu.dma_semaphore, #tpu.memory_space<semaphore_mem>>)
      %dma_wait3A_946 = arith.constant 112 : i32
      %dma_wait3A_947 = tpu.memref_slice %arg55[%mul3A_2, %dma_wait3A_946] : memref<16384x416xf32, #tpu.memory_space<hbm>> -> memref<512x16xf32, #tpu.memory_space<hbm>>
      %dma_wait3A_948 = arith.constant 112 : i32
      %dma_wait3A_949 = tpu.memref_slice %arg55[%mul3A_2, %dma_wait3A_948] : memref<16384x416xf32, #tpu.memory_space<hbm>> -> memref<512x16xf32, #tpu.memory_space<hbm>>
      tpu.wait_dma2 semaphore(%run_scoped3A : memref<!tpu.dma_semaphore, #tpu.memory_space<semaphore_mem>>) src(%arg58 : memref<512x16xf32, #tpu.memory_space<vmem>>) dst(%dma_wait3A_949 : memref<512x16xf32, #tpu.memory_space<hbm>>)
      tpu.yield
    }) : () -> ()
    %dma_start3A_570 = arith.constant 9 : i32
    %dma_start3A_571 = arith.constant 0 : i32
    %dma_start3A_572 = tpu.memref_slice %arg56[%dma_start3A_570, %dma_start3A_571] : memref<25x512xi32, #tpu.memory_space<vmem>> -> memref<1x512xi32, #tpu.memory_space<vmem>>
    %dma_start3A_573 = tpu.memref_squeeze %dma_start3A_572 : memref<1x512xi32, #tpu.memory_space<vmem>> -> memref<512xi32, #tpu.memory_space<vmem>>
    %dma_start3A_574 = arith.constant 0 : i32
    %dma_start3A_575 = arith.constant 0 : i32
    %dma_start3A_576 = tpu.memref_slice %arg38[%dma_start3A_574, %dma_start3A_575] : memref<100000x16xf32, #tpu.memory_space<hbm>> -> memref<100000x16xf32, #tpu.memory_space<hbm>>
    tpu.enqueue_indirect_dma source(%dma_start3A_576 : memref<100000x16xf32, #tpu.memory_space<hbm>>) target(%arg58 : memref<512x16xf32, #tpu.memory_space<vmem>>) offsets(%dma_start3A_573 : memref<512xi32, #tpu.memory_space<vmem>>) semaphore(%arg67 : memref<!tpu.dma_semaphore, #tpu.memory_space<semaphore_mem>>)
    %dma_wait3A_577 = arith.constant 8 : i32
    %dma_wait3A_578 = arith.constant 0 : i32
    %dma_wait3A_579 = tpu.memref_slice %arg56[%dma_wait3A_577, %dma_wait3A_578] : memref<25x512xi32, #tpu.memory_space<vmem>> -> memref<1x512xi32, #tpu.memory_space<vmem>>
    %dma_wait3A_580 = tpu.memref_squeeze %dma_wait3A_579 : memref<1x512xi32, #tpu.memory_space<vmem>> -> memref<512xi32, #tpu.memory_space<vmem>>
    %dma_wait3A_581 = arith.constant 0 : i32
    %dma_wait3A_582 = arith.constant 0 : i32
    %dma_wait3A_583 = tpu.memref_slice %arg37[%dma_wait3A_581, %dma_wait3A_582] : memref<100000x16xf32, #tpu.memory_space<hbm>> -> memref<100000x16xf32, #tpu.memory_space<hbm>>
    tpu.wait_indirect_dma semaphore(%arg66 : memref<!tpu.dma_semaphore, #tpu.memory_space<semaphore_mem>>) src(%dma_wait3A_583 : memref<100000x16xf32, #tpu.memory_space<hbm>>) dst(%arg57 : memref<512x16xf32, #tpu.memory_space<vmem>>)
    "tpu.region"() ({
      %run_scoped3A = tpu.sem_alloc : memref<!tpu.dma_semaphore, #tpu.memory_space<semaphore_mem>>
      %dma_start3A_942 = arith.constant 128 : i32
      %dma_start3A_943 = tpu.memref_slice %arg55[%mul3A_2, %dma_start3A_942] : memref<16384x416xf32, #tpu.memory_space<hbm>> -> memref<512x16xf32, #tpu.memory_space<hbm>>
      %dma_start3A_944 = arith.constant 128 : i32
      %dma_start3A_945 = tpu.memref_slice %arg55[%mul3A_2, %dma_start3A_944] : memref<16384x416xf32, #tpu.memory_space<hbm>> -> memref<512x16xf32, #tpu.memory_space<hbm>>
      tpu.enqueue_dma source(%arg57 : memref<512x16xf32, #tpu.memory_space<vmem>>) target(%dma_start3A_945 : memref<512x16xf32, #tpu.memory_space<hbm>>) target_semaphore(%run_scoped3A : memref<!tpu.dma_semaphore, #tpu.memory_space<semaphore_mem>>)
      %dma_wait3A_946 = arith.constant 128 : i32
      %dma_wait3A_947 = tpu.memref_slice %arg55[%mul3A_2, %dma_wait3A_946] : memref<16384x416xf32, #tpu.memory_space<hbm>> -> memref<512x16xf32, #tpu.memory_space<hbm>>
      %dma_wait3A_948 = arith.constant 128 : i32
      %dma_wait3A_949 = tpu.memref_slice %arg55[%mul3A_2, %dma_wait3A_948] : memref<16384x416xf32, #tpu.memory_space<hbm>> -> memref<512x16xf32, #tpu.memory_space<hbm>>
      tpu.wait_dma2 semaphore(%run_scoped3A : memref<!tpu.dma_semaphore, #tpu.memory_space<semaphore_mem>>) src(%arg57 : memref<512x16xf32, #tpu.memory_space<vmem>>) dst(%dma_wait3A_949 : memref<512x16xf32, #tpu.memory_space<hbm>>)
      tpu.yield
    }) : () -> ()
    %dma_start3A_584 = arith.constant 10 : i32
    %dma_start3A_585 = arith.constant 0 : i32
    %dma_start3A_586 = tpu.memref_slice %arg56[%dma_start3A_584, %dma_start3A_585] : memref<25x512xi32, #tpu.memory_space<vmem>> -> memref<1x512xi32, #tpu.memory_space<vmem>>
    %dma_start3A_587 = tpu.memref_squeeze %dma_start3A_586 : memref<1x512xi32, #tpu.memory_space<vmem>> -> memref<512xi32, #tpu.memory_space<vmem>>
    %dma_start3A_588 = arith.constant 0 : i32
    %dma_start3A_589 = arith.constant 0 : i32
    %dma_start3A_590 = tpu.memref_slice %arg39[%dma_start3A_588, %dma_start3A_589] : memref<100000x16xf32, #tpu.memory_space<hbm>> -> memref<100000x16xf32, #tpu.memory_space<hbm>>
    tpu.enqueue_indirect_dma source(%dma_start3A_590 : memref<100000x16xf32, #tpu.memory_space<hbm>>) target(%arg57 : memref<512x16xf32, #tpu.memory_space<vmem>>) offsets(%dma_start3A_587 : memref<512xi32, #tpu.memory_space<vmem>>) semaphore(%arg66 : memref<!tpu.dma_semaphore, #tpu.memory_space<semaphore_mem>>)
    %dma_wait3A_591 = arith.constant 9 : i32
    %dma_wait3A_592 = arith.constant 0 : i32
    %dma_wait3A_593 = tpu.memref_slice %arg56[%dma_wait3A_591, %dma_wait3A_592] : memref<25x512xi32, #tpu.memory_space<vmem>> -> memref<1x512xi32, #tpu.memory_space<vmem>>
    %dma_wait3A_594 = tpu.memref_squeeze %dma_wait3A_593 : memref<1x512xi32, #tpu.memory_space<vmem>> -> memref<512xi32, #tpu.memory_space<vmem>>
    %dma_wait3A_595 = arith.constant 0 : i32
    %dma_wait3A_596 = arith.constant 0 : i32
    %dma_wait3A_597 = tpu.memref_slice %arg38[%dma_wait3A_595, %dma_wait3A_596] : memref<100000x16xf32, #tpu.memory_space<hbm>> -> memref<100000x16xf32, #tpu.memory_space<hbm>>
    tpu.wait_indirect_dma semaphore(%arg67 : memref<!tpu.dma_semaphore, #tpu.memory_space<semaphore_mem>>) src(%dma_wait3A_597 : memref<100000x16xf32, #tpu.memory_space<hbm>>) dst(%arg58 : memref<512x16xf32, #tpu.memory_space<vmem>>)
    "tpu.region"() ({
      %run_scoped3A = tpu.sem_alloc : memref<!tpu.dma_semaphore, #tpu.memory_space<semaphore_mem>>
      %dma_start3A_942 = arith.constant 144 : i32
      %dma_start3A_943 = tpu.memref_slice %arg55[%mul3A_2, %dma_start3A_942] : memref<16384x416xf32, #tpu.memory_space<hbm>> -> memref<512x16xf32, #tpu.memory_space<hbm>>
      %dma_start3A_944 = arith.constant 144 : i32
      %dma_start3A_945 = tpu.memref_slice %arg55[%mul3A_2, %dma_start3A_944] : memref<16384x416xf32, #tpu.memory_space<hbm>> -> memref<512x16xf32, #tpu.memory_space<hbm>>
      tpu.enqueue_dma source(%arg58 : memref<512x16xf32, #tpu.memory_space<vmem>>) target(%dma_start3A_945 : memref<512x16xf32, #tpu.memory_space<hbm>>) target_semaphore(%run_scoped3A : memref<!tpu.dma_semaphore, #tpu.memory_space<semaphore_mem>>)
      %dma_wait3A_946 = arith.constant 144 : i32
      %dma_wait3A_947 = tpu.memref_slice %arg55[%mul3A_2, %dma_wait3A_946] : memref<16384x416xf32, #tpu.memory_space<hbm>> -> memref<512x16xf32, #tpu.memory_space<hbm>>
      %dma_wait3A_948 = arith.constant 144 : i32
      %dma_wait3A_949 = tpu.memref_slice %arg55[%mul3A_2, %dma_wait3A_948] : memref<16384x416xf32, #tpu.memory_space<hbm>> -> memref<512x16xf32, #tpu.memory_space<hbm>>
      tpu.wait_dma2 semaphore(%run_scoped3A : memref<!tpu.dma_semaphore, #tpu.memory_space<semaphore_mem>>) src(%arg58 : memref<512x16xf32, #tpu.memory_space<vmem>>) dst(%dma_wait3A_949 : memref<512x16xf32, #tpu.memory_space<hbm>>)
      tpu.yield
    }) : () -> ()
    %dma_start3A_598 = arith.constant 11 : i32
    %dma_start3A_599 = arith.constant 0 : i32
    %dma_start3A_600 = tpu.memref_slice %arg56[%dma_start3A_598, %dma_start3A_599] : memref<25x512xi32, #tpu.memory_space<vmem>> -> memref<1x512xi32, #tpu.memory_space<vmem>>
    %dma_start3A_601 = tpu.memref_squeeze %dma_start3A_600 : memref<1x512xi32, #tpu.memory_space<vmem>> -> memref<512xi32, #tpu.memory_space<vmem>>
    %dma_start3A_602 = arith.constant 0 : i32
    %dma_start3A_603 = arith.constant 0 : i32
    %dma_start3A_604 = tpu.memref_slice %arg40[%dma_start3A_602, %dma_start3A_603] : memref<100000x16xf32, #tpu.memory_space<hbm>> -> memref<100000x16xf32, #tpu.memory_space<hbm>>
    tpu.enqueue_indirect_dma source(%dma_start3A_604 : memref<100000x16xf32, #tpu.memory_space<hbm>>) target(%arg58 : memref<512x16xf32, #tpu.memory_space<vmem>>) offsets(%dma_start3A_601 : memref<512xi32, #tpu.memory_space<vmem>>) semaphore(%arg67 : memref<!tpu.dma_semaphore, #tpu.memory_space<semaphore_mem>>)
    %dma_wait3A_605 = arith.constant 10 : i32
    %dma_wait3A_606 = arith.constant 0 : i32
    %dma_wait3A_607 = tpu.memref_slice %arg56[%dma_wait3A_605, %dma_wait3A_606] : memref<25x512xi32, #tpu.memory_space<vmem>> -> memref<1x512xi32, #tpu.memory_space<vmem>>
    %dma_wait3A_608 = tpu.memref_squeeze %dma_wait3A_607 : memref<1x512xi32, #tpu.memory_space<vmem>> -> memref<512xi32, #tpu.memory_space<vmem>>
    %dma_wait3A_609 = arith.constant 0 : i32
    %dma_wait3A_610 = arith.constant 0 : i32
    %dma_wait3A_611 = tpu.memref_slice %arg39[%dma_wait3A_609, %dma_wait3A_610] : memref<100000x16xf32, #tpu.memory_space<hbm>> -> memref<100000x16xf32, #tpu.memory_space<hbm>>
    tpu.wait_indirect_dma semaphore(%arg66 : memref<!tpu.dma_semaphore, #tpu.memory_space<semaphore_mem>>) src(%dma_wait3A_611 : memref<100000x16xf32, #tpu.memory_space<hbm>>) dst(%arg57 : memref<512x16xf32, #tpu.memory_space<vmem>>)
    "tpu.region"() ({
      %run_scoped3A = tpu.sem_alloc : memref<!tpu.dma_semaphore, #tpu.memory_space<semaphore_mem>>
      %dma_start3A_942 = arith.constant 160 : i32
      %dma_start3A_943 = tpu.memref_slice %arg55[%mul3A_2, %dma_start3A_942] : memref<16384x416xf32, #tpu.memory_space<hbm>> -> memref<512x16xf32, #tpu.memory_space<hbm>>
      %dma_start3A_944 = arith.constant 160 : i32
      %dma_start3A_945 = tpu.memref_slice %arg55[%mul3A_2, %dma_start3A_944] : memref<16384x416xf32, #tpu.memory_space<hbm>> -> memref<512x16xf32, #tpu.memory_space<hbm>>
      tpu.enqueue_dma source(%arg57 : memref<512x16xf32, #tpu.memory_space<vmem>>) target(%dma_start3A_945 : memref<512x16xf32, #tpu.memory_space<hbm>>) target_semaphore(%run_scoped3A : memref<!tpu.dma_semaphore, #tpu.memory_space<semaphore_mem>>)
      %dma_wait3A_946 = arith.constant 160 : i32
      %dma_wait3A_947 = tpu.memref_slice %arg55[%mul3A_2, %dma_wait3A_946] : memref<16384x416xf32, #tpu.memory_space<hbm>> -> memref<512x16xf32, #tpu.memory_space<hbm>>
      %dma_wait3A_948 = arith.constant 160 : i32
      %dma_wait3A_949 = tpu.memref_slice %arg55[%mul3A_2, %dma_wait3A_948] : memref<16384x416xf32, #tpu.memory_space<hbm>> -> memref<512x16xf32, #tpu.memory_space<hbm>>
      tpu.wait_dma2 semaphore(%run_scoped3A : memref<!tpu.dma_semaphore, #tpu.memory_space<semaphore_mem>>) src(%arg57 : memref<512x16xf32, #tpu.memory_space<vmem>>) dst(%dma_wait3A_949 : memref<512x16xf32, #tpu.memory_space<hbm>>)
      tpu.yield
    }) : () -> ()
    %dma_start3A_612 = arith.constant 12 : i32
    %dma_start3A_613 = arith.constant 0 : i32
    %dma_start3A_614 = tpu.memref_slice %arg56[%dma_start3A_612, %dma_start3A_613] : memref<25x512xi32, #tpu.memory_space<vmem>> -> memref<1x512xi32, #tpu.memory_space<vmem>>
    %dma_start3A_615 = tpu.memref_squeeze %dma_start3A_614 : memref<1x512xi32, #tpu.memory_space<vmem>> -> memref<512xi32, #tpu.memory_space<vmem>>
    %dma_start3A_616 = arith.constant 0 : i32
    %dma_start3A_617 = arith.constant 0 : i32
    %dma_start3A_618 = tpu.memref_slice %arg41[%dma_start3A_616, %dma_start3A_617] : memref<100000x16xf32, #tpu.memory_space<hbm>> -> memref<100000x16xf32, #tpu.memory_space<hbm>>
    tpu.enqueue_indirect_dma source(%dma_start3A_618 : memref<100000x16xf32, #tpu.memory_space<hbm>>) target(%arg57 : memref<512x16xf32, #tpu.memory_space<vmem>>) offsets(%dma_start3A_615 : memref<512xi32, #tpu.memory_space<vmem>>) semaphore(%arg66 : memref<!tpu.dma_semaphore, #tpu.memory_space<semaphore_mem>>)
    %dma_wait3A_619 = arith.constant 11 : i32
    %dma_wait3A_620 = arith.constant 0 : i32
    %dma_wait3A_621 = tpu.memref_slice %arg56[%dma_wait3A_619, %dma_wait3A_620] : memref<25x512xi32, #tpu.memory_space<vmem>> -> memref<1x512xi32, #tpu.memory_space<vmem>>
    %dma_wait3A_622 = tpu.memref_squeeze %dma_wait3A_621 : memref<1x512xi32, #tpu.memory_space<vmem>> -> memref<512xi32, #tpu.memory_space<vmem>>
    %dma_wait3A_623 = arith.constant 0 : i32
    %dma_wait3A_624 = arith.constant 0 : i32
    %dma_wait3A_625 = tpu.memref_slice %arg40[%dma_wait3A_623, %dma_wait3A_624] : memref<100000x16xf32, #tpu.memory_space<hbm>> -> memref<100000x16xf32, #tpu.memory_space<hbm>>
    tpu.wait_indirect_dma semaphore(%arg67 : memref<!tpu.dma_semaphore, #tpu.memory_space<semaphore_mem>>) src(%dma_wait3A_625 : memref<100000x16xf32, #tpu.memory_space<hbm>>) dst(%arg58 : memref<512x16xf32, #tpu.memory_space<vmem>>)
    "tpu.region"() ({
      %run_scoped3A = tpu.sem_alloc : memref<!tpu.dma_semaphore, #tpu.memory_space<semaphore_mem>>
      %dma_start3A_942 = arith.constant 176 : i32
      %dma_start3A_943 = tpu.memref_slice %arg55[%mul3A_2, %dma_start3A_942] : memref<16384x416xf32, #tpu.memory_space<hbm>> -> memref<512x16xf32, #tpu.memory_space<hbm>>
      %dma_start3A_944 = arith.constant 176 : i32
      %dma_start3A_945 = tpu.memref_slice %arg55[%mul3A_2, %dma_start3A_944] : memref<16384x416xf32, #tpu.memory_space<hbm>> -> memref<512x16xf32, #tpu.memory_space<hbm>>
      tpu.enqueue_dma source(%arg58 : memref<512x16xf32, #tpu.memory_space<vmem>>) target(%dma_start3A_945 : memref<512x16xf32, #tpu.memory_space<hbm>>) target_semaphore(%run_scoped3A : memref<!tpu.dma_semaphore, #tpu.memory_space<semaphore_mem>>)
      %dma_wait3A_946 = arith.constant 176 : i32
      %dma_wait3A_947 = tpu.memref_slice %arg55[%mul3A_2, %dma_wait3A_946] : memref<16384x416xf32, #tpu.memory_space<hbm>> -> memref<512x16xf32, #tpu.memory_space<hbm>>
      %dma_wait3A_948 = arith.constant 176 : i32
      %dma_wait3A_949 = tpu.memref_slice %arg55[%mul3A_2, %dma_wait3A_948] : memref<16384x416xf32, #tpu.memory_space<hbm>> -> memref<512x16xf32, #tpu.memory_space<hbm>>
      tpu.wait_dma2 semaphore(%run_scoped3A : memref<!tpu.dma_semaphore, #tpu.memory_space<semaphore_mem>>) src(%arg58 : memref<512x16xf32, #tpu.memory_space<vmem>>) dst(%dma_wait3A_949 : memref<512x16xf32, #tpu.memory_space<hbm>>)
      tpu.yield
    }) : () -> ()
    %dma_start3A_626 = arith.constant 13 : i32
    %dma_start3A_627 = arith.constant 0 : i32
    %dma_start3A_628 = tpu.memref_slice %arg56[%dma_start3A_626, %dma_start3A_627] : memref<25x512xi32, #tpu.memory_space<vmem>> -> memref<1x512xi32, #tpu.memory_space<vmem>>
    %dma_start3A_629 = tpu.memref_squeeze %dma_start3A_628 : memref<1x512xi32, #tpu.memory_space<vmem>> -> memref<512xi32, #tpu.memory_space<vmem>>
    %dma_start3A_630 = arith.constant 0 : i32
    %dma_start3A_631 = arith.constant 0 : i32
    %dma_start3A_632 = tpu.memref_slice %arg42[%dma_start3A_630, %dma_start3A_631] : memref<100000x16xf32, #tpu.memory_space<hbm>> -> memref<100000x16xf32, #tpu.memory_space<hbm>>
    tpu.enqueue_indirect_dma source(%dma_start3A_632 : memref<100000x16xf32, #tpu.memory_space<hbm>>) target(%arg58 : memref<512x16xf32, #tpu.memory_space<vmem>>) offsets(%dma_start3A_629 : memref<512xi32, #tpu.memory_space<vmem>>) semaphore(%arg67 : memref<!tpu.dma_semaphore, #tpu.memory_space<semaphore_mem>>)
    %dma_wait3A_633 = arith.constant 12 : i32
    %dma_wait3A_634 = arith.constant 0 : i32
    %dma_wait3A_635 = tpu.memref_slice %arg56[%dma_wait3A_633, %dma_wait3A_634] : memref<25x512xi32, #tpu.memory_space<vmem>> -> memref<1x512xi32, #tpu.memory_space<vmem>>
    %dma_wait3A_636 = tpu.memref_squeeze %dma_wait3A_635 : memref<1x512xi32, #tpu.memory_space<vmem>> -> memref<512xi32, #tpu.memory_space<vmem>>
    %dma_wait3A_637 = arith.constant 0 : i32
    %dma_wait3A_638 = arith.constant 0 : i32
    %dma_wait3A_639 = tpu.memref_slice %arg41[%dma_wait3A_637, %dma_wait3A_638] : memref<100000x16xf32, #tpu.memory_space<hbm>> -> memref<100000x16xf32, #tpu.memory_space<hbm>>
    tpu.wait_indirect_dma semaphore(%arg66 : memref<!tpu.dma_semaphore, #tpu.memory_space<semaphore_mem>>) src(%dma_wait3A_639 : memref<100000x16xf32, #tpu.memory_space<hbm>>) dst(%arg57 : memref<512x16xf32, #tpu.memory_space<vmem>>)
    "tpu.region"() ({
      %run_scoped3A = tpu.sem_alloc : memref<!tpu.dma_semaphore, #tpu.memory_space<semaphore_mem>>
      %dma_start3A_942 = arith.constant 192 : i32
      %dma_start3A_943 = tpu.memref_slice %arg55[%mul3A_2, %dma_start3A_942] : memref<16384x416xf32, #tpu.memory_space<hbm>> -> memref<512x16xf32, #tpu.memory_space<hbm>>
      %dma_start3A_944 = arith.constant 192 : i32
      %dma_start3A_945 = tpu.memref_slice %arg55[%mul3A_2, %dma_start3A_944] : memref<16384x416xf32, #tpu.memory_space<hbm>> -> memref<512x16xf32, #tpu.memory_space<hbm>>
      tpu.enqueue_dma source(%arg57 : memref<512x16xf32, #tpu.memory_space<vmem>>) target(%dma_start3A_945 : memref<512x16xf32, #tpu.memory_space<hbm>>) target_semaphore(%run_scoped3A : memref<!tpu.dma_semaphore, #tpu.memory_space<semaphore_mem>>)
      %dma_wait3A_946 = arith.constant 192 : i32
      %dma_wait3A_947 = tpu.memref_slice %arg55[%mul3A_2, %dma_wait3A_946] : memref<16384x416xf32, #tpu.memory_space<hbm>> -> memref<512x16xf32, #tpu.memory_space<hbm>>
      %dma_wait3A_948 = arith.constant 192 : i32
      %dma_wait3A_949 = tpu.memref_slice %arg55[%mul3A_2, %dma_wait3A_948] : memref<16384x416xf32, #tpu.memory_space<hbm>> -> memref<512x16xf32, #tpu.memory_space<hbm>>
      tpu.wait_dma2 semaphore(%run_scoped3A : memref<!tpu.dma_semaphore, #tpu.memory_space<semaphore_mem>>) src(%arg57 : memref<512x16xf32, #tpu.memory_space<vmem>>) dst(%dma_wait3A_949 : memref<512x16xf32, #tpu.memory_space<hbm>>)
      tpu.yield
    }) : () -> ()
    %dma_start3A_640 = arith.constant 14 : i32
    %dma_start3A_641 = arith.constant 0 : i32
    %dma_start3A_642 = tpu.memref_slice %arg56[%dma_start3A_640, %dma_start3A_641] : memref<25x512xi32, #tpu.memory_space<vmem>> -> memref<1x512xi32, #tpu.memory_space<vmem>>
    %dma_start3A_643 = tpu.memref_squeeze %dma_start3A_642 : memref<1x512xi32, #tpu.memory_space<vmem>> -> memref<512xi32, #tpu.memory_space<vmem>>
    %dma_start3A_644 = arith.constant 0 : i32
    %dma_start3A_645 = arith.constant 0 : i32
    %dma_start3A_646 = tpu.memref_slice %arg43[%dma_start3A_644, %dma_start3A_645] : memref<100000x16xf32, #tpu.memory_space<hbm>> -> memref<100000x16xf32, #tpu.memory_space<hbm>>
    tpu.enqueue_indirect_dma source(%dma_start3A_646 : memref<100000x16xf32, #tpu.memory_space<hbm>>) target(%arg57 : memref<512x16xf32, #tpu.memory_space<vmem>>) offsets(%dma_start3A_643 : memref<512xi32, #tpu.memory_space<vmem>>) semaphore(%arg66 : memref<!tpu.dma_semaphore, #tpu.memory_space<semaphore_mem>>)
    %dma_wait3A_647 = arith.constant 13 : i32
    %dma_wait3A_648 = arith.constant 0 : i32
    %dma_wait3A_649 = tpu.memref_slice %arg56[%dma_wait3A_647, %dma_wait3A_648] : memref<25x512xi32, #tpu.memory_space<vmem>> -> memref<1x512xi32, #tpu.memory_space<vmem>>
    %dma_wait3A_650 = tpu.memref_squeeze %dma_wait3A_649 : memref<1x512xi32, #tpu.memory_space<vmem>> -> memref<512xi32, #tpu.memory_space<vmem>>
    %dma_wait3A_651 = arith.constant 0 : i32
    %dma_wait3A_652 = arith.constant 0 : i32
    %dma_wait3A_653 = tpu.memref_slice %arg42[%dma_wait3A_651, %dma_wait3A_652] : memref<100000x16xf32, #tpu.memory_space<hbm>> -> memref<100000x16xf32, #tpu.memory_space<hbm>>
    tpu.wait_indirect_dma semaphore(%arg67 : memref<!tpu.dma_semaphore, #tpu.memory_space<semaphore_mem>>) src(%dma_wait3A_653 : memref<100000x16xf32, #tpu.memory_space<hbm>>) dst(%arg58 : memref<512x16xf32, #tpu.memory_space<vmem>>)
    "tpu.region"() ({
      %run_scoped3A = tpu.sem_alloc : memref<!tpu.dma_semaphore, #tpu.memory_space<semaphore_mem>>
      %dma_start3A_942 = arith.constant 208 : i32
      %dma_start3A_943 = tpu.memref_slice %arg55[%mul3A_2, %dma_start3A_942] : memref<16384x416xf32, #tpu.memory_space<hbm>> -> memref<512x16xf32, #tpu.memory_space<hbm>>
      %dma_start3A_944 = arith.constant 208 : i32
      %dma_start3A_945 = tpu.memref_slice %arg55[%mul3A_2, %dma_start3A_944] : memref<16384x416xf32, #tpu.memory_space<hbm>> -> memref<512x16xf32, #tpu.memory_space<hbm>>
      tpu.enqueue_dma source(%arg58 : memref<512x16xf32, #tpu.memory_space<vmem>>) target(%dma_start3A_945 : memref<512x16xf32, #tpu.memory_space<hbm>>) target_semaphore(%run_scoped3A : memref<!tpu.dma_semaphore, #tpu.memory_space<semaphore_mem>>)
      %dma_wait3A_946 = arith.constant 208 : i32
      %dma_wait3A_947 = tpu.memref_slice %arg55[%mul3A_2, %dma_wait3A_946] : memref<16384x416xf32, #tpu.memory_space<hbm>> -> memref<512x16xf32, #tpu.memory_space<hbm>>
      %dma_wait3A_948 = arith.constant 208 : i32
      %dma_wait3A_949 = tpu.memref_slice %arg55[%mul3A_2, %dma_wait3A_948] : memref<16384x416xf32, #tpu.memory_space<hbm>> -> memref<512x16xf32, #tpu.memory_space<hbm>>
      tpu.wait_dma2 semaphore(%run_scoped3A : memref<!tpu.dma_semaphore, #tpu.memory_space<semaphore_mem>>) src(%arg58 : memref<512x16xf32, #tpu.memory_space<vmem>>) dst(%dma_wait3A_949 : memref<512x16xf32, #tpu.memory_space<hbm>>)
      tpu.yield
    }) : () -> ()
    %dma_start3A_654 = arith.constant 15 : i32
    %dma_start3A_655 = arith.constant 0 : i32
    %dma_start3A_656 = tpu.memref_slice %arg56[%dma_start3A_654, %dma_start3A_655] : memref<25x512xi32, #tpu.memory_space<vmem>> -> memref<1x512xi32, #tpu.memory_space<vmem>>
    %dma_start3A_657 = tpu.memref_squeeze %dma_start3A_656 : memref<1x512xi32, #tpu.memory_space<vmem>> -> memref<512xi32, #tpu.memory_space<vmem>>
    %dma_start3A_658 = arith.constant 0 : i32
    %dma_start3A_659 = arith.constant 0 : i32
    %dma_start3A_660 = tpu.memref_slice %arg44[%dma_start3A_658, %dma_start3A_659] : memref<100000x16xf32, #tpu.memory_space<hbm>> -> memref<100000x16xf32, #tpu.memory_space<hbm>>
    tpu.enqueue_indirect_dma source(%dma_start3A_660 : memref<100000x16xf32, #tpu.memory_space<hbm>>) target(%arg58 : memref<512x16xf32, #tpu.memory_space<vmem>>) offsets(%dma_start3A_657 : memref<512xi32, #tpu.memory_space<vmem>>) semaphore(%arg67 : memref<!tpu.dma_semaphore, #tpu.memory_space<semaphore_mem>>)
    %dma_wait3A_661 = arith.constant 14 : i32
    %dma_wait3A_662 = arith.constant 0 : i32
    %dma_wait3A_663 = tpu.memref_slice %arg56[%dma_wait3A_661, %dma_wait3A_662] : memref<25x512xi32, #tpu.memory_space<vmem>> -> memref<1x512xi32, #tpu.memory_space<vmem>>
    %dma_wait3A_664 = tpu.memref_squeeze %dma_wait3A_663 : memref<1x512xi32, #tpu.memory_space<vmem>> -> memref<512xi32, #tpu.memory_space<vmem>>
    %dma_wait3A_665 = arith.constant 0 : i32
    %dma_wait3A_666 = arith.constant 0 : i32
    %dma_wait3A_667 = tpu.memref_slice %arg43[%dma_wait3A_665, %dma_wait3A_666] : memref<100000x16xf32, #tpu.memory_space<hbm>> -> memref<100000x16xf32, #tpu.memory_space<hbm>>
    tpu.wait_indirect_dma semaphore(%arg66 : memref<!tpu.dma_semaphore, #tpu.memory_space<semaphore_mem>>) src(%dma_wait3A_667 : memref<100000x16xf32, #tpu.memory_space<hbm>>) dst(%arg57 : memref<512x16xf32, #tpu.memory_space<vmem>>)
    "tpu.region"() ({
      %run_scoped3A = tpu.sem_alloc : memref<!tpu.dma_semaphore, #tpu.memory_space<semaphore_mem>>
      %dma_start3A_942 = arith.constant 224 : i32
      %dma_start3A_943 = tpu.memref_slice %arg55[%mul3A_2, %dma_start3A_942] : memref<16384x416xf32, #tpu.memory_space<hbm>> -> memref<512x16xf32, #tpu.memory_space<hbm>>
      %dma_start3A_944 = arith.constant 224 : i32
      %dma_start3A_945 = tpu.memref_slice %arg55[%mul3A_2, %dma_start3A_944] : memref<16384x416xf32, #tpu.memory_space<hbm>> -> memref<512x16xf32, #tpu.memory_space<hbm>>
      tpu.enqueue_dma source(%arg57 : memref<512x16xf32, #tpu.memory_space<vmem>>) target(%dma_start3A_945 : memref<512x16xf32, #tpu.memory_space<hbm>>) target_semaphore(%run_scoped3A : memref<!tpu.dma_semaphore, #tpu.memory_space<semaphore_mem>>)
      %dma_wait3A_946 = arith.constant 224 : i32
      %dma_wait3A_947 = tpu.memref_slice %arg55[%mul3A_2, %dma_wait3A_946] : memref<16384x416xf32, #tpu.memory_space<hbm>> -> memref<512x16xf32, #tpu.memory_space<hbm>>
      %dma_wait3A_948 = arith.constant 224 : i32
      %dma_wait3A_949 = tpu.memref_slice %arg55[%mul3A_2, %dma_wait3A_948] : memref<16384x416xf32, #tpu.memory_space<hbm>> -> memref<512x16xf32, #tpu.memory_space<hbm>>
      tpu.wait_dma2 semaphore(%run_scoped3A : memref<!tpu.dma_semaphore, #tpu.memory_space<semaphore_mem>>) src(%arg57 : memref<512x16xf32, #tpu.memory_space<vmem>>) dst(%dma_wait3A_949 : memref<512x16xf32, #tpu.memory_space<hbm>>)
      tpu.yield
    }) : () -> ()
    %dma_start3A_668 = arith.constant 16 : i32
    %dma_start3A_669 = arith.constant 0 : i32
    %dma_start3A_670 = tpu.memref_slice %arg56[%dma_start3A_668, %dma_start3A_669] : memref<25x512xi32, #tpu.memory_space<vmem>> -> memref<1x512xi32, #tpu.memory_space<vmem>>
    %dma_start3A_671 = tpu.memref_squeeze %dma_start3A_670 : memref<1x512xi32, #tpu.memory_space<vmem>> -> memref<512xi32, #tpu.memory_space<vmem>>
    %dma_start3A_672 = arith.constant 0 : i32
    %dma_start3A_673 = arith.constant 0 : i32
    %dma_start3A_674 = tpu.memref_slice %arg45[%dma_start3A_672, %dma_start3A_673] : memref<100000x16xf32, #tpu.memory_space<hbm>> -> memref<100000x16xf32, #tpu.memory_space<hbm>>
    tpu.enqueue_indirect_dma source(%dma_start3A_674 : memref<100000x16xf32, #tpu.memory_space<hbm>>) target(%arg57 : memref<512x16xf32, #tpu.memory_space<vmem>>) offsets(%dma_start3A_671 : memref<512xi32, #tpu.memory_space<vmem>>) semaphore(%arg66 : memref<!tpu.dma_semaphore, #tpu.memory_space<semaphore_mem>>)
    %dma_wait3A_675 = arith.constant 15 : i32
    %dma_wait3A_676 = arith.constant 0 : i32
    %dma_wait3A_677 = tpu.memref_slice %arg56[%dma_wait3A_675, %dma_wait3A_676] : memref<25x512xi32, #tpu.memory_space<vmem>> -> memref<1x512xi32, #tpu.memory_space<vmem>>
    %dma_wait3A_678 = tpu.memref_squeeze %dma_wait3A_677 : memref<1x512xi32, #tpu.memory_space<vmem>> -> memref<512xi32, #tpu.memory_space<vmem>>
    %dma_wait3A_679 = arith.constant 0 : i32
    %dma_wait3A_680 = arith.constant 0 : i32
    %dma_wait3A_681 = tpu.memref_slice %arg44[%dma_wait3A_679, %dma_wait3A_680] : memref<100000x16xf32, #tpu.memory_space<hbm>> -> memref<100000x16xf32, #tpu.memory_space<hbm>>
    tpu.wait_indirect_dma semaphore(%arg67 : memref<!tpu.dma_semaphore, #tpu.memory_space<semaphore_mem>>) src(%dma_wait3A_681 : memref<100000x16xf32, #tpu.memory_space<hbm>>) dst(%arg58 : memref<512x16xf32, #tpu.memory_space<vmem>>)
    "tpu.region"() ({
      %run_scoped3A = tpu.sem_alloc : memref<!tpu.dma_semaphore, #tpu.memory_space<semaphore_mem>>
      %dma_start3A_942 = arith.constant 240 : i32
      %dma_start3A_943 = tpu.memref_slice %arg55[%mul3A_2, %dma_start3A_942] : memref<16384x416xf32, #tpu.memory_space<hbm>> -> memref<512x16xf32, #tpu.memory_space<hbm>>
      %dma_start3A_944 = arith.constant 240 : i32
      %dma_start3A_945 = tpu.memref_slice %arg55[%mul3A_2, %dma_start3A_944] : memref<16384x416xf32, #tpu.memory_space<hbm>> -> memref<512x16xf32, #tpu.memory_space<hbm>>
      tpu.enqueue_dma source(%arg58 : memref<512x16xf32, #tpu.memory_space<vmem>>) target(%dma_start3A_945 : memref<512x16xf32, #tpu.memory_space<hbm>>) target_semaphore(%run_scoped3A : memref<!tpu.dma_semaphore, #tpu.memory_space<semaphore_mem>>)
      %dma_wait3A_946 = arith.constant 240 : i32
      %dma_wait3A_947 = tpu.memref_slice %arg55[%mul3A_2, %dma_wait3A_946] : memref<16384x416xf32, #tpu.memory_space<hbm>> -> memref<512x16xf32, #tpu.memory_space<hbm>>
      %dma_wait3A_948 = arith.constant 240 : i32
      %dma_wait3A_949 = tpu.memref_slice %arg55[%mul3A_2, %dma_wait3A_948] : memref<16384x416xf32, #tpu.memory_space<hbm>> -> memref<512x16xf32, #tpu.memory_space<hbm>>
      tpu.wait_dma2 semaphore(%run_scoped3A : memref<!tpu.dma_semaphore, #tpu.memory_space<semaphore_mem>>) src(%arg58 : memref<512x16xf32, #tpu.memory_space<vmem>>) dst(%dma_wait3A_949 : memref<512x16xf32, #tpu.memory_space<hbm>>)
      tpu.yield
    }) : () -> ()
    %dma_start3A_682 = arith.constant 17 : i32
    %dma_start3A_683 = arith.constant 0 : i32
    %dma_start3A_684 = tpu.memref_slice %arg56[%dma_start3A_682, %dma_start3A_683] : memref<25x512xi32, #tpu.memory_space<vmem>> -> memref<1x512xi32, #tpu.memory_space<vmem>>
    %dma_start3A_685 = tpu.memref_squeeze %dma_start3A_684 : memref<1x512xi32, #tpu.memory_space<vmem>> -> memref<512xi32, #tpu.memory_space<vmem>>
    %dma_start3A_686 = arith.constant 0 : i32
    %dma_start3A_687 = arith.constant 0 : i32
    %dma_start3A_688 = tpu.memref_slice %arg46[%dma_start3A_686, %dma_start3A_687] : memref<100000x16xf32, #tpu.memory_space<hbm>> -> memref<100000x16xf32, #tpu.memory_space<hbm>>
    tpu.enqueue_indirect_dma source(%dma_start3A_688 : memref<100000x16xf32, #tpu.memory_space<hbm>>) target(%arg58 : memref<512x16xf32, #tpu.memory_space<vmem>>) offsets(%dma_start3A_685 : memref<512xi32, #tpu.memory_space<vmem>>) semaphore(%arg67 : memref<!tpu.dma_semaphore, #tpu.memory_space<semaphore_mem>>)
    %dma_wait3A_689 = arith.constant 16 : i32
    %dma_wait3A_690 = arith.constant 0 : i32
    %dma_wait3A_691 = tpu.memref_slice %arg56[%dma_wait3A_689, %dma_wait3A_690] : memref<25x512xi32, #tpu.memory_space<vmem>> -> memref<1x512xi32, #tpu.memory_space<vmem>>
    %dma_wait3A_692 = tpu.memref_squeeze %dma_wait3A_691 : memref<1x512xi32, #tpu.memory_space<vmem>> -> memref<512xi32, #tpu.memory_space<vmem>>
    %dma_wait3A_693 = arith.constant 0 : i32
    %dma_wait3A_694 = arith.constant 0 : i32
    %dma_wait3A_695 = tpu.memref_slice %arg45[%dma_wait3A_693, %dma_wait3A_694] : memref<100000x16xf32, #tpu.memory_space<hbm>> -> memref<100000x16xf32, #tpu.memory_space<hbm>>
    tpu.wait_indirect_dma semaphore(%arg66 : memref<!tpu.dma_semaphore, #tpu.memory_space<semaphore_mem>>) src(%dma_wait3A_695 : memref<100000x16xf32, #tpu.memory_space<hbm>>) dst(%arg57 : memref<512x16xf32, #tpu.memory_space<vmem>>)
    "tpu.region"() ({
      %run_scoped3A = tpu.sem_alloc : memref<!tpu.dma_semaphore, #tpu.memory_space<semaphore_mem>>
      %dma_start3A_942 = arith.constant 256 : i32
      %dma_start3A_943 = tpu.memref_slice %arg55[%mul3A_2, %dma_start3A_942] : memref<16384x416xf32, #tpu.memory_space<hbm>> -> memref<512x16xf32, #tpu.memory_space<hbm>>
      %dma_start3A_944 = arith.constant 256 : i32
      %dma_start3A_945 = tpu.memref_slice %arg55[%mul3A_2, %dma_start3A_944] : memref<16384x416xf32, #tpu.memory_space<hbm>> -> memref<512x16xf32, #tpu.memory_space<hbm>>
      tpu.enqueue_dma source(%arg57 : memref<512x16xf32, #tpu.memory_space<vmem>>) target(%dma_start3A_945 : memref<512x16xf32, #tpu.memory_space<hbm>>) target_semaphore(%run_scoped3A : memref<!tpu.dma_semaphore, #tpu.memory_space<semaphore_mem>>)
      %dma_wait3A_946 = arith.constant 256 : i32
      %dma_wait3A_947 = tpu.memref_slice %arg55[%mul3A_2, %dma_wait3A_946] : memref<16384x416xf32, #tpu.memory_space<hbm>> -> memref<512x16xf32, #tpu.memory_space<hbm>>
      %dma_wait3A_948 = arith.constant 256 : i32
      %dma_wait3A_949 = tpu.memref_slice %arg55[%mul3A_2, %dma_wait3A_948] : memref<16384x416xf32, #tpu.memory_space<hbm>> -> memref<512x16xf32, #tpu.memory_space<hbm>>
      tpu.wait_dma2 semaphore(%run_scoped3A : memref<!tpu.dma_semaphore, #tpu.memory_space<semaphore_mem>>) src(%arg57 : memref<512x16xf32, #tpu.memory_space<vmem>>) dst(%dma_wait3A_949 : memref<512x16xf32, #tpu.memory_space<hbm>>)
      tpu.yield
    }) : () -> ()
    %dma_start3A_696 = arith.constant 18 : i32
    %dma_start3A_697 = arith.constant 0 : i32
    %dma_start3A_698 = tpu.memref_slice %arg56[%dma_start3A_696, %dma_start3A_697] : memref<25x512xi32, #tpu.memory_space<vmem>> -> memref<1x512xi32, #tpu.memory_space<vmem>>
    %dma_start3A_699 = tpu.memref_squeeze %dma_start3A_698 : memref<1x512xi32, #tpu.memory_space<vmem>> -> memref<512xi32, #tpu.memory_space<vmem>>
    %dma_start3A_700 = arith.constant 0 : i32
    %dma_start3A_701 = arith.constant 0 : i32
    %dma_start3A_702 = tpu.memref_slice %arg47[%dma_start3A_700, %dma_start3A_701] : memref<100000x16xf32, #tpu.memory_space<hbm>> -> memref<100000x16xf32, #tpu.memory_space<hbm>>
    tpu.enqueue_indirect_dma source(%dma_start3A_702 : memref<100000x16xf32, #tpu.memory_space<hbm>>) target(%arg57 : memref<512x16xf32, #tpu.memory_space<vmem>>) offsets(%dma_start3A_699 : memref<512xi32, #tpu.memory_space<vmem>>) semaphore(%arg66 : memref<!tpu.dma_semaphore, #tpu.memory_space<semaphore_mem>>)
    %dma_wait3A_703 = arith.constant 17 : i32
    %dma_wait3A_704 = arith.constant 0 : i32
    %dma_wait3A_705 = tpu.memref_slice %arg56[%dma_wait3A_703, %dma_wait3A_704] : memref<25x512xi32, #tpu.memory_space<vmem>> -> memref<1x512xi32, #tpu.memory_space<vmem>>
    %dma_wait3A_706 = tpu.memref_squeeze %dma_wait3A_705 : memref<1x512xi32, #tpu.memory_space<vmem>> -> memref<512xi32, #tpu.memory_space<vmem>>
    %dma_wait3A_707 = arith.constant 0 : i32
    %dma_wait3A_708 = arith.constant 0 : i32
    %dma_wait3A_709 = tpu.memref_slice %arg46[%dma_wait3A_707, %dma_wait3A_708] : memref<100000x16xf32, #tpu.memory_space<hbm>> -> memref<100000x16xf32, #tpu.memory_space<hbm>>
    tpu.wait_indirect_dma semaphore(%arg67 : memref<!tpu.dma_semaphore, #tpu.memory_space<semaphore_mem>>) src(%dma_wait3A_709 : memref<100000x16xf32, #tpu.memory_space<hbm>>) dst(%arg58 : memref<512x16xf32, #tpu.memory_space<vmem>>)
    "tpu.region"() ({
      %run_scoped3A = tpu.sem_alloc : memref<!tpu.dma_semaphore, #tpu.memory_space<semaphore_mem>>
      %dma_start3A_942 = arith.constant 272 : i32
      %dma_start3A_943 = tpu.memref_slice %arg55[%mul3A_2, %dma_start3A_942] : memref<16384x416xf32, #tpu.memory_space<hbm>> -> memref<512x16xf32, #tpu.memory_space<hbm>>
      %dma_start3A_944 = arith.constant 272 : i32
      %dma_start3A_945 = tpu.memref_slice %arg55[%mul3A_2, %dma_start3A_944] : memref<16384x416xf32, #tpu.memory_space<hbm>> -> memref<512x16xf32, #tpu.memory_space<hbm>>
      tpu.enqueue_dma source(%arg58 : memref<512x16xf32, #tpu.memory_space<vmem>>) target(%dma_start3A_945 : memref<512x16xf32, #tpu.memory_space<hbm>>) target_semaphore(%run_scoped3A : memref<!tpu.dma_semaphore, #tpu.memory_space<semaphore_mem>>)
      %dma_wait3A_946 = arith.constant 272 : i32
      %dma_wait3A_947 = tpu.memref_slice %arg55[%mul3A_2, %dma_wait3A_946] : memref<16384x416xf32, #tpu.memory_space<hbm>> -> memref<512x16xf32, #tpu.memory_space<hbm>>
      %dma_wait3A_948 = arith.constant 272 : i32
      %dma_wait3A_949 = tpu.memref_slice %arg55[%mul3A_2, %dma_wait3A_948] : memref<16384x416xf32, #tpu.memory_space<hbm>> -> memref<512x16xf32, #tpu.memory_space<hbm>>
      tpu.wait_dma2 semaphore(%run_scoped3A : memref<!tpu.dma_semaphore, #tpu.memory_space<semaphore_mem>>) src(%arg58 : memref<512x16xf32, #tpu.memory_space<vmem>>) dst(%dma_wait3A_949 : memref<512x16xf32, #tpu.memory_space<hbm>>)
      tpu.yield
    }) : () -> ()
    %dma_start3A_710 = arith.constant 19 : i32
    %dma_start3A_711 = arith.constant 0 : i32
    %dma_start3A_712 = tpu.memref_slice %arg56[%dma_start3A_710, %dma_start3A_711] : memref<25x512xi32, #tpu.memory_space<vmem>> -> memref<1x512xi32, #tpu.memory_space<vmem>>
    %dma_start3A_713 = tpu.memref_squeeze %dma_start3A_712 : memref<1x512xi32, #tpu.memory_space<vmem>> -> memref<512xi32, #tpu.memory_space<vmem>>
    %dma_start3A_714 = arith.constant 0 : i32
    %dma_start3A_715 = arith.constant 0 : i32
    %dma_start3A_716 = tpu.memref_slice %arg48[%dma_start3A_714, %dma_start3A_715] : memref<100000x16xf32, #tpu.memory_space<hbm>> -> memref<100000x16xf32, #tpu.memory_space<hbm>>
    tpu.enqueue_indirect_dma source(%dma_start3A_716 : memref<100000x16xf32, #tpu.memory_space<hbm>>) target(%arg58 : memref<512x16xf32, #tpu.memory_space<vmem>>) offsets(%dma_start3A_713 : memref<512xi32, #tpu.memory_space<vmem>>) semaphore(%arg67 : memref<!tpu.dma_semaphore, #tpu.memory_space<semaphore_mem>>)
    %dma_wait3A_717 = arith.constant 18 : i32
    %dma_wait3A_718 = arith.constant 0 : i32
    %dma_wait3A_719 = tpu.memref_slice %arg56[%dma_wait3A_717, %dma_wait3A_718] : memref<25x512xi32, #tpu.memory_space<vmem>> -> memref<1x512xi32, #tpu.memory_space<vmem>>
    %dma_wait3A_720 = tpu.memref_squeeze %dma_wait3A_719 : memref<1x512xi32, #tpu.memory_space<vmem>> -> memref<512xi32, #tpu.memory_space<vmem>>
    %dma_wait3A_721 = arith.constant 0 : i32
    %dma_wait3A_722 = arith.constant 0 : i32
    %dma_wait3A_723 = tpu.memref_slice %arg47[%dma_wait3A_721, %dma_wait3A_722] : memref<100000x16xf32, #tpu.memory_space<hbm>> -> memref<100000x16xf32, #tpu.memory_space<hbm>>
    tpu.wait_indirect_dma semaphore(%arg66 : memref<!tpu.dma_semaphore, #tpu.memory_space<semaphore_mem>>) src(%dma_wait3A_723 : memref<100000x16xf32, #tpu.memory_space<hbm>>) dst(%arg57 : memref<512x16xf32, #tpu.memory_space<vmem>>)
    "tpu.region"() ({
      %run_scoped3A = tpu.sem_alloc : memref<!tpu.dma_semaphore, #tpu.memory_space<semaphore_mem>>
      %dma_start3A_942 = arith.constant 288 : i32
      %dma_start3A_943 = tpu.memref_slice %arg55[%mul3A_2, %dma_start3A_942] : memref<16384x416xf32, #tpu.memory_space<hbm>> -> memref<512x16xf32, #tpu.memory_space<hbm>>
      %dma_start3A_944 = arith.constant 288 : i32
      %dma_start3A_945 = tpu.memref_slice %arg55[%mul3A_2, %dma_start3A_944] : memref<16384x416xf32, #tpu.memory_space<hbm>> -> memref<512x16xf32, #tpu.memory_space<hbm>>
      tpu.enqueue_dma source(%arg57 : memref<512x16xf32, #tpu.memory_space<vmem>>) target(%dma_start3A_945 : memref<512x16xf32, #tpu.memory_space<hbm>>) target_semaphore(%run_scoped3A : memref<!tpu.dma_semaphore, #tpu.memory_space<semaphore_mem>>)
      %dma_wait3A_946 = arith.constant 288 : i32
      %dma_wait3A_947 = tpu.memref_slice %arg55[%mul3A_2, %dma_wait3A_946] : memref<16384x416xf32, #tpu.memory_space<hbm>> -> memref<512x16xf32, #tpu.memory_space<hbm>>
      %dma_wait3A_948 = arith.constant 288 : i32
      %dma_wait3A_949 = tpu.memref_slice %arg55[%mul3A_2, %dma_wait3A_948] : memref<16384x416xf32, #tpu.memory_space<hbm>> -> memref<512x16xf32, #tpu.memory_space<hbm>>
      tpu.wait_dma2 semaphore(%run_scoped3A : memref<!tpu.dma_semaphore, #tpu.memory_space<semaphore_mem>>) src(%arg57 : memref<512x16xf32, #tpu.memory_space<vmem>>) dst(%dma_wait3A_949 : memref<512x16xf32, #tpu.memory_space<hbm>>)
      tpu.yield
    }) : () -> ()
    %dma_start3A_724 = arith.constant 20 : i32
    %dma_start3A_725 = arith.constant 0 : i32
    %dma_start3A_726 = tpu.memref_slice %arg56[%dma_start3A_724, %dma_start3A_725] : memref<25x512xi32, #tpu.memory_space<vmem>> -> memref<1x512xi32, #tpu.memory_space<vmem>>
    %dma_start3A_727 = tpu.memref_squeeze %dma_start3A_726 : memref<1x512xi32, #tpu.memory_space<vmem>> -> memref<512xi32, #tpu.memory_space<vmem>>
    %dma_start3A_728 = arith.constant 0 : i32
    %dma_start3A_729 = arith.constant 0 : i32
    %dma_start3A_730 = tpu.memref_slice %arg49[%dma_start3A_728, %dma_start3A_729] : memref<100000x16xf32, #tpu.memory_space<hbm>> -> memref<100000x16xf32, #tpu.memory_space<hbm>>
    tpu.enqueue_indirect_dma source(%dma_start3A_730 : memref<100000x16xf32, #tpu.memory_space<hbm>>) target(%arg57 : memref<512x16xf32, #tpu.memory_space<vmem>>) offsets(%dma_start3A_727 : memref<512xi32, #tpu.memory_space<vmem>>) semaphore(%arg66 : memref<!tpu.dma_semaphore, #tpu.memory_space<semaphore_mem>>)
    %dma_wait3A_731 = arith.constant 19 : i32
    %dma_wait3A_732 = arith.constant 0 : i32
    %dma_wait3A_733 = tpu.memref_slice %arg56[%dma_wait3A_731, %dma_wait3A_732] : memref<25x512xi32, #tpu.memory_space<vmem>> -> memref<1x512xi32, #tpu.memory_space<vmem>>
    %dma_wait3A_734 = tpu.memref_squeeze %dma_wait3A_733 : memref<1x512xi32, #tpu.memory_space<vmem>> -> memref<512xi32, #tpu.memory_space<vmem>>
    %dma_wait3A_735 = arith.constant 0 : i32
    %dma_wait3A_736 = arith.constant 0 : i32
    %dma_wait3A_737 = tpu.memref_slice %arg48[%dma_wait3A_735, %dma_wait3A_736] : memref<100000x16xf32, #tpu.memory_space<hbm>> -> memref<100000x16xf32, #tpu.memory_space<hbm>>
    tpu.wait_indirect_dma semaphore(%arg67 : memref<!tpu.dma_semaphore, #tpu.memory_space<semaphore_mem>>) src(%dma_wait3A_737 : memref<100000x16xf32, #tpu.memory_space<hbm>>) dst(%arg58 : memref<512x16xf32, #tpu.memory_space<vmem>>)
    "tpu.region"() ({
      %run_scoped3A = tpu.sem_alloc : memref<!tpu.dma_semaphore, #tpu.memory_space<semaphore_mem>>
      %dma_start3A_942 = arith.constant 304 : i32
      %dma_start3A_943 = tpu.memref_slice %arg55[%mul3A_2, %dma_start3A_942] : memref<16384x416xf32, #tpu.memory_space<hbm>> -> memref<512x16xf32, #tpu.memory_space<hbm>>
      %dma_start3A_944 = arith.constant 304 : i32
      %dma_start3A_945 = tpu.memref_slice %arg55[%mul3A_2, %dma_start3A_944] : memref<16384x416xf32, #tpu.memory_space<hbm>> -> memref<512x16xf32, #tpu.memory_space<hbm>>
      tpu.enqueue_dma source(%arg58 : memref<512x16xf32, #tpu.memory_space<vmem>>) target(%dma_start3A_945 : memref<512x16xf32, #tpu.memory_space<hbm>>) target_semaphore(%run_scoped3A : memref<!tpu.dma_semaphore, #tpu.memory_space<semaphore_mem>>)
      %dma_wait3A_946 = arith.constant 304 : i32
      %dma_wait3A_947 = tpu.memref_slice %arg55[%mul3A_2, %dma_wait3A_946] : memref<16384x416xf32, #tpu.memory_space<hbm>> -> memref<512x16xf32, #tpu.memory_space<hbm>>
      %dma_wait3A_948 = arith.constant 304 : i32
      %dma_wait3A_949 = tpu.memref_slice %arg55[%mul3A_2, %dma_wait3A_948] : memref<16384x416xf32, #tpu.memory_space<hbm>> -> memref<512x16xf32, #tpu.memory_space<hbm>>
      tpu.wait_dma2 semaphore(%run_scoped3A : memref<!tpu.dma_semaphore, #tpu.memory_space<semaphore_mem>>) src(%arg58 : memref<512x16xf32, #tpu.memory_space<vmem>>) dst(%dma_wait3A_949 : memref<512x16xf32, #tpu.memory_space<hbm>>)
      tpu.yield
    }) : () -> ()
    %dma_start3A_738 = arith.constant 21 : i32
    %dma_start3A_739 = arith.constant 0 : i32
    %dma_start3A_740 = tpu.memref_slice %arg56[%dma_start3A_738, %dma_start3A_739] : memref<25x512xi32, #tpu.memory_space<vmem>> -> memref<1x512xi32, #tpu.memory_space<vmem>>
    %dma_start3A_741 = tpu.memref_squeeze %dma_start3A_740 : memref<1x512xi32, #tpu.memory_space<vmem>> -> memref<512xi32, #tpu.memory_space<vmem>>
    %dma_start3A_742 = arith.constant 0 : i32
    %dma_start3A_743 = arith.constant 0 : i32
    %dma_start3A_744 = tpu.memref_slice %arg50[%dma_start3A_742, %dma_start3A_743] : memref<100000x16xf32, #tpu.memory_space<hbm>> -> memref<100000x16xf32, #tpu.memory_space<hbm>>
    tpu.enqueue_indirect_dma source(%dma_start3A_744 : memref<100000x16xf32, #tpu.memory_space<hbm>>) target(%arg58 : memref<512x16xf32, #tpu.memory_space<vmem>>) offsets(%dma_start3A_741 : memref<512xi32, #tpu.memory_space<vmem>>) semaphore(%arg67 : memref<!tpu.dma_semaphore, #tpu.memory_space<semaphore_mem>>)
    %dma_wait3A_745 = arith.constant 20 : i32
    %dma_wait3A_746 = arith.constant 0 : i32
    %dma_wait3A_747 = tpu.memref_slice %arg56[%dma_wait3A_745, %dma_wait3A_746] : memref<25x512xi32, #tpu.memory_space<vmem>> -> memref<1x512xi32, #tpu.memory_space<vmem>>
    %dma_wait3A_748 = tpu.memref_squeeze %dma_wait3A_747 : memref<1x512xi32, #tpu.memory_space<vmem>> -> memref<512xi32, #tpu.memory_space<vmem>>
    %dma_wait3A_749 = arith.constant 0 : i32
    %dma_wait3A_750 = arith.constant 0 : i32
    %dma_wait3A_751 = tpu.memref_slice %arg49[%dma_wait3A_749, %dma_wait3A_750] : memref<100000x16xf32, #tpu.memory_space<hbm>> -> memref<100000x16xf32, #tpu.memory_space<hbm>>
    tpu.wait_indirect_dma semaphore(%arg66 : memref<!tpu.dma_semaphore, #tpu.memory_space<semaphore_mem>>) src(%dma_wait3A_751 : memref<100000x16xf32, #tpu.memory_space<hbm>>) dst(%arg57 : memref<512x16xf32, #tpu.memory_space<vmem>>)
    "tpu.region"() ({
      %run_scoped3A = tpu.sem_alloc : memref<!tpu.dma_semaphore, #tpu.memory_space<semaphore_mem>>
      %dma_start3A_942 = arith.constant 320 : i32
      %dma_start3A_943 = tpu.memref_slice %arg55[%mul3A_2, %dma_start3A_942] : memref<16384x416xf32, #tpu.memory_space<hbm>> -> memref<512x16xf32, #tpu.memory_space<hbm>>
      %dma_start3A_944 = arith.constant 320 : i32
      %dma_start3A_945 = tpu.memref_slice %arg55[%mul3A_2, %dma_start3A_944] : memref<16384x416xf32, #tpu.memory_space<hbm>> -> memref<512x16xf32, #tpu.memory_space<hbm>>
      tpu.enqueue_dma source(%arg57 : memref<512x16xf32, #tpu.memory_space<vmem>>) target(%dma_start3A_945 : memref<512x16xf32, #tpu.memory_space<hbm>>) target_semaphore(%run_scoped3A : memref<!tpu.dma_semaphore, #tpu.memory_space<semaphore_mem>>)
      %dma_wait3A_946 = arith.constant 320 : i32
      %dma_wait3A_947 = tpu.memref_slice %arg55[%mul3A_2, %dma_wait3A_946] : memref<16384x416xf32, #tpu.memory_space<hbm>> -> memref<512x16xf32, #tpu.memory_space<hbm>>
      %dma_wait3A_948 = arith.constant 320 : i32
      %dma_wait3A_949 = tpu.memref_slice %arg55[%mul3A_2, %dma_wait3A_948] : memref<16384x416xf32, #tpu.memory_space<hbm>> -> memref<512x16xf32, #tpu.memory_space<hbm>>
      tpu.wait_dma2 semaphore(%run_scoped3A : memref<!tpu.dma_semaphore, #tpu.memory_space<semaphore_mem>>) src(%arg57 : memref<512x16xf32, #tpu.memory_space<vmem>>) dst(%dma_wait3A_949 : memref<512x16xf32, #tpu.memory_space<hbm>>)
      tpu.yield
    }) : () -> ()
    %dma_start3A_752 = arith.constant 22 : i32
    %dma_start3A_753 = arith.constant 0 : i32
    %dma_start3A_754 = tpu.memref_slice %arg56[%dma_start3A_752, %dma_start3A_753] : memref<25x512xi32, #tpu.memory_space<vmem>> -> memref<1x512xi32, #tpu.memory_space<vmem>>
    %dma_start3A_755 = tpu.memref_squeeze %dma_start3A_754 : memref<1x512xi32, #tpu.memory_space<vmem>> -> memref<512xi32, #tpu.memory_space<vmem>>
    %dma_start3A_756 = arith.constant 0 : i32
    %dma_start3A_757 = arith.constant 0 : i32
    %dma_start3A_758 = tpu.memref_slice %arg51[%dma_start3A_756, %dma_start3A_757] : memref<100000x16xf32, #tpu.memory_space<hbm>> -> memref<100000x16xf32, #tpu.memory_space<hbm>>
    tpu.enqueue_indirect_dma source(%dma_start3A_758 : memref<100000x16xf32, #tpu.memory_space<hbm>>) target(%arg57 : memref<512x16xf32, #tpu.memory_space<vmem>>) offsets(%dma_start3A_755 : memref<512xi32, #tpu.memory_space<vmem>>) semaphore(%arg66 : memref<!tpu.dma_semaphore, #tpu.memory_space<semaphore_mem>>)
    %dma_wait3A_759 = arith.constant 21 : i32
    %dma_wait3A_760 = arith.constant 0 : i32
    %dma_wait3A_761 = tpu.memref_slice %arg56[%dma_wait3A_759, %dma_wait3A_760] : memref<25x512xi32, #tpu.memory_space<vmem>> -> memref<1x512xi32, #tpu.memory_space<vmem>>
    %dma_wait3A_762 = tpu.memref_squeeze %dma_wait3A_761 : memref<1x512xi32, #tpu.memory_space<vmem>> -> memref<512xi32, #tpu.memory_space<vmem>>
    %dma_wait3A_763 = arith.constant 0 : i32
    %dma_wait3A_764 = arith.constant 0 : i32
    %dma_wait3A_765 = tpu.memref_slice %arg50[%dma_wait3A_763, %dma_wait3A_764] : memref<100000x16xf32, #tpu.memory_space<hbm>> -> memref<100000x16xf32, #tpu.memory_space<hbm>>
    tpu.wait_indirect_dma semaphore(%arg67 : memref<!tpu.dma_semaphore, #tpu.memory_space<semaphore_mem>>) src(%dma_wait3A_765 : memref<100000x16xf32, #tpu.memory_space<hbm>>) dst(%arg58 : memref<512x16xf32, #tpu.memory_space<vmem>>)
    "tpu.region"() ({
      %run_scoped3A = tpu.sem_alloc : memref<!tpu.dma_semaphore, #tpu.memory_space<semaphore_mem>>
      %dma_start3A_942 = arith.constant 336 : i32
      %dma_start3A_943 = tpu.memref_slice %arg55[%mul3A_2, %dma_start3A_942] : memref<16384x416xf32, #tpu.memory_space<hbm>> -> memref<512x16xf32, #tpu.memory_space<hbm>>
      %dma_start3A_944 = arith.constant 336 : i32
      %dma_start3A_945 = tpu.memref_slice %arg55[%mul3A_2, %dma_start3A_944] : memref<16384x416xf32, #tpu.memory_space<hbm>> -> memref<512x16xf32, #tpu.memory_space<hbm>>
      tpu.enqueue_dma source(%arg58 : memref<512x16xf32, #tpu.memory_space<vmem>>) target(%dma_start3A_945 : memref<512x16xf32, #tpu.memory_space<hbm>>) target_semaphore(%run_scoped3A : memref<!tpu.dma_semaphore, #tpu.memory_space<semaphore_mem>>)
      %dma_wait3A_946 = arith.constant 336 : i32
      %dma_wait3A_947 = tpu.memref_slice %arg55[%mul3A_2, %dma_wait3A_946] : memref<16384x416xf32, #tpu.memory_space<hbm>> -> memref<512x16xf32, #tpu.memory_space<hbm>>
      %dma_wait3A_948 = arith.constant 336 : i32
      %dma_wait3A_949 = tpu.memref_slice %arg55[%mul3A_2, %dma_wait3A_948] : memref<16384x416xf32, #tpu.memory_space<hbm>> -> memref<512x16xf32, #tpu.memory_space<hbm>>
      tpu.wait_dma2 semaphore(%run_scoped3A : memref<!tpu.dma_semaphore, #tpu.memory_space<semaphore_mem>>) src(%arg58 : memref<512x16xf32, #tpu.memory_space<vmem>>) dst(%dma_wait3A_949 : memref<512x16xf32, #tpu.memory_space<hbm>>)
      tpu.yield
    }) : () -> ()
    %dma_start3A_766 = arith.constant 23 : i32
    %dma_start3A_767 = arith.constant 0 : i32
    %dma_start3A_768 = tpu.memref_slice %arg56[%dma_start3A_766, %dma_start3A_767] : memref<25x512xi32, #tpu.memory_space<vmem>> -> memref<1x512xi32, #tpu.memory_space<vmem>>
    %dma_start3A_769 = tpu.memref_squeeze %dma_start3A_768 : memref<1x512xi32, #tpu.memory_space<vmem>> -> memref<512xi32, #tpu.memory_space<vmem>>
    %dma_start3A_770 = arith.constant 0 : i32
    %dma_start3A_771 = arith.constant 0 : i32
    %dma_start3A_772 = tpu.memref_slice %arg52[%dma_start3A_770, %dma_start3A_771] : memref<100000x16xf32, #tpu.memory_space<hbm>> -> memref<100000x16xf32, #tpu.memory_space<hbm>>
    tpu.enqueue_indirect_dma source(%dma_start3A_772 : memref<100000x16xf32, #tpu.memory_space<hbm>>) target(%arg58 : memref<512x16xf32, #tpu.memory_space<vmem>>) offsets(%dma_start3A_769 : memref<512xi32, #tpu.memory_space<vmem>>) semaphore(%arg67 : memref<!tpu.dma_semaphore, #tpu.memory_space<semaphore_mem>>)
    %dma_wait3A_773 = arith.constant 22 : i32
    %dma_wait3A_774 = arith.constant 0 : i32
    %dma_wait3A_775 = tpu.memref_slice %arg56[%dma_wait3A_773, %dma_wait3A_774] : memref<25x512xi32, #tpu.memory_space<vmem>> -> memref<1x512xi32, #tpu.memory_space<vmem>>
    %dma_wait3A_776 = tpu.memref_squeeze %dma_wait3A_775 : memref<1x512xi32, #tpu.memory_space<vmem>> -> memref<512xi32, #tpu.memory_space<vmem>>
    %dma_wait3A_777 = arith.constant 0 : i32
    %dma_wait3A_778 = arith.constant 0 : i32
    %dma_wait3A_779 = tpu.memref_slice %arg51[%dma_wait3A_777, %dma_wait3A_778] : memref<100000x16xf32, #tpu.memory_space<hbm>> -> memref<100000x16xf32, #tpu.memory_space<hbm>>
    tpu.wait_indirect_dma semaphore(%arg66 : memref<!tpu.dma_semaphore, #tpu.memory_space<semaphore_mem>>) src(%dma_wait3A_779 : memref<100000x16xf32, #tpu.memory_space<hbm>>) dst(%arg57 : memref<512x16xf32, #tpu.memory_space<vmem>>)
    "tpu.region"() ({
      %run_scoped3A = tpu.sem_alloc : memref<!tpu.dma_semaphore, #tpu.memory_space<semaphore_mem>>
      %dma_start3A_942 = arith.constant 352 : i32
      %dma_start3A_943 = tpu.memref_slice %arg55[%mul3A_2, %dma_start3A_942] : memref<16384x416xf32, #tpu.memory_space<hbm>> -> memref<512x16xf32, #tpu.memory_space<hbm>>
      %dma_start3A_944 = arith.constant 352 : i32
      %dma_start3A_945 = tpu.memref_slice %arg55[%mul3A_2, %dma_start3A_944] : memref<16384x416xf32, #tpu.memory_space<hbm>> -> memref<512x16xf32, #tpu.memory_space<hbm>>
      tpu.enqueue_dma source(%arg57 : memref<512x16xf32, #tpu.memory_space<vmem>>) target(%dma_start3A_945 : memref<512x16xf32, #tpu.memory_space<hbm>>) target_semaphore(%run_scoped3A : memref<!tpu.dma_semaphore, #tpu.memory_space<semaphore_mem>>)
      %dma_wait3A_946 = arith.constant 352 : i32
      %dma_wait3A_947 = tpu.memref_slice %arg55[%mul3A_2, %dma_wait3A_946] : memref<16384x416xf32, #tpu.memory_space<hbm>> -> memref<512x16xf32, #tpu.memory_space<hbm>>
      %dma_wait3A_948 = arith.constant 352 : i32
      %dma_wait3A_949 = tpu.memref_slice %arg55[%mul3A_2, %dma_wait3A_948] : memref<16384x416xf32, #tpu.memory_space<hbm>> -> memref<512x16xf32, #tpu.memory_space<hbm>>
      tpu.wait_dma2 semaphore(%run_scoped3A : memref<!tpu.dma_semaphore, #tpu.memory_space<semaphore_mem>>) src(%arg57 : memref<512x16xf32, #tpu.memory_space<vmem>>) dst(%dma_wait3A_949 : memref<512x16xf32, #tpu.memory_space<hbm>>)
      tpu.yield
    }) : () -> ()
    %dma_start3A_780 = arith.constant 24 : i32
    %dma_start3A_781 = arith.constant 0 : i32
    %dma_start3A_782 = tpu.memref_slice %arg56[%dma_start3A_780, %dma_start3A_781] : memref<25x512xi32, #tpu.memory_space<vmem>> -> memref<1x512xi32, #tpu.memory_space<vmem>>
    %dma_start3A_783 = tpu.memref_squeeze %dma_start3A_782 : memref<1x512xi32, #tpu.memory_space<vmem>> -> memref<512xi32, #tpu.memory_space<vmem>>
    %dma_start3A_784 = arith.constant 0 : i32
    %dma_start3A_785 = arith.constant 0 : i32
    %dma_start3A_786 = tpu.memref_slice %arg53[%dma_start3A_784, %dma_start3A_785] : memref<100000x16xf32, #tpu.memory_space<hbm>> -> memref<100000x16xf32, #tpu.memory_space<hbm>>
    tpu.enqueue_indirect_dma source(%dma_start3A_786 : memref<100000x16xf32, #tpu.memory_space<hbm>>) target(%arg57 : memref<512x16xf32, #tpu.memory_space<vmem>>) offsets(%dma_start3A_783 : memref<512xi32, #tpu.memory_space<vmem>>) semaphore(%arg66 : memref<!tpu.dma_semaphore, #tpu.memory_space<semaphore_mem>>)
    %dma_wait3A_787 = arith.constant 23 : i32
    %dma_wait3A_788 = arith.constant 0 : i32
    %dma_wait3A_789 = tpu.memref_slice %arg56[%dma_wait3A_787, %dma_wait3A_788] : memref<25x512xi32, #tpu.memory_space<vmem>> -> memref<1x512xi32, #tpu.memory_space<vmem>>
    %dma_wait3A_790 = tpu.memref_squeeze %dma_wait3A_789 : memref<1x512xi32, #tpu.memory_space<vmem>> -> memref<512xi32, #tpu.memory_space<vmem>>
    %dma_wait3A_791 = arith.constant 0 : i32
    %dma_wait3A_792 = arith.constant 0 : i32
    %dma_wait3A_793 = tpu.memref_slice %arg52[%dma_wait3A_791, %dma_wait3A_792] : memref<100000x16xf32, #tpu.memory_space<hbm>> -> memref<100000x16xf32, #tpu.memory_space<hbm>>
    tpu.wait_indirect_dma semaphore(%arg67 : memref<!tpu.dma_semaphore, #tpu.memory_space<semaphore_mem>>) src(%dma_wait3A_793 : memref<100000x16xf32, #tpu.memory_space<hbm>>) dst(%arg58 : memref<512x16xf32, #tpu.memory_space<vmem>>)
    "tpu.region"() ({
      %run_scoped3A = tpu.sem_alloc : memref<!tpu.dma_semaphore, #tpu.memory_space<semaphore_mem>>
      %dma_start3A_942 = arith.constant 368 : i32
      %dma_start3A_943 = tpu.memref_slice %arg55[%mul3A_2, %dma_start3A_942] : memref<16384x416xf32, #tpu.memory_space<hbm>> -> memref<512x16xf32, #tpu.memory_space<hbm>>
      %dma_start3A_944 = arith.constant 368 : i32
      %dma_start3A_945 = tpu.memref_slice %arg55[%mul3A_2, %dma_start3A_944] : memref<16384x416xf32, #tpu.memory_space<hbm>> -> memref<512x16xf32, #tpu.memory_space<hbm>>
      tpu.enqueue_dma source(%arg58 : memref<512x16xf32, #tpu.memory_space<vmem>>) target(%dma_start3A_945 : memref<512x16xf32, #tpu.memory_space<hbm>>) target_semaphore(%run_scoped3A : memref<!tpu.dma_semaphore, #tpu.memory_space<semaphore_mem>>)
      %dma_wait3A_946 = arith.constant 368 : i32
      %dma_wait3A_947 = tpu.memref_slice %arg55[%mul3A_2, %dma_wait3A_946] : memref<16384x416xf32, #tpu.memory_space<hbm>> -> memref<512x16xf32, #tpu.memory_space<hbm>>
      %dma_wait3A_948 = arith.constant 368 : i32
      %dma_wait3A_949 = tpu.memref_slice %arg55[%mul3A_2, %dma_wait3A_948] : memref<16384x416xf32, #tpu.memory_space<hbm>> -> memref<512x16xf32, #tpu.memory_space<hbm>>
      tpu.wait_dma2 semaphore(%run_scoped3A : memref<!tpu.dma_semaphore, #tpu.memory_space<semaphore_mem>>) src(%arg58 : memref<512x16xf32, #tpu.memory_space<vmem>>) dst(%dma_wait3A_949 : memref<512x16xf32, #tpu.memory_space<hbm>>)
      tpu.yield
    }) : () -> ()
    %dma_wait3A_794 = arith.constant 24 : i32
    %dma_wait3A_795 = arith.constant 0 : i32
    %dma_wait3A_796 = tpu.memref_slice %arg56[%dma_wait3A_794, %dma_wait3A_795] : memref<25x512xi32, #tpu.memory_space<vmem>> -> memref<1x512xi32, #tpu.memory_space<vmem>>
    %dma_wait3A_797 = tpu.memref_squeeze %dma_wait3A_796 : memref<1x512xi32, #tpu.memory_space<vmem>> -> memref<512xi32, #tpu.memory_space<vmem>>
    %dma_wait3A_798 = arith.constant 0 : i32
    %dma_wait3A_799 = arith.constant 0 : i32
    %dma_wait3A_800 = tpu.memref_slice %arg53[%dma_wait3A_798, %dma_wait3A_799] : memref<100000x16xf32, #tpu.memory_space<hbm>> -> memref<100000x16xf32, #tpu.memory_space<hbm>>
    tpu.wait_indirect_dma semaphore(%arg66 : memref<!tpu.dma_semaphore, #tpu.memory_space<semaphore_mem>>) src(%dma_wait3A_800 : memref<100000x16xf32, #tpu.memory_space<hbm>>) dst(%arg57 : memref<512x16xf32, #tpu.memory_space<vmem>>)
    "tpu.region"() ({
      %run_scoped3A = tpu.sem_alloc : memref<!tpu.dma_semaphore, #tpu.memory_space<semaphore_mem>>
      %dma_start3A_942 = arith.constant 384 : i32
      %dma_start3A_943 = tpu.memref_slice %arg55[%mul3A_2, %dma_start3A_942] : memref<16384x416xf32, #tpu.memory_space<hbm>> -> memref<512x16xf32, #tpu.memory_space<hbm>>
      %dma_start3A_944 = arith.constant 384 : i32
      %dma_start3A_945 = tpu.memref_slice %arg55[%mul3A_2, %dma_start3A_944] : memref<16384x416xf32, #tpu.memory_space<hbm>> -> memref<512x16xf32, #tpu.memory_space<hbm>>
      tpu.enqueue_dma source(%arg57 : memref<512x16xf32, #tpu.memory_space<vmem>>) target(%dma_start3A_945 : memref<512x16xf32, #tpu.memory_space<hbm>>) target_semaphore(%run_scoped3A : memref<!tpu.dma_semaphore, #tpu.memory_space<semaphore_mem>>)
      %dma_wait3A_946 = arith.constant 384 : i32
      %dma_wait3A_947 = tpu.memref_slice %arg55[%mul3A_2, %dma_wait3A_946] : memref<16384x416xf32, #tpu.memory_space<hbm>> -> memref<512x16xf32, #tpu.memory_space<hbm>>
      %dma_wait3A_948 = arith.constant 384 : i32
      %dma_wait3A_949 = tpu.memref_slice %arg55[%mul3A_2, %dma_wait3A_948] : memref<16384x416xf32, #tpu.memory_space<hbm>> -> memref<512x16xf32, #tpu.memory_space<hbm>>
      tpu.wait_dma2 semaphore(%run_scoped3A : memref<!tpu.dma_semaphore, #tpu.memory_space<semaphore_mem>>) src(%arg57 : memref<512x16xf32, #tpu.memory_space<vmem>>) dst(%dma_wait3A_949 : memref<512x16xf32, #tpu.memory_space<hbm>>)
      tpu.yield
    }) : () -> ()
    "tpu.region"() ({
      %run_scoped3A = tpu.sem_alloc : memref<!tpu.dma_semaphore, #tpu.memory_space<semaphore_mem>>
      tpu.enqueue_dma source(%arg28 : memref<3200xi32, #tpu.memory_space<hbm>>) target(%arg61 : memref<3200xi32, #tpu.memory_space<vmem>>) target_semaphore(%run_scoped3A : memref<!tpu.dma_semaphore, #tpu.memory_space<semaphore_mem>>)
      tpu.wait_dma2 semaphore(%run_scoped3A : memref<!tpu.dma_semaphore, #tpu.memory_space<semaphore_mem>>) src(%arg28 : memref<3200xi32, #tpu.memory_space<hbm>>) dst(%arg61 : memref<3200xi32, #tpu.memory_space<vmem>>)
      tpu.yield
    }) : () -> ()
    %mul3A_801 = arith.constant 64 : i32
    %mul3A_802 = arith.muli %arg1, %mul3A_801 : i32
    %scan3A = arith.constant 0 : i32
    %scan3A_803 = arith.constant 0 : i32
    %scan3A_804 = arith.constant 200 : i32
    %scan3A_805 = arith.addi %scan3A_803, %scan3A_804 : i32
    %scan3A_806 = arith.constant 1 : i32
    scf.for %scan3A_942 = %scan3A_803 to %scan3A_805 step %scan3A_806  : i32 {
      %mul3A_943 = arith.constant 16 : i32
      %mul3A_944 = arith.muli %scan3A_942, %mul3A_943 : i32
      %get3A = arith.index_cast %mul3A_944 : i32 to index
      %get3A_945 = tpu.vector_load %arg61[%get3A] {strides = array<i32>} : memref<3200xi32, #tpu.memory_space<vmem>>, vector<16xi32>,
      %get3A_946 = vector.shape_cast %get3A_945 : vector<16xi32> to vector<16xi32>
      %add3A_947 = vector.broadcast %mul3A_802 : i32 to vector<16xi32>
      %add3A_948 = arith.addi %get3A_946, %add3A_947 : vector<16xi32>
      %swap3A = arith.index_cast %mul3A_944 : i32 to index
      %swap3A_949 = tpu.vector_load %arg61[%swap3A] {strides = array<i32>} : memref<3200xi32, #tpu.memory_space<vmem>>, vector<16xi32>,
      %swap3A_950 = vector.shape_cast %swap3A_949 : vector<16xi32> to vector<16xi32>
      %swap3A_951 = vector.shape_cast %add3A_948 : vector<16xi32> to vector<16xi32>
      tpu.vector_store %arg61[%swap3A], %swap3A_951 {strides = array<i32>} : memref<3200xi32, #tpu.memory_space<vmem>>, vector<16xi32>,
    }
    %scan3A_807 = arith.constant 200 : i32
    %scan3A_808 = arith.constant 0 : i32
    %scan3A_809 = arith.constant 0 : i32
    %scan3A_810 = arith.constant 64 : i32
    %scan3A_811 = arith.addi %scan3A_809, %scan3A_810 : i32
    %scan3A_812 = arith.constant 1 : i32
    scf.for %scan3A_942 = %scan3A_809 to %scan3A_811 step %scan3A_812  : i32 {
      %broadcast_in_dim3A = arith.constant 0.000000e+00 : f32
      %broadcast_in_dim3A_943 = vector.broadcast %broadcast_in_dim3A : f32 to vector<16xf32>
      %swap3A = arith.index_cast %scan3A_942 : i32 to index
      %swap3A_944 = arith.constant 0 : index
      %swap3A_945 = tpu.vector_load %arg62[%swap3A, %swap3A_944] {strides = array<i32>} : memref<64x16xf32, #tpu.memory_space<vmem>>, vector<1x16xf32>,
      %swap3A_946 = vector.shape_cast %swap3A_945 : vector<1x16xf32> to vector<16xf32>
      %swap3A_947 = vector.shape_cast %broadcast_in_dim3A_943 : vector<16xf32> to vector<1x16xf32>
      tpu.vector_store %arg62[%swap3A, %swap3A_944], %swap3A_947 {strides = array<i32>} : memref<64x16xf32, #tpu.memory_space<vmem>>, vector<1x16xf32>,
    }
    %scan3A_813 = arith.constant 64 : i32
    %mul3A_814 = arith.constant 50 : i32
    %mul3A_815 = arith.muli %mul3A_2, %mul3A_814 : i32
    %add3A_816 = arith.constant 0 : i32
    %add3A_817 = arith.addi %mul3A_815, %add3A_816 : i32
    "tpu.region"() ({
      %run_scoped3A = tpu.sem_alloc : memref<!tpu.dma_semaphore, #tpu.memory_space<semaphore_mem>>
      %dma_start3A_942 = tpu.memref_slice %arg27[%add3A_817] : memref<819200xi32, #tpu.memory_space<hbm>> -> memref<3200xi32, #tpu.memory_space<hbm>>
      %dma_start3A_943 = tpu.memref_slice %arg27[%add3A_817] : memref<819200xi32, #tpu.memory_space<hbm>> -> memref<3200xi32, #tpu.memory_space<hbm>>
      tpu.enqueue_dma source(%dma_start3A_943 : memref<3200xi32, #tpu.memory_space<hbm>>) target(%arg59 : memref<3200xi32, #tpu.memory_space<vmem>>) target_semaphore(%run_scoped3A : memref<!tpu.dma_semaphore, #tpu.memory_space<semaphore_mem>>)
      %dma_wait3A_944 = tpu.memref_slice %arg27[%add3A_817] : memref<819200xi32, #tpu.memory_space<hbm>> -> memref<3200xi32, #tpu.memory_space<hbm>>
      %dma_wait3A_945 = tpu.memref_slice %arg27[%add3A_817] : memref<819200xi32, #tpu.memory_space<hbm>> -> memref<3200xi32, #tpu.memory_space<hbm>>
      tpu.wait_dma2 semaphore(%run_scoped3A : memref<!tpu.dma_semaphore, #tpu.memory_space<semaphore_mem>>) src(%dma_wait3A_945 : memref<3200xi32, #tpu.memory_space<hbm>>) dst(%arg59 : memref<3200xi32, #tpu.memory_space<vmem>>)
      tpu.yield
    }) : () -> ()
    %dma_start3A_818 = arith.constant 0 : i32
    %dma_start3A_819 = arith.constant 0 : i32
    %dma_start3A_820 = tpu.memref_slice %arg54[%dma_start3A_818, %dma_start3A_819] : memref<100000x16xf32, #tpu.memory_space<hbm>> -> memref<100000x16xf32, #tpu.memory_space<hbm>>
    tpu.enqueue_indirect_dma source(%dma_start3A_820 : memref<100000x16xf32, #tpu.memory_space<hbm>>) target(%arg60 : memref<3200x16xf32, #tpu.memory_space<vmem>>) offsets(%arg59 : memref<3200xi32, #tpu.memory_space<vmem>>) semaphore(%arg66 : memref<!tpu.dma_semaphore, #tpu.memory_space<semaphore_mem>>)
    %dma_wait3A_821 = arith.constant 0 : i32
    %dma_wait3A_822 = arith.constant 0 : i32
    %dma_wait3A_823 = tpu.memref_slice %arg54[%dma_wait3A_821, %dma_wait3A_822] : memref<100000x16xf32, #tpu.memory_space<hbm>> -> memref<100000x16xf32, #tpu.memory_space<hbm>>
    tpu.wait_indirect_dma semaphore(%arg66 : memref<!tpu.dma_semaphore, #tpu.memory_space<semaphore_mem>>) src(%dma_wait3A_823 : memref<100000x16xf32, #tpu.memory_space<hbm>>) dst(%arg60 : memref<3200x16xf32, #tpu.memory_space<vmem>>)
    %mul3A_824 = arith.constant 64 : i32
    %mul3A_825 = arith.muli %arg1, %mul3A_824 : i32
    "tpu.region"() ({
      %run_scoped3A = tpu.sem_alloc : memref<!tpu.dma_semaphore, #tpu.memory_space<semaphore_mem>>
      %dma_start3A_942 = arith.constant 0 : i32
      %dma_start3A_943 = tpu.memref_slice %arg64[%mul3A_825, %dma_start3A_942] : memref<1024x16xf32, #tpu.memory_space<vmem_shared>> -> memref<64x16xf32, #tpu.memory_space<vmem_shared>>
      %dma_start3A_944 = arith.constant 0 : i32
      %dma_start3A_945 = tpu.memref_slice %arg64[%mul3A_825, %dma_start3A_944] : memref<1024x16xf32, #tpu.memory_space<vmem_shared>> -> memref<64x16xf32, #tpu.memory_space<vmem_shared>>
      tpu.enqueue_dma source(%arg62 : memref<64x16xf32, #tpu.memory_space<vmem>>) target(%dma_start3A_945 : memref<64x16xf32, #tpu.memory_space<vmem_shared>>) target_semaphore(%run_scoped3A : memref<!tpu.dma_semaphore, #tpu.memory_space<semaphore_mem>>)
      %dma_wait3A_946 = arith.constant 0 : i32
      %dma_wait3A_947 = tpu.memref_slice %arg64[%mul3A_825, %dma_wait3A_946] : memref<1024x16xf32, #tpu.memory_space<vmem_shared>> -> memref<64x16xf32, #tpu.memory_space<vmem_shared>>
      %dma_wait3A_948 = arith.constant 0 : i32
      %dma_wait3A_949 = tpu.memref_slice %arg64[%mul3A_825, %dma_wait3A_948] : memref<1024x16xf32, #tpu.memory_space<vmem_shared>> -> memref<64x16xf32, #tpu.memory_space<vmem_shared>>
      tpu.wait_dma2 semaphore(%run_scoped3A : memref<!tpu.dma_semaphore, #tpu.memory_space<semaphore_mem>>) src(%arg62 : memref<64x16xf32, #tpu.memory_space<vmem>>) dst(%dma_wait3A_949 : memref<64x16xf32, #tpu.memory_space<vmem_shared>>)
      tpu.yield
    }) : () -> ()
    "tpu.region"() ({
      %run_scoped3A = tpu.sem_alloc : memref<!tpu.dma_semaphore, #tpu.memory_space<semaphore_mem>>
      %dma_start3A_942 = arith.constant 0 : i32
      %dma_start3A_943 = arith.constant 0 : i32
      %dma_start3A_944 = tpu.memref_slice %arg64[%dma_start3A_942, %dma_start3A_943] : memref<1024x16xf32, #tpu.memory_space<vmem_shared>> -> memref<1024x16xf32, #tpu.memory_space<vmem_shared>>
      tpu.enqueue_indirect_dma source(%arg60 : memref<3200x16xf32, #tpu.memory_space<vmem>>) target(%dma_start3A_944 : memref<1024x16xf32, #tpu.memory_space<vmem_shared>>) offsets(%arg61 : memref<3200xi32, #tpu.memory_space<vmem>>) semaphore(%run_scoped3A : memref<!tpu.dma_semaphore, #tpu.memory_space<semaphore_mem>>) {add = true}
      %dma_wait3A_945 = arith.constant 0 : i32
      %dma_wait3A_946 = arith.constant 0 : i32
      %dma_wait3A_947 = tpu.memref_slice %arg64[%dma_wait3A_945, %dma_wait3A_946] : memref<1024x16xf32, #tpu.memory_space<vmem_shared>> -> memref<1024x16xf32, #tpu.memory_space<vmem_shared>>
      tpu.wait_indirect_dma semaphore(%run_scoped3A : memref<!tpu.dma_semaphore, #tpu.memory_space<semaphore_mem>>) src(%arg60 : memref<3200x16xf32, #tpu.memory_space<vmem>>) dst(%dma_wait3A_947 : memref<1024x16xf32, #tpu.memory_space<vmem_shared>>)
      tpu.yield
    }) : () -> ()
    %mul3A_826 = arith.constant 64 : i32
    %mul3A_827 = arith.muli %arg1, %mul3A_826 : i32
    "tpu.region"() ({
      %run_scoped3A = tpu.sem_alloc : memref<!tpu.dma_semaphore, #tpu.memory_space<semaphore_mem>>
      %dma_start3A_942 = arith.constant 0 : i32
      %dma_start3A_943 = tpu.memref_slice %arg64[%mul3A_827, %dma_start3A_942] : memref<1024x16xf32, #tpu.memory_space<vmem_shared>> -> memref<64x16xf32, #tpu.memory_space<vmem_shared>>
      %dma_start3A_944 = arith.constant 0 : i32
      %dma_start3A_945 = tpu.memref_slice %arg64[%mul3A_827, %dma_start3A_944] : memref<1024x16xf32, #tpu.memory_space<vmem_shared>> -> memref<64x16xf32, #tpu.memory_space<vmem_shared>>
      tpu.enqueue_dma source(%dma_start3A_945 : memref<64x16xf32, #tpu.memory_space<vmem_shared>>) target(%arg63 : memref<64x16xf32, #tpu.memory_space<vmem>>) target_semaphore(%run_scoped3A : memref<!tpu.dma_semaphore, #tpu.memory_space<semaphore_mem>>)
      %dma_wait3A_946 = arith.constant 0 : i32
      %dma_wait3A_947 = tpu.memref_slice %arg64[%mul3A_827, %dma_wait3A_946] : memref<1024x16xf32, #tpu.memory_space<vmem_shared>> -> memref<64x16xf32, #tpu.memory_space<vmem_shared>>
      %dma_wait3A_948 = arith.constant 0 : i32
      %dma_wait3A_949 = tpu.memref_slice %arg64[%mul3A_827, %dma_wait3A_948] : memref<1024x16xf32, #tpu.memory_space<vmem_shared>> -> memref<64x16xf32, #tpu.memory_space<vmem_shared>>
      tpu.wait_dma2 semaphore(%run_scoped3A : memref<!tpu.dma_semaphore, #tpu.memory_space<semaphore_mem>>) src(%dma_wait3A_949 : memref<64x16xf32, #tpu.memory_space<vmem_shared>>) dst(%arg63 : memref<64x16xf32, #tpu.memory_space<vmem>>)
      tpu.yield
    }) : () -> ()
    %add3A_828 = arith.constant 0 : i32
    %add3A_829 = arith.addi %mul3A_2, %add3A_828 : i32
    "tpu.region"() ({
      %run_scoped3A = tpu.sem_alloc : memref<!tpu.dma_semaphore, #tpu.memory_space<semaphore_mem>>
      %dma_start3A_942 = arith.constant 400 : i32
      %dma_start3A_943 = tpu.memref_slice %arg55[%add3A_829, %dma_start3A_942] : memref<16384x416xf32, #tpu.memory_space<hbm>> -> memref<64x16xf32, #tpu.memory_space<hbm>>
      %dma_start3A_944 = arith.constant 400 : i32
      %dma_start3A_945 = tpu.memref_slice %arg55[%add3A_829, %dma_start3A_944] : memref<16384x416xf32, #tpu.memory_space<hbm>> -> memref<64x16xf32, #tpu.memory_space<hbm>>
      tpu.enqueue_dma source(%arg63 : memref<64x16xf32, #tpu.memory_space<vmem>>) target(%dma_start3A_945 : memref<64x16xf32, #tpu.memory_space<hbm>>) target_semaphore(%run_scoped3A : memref<!tpu.dma_semaphore, #tpu.memory_space<semaphore_mem>>)
      %dma_wait3A_946 = arith.constant 400 : i32
      %dma_wait3A_947 = tpu.memref_slice %arg55[%add3A_829, %dma_wait3A_946] : memref<16384x416xf32, #tpu.memory_space<hbm>> -> memref<64x16xf32, #tpu.memory_space<hbm>>
      %dma_wait3A_948 = arith.constant 400 : i32
      %dma_wait3A_949 = tpu.memref_slice %arg55[%add3A_829, %dma_wait3A_948] : memref<16384x416xf32, #tpu.memory_space<hbm>> -> memref<64x16xf32, #tpu.memory_space<hbm>>
      tpu.wait_dma2 semaphore(%run_scoped3A : memref<!tpu.dma_semaphore, #tpu.memory_space<semaphore_mem>>) src(%arg63 : memref<64x16xf32, #tpu.memory_space<vmem>>) dst(%dma_wait3A_949 : memref<64x16xf32, #tpu.memory_space<hbm>>)
      tpu.yield
    }) : () -> ()
    %mul3A_830 = arith.constant 50 : i32
    %mul3A_831 = arith.muli %mul3A_2, %mul3A_830 : i32
    %add3A_832 = arith.constant 3200 : i32
    %add3A_833 = arith.addi %mul3A_831, %add3A_832 : i32
    "tpu.region"() ({
      %run_scoped3A = tpu.sem_alloc : memref<!tpu.dma_semaphore, #tpu.memory_space<semaphore_mem>>
      %dma_start3A_942 = tpu.memref_slice %arg27[%add3A_833] : memref<819200xi32, #tpu.memory_space<hbm>> -> memref<3200xi32, #tpu.memory_space<hbm>>
      %dma_start3A_943 = tpu.memref_slice %arg27[%add3A_833] : memref<819200xi32, #tpu.memory_space<hbm>> -> memref<3200xi32, #tpu.memory_space<hbm>>
      tpu.enqueue_dma source(%dma_start3A_943 : memref<3200xi32, #tpu.memory_space<hbm>>) target(%arg59 : memref<3200xi32, #tpu.memory_space<vmem>>) target_semaphore(%run_scoped3A : memref<!tpu.dma_semaphore, #tpu.memory_space<semaphore_mem>>)
      %dma_wait3A_944 = tpu.memref_slice %arg27[%add3A_833] : memref<819200xi32, #tpu.memory_space<hbm>> -> memref<3200xi32, #tpu.memory_space<hbm>>
      %dma_wait3A_945 = tpu.memref_slice %arg27[%add3A_833] : memref<819200xi32, #tpu.memory_space<hbm>> -> memref<3200xi32, #tpu.memory_space<hbm>>
      tpu.wait_dma2 semaphore(%run_scoped3A : memref<!tpu.dma_semaphore, #tpu.memory_space<semaphore_mem>>) src(%dma_wait3A_945 : memref<3200xi32, #tpu.memory_space<hbm>>) dst(%arg59 : memref<3200xi32, #tpu.memory_space<vmem>>)
      tpu.yield
    }) : () -> ()
    %dma_start3A_834 = arith.constant 0 : i32
    %dma_start3A_835 = arith.constant 0 : i32
    %dma_start3A_836 = tpu.memref_slice %arg54[%dma_start3A_834, %dma_start3A_835] : memref<100000x16xf32, #tpu.memory_space<hbm>> -> memref<100000x16xf32, #tpu.memory_space<hbm>>
    tpu.enqueue_indirect_dma source(%dma_start3A_836 : memref<100000x16xf32, #tpu.memory_space<hbm>>) target(%arg60 : memref<3200x16xf32, #tpu.memory_space<vmem>>) offsets(%arg59 : memref<3200xi32, #tpu.memory_space<vmem>>) semaphore(%arg66 : memref<!tpu.dma_semaphore, #tpu.memory_space<semaphore_mem>>)
    %dma_wait3A_837 = arith.constant 0 : i32
    %dma_wait3A_838 = arith.constant 0 : i32
    %dma_wait3A_839 = tpu.memref_slice %arg54[%dma_wait3A_837, %dma_wait3A_838] : memref<100000x16xf32, #tpu.memory_space<hbm>> -> memref<100000x16xf32, #tpu.memory_space<hbm>>
    tpu.wait_indirect_dma semaphore(%arg66 : memref<!tpu.dma_semaphore, #tpu.memory_space<semaphore_mem>>) src(%dma_wait3A_839 : memref<100000x16xf32, #tpu.memory_space<hbm>>) dst(%arg60 : memref<3200x16xf32, #tpu.memory_space<vmem>>)
    %mul3A_840 = arith.constant 64 : i32
    %mul3A_841 = arith.muli %arg1, %mul3A_840 : i32
    "tpu.region"() ({
      %run_scoped3A = tpu.sem_alloc : memref<!tpu.dma_semaphore, #tpu.memory_space<semaphore_mem>>
      %dma_start3A_942 = arith.constant 0 : i32
      %dma_start3A_943 = tpu.memref_slice %arg64[%mul3A_841, %dma_start3A_942] : memref<1024x16xf32, #tpu.memory_space<vmem_shared>> -> memref<64x16xf32, #tpu.memory_space<vmem_shared>>
      %dma_start3A_944 = arith.constant 0 : i32
      %dma_start3A_945 = tpu.memref_slice %arg64[%mul3A_841, %dma_start3A_944] : memref<1024x16xf32, #tpu.memory_space<vmem_shared>> -> memref<64x16xf32, #tpu.memory_space<vmem_shared>>
      tpu.enqueue_dma source(%arg62 : memref<64x16xf32, #tpu.memory_space<vmem>>) target(%dma_start3A_945 : memref<64x16xf32, #tpu.memory_space<vmem_shared>>) target_semaphore(%run_scoped3A : memref<!tpu.dma_semaphore, #tpu.memory_space<semaphore_mem>>)
      %dma_wait3A_946 = arith.constant 0 : i32
      %dma_wait3A_947 = tpu.memref_slice %arg64[%mul3A_841, %dma_wait3A_946] : memref<1024x16xf32, #tpu.memory_space<vmem_shared>> -> memref<64x16xf32, #tpu.memory_space<vmem_shared>>
      %dma_wait3A_948 = arith.constant 0 : i32
      %dma_wait3A_949 = tpu.memref_slice %arg64[%mul3A_841, %dma_wait3A_948] : memref<1024x16xf32, #tpu.memory_space<vmem_shared>> -> memref<64x16xf32, #tpu.memory_space<vmem_shared>>
      tpu.wait_dma2 semaphore(%run_scoped3A : memref<!tpu.dma_semaphore, #tpu.memory_space<semaphore_mem>>) src(%arg62 : memref<64x16xf32, #tpu.memory_space<vmem>>) dst(%dma_wait3A_949 : memref<64x16xf32, #tpu.memory_space<vmem_shared>>)
      tpu.yield
    }) : () -> ()
    "tpu.region"() ({
      %run_scoped3A = tpu.sem_alloc : memref<!tpu.dma_semaphore, #tpu.memory_space<semaphore_mem>>
      %dma_start3A_942 = arith.constant 0 : i32
      %dma_start3A_943 = arith.constant 0 : i32
      %dma_start3A_944 = tpu.memref_slice %arg64[%dma_start3A_942, %dma_start3A_943] : memref<1024x16xf32, #tpu.memory_space<vmem_shared>> -> memref<1024x16xf32, #tpu.memory_space<vmem_shared>>
      tpu.enqueue_indirect_dma source(%arg60 : memref<3200x16xf32, #tpu.memory_space<vmem>>) target(%dma_start3A_944 : memref<1024x16xf32, #tpu.memory_space<vmem_shared>>) offsets(%arg61 : memref<3200xi32, #tpu.memory_space<vmem>>) semaphore(%run_scoped3A : memref<!tpu.dma_semaphore, #tpu.memory_space<semaphore_mem>>) {add = true}
      %dma_wait3A_945 = arith.constant 0 : i32
      %dma_wait3A_946 = arith.constant 0 : i32
      %dma_wait3A_947 = tpu.memref_slice %arg64[%dma_wait3A_945, %dma_wait3A_946] : memref<1024x16xf32, #tpu.memory_space<vmem_shared>> -> memref<1024x16xf32, #tpu.memory_space<vmem_shared>>
      tpu.wait_indirect_dma semaphore(%run_scoped3A : memref<!tpu.dma_semaphore, #tpu.memory_space<semaphore_mem>>) src(%arg60 : memref<3200x16xf32, #tpu.memory_space<vmem>>) dst(%dma_wait3A_947 : memref<1024x16xf32, #tpu.memory_space<vmem_shared>>)
      tpu.yield
    }) : () -> ()
    %mul3A_842 = arith.constant 64 : i32
    %mul3A_843 = arith.muli %arg1, %mul3A_842 : i32
    "tpu.region"() ({
      %run_scoped3A = tpu.sem_alloc : memref<!tpu.dma_semaphore, #tpu.memory_space<semaphore_mem>>
      %dma_start3A_942 = arith.constant 0 : i32
      %dma_start3A_943 = tpu.memref_slice %arg64[%mul3A_843, %dma_start3A_942] : memref<1024x16xf32, #tpu.memory_space<vmem_shared>> -> memref<64x16xf32, #tpu.memory_space<vmem_shared>>
      %dma_start3A_944 = arith.constant 0 : i32
      %dma_start3A_945 = tpu.memref_slice %arg64[%mul3A_843, %dma_start3A_944] : memref<1024x16xf32, #tpu.memory_space<vmem_shared>> -> memref<64x16xf32, #tpu.memory_space<vmem_shared>>
      tpu.enqueue_dma source(%dma_start3A_945 : memref<64x16xf32, #tpu.memory_space<vmem_shared>>) target(%arg63 : memref<64x16xf32, #tpu.memory_space<vmem>>) target_semaphore(%run_scoped3A : memref<!tpu.dma_semaphore, #tpu.memory_space<semaphore_mem>>)
      %dma_wait3A_946 = arith.constant 0 : i32
      %dma_wait3A_947 = tpu.memref_slice %arg64[%mul3A_843, %dma_wait3A_946] : memref<1024x16xf32, #tpu.memory_space<vmem_shared>> -> memref<64x16xf32, #tpu.memory_space<vmem_shared>>
      %dma_wait3A_948 = arith.constant 0 : i32
      %dma_wait3A_949 = tpu.memref_slice %arg64[%mul3A_843, %dma_wait3A_948] : memref<1024x16xf32, #tpu.memory_space<vmem_shared>> -> memref<64x16xf32, #tpu.memory_space<vmem_shared>>
      tpu.wait_dma2 semaphore(%run_scoped3A : memref<!tpu.dma_semaphore, #tpu.memory_space<semaphore_mem>>) src(%dma_wait3A_949 : memref<64x16xf32, #tpu.memory_space<vmem_shared>>) dst(%arg63 : memref<64x16xf32, #tpu.memory_space<vmem>>)
      tpu.yield
    }) : () -> ()
    %add3A_844 = arith.constant 64 : i32
    %add3A_845 = arith.addi %mul3A_2, %add3A_844 : i32
    "tpu.region"() ({
      %run_scoped3A = tpu.sem_alloc : memref<!tpu.dma_semaphore, #tpu.memory_space<semaphore_mem>>
      %dma_start3A_942 = arith.constant 400 : i32
      %dma_start3A_943 = tpu.memref_slice %arg55[%add3A_845, %dma_start3A_942] : memref<16384x416xf32, #tpu.memory_space<hbm>> -> memref<64x16xf32, #tpu.memory_space<hbm>>
      %dma_start3A_944 = arith.constant 400 : i32
      %dma_start3A_945 = tpu.memref_slice %arg55[%add3A_845, %dma_start3A_944] : memref<16384x416xf32, #tpu.memory_space<hbm>> -> memref<64x16xf32, #tpu.memory_space<hbm>>
      tpu.enqueue_dma source(%arg63 : memref<64x16xf32, #tpu.memory_space<vmem>>) target(%dma_start3A_945 : memref<64x16xf32, #tpu.memory_space<hbm>>) target_semaphore(%run_scoped3A : memref<!tpu.dma_semaphore, #tpu.memory_space<semaphore_mem>>)
      %dma_wait3A_946 = arith.constant 400 : i32
      %dma_wait3A_947 = tpu.memref_slice %arg55[%add3A_845, %dma_wait3A_946] : memref<16384x416xf32, #tpu.memory_space<hbm>> -> memref<64x16xf32, #tpu.memory_space<hbm>>
      %dma_wait3A_948 = arith.constant 400 : i32
      %dma_wait3A_949 = tpu.memref_slice %arg55[%add3A_845, %dma_wait3A_948] : memref<16384x416xf32, #tpu.memory_space<hbm>> -> memref<64x16xf32, #tpu.memory_space<hbm>>
      tpu.wait_dma2 semaphore(%run_scoped3A : memref<!tpu.dma_semaphore, #tpu.memory_space<semaphore_mem>>) src(%arg63 : memref<64x16xf32, #tpu.memory_space<vmem>>) dst(%dma_wait3A_949 : memref<64x16xf32, #tpu.memory_space<hbm>>)
      tpu.yield
    }) : () -> ()
    %mul3A_846 = arith.constant 50 : i32
    %mul3A_847 = arith.muli %mul3A_2, %mul3A_846 : i32
    %add3A_848 = arith.constant 6400 : i32
    %add3A_849 = arith.addi %mul3A_847, %add3A_848 : i32
    "tpu.region"() ({
      %run_scoped3A = tpu.sem_alloc : memref<!tpu.dma_semaphore, #tpu.memory_space<semaphore_mem>>
      %dma_start3A_942 = tpu.memref_slice %arg27[%add3A_849] : memref<819200xi32, #tpu.memory_space<hbm>> -> memref<3200xi32, #tpu.memory_space<hbm>>
      %dma_start3A_943 = tpu.memref_slice %arg27[%add3A_849] : memref<819200xi32, #tpu.memory_space<hbm>> -> memref<3200xi32, #tpu.memory_space<hbm>>
      tpu.enqueue_dma source(%dma_start3A_943 : memref<3200xi32, #tpu.memory_space<hbm>>) target(%arg59 : memref<3200xi32, #tpu.memory_space<vmem>>) target_semaphore(%run_scoped3A : memref<!tpu.dma_semaphore, #tpu.memory_space<semaphore_mem>>)
      %dma_wait3A_944 = tpu.memref_slice %arg27[%add3A_849] : memref<819200xi32, #tpu.memory_space<hbm>> -> memref<3200xi32, #tpu.memory_space<hbm>>
      %dma_wait3A_945 = tpu.memref_slice %arg27[%add3A_849] : memref<819200xi32, #tpu.memory_space<hbm>> -> memref<3200xi32, #tpu.memory_space<hbm>>
      tpu.wait_dma2 semaphore(%run_scoped3A : memref<!tpu.dma_semaphore, #tpu.memory_space<semaphore_mem>>) src(%dma_wait3A_945 : memref<3200xi32, #tpu.memory_space<hbm>>) dst(%arg59 : memref<3200xi32, #tpu.memory_space<vmem>>)
      tpu.yield
    }) : () -> ()
    %dma_start3A_850 = arith.constant 0 : i32
    %dma_start3A_851 = arith.constant 0 : i32
    %dma_start3A_852 = tpu.memref_slice %arg54[%dma_start3A_850, %dma_start3A_851] : memref<100000x16xf32, #tpu.memory_space<hbm>> -> memref<100000x16xf32, #tpu.memory_space<hbm>>
    tpu.enqueue_indirect_dma source(%dma_start3A_852 : memref<100000x16xf32, #tpu.memory_space<hbm>>) target(%arg60 : memref<3200x16xf32, #tpu.memory_space<vmem>>) offsets(%arg59 : memref<3200xi32, #tpu.memory_space<vmem>>) semaphore(%arg66 : memref<!tpu.dma_semaphore, #tpu.memory_space<semaphore_mem>>)
    %dma_wait3A_853 = arith.constant 0 : i32
    %dma_wait3A_854 = arith.constant 0 : i32
    %dma_wait3A_855 = tpu.memref_slice %arg54[%dma_wait3A_853, %dma_wait3A_854] : memref<100000x16xf32, #tpu.memory_space<hbm>> -> memref<100000x16xf32, #tpu.memory_space<hbm>>
    tpu.wait_indirect_dma semaphore(%arg66 : memref<!tpu.dma_semaphore, #tpu.memory_space<semaphore_mem>>) src(%dma_wait3A_855 : memref<100000x16xf32, #tpu.memory_space<hbm>>) dst(%arg60 : memref<3200x16xf32, #tpu.memory_space<vmem>>)
    %mul3A_856 = arith.constant 64 : i32
    %mul3A_857 = arith.muli %arg1, %mul3A_856 : i32
    "tpu.region"() ({
      %run_scoped3A = tpu.sem_alloc : memref<!tpu.dma_semaphore, #tpu.memory_space<semaphore_mem>>
      %dma_start3A_942 = arith.constant 0 : i32
      %dma_start3A_943 = tpu.memref_slice %arg64[%mul3A_857, %dma_start3A_942] : memref<1024x16xf32, #tpu.memory_space<vmem_shared>> -> memref<64x16xf32, #tpu.memory_space<vmem_shared>>
      %dma_start3A_944 = arith.constant 0 : i32
      %dma_start3A_945 = tpu.memref_slice %arg64[%mul3A_857, %dma_start3A_944] : memref<1024x16xf32, #tpu.memory_space<vmem_shared>> -> memref<64x16xf32, #tpu.memory_space<vmem_shared>>
      tpu.enqueue_dma source(%arg62 : memref<64x16xf32, #tpu.memory_space<vmem>>) target(%dma_start3A_945 : memref<64x16xf32, #tpu.memory_space<vmem_shared>>) target_semaphore(%run_scoped3A : memref<!tpu.dma_semaphore, #tpu.memory_space<semaphore_mem>>)
      %dma_wait3A_946 = arith.constant 0 : i32
      %dma_wait3A_947 = tpu.memref_slice %arg64[%mul3A_857, %dma_wait3A_946] : memref<1024x16xf32, #tpu.memory_space<vmem_shared>> -> memref<64x16xf32, #tpu.memory_space<vmem_shared>>
      %dma_wait3A_948 = arith.constant 0 : i32
      %dma_wait3A_949 = tpu.memref_slice %arg64[%mul3A_857, %dma_wait3A_948] : memref<1024x16xf32, #tpu.memory_space<vmem_shared>> -> memref<64x16xf32, #tpu.memory_space<vmem_shared>>
      tpu.wait_dma2 semaphore(%run_scoped3A : memref<!tpu.dma_semaphore, #tpu.memory_space<semaphore_mem>>) src(%arg62 : memref<64x16xf32, #tpu.memory_space<vmem>>) dst(%dma_wait3A_949 : memref<64x16xf32, #tpu.memory_space<vmem_shared>>)
      tpu.yield
    }) : () -> ()
    "tpu.region"() ({
      %run_scoped3A = tpu.sem_alloc : memref<!tpu.dma_semaphore, #tpu.memory_space<semaphore_mem>>
      %dma_start3A_942 = arith.constant 0 : i32
      %dma_start3A_943 = arith.constant 0 : i32
      %dma_start3A_944 = tpu.memref_slice %arg64[%dma_start3A_942, %dma_start3A_943] : memref<1024x16xf32, #tpu.memory_space<vmem_shared>> -> memref<1024x16xf32, #tpu.memory_space<vmem_shared>>
      tpu.enqueue_indirect_dma source(%arg60 : memref<3200x16xf32, #tpu.memory_space<vmem>>) target(%dma_start3A_944 : memref<1024x16xf32, #tpu.memory_space<vmem_shared>>) offsets(%arg61 : memref<3200xi32, #tpu.memory_space<vmem>>) semaphore(%run_scoped3A : memref<!tpu.dma_semaphore, #tpu.memory_space<semaphore_mem>>) {add = true}
      %dma_wait3A_945 = arith.constant 0 : i32
      %dma_wait3A_946 = arith.constant 0 : i32
      %dma_wait3A_947 = tpu.memref_slice %arg64[%dma_wait3A_945, %dma_wait3A_946] : memref<1024x16xf32, #tpu.memory_space<vmem_shared>> -> memref<1024x16xf32, #tpu.memory_space<vmem_shared>>
      tpu.wait_indirect_dma semaphore(%run_scoped3A : memref<!tpu.dma_semaphore, #tpu.memory_space<semaphore_mem>>) src(%arg60 : memref<3200x16xf32, #tpu.memory_space<vmem>>) dst(%dma_wait3A_947 : memref<1024x16xf32, #tpu.memory_space<vmem_shared>>)
      tpu.yield
    }) : () -> ()
    %mul3A_858 = arith.constant 64 : i32
    %mul3A_859 = arith.muli %arg1, %mul3A_858 : i32
    "tpu.region"() ({
      %run_scoped3A = tpu.sem_alloc : memref<!tpu.dma_semaphore, #tpu.memory_space<semaphore_mem>>
      %dma_start3A_942 = arith.constant 0 : i32
      %dma_start3A_943 = tpu.memref_slice %arg64[%mul3A_859, %dma_start3A_942] : memref<1024x16xf32, #tpu.memory_space<vmem_shared>> -> memref<64x16xf32, #tpu.memory_space<vmem_shared>>
      %dma_start3A_944 = arith.constant 0 : i32
      %dma_start3A_945 = tpu.memref_slice %arg64[%mul3A_859, %dma_start3A_944] : memref<1024x16xf32, #tpu.memory_space<vmem_shared>> -> memref<64x16xf32, #tpu.memory_space<vmem_shared>>
      tpu.enqueue_dma source(%dma_start3A_945 : memref<64x16xf32, #tpu.memory_space<vmem_shared>>) target(%arg63 : memref<64x16xf32, #tpu.memory_space<vmem>>) target_semaphore(%run_scoped3A : memref<!tpu.dma_semaphore, #tpu.memory_space<semaphore_mem>>)
      %dma_wait3A_946 = arith.constant 0 : i32
      %dma_wait3A_947 = tpu.memref_slice %arg64[%mul3A_859, %dma_wait3A_946] : memref<1024x16xf32, #tpu.memory_space<vmem_shared>> -> memref<64x16xf32, #tpu.memory_space<vmem_shared>>
      %dma_wait3A_948 = arith.constant 0 : i32
      %dma_wait3A_949 = tpu.memref_slice %arg64[%mul3A_859, %dma_wait3A_948] : memref<1024x16xf32, #tpu.memory_space<vmem_shared>> -> memref<64x16xf32, #tpu.memory_space<vmem_shared>>
      tpu.wait_dma2 semaphore(%run_scoped3A : memref<!tpu.dma_semaphore, #tpu.memory_space<semaphore_mem>>) src(%dma_wait3A_949 : memref<64x16xf32, #tpu.memory_space<vmem_shared>>) dst(%arg63 : memref<64x16xf32, #tpu.memory_space<vmem>>)
      tpu.yield
    }) : () -> ()
    %add3A_860 = arith.constant 128 : i32
    %add3A_861 = arith.addi %mul3A_2, %add3A_860 : i32
    "tpu.region"() ({
      %run_scoped3A = tpu.sem_alloc : memref<!tpu.dma_semaphore, #tpu.memory_space<semaphore_mem>>
      %dma_start3A_942 = arith.constant 400 : i32
      %dma_start3A_943 = tpu.memref_slice %arg55[%add3A_861, %dma_start3A_942] : memref<16384x416xf32, #tpu.memory_space<hbm>> -> memref<64x16xf32, #tpu.memory_space<hbm>>
      %dma_start3A_944 = arith.constant 400 : i32
      %dma_start3A_945 = tpu.memref_slice %arg55[%add3A_861, %dma_start3A_944] : memref<16384x416xf32, #tpu.memory_space<hbm>> -> memref<64x16xf32, #tpu.memory_space<hbm>>
      tpu.enqueue_dma source(%arg63 : memref<64x16xf32, #tpu.memory_space<vmem>>) target(%dma_start3A_945 : memref<64x16xf32, #tpu.memory_space<hbm>>) target_semaphore(%run_scoped3A : memref<!tpu.dma_semaphore, #tpu.memory_space<semaphore_mem>>)
      %dma_wait3A_946 = arith.constant 400 : i32
      %dma_wait3A_947 = tpu.memref_slice %arg55[%add3A_861, %dma_wait3A_946] : memref<16384x416xf32, #tpu.memory_space<hbm>> -> memref<64x16xf32, #tpu.memory_space<hbm>>
      %dma_wait3A_948 = arith.constant 400 : i32
      %dma_wait3A_949 = tpu.memref_slice %arg55[%add3A_861, %dma_wait3A_948] : memref<16384x416xf32, #tpu.memory_space<hbm>> -> memref<64x16xf32, #tpu.memory_space<hbm>>
      tpu.wait_dma2 semaphore(%run_scoped3A : memref<!tpu.dma_semaphore, #tpu.memory_space<semaphore_mem>>) src(%arg63 : memref<64x16xf32, #tpu.memory_space<vmem>>) dst(%dma_wait3A_949 : memref<64x16xf32, #tpu.memory_space<hbm>>)
      tpu.yield
    }) : () -> ()
    %mul3A_862 = arith.constant 50 : i32
    %mul3A_863 = arith.muli %mul3A_2, %mul3A_862 : i32
    %add3A_864 = arith.constant 9600 : i32
    %add3A_865 = arith.addi %mul3A_863, %add3A_864 : i32
    "tpu.region"() ({
      %run_scoped3A = tpu.sem_alloc : memref<!tpu.dma_semaphore, #tpu.memory_space<semaphore_mem>>
      %dma_start3A_942 = tpu.memref_slice %arg27[%add3A_865] : memref<819200xi32, #tpu.memory_space<hbm>> -> memref<3200xi32, #tpu.memory_space<hbm>>
      %dma_start3A_943 = tpu.memref_slice %arg27[%add3A_865] : memref<819200xi32, #tpu.memory_space<hbm>> -> memref<3200xi32, #tpu.memory_space<hbm>>
      tpu.enqueue_dma source(%dma_start3A_943 : memref<3200xi32, #tpu.memory_space<hbm>>) target(%arg59 : memref<3200xi32, #tpu.memory_space<vmem>>) target_semaphore(%run_scoped3A : memref<!tpu.dma_semaphore, #tpu.memory_space<semaphore_mem>>)
      %dma_wait3A_944 = tpu.memref_slice %arg27[%add3A_865] : memref<819200xi32, #tpu.memory_space<hbm>> -> memref<3200xi32, #tpu.memory_space<hbm>>
      %dma_wait3A_945 = tpu.memref_slice %arg27[%add3A_865] : memref<819200xi32, #tpu.memory_space<hbm>> -> memref<3200xi32, #tpu.memory_space<hbm>>
      tpu.wait_dma2 semaphore(%run_scoped3A : memref<!tpu.dma_semaphore, #tpu.memory_space<semaphore_mem>>) src(%dma_wait3A_945 : memref<3200xi32, #tpu.memory_space<hbm>>) dst(%arg59 : memref<3200xi32, #tpu.memory_space<vmem>>)
      tpu.yield
    }) : () -> ()
    %dma_start3A_866 = arith.constant 0 : i32
    %dma_start3A_867 = arith.constant 0 : i32
    %dma_start3A_868 = tpu.memref_slice %arg54[%dma_start3A_866, %dma_start3A_867] : memref<100000x16xf32, #tpu.memory_space<hbm>> -> memref<100000x16xf32, #tpu.memory_space<hbm>>
    tpu.enqueue_indirect_dma source(%dma_start3A_868 : memref<100000x16xf32, #tpu.memory_space<hbm>>) target(%arg60 : memref<3200x16xf32, #tpu.memory_space<vmem>>) offsets(%arg59 : memref<3200xi32, #tpu.memory_space<vmem>>) semaphore(%arg66 : memref<!tpu.dma_semaphore, #tpu.memory_space<semaphore_mem>>)
    %dma_wait3A_869 = arith.constant 0 : i32
    %dma_wait3A_870 = arith.constant 0 : i32
    %dma_wait3A_871 = tpu.memref_slice %arg54[%dma_wait3A_869, %dma_wait3A_870] : memref<100000x16xf32, #tpu.memory_space<hbm>> -> memref<100000x16xf32, #tpu.memory_space<hbm>>
    tpu.wait_indirect_dma semaphore(%arg66 : memref<!tpu.dma_semaphore, #tpu.memory_space<semaphore_mem>>) src(%dma_wait3A_871 : memref<100000x16xf32, #tpu.memory_space<hbm>>) dst(%arg60 : memref<3200x16xf32, #tpu.memory_space<vmem>>)
    %mul3A_872 = arith.constant 64 : i32
    %mul3A_873 = arith.muli %arg1, %mul3A_872 : i32
    "tpu.region"() ({
      %run_scoped3A = tpu.sem_alloc : memref<!tpu.dma_semaphore, #tpu.memory_space<semaphore_mem>>
      %dma_start3A_942 = arith.constant 0 : i32
      %dma_start3A_943 = tpu.memref_slice %arg64[%mul3A_873, %dma_start3A_942] : memref<1024x16xf32, #tpu.memory_space<vmem_shared>> -> memref<64x16xf32, #tpu.memory_space<vmem_shared>>
      %dma_start3A_944 = arith.constant 0 : i32
      %dma_start3A_945 = tpu.memref_slice %arg64[%mul3A_873, %dma_start3A_944] : memref<1024x16xf32, #tpu.memory_space<vmem_shared>> -> memref<64x16xf32, #tpu.memory_space<vmem_shared>>
      tpu.enqueue_dma source(%arg62 : memref<64x16xf32, #tpu.memory_space<vmem>>) target(%dma_start3A_945 : memref<64x16xf32, #tpu.memory_space<vmem_shared>>) target_semaphore(%run_scoped3A : memref<!tpu.dma_semaphore, #tpu.memory_space<semaphore_mem>>)
      %dma_wait3A_946 = arith.constant 0 : i32
      %dma_wait3A_947 = tpu.memref_slice %arg64[%mul3A_873, %dma_wait3A_946] : memref<1024x16xf32, #tpu.memory_space<vmem_shared>> -> memref<64x16xf32, #tpu.memory_space<vmem_shared>>
      %dma_wait3A_948 = arith.constant 0 : i32
      %dma_wait3A_949 = tpu.memref_slice %arg64[%mul3A_873, %dma_wait3A_948] : memref<1024x16xf32, #tpu.memory_space<vmem_shared>> -> memref<64x16xf32, #tpu.memory_space<vmem_shared>>
      tpu.wait_dma2 semaphore(%run_scoped3A : memref<!tpu.dma_semaphore, #tpu.memory_space<semaphore_mem>>) src(%arg62 : memref<64x16xf32, #tpu.memory_space<vmem>>) dst(%dma_wait3A_949 : memref<64x16xf32, #tpu.memory_space<vmem_shared>>)
      tpu.yield
    }) : () -> ()
    "tpu.region"() ({
      %run_scoped3A = tpu.sem_alloc : memref<!tpu.dma_semaphore, #tpu.memory_space<semaphore_mem>>
      %dma_start3A_942 = arith.constant 0 : i32
      %dma_start3A_943 = arith.constant 0 : i32
      %dma_start3A_944 = tpu.memref_slice %arg64[%dma_start3A_942, %dma_start3A_943] : memref<1024x16xf32, #tpu.memory_space<vmem_shared>> -> memref<1024x16xf32, #tpu.memory_space<vmem_shared>>
      tpu.enqueue_indirect_dma source(%arg60 : memref<3200x16xf32, #tpu.memory_space<vmem>>) target(%dma_start3A_944 : memref<1024x16xf32, #tpu.memory_space<vmem_shared>>) offsets(%arg61 : memref<3200xi32, #tpu.memory_space<vmem>>) semaphore(%run_scoped3A : memref<!tpu.dma_semaphore, #tpu.memory_space<semaphore_mem>>) {add = true}
      %dma_wait3A_945 = arith.constant 0 : i32
      %dma_wait3A_946 = arith.constant 0 : i32
      %dma_wait3A_947 = tpu.memref_slice %arg64[%dma_wait3A_945, %dma_wait3A_946] : memref<1024x16xf32, #tpu.memory_space<vmem_shared>> -> memref<1024x16xf32, #tpu.memory_space<vmem_shared>>
      tpu.wait_indirect_dma semaphore(%run_scoped3A : memref<!tpu.dma_semaphore, #tpu.memory_space<semaphore_mem>>) src(%arg60 : memref<3200x16xf32, #tpu.memory_space<vmem>>) dst(%dma_wait3A_947 : memref<1024x16xf32, #tpu.memory_space<vmem_shared>>)
      tpu.yield
    }) : () -> ()
    %mul3A_874 = arith.constant 64 : i32
    %mul3A_875 = arith.muli %arg1, %mul3A_874 : i32
    "tpu.region"() ({
      %run_scoped3A = tpu.sem_alloc : memref<!tpu.dma_semaphore, #tpu.memory_space<semaphore_mem>>
      %dma_start3A_942 = arith.constant 0 : i32
      %dma_start3A_943 = tpu.memref_slice %arg64[%mul3A_875, %dma_start3A_942] : memref<1024x16xf32, #tpu.memory_space<vmem_shared>> -> memref<64x16xf32, #tpu.memory_space<vmem_shared>>
      %dma_start3A_944 = arith.constant 0 : i32
      %dma_start3A_945 = tpu.memref_slice %arg64[%mul3A_875, %dma_start3A_944] : memref<1024x16xf32, #tpu.memory_space<vmem_shared>> -> memref<64x16xf32, #tpu.memory_space<vmem_shared>>
      tpu.enqueue_dma source(%dma_start3A_945 : memref<64x16xf32, #tpu.memory_space<vmem_shared>>) target(%arg63 : memref<64x16xf32, #tpu.memory_space<vmem>>) target_semaphore(%run_scoped3A : memref<!tpu.dma_semaphore, #tpu.memory_space<semaphore_mem>>)
      %dma_wait3A_946 = arith.constant 0 : i32
      %dma_wait3A_947 = tpu.memref_slice %arg64[%mul3A_875, %dma_wait3A_946] : memref<1024x16xf32, #tpu.memory_space<vmem_shared>> -> memref<64x16xf32, #tpu.memory_space<vmem_shared>>
      %dma_wait3A_948 = arith.constant 0 : i32
      %dma_wait3A_949 = tpu.memref_slice %arg64[%mul3A_875, %dma_wait3A_948] : memref<1024x16xf32, #tpu.memory_space<vmem_shared>> -> memref<64x16xf32, #tpu.memory_space<vmem_shared>>
      tpu.wait_dma2 semaphore(%run_scoped3A : memref<!tpu.dma_semaphore, #tpu.memory_space<semaphore_mem>>) src(%dma_wait3A_949 : memref<64x16xf32, #tpu.memory_space<vmem_shared>>) dst(%arg63 : memref<64x16xf32, #tpu.memory_space<vmem>>)
      tpu.yield
    }) : () -> ()
    %add3A_876 = arith.constant 192 : i32
    %add3A_877 = arith.addi %mul3A_2, %add3A_876 : i32
    "tpu.region"() ({
      %run_scoped3A = tpu.sem_alloc : memref<!tpu.dma_semaphore, #tpu.memory_space<semaphore_mem>>
      %dma_start3A_942 = arith.constant 400 : i32
      %dma_start3A_943 = tpu.memref_slice %arg55[%add3A_877, %dma_start3A_942] : memref<16384x416xf32, #tpu.memory_space<hbm>> -> memref<64x16xf32, #tpu.memory_space<hbm>>
      %dma_start3A_944 = arith.constant 400 : i32
      %dma_start3A_945 = tpu.memref_slice %arg55[%add3A_877, %dma_start3A_944] : memref<16384x416xf32, #tpu.memory_space<hbm>> -> memref<64x16xf32, #tpu.memory_space<hbm>>
      tpu.enqueue_dma source(%arg63 : memref<64x16xf32, #tpu.memory_space<vmem>>) target(%dma_start3A_945 : memref<64x16xf32, #tpu.memory_space<hbm>>) target_semaphore(%run_scoped3A : memref<!tpu.dma_semaphore, #tpu.memory_space<semaphore_mem>>)
      %dma_wait3A_946 = arith.constant 400 : i32
      %dma_wait3A_947 = tpu.memref_slice %arg55[%add3A_877, %dma_wait3A_946] : memref<16384x416xf32, #tpu.memory_space<hbm>> -> memref<64x16xf32, #tpu.memory_space<hbm>>
      %dma_wait3A_948 = arith.constant 400 : i32
      %dma_wait3A_949 = tpu.memref_slice %arg55[%add3A_877, %dma_wait3A_948] : memref<16384x416xf32, #tpu.memory_space<hbm>> -> memref<64x16xf32, #tpu.memory_space<hbm>>
      tpu.wait_dma2 semaphore(%run_scoped3A : memref<!tpu.dma_semaphore, #tpu.memory_space<semaphore_mem>>) src(%arg63 : memref<64x16xf32, #tpu.memory_space<vmem>>) dst(%dma_wait3A_949 : memref<64x16xf32, #tpu.memory_space<hbm>>)
      tpu.yield
    }) : () -> ()
    %mul3A_878 = arith.constant 50 : i32
    %mul3A_879 = arith.muli %mul3A_2, %mul3A_878 : i32
    %add3A_880 = arith.constant 12800 : i32
    %add3A_881 = arith.addi %mul3A_879, %add3A_880 : i32
    "tpu.region"() ({
      %run_scoped3A = tpu.sem_alloc : memref<!tpu.dma_semaphore, #tpu.memory_space<semaphore_mem>>
      %dma_start3A_942 = tpu.memref_slice %arg27[%add3A_881] : memref<819200xi32, #tpu.memory_space<hbm>> -> memref<3200xi32, #tpu.memory_space<hbm>>
      %dma_start3A_943 = tpu.memref_slice %arg27[%add3A_881] : memref<819200xi32, #tpu.memory_space<hbm>> -> memref<3200xi32, #tpu.memory_space<hbm>>
      tpu.enqueue_dma source(%dma_start3A_943 : memref<3200xi32, #tpu.memory_space<hbm>>) target(%arg59 : memref<3200xi32, #tpu.memory_space<vmem>>) target_semaphore(%run_scoped3A : memref<!tpu.dma_semaphore, #tpu.memory_space<semaphore_mem>>)
      %dma_wait3A_944 = tpu.memref_slice %arg27[%add3A_881] : memref<819200xi32, #tpu.memory_space<hbm>> -> memref<3200xi32, #tpu.memory_space<hbm>>
      %dma_wait3A_945 = tpu.memref_slice %arg27[%add3A_881] : memref<819200xi32, #tpu.memory_space<hbm>> -> memref<3200xi32, #tpu.memory_space<hbm>>
      tpu.wait_dma2 semaphore(%run_scoped3A : memref<!tpu.dma_semaphore, #tpu.memory_space<semaphore_mem>>) src(%dma_wait3A_945 : memref<3200xi32, #tpu.memory_space<hbm>>) dst(%arg59 : memref<3200xi32, #tpu.memory_space<vmem>>)
      tpu.yield
    }) : () -> ()
    %dma_start3A_882 = arith.constant 0 : i32
    %dma_start3A_883 = arith.constant 0 : i32
    %dma_start3A_884 = tpu.memref_slice %arg54[%dma_start3A_882, %dma_start3A_883] : memref<100000x16xf32, #tpu.memory_space<hbm>> -> memref<100000x16xf32, #tpu.memory_space<hbm>>
    tpu.enqueue_indirect_dma source(%dma_start3A_884 : memref<100000x16xf32, #tpu.memory_space<hbm>>) target(%arg60 : memref<3200x16xf32, #tpu.memory_space<vmem>>) offsets(%arg59 : memref<3200xi32, #tpu.memory_space<vmem>>) semaphore(%arg66 : memref<!tpu.dma_semaphore, #tpu.memory_space<semaphore_mem>>)
    %dma_wait3A_885 = arith.constant 0 : i32
    %dma_wait3A_886 = arith.constant 0 : i32
    %dma_wait3A_887 = tpu.memref_slice %arg54[%dma_wait3A_885, %dma_wait3A_886] : memref<100000x16xf32, #tpu.memory_space<hbm>> -> memref<100000x16xf32, #tpu.memory_space<hbm>>
    tpu.wait_indirect_dma semaphore(%arg66 : memref<!tpu.dma_semaphore, #tpu.memory_space<semaphore_mem>>) src(%dma_wait3A_887 : memref<100000x16xf32, #tpu.memory_space<hbm>>) dst(%arg60 : memref<3200x16xf32, #tpu.memory_space<vmem>>)
    %mul3A_888 = arith.constant 64 : i32
    %mul3A_889 = arith.muli %arg1, %mul3A_888 : i32
    "tpu.region"() ({
      %run_scoped3A = tpu.sem_alloc : memref<!tpu.dma_semaphore, #tpu.memory_space<semaphore_mem>>
      %dma_start3A_942 = arith.constant 0 : i32
      %dma_start3A_943 = tpu.memref_slice %arg64[%mul3A_889, %dma_start3A_942] : memref<1024x16xf32, #tpu.memory_space<vmem_shared>> -> memref<64x16xf32, #tpu.memory_space<vmem_shared>>
      %dma_start3A_944 = arith.constant 0 : i32
      %dma_start3A_945 = tpu.memref_slice %arg64[%mul3A_889, %dma_start3A_944] : memref<1024x16xf32, #tpu.memory_space<vmem_shared>> -> memref<64x16xf32, #tpu.memory_space<vmem_shared>>
      tpu.enqueue_dma source(%arg62 : memref<64x16xf32, #tpu.memory_space<vmem>>) target(%dma_start3A_945 : memref<64x16xf32, #tpu.memory_space<vmem_shared>>) target_semaphore(%run_scoped3A : memref<!tpu.dma_semaphore, #tpu.memory_space<semaphore_mem>>)
      %dma_wait3A_946 = arith.constant 0 : i32
      %dma_wait3A_947 = tpu.memref_slice %arg64[%mul3A_889, %dma_wait3A_946] : memref<1024x16xf32, #tpu.memory_space<vmem_shared>> -> memref<64x16xf32, #tpu.memory_space<vmem_shared>>
      %dma_wait3A_948 = arith.constant 0 : i32
      %dma_wait3A_949 = tpu.memref_slice %arg64[%mul3A_889, %dma_wait3A_948] : memref<1024x16xf32, #tpu.memory_space<vmem_shared>> -> memref<64x16xf32, #tpu.memory_space<vmem_shared>>
      tpu.wait_dma2 semaphore(%run_scoped3A : memref<!tpu.dma_semaphore, #tpu.memory_space<semaphore_mem>>) src(%arg62 : memref<64x16xf32, #tpu.memory_space<vmem>>) dst(%dma_wait3A_949 : memref<64x16xf32, #tpu.memory_space<vmem_shared>>)
      tpu.yield
    }) : () -> ()
    "tpu.region"() ({
      %run_scoped3A = tpu.sem_alloc : memref<!tpu.dma_semaphore, #tpu.memory_space<semaphore_mem>>
      %dma_start3A_942 = arith.constant 0 : i32
      %dma_start3A_943 = arith.constant 0 : i32
      %dma_start3A_944 = tpu.memref_slice %arg64[%dma_start3A_942, %dma_start3A_943] : memref<1024x16xf32, #tpu.memory_space<vmem_shared>> -> memref<1024x16xf32, #tpu.memory_space<vmem_shared>>
      tpu.enqueue_indirect_dma source(%arg60 : memref<3200x16xf32, #tpu.memory_space<vmem>>) target(%dma_start3A_944 : memref<1024x16xf32, #tpu.memory_space<vmem_shared>>) offsets(%arg61 : memref<3200xi32, #tpu.memory_space<vmem>>) semaphore(%run_scoped3A : memref<!tpu.dma_semaphore, #tpu.memory_space<semaphore_mem>>) {add = true}
      %dma_wait3A_945 = arith.constant 0 : i32
      %dma_wait3A_946 = arith.constant 0 : i32
      %dma_wait3A_947 = tpu.memref_slice %arg64[%dma_wait3A_945, %dma_wait3A_946] : memref<1024x16xf32, #tpu.memory_space<vmem_shared>> -> memref<1024x16xf32, #tpu.memory_space<vmem_shared>>
      tpu.wait_indirect_dma semaphore(%run_scoped3A : memref<!tpu.dma_semaphore, #tpu.memory_space<semaphore_mem>>) src(%arg60 : memref<3200x16xf32, #tpu.memory_space<vmem>>) dst(%dma_wait3A_947 : memref<1024x16xf32, #tpu.memory_space<vmem_shared>>)
      tpu.yield
    }) : () -> ()
    %mul3A_890 = arith.constant 64 : i32
    %mul3A_891 = arith.muli %arg1, %mul3A_890 : i32
    "tpu.region"() ({
      %run_scoped3A = tpu.sem_alloc : memref<!tpu.dma_semaphore, #tpu.memory_space<semaphore_mem>>
      %dma_start3A_942 = arith.constant 0 : i32
      %dma_start3A_943 = tpu.memref_slice %arg64[%mul3A_891, %dma_start3A_942] : memref<1024x16xf32, #tpu.memory_space<vmem_shared>> -> memref<64x16xf32, #tpu.memory_space<vmem_shared>>
      %dma_start3A_944 = arith.constant 0 : i32
      %dma_start3A_945 = tpu.memref_slice %arg64[%mul3A_891, %dma_start3A_944] : memref<1024x16xf32, #tpu.memory_space<vmem_shared>> -> memref<64x16xf32, #tpu.memory_space<vmem_shared>>
      tpu.enqueue_dma source(%dma_start3A_945 : memref<64x16xf32, #tpu.memory_space<vmem_shared>>) target(%arg63 : memref<64x16xf32, #tpu.memory_space<vmem>>) target_semaphore(%run_scoped3A : memref<!tpu.dma_semaphore, #tpu.memory_space<semaphore_mem>>)
      %dma_wait3A_946 = arith.constant 0 : i32
      %dma_wait3A_947 = tpu.memref_slice %arg64[%mul3A_891, %dma_wait3A_946] : memref<1024x16xf32, #tpu.memory_space<vmem_shared>> -> memref<64x16xf32, #tpu.memory_space<vmem_shared>>
      %dma_wait3A_948 = arith.constant 0 : i32
      %dma_wait3A_949 = tpu.memref_slice %arg64[%mul3A_891, %dma_wait3A_948] : memref<1024x16xf32, #tpu.memory_space<vmem_shared>> -> memref<64x16xf32, #tpu.memory_space<vmem_shared>>
      tpu.wait_dma2 semaphore(%run_scoped3A : memref<!tpu.dma_semaphore, #tpu.memory_space<semaphore_mem>>) src(%dma_wait3A_949 : memref<64x16xf32, #tpu.memory_space<vmem_shared>>) dst(%arg63 : memref<64x16xf32, #tpu.memory_space<vmem>>)
      tpu.yield
    }) : () -> ()
    %add3A_892 = arith.constant 256 : i32
    %add3A_893 = arith.addi %mul3A_2, %add3A_892 : i32
    "tpu.region"() ({
      %run_scoped3A = tpu.sem_alloc : memref<!tpu.dma_semaphore, #tpu.memory_space<semaphore_mem>>
      %dma_start3A_942 = arith.constant 400 : i32
      %dma_start3A_943 = tpu.memref_slice %arg55[%add3A_893, %dma_start3A_942] : memref<16384x416xf32, #tpu.memory_space<hbm>> -> memref<64x16xf32, #tpu.memory_space<hbm>>
      %dma_start3A_944 = arith.constant 400 : i32
      %dma_start3A_945 = tpu.memref_slice %arg55[%add3A_893, %dma_start3A_944] : memref<16384x416xf32, #tpu.memory_space<hbm>> -> memref<64x16xf32, #tpu.memory_space<hbm>>
      tpu.enqueue_dma source(%arg63 : memref<64x16xf32, #tpu.memory_space<vmem>>) target(%dma_start3A_945 : memref<64x16xf32, #tpu.memory_space<hbm>>) target_semaphore(%run_scoped3A : memref<!tpu.dma_semaphore, #tpu.memory_space<semaphore_mem>>)
      %dma_wait3A_946 = arith.constant 400 : i32
      %dma_wait3A_947 = tpu.memref_slice %arg55[%add3A_893, %dma_wait3A_946] : memref<16384x416xf32, #tpu.memory_space<hbm>> -> memref<64x16xf32, #tpu.memory_space<hbm>>
      %dma_wait3A_948 = arith.constant 400 : i32
      %dma_wait3A_949 = tpu.memref_slice %arg55[%add3A_893, %dma_wait3A_948] : memref<16384x416xf32, #tpu.memory_space<hbm>> -> memref<64x16xf32, #tpu.memory_space<hbm>>
      tpu.wait_dma2 semaphore(%run_scoped3A : memref<!tpu.dma_semaphore, #tpu.memory_space<semaphore_mem>>) src(%arg63 : memref<64x16xf32, #tpu.memory_space<vmem>>) dst(%dma_wait3A_949 : memref<64x16xf32, #tpu.memory_space<hbm>>)
      tpu.yield
    }) : () -> ()
    %mul3A_894 = arith.constant 50 : i32
    %mul3A_895 = arith.muli %mul3A_2, %mul3A_894 : i32
    %add3A_896 = arith.constant 16000 : i32
    %add3A_897 = arith.addi %mul3A_895, %add3A_896 : i32
    "tpu.region"() ({
      %run_scoped3A = tpu.sem_alloc : memref<!tpu.dma_semaphore, #tpu.memory_space<semaphore_mem>>
      %dma_start3A_942 = tpu.memref_slice %arg27[%add3A_897] : memref<819200xi32, #tpu.memory_space<hbm>> -> memref<3200xi32, #tpu.memory_space<hbm>>
      %dma_start3A_943 = tpu.memref_slice %arg27[%add3A_897] : memref<819200xi32, #tpu.memory_space<hbm>> -> memref<3200xi32, #tpu.memory_space<hbm>>
      tpu.enqueue_dma source(%dma_start3A_943 : memref<3200xi32, #tpu.memory_space<hbm>>) target(%arg59 : memref<3200xi32, #tpu.memory_space<vmem>>) target_semaphore(%run_scoped3A : memref<!tpu.dma_semaphore, #tpu.memory_space<semaphore_mem>>)
      %dma_wait3A_944 = tpu.memref_slice %arg27[%add3A_897] : memref<819200xi32, #tpu.memory_space<hbm>> -> memref<3200xi32, #tpu.memory_space<hbm>>
      %dma_wait3A_945 = tpu.memref_slice %arg27[%add3A_897] : memref<819200xi32, #tpu.memory_space<hbm>> -> memref<3200xi32, #tpu.memory_space<hbm>>
      tpu.wait_dma2 semaphore(%run_scoped3A : memref<!tpu.dma_semaphore, #tpu.memory_space<semaphore_mem>>) src(%dma_wait3A_945 : memref<3200xi32, #tpu.memory_space<hbm>>) dst(%arg59 : memref<3200xi32, #tpu.memory_space<vmem>>)
      tpu.yield
    }) : () -> ()
    %dma_start3A_898 = arith.constant 0 : i32
    %dma_start3A_899 = arith.constant 0 : i32
    %dma_start3A_900 = tpu.memref_slice %arg54[%dma_start3A_898, %dma_start3A_899] : memref<100000x16xf32, #tpu.memory_space<hbm>> -> memref<100000x16xf32, #tpu.memory_space<hbm>>
    tpu.enqueue_indirect_dma source(%dma_start3A_900 : memref<100000x16xf32, #tpu.memory_space<hbm>>) target(%arg60 : memref<3200x16xf32, #tpu.memory_space<vmem>>) offsets(%arg59 : memref<3200xi32, #tpu.memory_space<vmem>>) semaphore(%arg66 : memref<!tpu.dma_semaphore, #tpu.memory_space<semaphore_mem>>)
    %dma_wait3A_901 = arith.constant 0 : i32
    %dma_wait3A_902 = arith.constant 0 : i32
    %dma_wait3A_903 = tpu.memref_slice %arg54[%dma_wait3A_901, %dma_wait3A_902] : memref<100000x16xf32, #tpu.memory_space<hbm>> -> memref<100000x16xf32, #tpu.memory_space<hbm>>
    tpu.wait_indirect_dma semaphore(%arg66 : memref<!tpu.dma_semaphore, #tpu.memory_space<semaphore_mem>>) src(%dma_wait3A_903 : memref<100000x16xf32, #tpu.memory_space<hbm>>) dst(%arg60 : memref<3200x16xf32, #tpu.memory_space<vmem>>)
    %mul3A_904 = arith.constant 64 : i32
    %mul3A_905 = arith.muli %arg1, %mul3A_904 : i32
    "tpu.region"() ({
      %run_scoped3A = tpu.sem_alloc : memref<!tpu.dma_semaphore, #tpu.memory_space<semaphore_mem>>
      %dma_start3A_942 = arith.constant 0 : i32
      %dma_start3A_943 = tpu.memref_slice %arg64[%mul3A_905, %dma_start3A_942] : memref<1024x16xf32, #tpu.memory_space<vmem_shared>> -> memref<64x16xf32, #tpu.memory_space<vmem_shared>>
      %dma_start3A_944 = arith.constant 0 : i32
      %dma_start3A_945 = tpu.memref_slice %arg64[%mul3A_905, %dma_start3A_944] : memref<1024x16xf32, #tpu.memory_space<vmem_shared>> -> memref<64x16xf32, #tpu.memory_space<vmem_shared>>
      tpu.enqueue_dma source(%arg62 : memref<64x16xf32, #tpu.memory_space<vmem>>) target(%dma_start3A_945 : memref<64x16xf32, #tpu.memory_space<vmem_shared>>) target_semaphore(%run_scoped3A : memref<!tpu.dma_semaphore, #tpu.memory_space<semaphore_mem>>)
      %dma_wait3A_946 = arith.constant 0 : i32
      %dma_wait3A_947 = tpu.memref_slice %arg64[%mul3A_905, %dma_wait3A_946] : memref<1024x16xf32, #tpu.memory_space<vmem_shared>> -> memref<64x16xf32, #tpu.memory_space<vmem_shared>>
      %dma_wait3A_948 = arith.constant 0 : i32
      %dma_wait3A_949 = tpu.memref_slice %arg64[%mul3A_905, %dma_wait3A_948] : memref<1024x16xf32, #tpu.memory_space<vmem_shared>> -> memref<64x16xf32, #tpu.memory_space<vmem_shared>>
      tpu.wait_dma2 semaphore(%run_scoped3A : memref<!tpu.dma_semaphore, #tpu.memory_space<semaphore_mem>>) src(%arg62 : memref<64x16xf32, #tpu.memory_space<vmem>>) dst(%dma_wait3A_949 : memref<64x16xf32, #tpu.memory_space<vmem_shared>>)
      tpu.yield
    }) : () -> ()
    "tpu.region"() ({
      %run_scoped3A = tpu.sem_alloc : memref<!tpu.dma_semaphore, #tpu.memory_space<semaphore_mem>>
      %dma_start3A_942 = arith.constant 0 : i32
      %dma_start3A_943 = arith.constant 0 : i32
      %dma_start3A_944 = tpu.memref_slice %arg64[%dma_start3A_942, %dma_start3A_943] : memref<1024x16xf32, #tpu.memory_space<vmem_shared>> -> memref<1024x16xf32, #tpu.memory_space<vmem_shared>>
      tpu.enqueue_indirect_dma source(%arg60 : memref<3200x16xf32, #tpu.memory_space<vmem>>) target(%dma_start3A_944 : memref<1024x16xf32, #tpu.memory_space<vmem_shared>>) offsets(%arg61 : memref<3200xi32, #tpu.memory_space<vmem>>) semaphore(%run_scoped3A : memref<!tpu.dma_semaphore, #tpu.memory_space<semaphore_mem>>) {add = true}
      %dma_wait3A_945 = arith.constant 0 : i32
      %dma_wait3A_946 = arith.constant 0 : i32
      %dma_wait3A_947 = tpu.memref_slice %arg64[%dma_wait3A_945, %dma_wait3A_946] : memref<1024x16xf32, #tpu.memory_space<vmem_shared>> -> memref<1024x16xf32, #tpu.memory_space<vmem_shared>>
      tpu.wait_indirect_dma semaphore(%run_scoped3A : memref<!tpu.dma_semaphore, #tpu.memory_space<semaphore_mem>>) src(%arg60 : memref<3200x16xf32, #tpu.memory_space<vmem>>) dst(%dma_wait3A_947 : memref<1024x16xf32, #tpu.memory_space<vmem_shared>>)
      tpu.yield
    }) : () -> ()
    %mul3A_906 = arith.constant 64 : i32
    %mul3A_907 = arith.muli %arg1, %mul3A_906 : i32
    "tpu.region"() ({
      %run_scoped3A = tpu.sem_alloc : memref<!tpu.dma_semaphore, #tpu.memory_space<semaphore_mem>>
      %dma_start3A_942 = arith.constant 0 : i32
      %dma_start3A_943 = tpu.memref_slice %arg64[%mul3A_907, %dma_start3A_942] : memref<1024x16xf32, #tpu.memory_space<vmem_shared>> -> memref<64x16xf32, #tpu.memory_space<vmem_shared>>
      %dma_start3A_944 = arith.constant 0 : i32
      %dma_start3A_945 = tpu.memref_slice %arg64[%mul3A_907, %dma_start3A_944] : memref<1024x16xf32, #tpu.memory_space<vmem_shared>> -> memref<64x16xf32, #tpu.memory_space<vmem_shared>>
      tpu.enqueue_dma source(%dma_start3A_945 : memref<64x16xf32, #tpu.memory_space<vmem_shared>>) target(%arg63 : memref<64x16xf32, #tpu.memory_space<vmem>>) target_semaphore(%run_scoped3A : memref<!tpu.dma_semaphore, #tpu.memory_space<semaphore_mem>>)
      %dma_wait3A_946 = arith.constant 0 : i32
      %dma_wait3A_947 = tpu.memref_slice %arg64[%mul3A_907, %dma_wait3A_946] : memref<1024x16xf32, #tpu.memory_space<vmem_shared>> -> memref<64x16xf32, #tpu.memory_space<vmem_shared>>
      %dma_wait3A_948 = arith.constant 0 : i32
      %dma_wait3A_949 = tpu.memref_slice %arg64[%mul3A_907, %dma_wait3A_948] : memref<1024x16xf32, #tpu.memory_space<vmem_shared>> -> memref<64x16xf32, #tpu.memory_space<vmem_shared>>
      tpu.wait_dma2 semaphore(%run_scoped3A : memref<!tpu.dma_semaphore, #tpu.memory_space<semaphore_mem>>) src(%dma_wait3A_949 : memref<64x16xf32, #tpu.memory_space<vmem_shared>>) dst(%arg63 : memref<64x16xf32, #tpu.memory_space<vmem>>)
      tpu.yield
    }) : () -> ()
    %add3A_908 = arith.constant 320 : i32
    %add3A_909 = arith.addi %mul3A_2, %add3A_908 : i32
    "tpu.region"() ({
      %run_scoped3A = tpu.sem_alloc : memref<!tpu.dma_semaphore, #tpu.memory_space<semaphore_mem>>
      %dma_start3A_942 = arith.constant 400 : i32
      %dma_start3A_943 = tpu.memref_slice %arg55[%add3A_909, %dma_start3A_942] : memref<16384x416xf32, #tpu.memory_space<hbm>> -> memref<64x16xf32, #tpu.memory_space<hbm>>
      %dma_start3A_944 = arith.constant 400 : i32
      %dma_start3A_945 = tpu.memref_slice %arg55[%add3A_909, %dma_start3A_944] : memref<16384x416xf32, #tpu.memory_space<hbm>> -> memref<64x16xf32, #tpu.memory_space<hbm>>
      tpu.enqueue_dma source(%arg63 : memref<64x16xf32, #tpu.memory_space<vmem>>) target(%dma_start3A_945 : memref<64x16xf32, #tpu.memory_space<hbm>>) target_semaphore(%run_scoped3A : memref<!tpu.dma_semaphore, #tpu.memory_space<semaphore_mem>>)
      %dma_wait3A_946 = arith.constant 400 : i32
      %dma_wait3A_947 = tpu.memref_slice %arg55[%add3A_909, %dma_wait3A_946] : memref<16384x416xf32, #tpu.memory_space<hbm>> -> memref<64x16xf32, #tpu.memory_space<hbm>>
      %dma_wait3A_948 = arith.constant 400 : i32
      %dma_wait3A_949 = tpu.memref_slice %arg55[%add3A_909, %dma_wait3A_948] : memref<16384x416xf32, #tpu.memory_space<hbm>> -> memref<64x16xf32, #tpu.memory_space<hbm>>
      tpu.wait_dma2 semaphore(%run_scoped3A : memref<!tpu.dma_semaphore, #tpu.memory_space<semaphore_mem>>) src(%arg63 : memref<64x16xf32, #tpu.memory_space<vmem>>) dst(%dma_wait3A_949 : memref<64x16xf32, #tpu.memory_space<hbm>>)
      tpu.yield
    }) : () -> ()
    %mul3A_910 = arith.constant 50 : i32
    %mul3A_911 = arith.muli %mul3A_2, %mul3A_910 : i32
    %add3A_912 = arith.constant 19200 : i32
    %add3A_913 = arith.addi %mul3A_911, %add3A_912 : i32
    "tpu.region"() ({
      %run_scoped3A = tpu.sem_alloc : memref<!tpu.dma_semaphore, #tpu.memory_space<semaphore_mem>>
      %dma_start3A_942 = tpu.memref_slice %arg27[%add3A_913] : memref<819200xi32, #tpu.memory_space<hbm>> -> memref<3200xi32, #tpu.memory_space<hbm>>
      %dma_start3A_943 = tpu.memref_slice %arg27[%add3A_913] : memref<819200xi32, #tpu.memory_space<hbm>> -> memref<3200xi32, #tpu.memory_space<hbm>>
      tpu.enqueue_dma source(%dma_start3A_943 : memref<3200xi32, #tpu.memory_space<hbm>>) target(%arg59 : memref<3200xi32, #tpu.memory_space<vmem>>) target_semaphore(%run_scoped3A : memref<!tpu.dma_semaphore, #tpu.memory_space<semaphore_mem>>)
      %dma_wait3A_944 = tpu.memref_slice %arg27[%add3A_913] : memref<819200xi32, #tpu.memory_space<hbm>> -> memref<3200xi32, #tpu.memory_space<hbm>>
      %dma_wait3A_945 = tpu.memref_slice %arg27[%add3A_913] : memref<819200xi32, #tpu.memory_space<hbm>> -> memref<3200xi32, #tpu.memory_space<hbm>>
      tpu.wait_dma2 semaphore(%run_scoped3A : memref<!tpu.dma_semaphore, #tpu.memory_space<semaphore_mem>>) src(%dma_wait3A_945 : memref<3200xi32, #tpu.memory_space<hbm>>) dst(%arg59 : memref<3200xi32, #tpu.memory_space<vmem>>)
      tpu.yield
    }) : () -> ()
    %dma_start3A_914 = arith.constant 0 : i32
    %dma_start3A_915 = arith.constant 0 : i32
    %dma_start3A_916 = tpu.memref_slice %arg54[%dma_start3A_914, %dma_start3A_915] : memref<100000x16xf32, #tpu.memory_space<hbm>> -> memref<100000x16xf32, #tpu.memory_space<hbm>>
    tpu.enqueue_indirect_dma source(%dma_start3A_916 : memref<100000x16xf32, #tpu.memory_space<hbm>>) target(%arg60 : memref<3200x16xf32, #tpu.memory_space<vmem>>) offsets(%arg59 : memref<3200xi32, #tpu.memory_space<vmem>>) semaphore(%arg66 : memref<!tpu.dma_semaphore, #tpu.memory_space<semaphore_mem>>)
    %dma_wait3A_917 = arith.constant 0 : i32
    %dma_wait3A_918 = arith.constant 0 : i32
    %dma_wait3A_919 = tpu.memref_slice %arg54[%dma_wait3A_917, %dma_wait3A_918] : memref<100000x16xf32, #tpu.memory_space<hbm>> -> memref<100000x16xf32, #tpu.memory_space<hbm>>
    tpu.wait_indirect_dma semaphore(%arg66 : memref<!tpu.dma_semaphore, #tpu.memory_space<semaphore_mem>>) src(%dma_wait3A_919 : memref<100000x16xf32, #tpu.memory_space<hbm>>) dst(%arg60 : memref<3200x16xf32, #tpu.memory_space<vmem>>)
    %mul3A_920 = arith.constant 64 : i32
    %mul3A_921 = arith.muli %arg1, %mul3A_920 : i32
    "tpu.region"() ({
      %run_scoped3A = tpu.sem_alloc : memref<!tpu.dma_semaphore, #tpu.memory_space<semaphore_mem>>
      %dma_start3A_942 = arith.constant 0 : i32
      %dma_start3A_943 = tpu.memref_slice %arg64[%mul3A_921, %dma_start3A_942] : memref<1024x16xf32, #tpu.memory_space<vmem_shared>> -> memref<64x16xf32, #tpu.memory_space<vmem_shared>>
      %dma_start3A_944 = arith.constant 0 : i32
      %dma_start3A_945 = tpu.memref_slice %arg64[%mul3A_921, %dma_start3A_944] : memref<1024x16xf32, #tpu.memory_space<vmem_shared>> -> memref<64x16xf32, #tpu.memory_space<vmem_shared>>
      tpu.enqueue_dma source(%arg62 : memref<64x16xf32, #tpu.memory_space<vmem>>) target(%dma_start3A_945 : memref<64x16xf32, #tpu.memory_space<vmem_shared>>) target_semaphore(%run_scoped3A : memref<!tpu.dma_semaphore, #tpu.memory_space<semaphore_mem>>)
      %dma_wait3A_946 = arith.constant 0 : i32
      %dma_wait3A_947 = tpu.memref_slice %arg64[%mul3A_921, %dma_wait3A_946] : memref<1024x16xf32, #tpu.memory_space<vmem_shared>> -> memref<64x16xf32, #tpu.memory_space<vmem_shared>>
      %dma_wait3A_948 = arith.constant 0 : i32
      %dma_wait3A_949 = tpu.memref_slice %arg64[%mul3A_921, %dma_wait3A_948] : memref<1024x16xf32, #tpu.memory_space<vmem_shared>> -> memref<64x16xf32, #tpu.memory_space<vmem_shared>>
      tpu.wait_dma2 semaphore(%run_scoped3A : memref<!tpu.dma_semaphore, #tpu.memory_space<semaphore_mem>>) src(%arg62 : memref<64x16xf32, #tpu.memory_space<vmem>>) dst(%dma_wait3A_949 : memref<64x16xf32, #tpu.memory_space<vmem_shared>>)
      tpu.yield
    }) : () -> ()
    "tpu.region"() ({
      %run_scoped3A = tpu.sem_alloc : memref<!tpu.dma_semaphore, #tpu.memory_space<semaphore_mem>>
      %dma_start3A_942 = arith.constant 0 : i32
      %dma_start3A_943 = arith.constant 0 : i32
      %dma_start3A_944 = tpu.memref_slice %arg64[%dma_start3A_942, %dma_start3A_943] : memref<1024x16xf32, #tpu.memory_space<vmem_shared>> -> memref<1024x16xf32, #tpu.memory_space<vmem_shared>>
      tpu.enqueue_indirect_dma source(%arg60 : memref<3200x16xf32, #tpu.memory_space<vmem>>) target(%dma_start3A_944 : memref<1024x16xf32, #tpu.memory_space<vmem_shared>>) offsets(%arg61 : memref<3200xi32, #tpu.memory_space<vmem>>) semaphore(%run_scoped3A : memref<!tpu.dma_semaphore, #tpu.memory_space<semaphore_mem>>) {add = true}
      %dma_wait3A_945 = arith.constant 0 : i32
      %dma_wait3A_946 = arith.constant 0 : i32
      %dma_wait3A_947 = tpu.memref_slice %arg64[%dma_wait3A_945, %dma_wait3A_946] : memref<1024x16xf32, #tpu.memory_space<vmem_shared>> -> memref<1024x16xf32, #tpu.memory_space<vmem_shared>>
      tpu.wait_indirect_dma semaphore(%run_scoped3A : memref<!tpu.dma_semaphore, #tpu.memory_space<semaphore_mem>>) src(%arg60 : memref<3200x16xf32, #tpu.memory_space<vmem>>) dst(%dma_wait3A_947 : memref<1024x16xf32, #tpu.memory_space<vmem_shared>>)
      tpu.yield
    }) : () -> ()
    %mul3A_922 = arith.constant 64 : i32
    %mul3A_923 = arith.muli %arg1, %mul3A_922 : i32
    "tpu.region"() ({
      %run_scoped3A = tpu.sem_alloc : memref<!tpu.dma_semaphore, #tpu.memory_space<semaphore_mem>>
      %dma_start3A_942 = arith.constant 0 : i32
      %dma_start3A_943 = tpu.memref_slice %arg64[%mul3A_923, %dma_start3A_942] : memref<1024x16xf32, #tpu.memory_space<vmem_shared>> -> memref<64x16xf32, #tpu.memory_space<vmem_shared>>
      %dma_start3A_944 = arith.constant 0 : i32
      %dma_start3A_945 = tpu.memref_slice %arg64[%mul3A_923, %dma_start3A_944] : memref<1024x16xf32, #tpu.memory_space<vmem_shared>> -> memref<64x16xf32, #tpu.memory_space<vmem_shared>>
      tpu.enqueue_dma source(%dma_start3A_945 : memref<64x16xf32, #tpu.memory_space<vmem_shared>>) target(%arg63 : memref<64x16xf32, #tpu.memory_space<vmem>>) target_semaphore(%run_scoped3A : memref<!tpu.dma_semaphore, #tpu.memory_space<semaphore_mem>>)
      %dma_wait3A_946 = arith.constant 0 : i32
      %dma_wait3A_947 = tpu.memref_slice %arg64[%mul3A_923, %dma_wait3A_946] : memref<1024x16xf32, #tpu.memory_space<vmem_shared>> -> memref<64x16xf32, #tpu.memory_space<vmem_shared>>
      %dma_wait3A_948 = arith.constant 0 : i32
      %dma_wait3A_949 = tpu.memref_slice %arg64[%mul3A_923, %dma_wait3A_948] : memref<1024x16xf32, #tpu.memory_space<vmem_shared>> -> memref<64x16xf32, #tpu.memory_space<vmem_shared>>
      tpu.wait_dma2 semaphore(%run_scoped3A : memref<!tpu.dma_semaphore, #tpu.memory_space<semaphore_mem>>) src(%dma_wait3A_949 : memref<64x16xf32, #tpu.memory_space<vmem_shared>>) dst(%arg63 : memref<64x16xf32, #tpu.memory_space<vmem>>)
      tpu.yield
    }) : () -> ()
    %add3A_924 = arith.constant 384 : i32
    %add3A_925 = arith.addi %mul3A_2, %add3A_924 : i32
    "tpu.region"() ({
      %run_scoped3A = tpu.sem_alloc : memref<!tpu.dma_semaphore, #tpu.memory_space<semaphore_mem>>
      %dma_start3A_942 = arith.constant 400 : i32
      %dma_start3A_943 = tpu.memref_slice %arg55[%add3A_925, %dma_start3A_942] : memref<16384x416xf32, #tpu.memory_space<hbm>> -> memref<64x16xf32, #tpu.memory_space<hbm>>
      %dma_start3A_944 = arith.constant 400 : i32
      %dma_start3A_945 = tpu.memref_slice %arg55[%add3A_925, %dma_start3A_944] : memref<16384x416xf32, #tpu.memory_space<hbm>> -> memref<64x16xf32, #tpu.memory_space<hbm>>
      tpu.enqueue_dma source(%arg63 : memref<64x16xf32, #tpu.memory_space<vmem>>) target(%dma_start3A_945 : memref<64x16xf32, #tpu.memory_space<hbm>>) target_semaphore(%run_scoped3A : memref<!tpu.dma_semaphore, #tpu.memory_space<semaphore_mem>>)
      %dma_wait3A_946 = arith.constant 400 : i32
      %dma_wait3A_947 = tpu.memref_slice %arg55[%add3A_925, %dma_wait3A_946] : memref<16384x416xf32, #tpu.memory_space<hbm>> -> memref<64x16xf32, #tpu.memory_space<hbm>>
      %dma_wait3A_948 = arith.constant 400 : i32
      %dma_wait3A_949 = tpu.memref_slice %arg55[%add3A_925, %dma_wait3A_948] : memref<16384x416xf32, #tpu.memory_space<hbm>> -> memref<64x16xf32, #tpu.memory_space<hbm>>
      tpu.wait_dma2 semaphore(%run_scoped3A : memref<!tpu.dma_semaphore, #tpu.memory_space<semaphore_mem>>) src(%arg63 : memref<64x16xf32, #tpu.memory_space<vmem>>) dst(%dma_wait3A_949 : memref<64x16xf32, #tpu.memory_space<hbm>>)
      tpu.yield
    }) : () -> ()
    %mul3A_926 = arith.constant 50 : i32
    %mul3A_927 = arith.muli %mul3A_2, %mul3A_926 : i32
    %add3A_928 = arith.constant 22400 : i32
    %add3A_929 = arith.addi %mul3A_927, %add3A_928 : i32
    "tpu.region"() ({
      %run_scoped3A = tpu.sem_alloc : memref<!tpu.dma_semaphore, #tpu.memory_space<semaphore_mem>>
      %dma_start3A_942 = tpu.memref_slice %arg27[%add3A_929] : memref<819200xi32, #tpu.memory_space<hbm>> -> memref<3200xi32, #tpu.memory_space<hbm>>
      %dma_start3A_943 = tpu.memref_slice %arg27[%add3A_929] : memref<819200xi32, #tpu.memory_space<hbm>> -> memref<3200xi32, #tpu.memory_space<hbm>>
      tpu.enqueue_dma source(%dma_start3A_943 : memref<3200xi32, #tpu.memory_space<hbm>>) target(%arg59 : memref<3200xi32, #tpu.memory_space<vmem>>) target_semaphore(%run_scoped3A : memref<!tpu.dma_semaphore, #tpu.memory_space<semaphore_mem>>)
      %dma_wait3A_944 = tpu.memref_slice %arg27[%add3A_929] : memref<819200xi32, #tpu.memory_space<hbm>> -> memref<3200xi32, #tpu.memory_space<hbm>>
      %dma_wait3A_945 = tpu.memref_slice %arg27[%add3A_929] : memref<819200xi32, #tpu.memory_space<hbm>> -> memref<3200xi32, #tpu.memory_space<hbm>>
      tpu.wait_dma2 semaphore(%run_scoped3A : memref<!tpu.dma_semaphore, #tpu.memory_space<semaphore_mem>>) src(%dma_wait3A_945 : memref<3200xi32, #tpu.memory_space<hbm>>) dst(%arg59 : memref<3200xi32, #tpu.memory_space<vmem>>)
      tpu.yield
    }) : () -> ()
    %dma_start3A_930 = arith.constant 0 : i32
    %dma_start3A_931 = arith.constant 0 : i32
    %dma_start3A_932 = tpu.memref_slice %arg54[%dma_start3A_930, %dma_start3A_931] : memref<100000x16xf32, #tpu.memory_space<hbm>> -> memref<100000x16xf32, #tpu.memory_space<hbm>>
    tpu.enqueue_indirect_dma source(%dma_start3A_932 : memref<100000x16xf32, #tpu.memory_space<hbm>>) target(%arg60 : memref<3200x16xf32, #tpu.memory_space<vmem>>) offsets(%arg59 : memref<3200xi32, #tpu.memory_space<vmem>>) semaphore(%arg66 : memref<!tpu.dma_semaphore, #tpu.memory_space<semaphore_mem>>)
    %dma_wait3A_933 = arith.constant 0 : i32
    %dma_wait3A_934 = arith.constant 0 : i32
    %dma_wait3A_935 = tpu.memref_slice %arg54[%dma_wait3A_933, %dma_wait3A_934] : memref<100000x16xf32, #tpu.memory_space<hbm>> -> memref<100000x16xf32, #tpu.memory_space<hbm>>
    tpu.wait_indirect_dma semaphore(%arg66 : memref<!tpu.dma_semaphore, #tpu.memory_space<semaphore_mem>>) src(%dma_wait3A_935 : memref<100000x16xf32, #tpu.memory_space<hbm>>) dst(%arg60 : memref<3200x16xf32, #tpu.memory_space<vmem>>)
    %mul3A_936 = arith.constant 64 : i32
    %mul3A_937 = arith.muli %arg1, %mul3A_936 : i32
    "tpu.region"() ({
      %run_scoped3A = tpu.sem_alloc : memref<!tpu.dma_semaphore, #tpu.memory_space<semaphore_mem>>
      %dma_start3A_942 = arith.constant 0 : i32
      %dma_start3A_943 = tpu.memref_slice %arg64[%mul3A_937, %dma_start3A_942] : memref<1024x16xf32, #tpu.memory_space<vmem_shared>> -> memref<64x16xf32, #tpu.memory_space<vmem_shared>>
      %dma_start3A_944 = arith.constant 0 : i32
      %dma_start3A_945 = tpu.memref_slice %arg64[%mul3A_937, %dma_start3A_944] : memref<1024x16xf32, #tpu.memory_space<vmem_shared>> -> memref<64x16xf32, #tpu.memory_space<vmem_shared>>
      tpu.enqueue_dma source(%arg62 : memref<64x16xf32, #tpu.memory_space<vmem>>) target(%dma_start3A_945 : memref<64x16xf32, #tpu.memory_space<vmem_shared>>) target_semaphore(%run_scoped3A : memref<!tpu.dma_semaphore, #tpu.memory_space<semaphore_mem>>)
      %dma_wait3A_946 = arith.constant 0 : i32
      %dma_wait3A_947 = tpu.memref_slice %arg64[%mul3A_937, %dma_wait3A_946] : memref<1024x16xf32, #tpu.memory_space<vmem_shared>> -> memref<64x16xf32, #tpu.memory_space<vmem_shared>>
      %dma_wait3A_948 = arith.constant 0 : i32
      %dma_wait3A_949 = tpu.memref_slice %arg64[%mul3A_937, %dma_wait3A_948] : memref<1024x16xf32, #tpu.memory_space<vmem_shared>> -> memref<64x16xf32, #tpu.memory_space<vmem_shared>>
      tpu.wait_dma2 semaphore(%run_scoped3A : memref<!tpu.dma_semaphore, #tpu.memory_space<semaphore_mem>>) src(%arg62 : memref<64x16xf32, #tpu.memory_space<vmem>>) dst(%dma_wait3A_949 : memref<64x16xf32, #tpu.memory_space<vmem_shared>>)
      tpu.yield
    }) : () -> ()
    "tpu.region"() ({
      %run_scoped3A = tpu.sem_alloc : memref<!tpu.dma_semaphore, #tpu.memory_space<semaphore_mem>>
      %dma_start3A_942 = arith.constant 0 : i32
      %dma_start3A_943 = arith.constant 0 : i32
      %dma_start3A_944 = tpu.memref_slice %arg64[%dma_start3A_942, %dma_start3A_943] : memref<1024x16xf32, #tpu.memory_space<vmem_shared>> -> memref<1024x16xf32, #tpu.memory_space<vmem_shared>>
      tpu.enqueue_indirect_dma source(%arg60 : memref<3200x16xf32, #tpu.memory_space<vmem>>) target(%dma_start3A_944 : memref<1024x16xf32, #tpu.memory_space<vmem_shared>>) offsets(%arg61 : memref<3200xi32, #tpu.memory_space<vmem>>) semaphore(%run_scoped3A : memref<!tpu.dma_semaphore, #tpu.memory_space<semaphore_mem>>) {add = true}
      %dma_wait3A_945 = arith.constant 0 : i32
      %dma_wait3A_946 = arith.constant 0 : i32
      %dma_wait3A_947 = tpu.memref_slice %arg64[%dma_wait3A_945, %dma_wait3A_946] : memref<1024x16xf32, #tpu.memory_space<vmem_shared>> -> memref<1024x16xf32, #tpu.memory_space<vmem_shared>>
      tpu.wait_indirect_dma semaphore(%run_scoped3A : memref<!tpu.dma_semaphore, #tpu.memory_space<semaphore_mem>>) src(%arg60 : memref<3200x16xf32, #tpu.memory_space<vmem>>) dst(%dma_wait3A_947 : memref<1024x16xf32, #tpu.memory_space<vmem_shared>>)
      tpu.yield
    }) : () -> ()
    %mul3A_938 = arith.constant 64 : i32
    %mul3A_939 = arith.muli %arg1, %mul3A_938 : i32
    "tpu.region"() ({
      %run_scoped3A = tpu.sem_alloc : memref<!tpu.dma_semaphore, #tpu.memory_space<semaphore_mem>>
      %dma_start3A_942 = arith.constant 0 : i32
      %dma_start3A_943 = tpu.memref_slice %arg64[%mul3A_939, %dma_start3A_942] : memref<1024x16xf32, #tpu.memory_space<vmem_shared>> -> memref<64x16xf32, #tpu.memory_space<vmem_shared>>
      %dma_start3A_944 = arith.constant 0 : i32
      %dma_start3A_945 = tpu.memref_slice %arg64[%mul3A_939, %dma_start3A_944] : memref<1024x16xf32, #tpu.memory_space<vmem_shared>> -> memref<64x16xf32, #tpu.memory_space<vmem_shared>>
      tpu.enqueue_dma source(%dma_start3A_945 : memref<64x16xf32, #tpu.memory_space<vmem_shared>>) target(%arg63 : memref<64x16xf32, #tpu.memory_space<vmem>>) target_semaphore(%run_scoped3A : memref<!tpu.dma_semaphore, #tpu.memory_space<semaphore_mem>>)
      %dma_wait3A_946 = arith.constant 0 : i32
      %dma_wait3A_947 = tpu.memref_slice %arg64[%mul3A_939, %dma_wait3A_946] : memref<1024x16xf32, #tpu.memory_space<vmem_shared>> -> memref<64x16xf32, #tpu.memory_space<vmem_shared>>
      %dma_wait3A_948 = arith.constant 0 : i32
      %dma_wait3A_949 = tpu.memref_slice %arg64[%mul3A_939, %dma_wait3A_948] : memref<1024x16xf32, #tpu.memory_space<vmem_shared>> -> memref<64x16xf32, #tpu.memory_space<vmem_shared>>
      tpu.wait_dma2 semaphore(%run_scoped3A : memref<!tpu.dma_semaphore, #tpu.memory_space<semaphore_mem>>) src(%dma_wait3A_949 : memref<64x16xf32, #tpu.memory_space<vmem_shared>>) dst(%arg63 : memref<64x16xf32, #tpu.memory_space<vmem>>)
      tpu.yield
    }) : () -> ()
    %add3A_940 = arith.constant 448 : i32
    %add3A_941 = arith.addi %mul3A_2, %add3A_940 : i32
    "tpu.region"() ({
      %run_scoped3A = tpu.sem_alloc : memref<!tpu.dma_semaphore, #tpu.memory_space<semaphore_mem>>
      %dma_start3A_942 = arith.constant 400 : i32
      %dma_start3A_943 = tpu.memref_slice %arg55[%add3A_941, %dma_start3A_942] : memref<16384x416xf32, #tpu.memory_space<hbm>> -> memref<64x16xf32, #tpu.memory_space<hbm>>
      %dma_start3A_944 = arith.constant 400 : i32
      %dma_start3A_945 = tpu.memref_slice %arg55[%add3A_941, %dma_start3A_944] : memref<16384x416xf32, #tpu.memory_space<hbm>> -> memref<64x16xf32, #tpu.memory_space<hbm>>
      tpu.enqueue_dma source(%arg63 : memref<64x16xf32, #tpu.memory_space<vmem>>) target(%dma_start3A_945 : memref<64x16xf32, #tpu.memory_space<hbm>>) target_semaphore(%run_scoped3A : memref<!tpu.dma_semaphore, #tpu.memory_space<semaphore_mem>>)
      %dma_wait3A_946 = arith.constant 400 : i32
      %dma_wait3A_947 = tpu.memref_slice %arg55[%add3A_941, %dma_wait3A_946] : memref<16384x416xf32, #tpu.memory_space<hbm>> -> memref<64x16xf32, #tpu.memory_space<hbm>>
      %dma_wait3A_948 = arith.constant 400 : i32
      %dma_wait3A_949 = tpu.memref_slice %arg55[%add3A_941, %dma_wait3A_948] : memref<16384x416xf32, #tpu.memory_space<hbm>> -> memref<64x16xf32, #tpu.memory_space<hbm>>
      tpu.wait_dma2 semaphore(%run_scoped3A : memref<!tpu.dma_semaphore, #tpu.memory_space<semaphore_mem>>) src(%arg63 : memref<64x16xf32, #tpu.memory_space<vmem>>) dst(%dma_wait3A_949 : memref<64x16xf32, #tpu.memory_space<hbm>>)
      tpu.yield
    }) : () -> ()
    return
  }
}

#map = affine_map<(d0, d1) -> (0)>
#map1 = affine_map<(d0, d1) -> (0, 0)>
module attributes {stable_mosaic.version = 14 : i64} {
  func.func @_sc_field(%arg0: i32, %arg1: i32, %arg2: memref<16384xi32, #tpu.memory_space<hbm>>, %arg3: memref<1000000x16xf32, #tpu.memory_space<hbm>>, %arg4: memref<16384x16xf32, #tpu.memory_space<hbm>>, %arg5: memref<512xi32, #tpu.memory_space<vmem>>, %arg6: memref<512x16xf32, #tpu.memory_space<vmem>>, %arg7: memref<!tpu.dma_semaphore, #tpu.memory_space<semaphore_mem>>) attributes {dimension_semantics = [#tpu.dimension_semantics<core_parallel>, #tpu.dimension_semantics<subcore_parallel>], iteration_bounds = array<i64: 2, 16>, scalar_prefetch = 0 : i64, scratch_operands = 3 : i64, tpu.core_type = #tpu.core_type<sc_vector_subcore>, window_params = [{transform_indices = #map}, {transform_indices = #map1}, {transform_indices = #map1}]} {
    %mul3A = arith.constant 16 : i32
    %mul3A_0 = arith.muli %arg0, %mul3A : i32
    %add3A = arith.addi %mul3A_0, %arg1 : i32
    %mul3A_1 = arith.constant 512 : i32
    %mul3A_2 = arith.muli %add3A, %mul3A_1 : i32
    "tpu.region"() ({
      %run_scoped3A = tpu.sem_alloc : memref<!tpu.dma_semaphore, #tpu.memory_space<semaphore_mem>>
      %dma_start3A_7 = tpu.memref_slice %arg2[%mul3A_2] : memref<16384xi32, #tpu.memory_space<hbm>> -> memref<512xi32, #tpu.memory_space<hbm>>
      %dma_start3A_8 = tpu.memref_slice %arg2[%mul3A_2] : memref<16384xi32, #tpu.memory_space<hbm>> -> memref<512xi32, #tpu.memory_space<hbm>>
      tpu.enqueue_dma source(%dma_start3A_8 : memref<512xi32, #tpu.memory_space<hbm>>) target(%arg5 : memref<512xi32, #tpu.memory_space<vmem>>) target_semaphore(%run_scoped3A : memref<!tpu.dma_semaphore, #tpu.memory_space<semaphore_mem>>)
      %dma_wait3A_9 = tpu.memref_slice %arg2[%mul3A_2] : memref<16384xi32, #tpu.memory_space<hbm>> -> memref<512xi32, #tpu.memory_space<hbm>>
      %dma_wait3A_10 = tpu.memref_slice %arg2[%mul3A_2] : memref<16384xi32, #tpu.memory_space<hbm>> -> memref<512xi32, #tpu.memory_space<hbm>>
      tpu.wait_dma2 semaphore(%run_scoped3A : memref<!tpu.dma_semaphore, #tpu.memory_space<semaphore_mem>>) src(%dma_wait3A_10 : memref<512xi32, #tpu.memory_space<hbm>>) dst(%arg5 : memref<512xi32, #tpu.memory_space<vmem>>)
      tpu.yield
    }) : () -> ()
    %dma_start3A = arith.constant 0 : i32
    %dma_start3A_3 = arith.constant 0 : i32
    %dma_start3A_4 = tpu.memref_slice %arg3[%dma_start3A, %dma_start3A_3] : memref<1000000x16xf32, #tpu.memory_space<hbm>> -> memref<1000000x16xf32, #tpu.memory_space<hbm>>
    tpu.enqueue_indirect_dma source(%dma_start3A_4 : memref<1000000x16xf32, #tpu.memory_space<hbm>>) target(%arg6 : memref<512x16xf32, #tpu.memory_space<vmem>>) offsets(%arg5 : memref<512xi32, #tpu.memory_space<vmem>>) semaphore(%arg7 : memref<!tpu.dma_semaphore, #tpu.memory_space<semaphore_mem>>)
    %dma_wait3A = arith.constant 0 : i32
    %dma_wait3A_5 = arith.constant 0 : i32
    %dma_wait3A_6 = tpu.memref_slice %arg3[%dma_wait3A, %dma_wait3A_5] : memref<1000000x16xf32, #tpu.memory_space<hbm>> -> memref<1000000x16xf32, #tpu.memory_space<hbm>>
    tpu.wait_indirect_dma semaphore(%arg7 : memref<!tpu.dma_semaphore, #tpu.memory_space<semaphore_mem>>) src(%dma_wait3A_6 : memref<1000000x16xf32, #tpu.memory_space<hbm>>) dst(%arg6 : memref<512x16xf32, #tpu.memory_space<vmem>>)
    "tpu.region"() ({
      %run_scoped3A = tpu.sem_alloc : memref<!tpu.dma_semaphore, #tpu.memory_space<semaphore_mem>>
      %dma_start3A_7 = arith.constant 0 : i32
      %dma_start3A_8 = tpu.memref_slice %arg4[%mul3A_2, %dma_start3A_7] : memref<16384x16xf32, #tpu.memory_space<hbm>> -> memref<512x16xf32, #tpu.memory_space<hbm>>
      %dma_start3A_9 = arith.constant 0 : i32
      %dma_start3A_10 = tpu.memref_slice %arg4[%mul3A_2, %dma_start3A_9] : memref<16384x16xf32, #tpu.memory_space<hbm>> -> memref<512x16xf32, #tpu.memory_space<hbm>>
      tpu.enqueue_dma source(%arg6 : memref<512x16xf32, #tpu.memory_space<vmem>>) target(%dma_start3A_10 : memref<512x16xf32, #tpu.memory_space<hbm>>) target_semaphore(%run_scoped3A : memref<!tpu.dma_semaphore, #tpu.memory_space<semaphore_mem>>)
      %dma_wait3A_11 = arith.constant 0 : i32
      %dma_wait3A_12 = tpu.memref_slice %arg4[%mul3A_2, %dma_wait3A_11] : memref<16384x16xf32, #tpu.memory_space<hbm>> -> memref<512x16xf32, #tpu.memory_space<hbm>>
      %dma_wait3A_13 = arith.constant 0 : i32
      %dma_wait3A_14 = tpu.memref_slice %arg4[%mul3A_2, %dma_wait3A_13] : memref<16384x16xf32, #tpu.memory_space<hbm>> -> memref<512x16xf32, #tpu.memory_space<hbm>>
      tpu.wait_dma2 semaphore(%run_scoped3A : memref<!tpu.dma_semaphore, #tpu.memory_space<semaphore_mem>>) src(%arg6 : memref<512x16xf32, #tpu.memory_space<vmem>>) dst(%dma_wait3A_14 : memref<512x16xf32, #tpu.memory_space<hbm>>)
      tpu.yield
    }) : () -> ()
    return
  }
}

module attributes {stable_mosaic.version = 14 : i64} {
  func.func @_tc_body(%arg0: i32, %arg1: memref<1024x432xf32, #tpu.memory_space<vmem>>, %arg2: memref<1024x1xf32, #tpu.memory_space<vmem>>, %arg3: memref<432x16xf32, #tpu.memory_space<vmem>>, %arg4: memref<432x128xf32, #tpu.memory_space<vmem>>, %arg5: memref<1x128xf32, #tpu.memory_space<vmem>>, %arg6: memref<1x128xf32, #tpu.memory_space<vmem>>, %arg7: memref<128x64xf32, #tpu.memory_space<vmem>>, %arg8: memref<1x64xf32, #tpu.memory_space<vmem>>, %arg9: memref<1x64xf32, #tpu.memory_space<vmem>>, %arg10: memref<1x16xf32, #tpu.memory_space<vmem>>, %arg11: memref<1x3xf32, #tpu.memory_space<vmem>>, %arg12: memref<1024xf32, #tpu.memory_space<vmem>>) attributes {dimension_semantics = [#tpu.dimension_semantics<arbitrary>], iteration_bounds = array<i64: 16>, scalar_prefetch = 0 : i64, scratch_operands = 0 : i64, tpu.core_type = #tpu.core_type<tc>, window_params = [{transform_indices = @transform_0, window_bounds = array<i64: 1024, 432>}, {transform_indices = @transform_1, window_bounds = array<i64: 1024, 1>}, {pipeline_mode = #tpu.pipeline_mode<synchronous>, transform_indices = @transform_2, window_bounds = array<i64: 432, 16>}, {pipeline_mode = #tpu.pipeline_mode<synchronous>, transform_indices = @transform_3, window_bounds = array<i64: 432, 128>}, {pipeline_mode = #tpu.pipeline_mode<synchronous>, transform_indices = @transform_4, window_bounds = array<i64: 1, 128>}, {pipeline_mode = #tpu.pipeline_mode<synchronous>, transform_indices = @transform_5, window_bounds = array<i64: 1, 128>}, {pipeline_mode = #tpu.pipeline_mode<synchronous>, transform_indices = @transform_6, window_bounds = array<i64: 128, 64>}, {pipeline_mode = #tpu.pipeline_mode<synchronous>, transform_indices = @transform_7, window_bounds = array<i64: 1, 64>}, {pipeline_mode = #tpu.pipeline_mode<synchronous>, transform_indices = @transform_8, window_bounds = array<i64: 1, 64>}, {pipeline_mode = #tpu.pipeline_mode<synchronous>, transform_indices = @transform_9, window_bounds = array<i64: 1, 16>}, {pipeline_mode = #tpu.pipeline_mode<synchronous>, transform_indices = @transform_10, window_bounds = array<i64: 1, 3>}, {transform_indices = @transform_11, window_bounds = array<i64: 1024>}]} {
    %get3A = arith.constant 0 : index
    %get3A_0 = arith.constant 0 : index
    %get3A_1 = vector.load %arg1[%get3A, %get3A_0] : memref<1024x432xf32, #tpu.memory_space<vmem>>, vector<1024x432xf32>
    %get3A_2 = arith.constant 0 : index
    %get3A_3 = arith.constant 0 : index
    %get3A_4 = vector.load %arg2[%get3A_2, %get3A_3] : memref<1024x1xf32, #tpu.memory_space<vmem>>, vector<1024x1xf32>
    %get3A_5 = arith.constant 0 : index
    %get3A_6 = arith.constant 0 : index
    %get3A_7 = vector.load %arg11[%get3A_5, %get3A_6] : memref<1x3xf32, #tpu.memory_space<vmem>>, vector<1x1xf32>
    %get3A_8 = arith.constant 0 : index
    %get3A_9 = arith.constant 1 : index
    %get3A_10 = vector.load %arg11[%get3A_8, %get3A_9] : memref<1x3xf32, #tpu.memory_space<vmem>>, vector<1x1xf32>
    %get3A_11 = arith.constant 0 : index
    %get3A_12 = arith.constant 2 : index
    %get3A_13 = vector.load %arg11[%get3A_11, %get3A_12] : memref<1x3xf32, #tpu.memory_space<vmem>>, vector<1x1xf32>
    %get3A_14 = arith.constant 0 : index
    %get3A_15 = arith.constant 0 : index
    %get3A_16 = vector.load %arg3[%get3A_14, %get3A_15] : memref<432x16xf32, #tpu.memory_space<vmem>>, vector<432x16xf32>
    %dot_general3A = arith.constant dense<0.000000e+00> : vector<1024x16xf32>
    %dot_general3A_17 = tpu.matmul %get3A_1, %get3A_16, %dot_general3A {dimension_numbers = #tpu.dot_dimension_numbers<[1], [0], [0], [1], [0, 0, 1, 1], [], []>, transpose_lhs_hint = false} : vector<1024x432xf32>, vector<432x16xf32>, vector<1024x16xf32> -> vector<1024x16xf32>
    %get3A_18 = arith.constant 0 : index
    %get3A_19 = arith.constant 0 : index
    %get3A_20 = vector.load %arg10[%get3A_18, %get3A_19] : memref<1x16xf32, #tpu.memory_space<vmem>>, vector<1x16xf32>
    %mul3A = vector.broadcast %get3A_4 : vector<1024x1xf32> to vector<1024x16xf32>
    %mul3A_21 = vector.broadcast %get3A_20 : vector<1x16xf32> to vector<1024x16xf32>
    %mul3A_22 = arith.mulf %mul3A, %mul3A_21 : vector<1024x16xf32>
    %add3A = arith.addf %dot_general3A_17, %mul3A_22 : vector<1024x16xf32>
    %mul3A_23 = arith.mulf %get3A_1, %get3A_1 : vector<1024x432xf32>
    %reduce_sum3A = arith.constant dense<0.000000e+00> : vector<1024xf32>
    %reduce_sum3A_24 = vector.multi_reduction <add>, %mul3A_23, %reduce_sum3A [1] : vector<1024x432xf32> to vector<1024xf32>
    %broadcast_in_dim3A = vector.shape_cast %reduce_sum3A_24 : vector<1024xf32> to vector<1024x1xf32>
    %mul3A_25 = arith.mulf %get3A_4, %get3A_4 : vector<1024x1xf32>
    %mul3A_26 = vector.broadcast %get3A_13 : vector<1x1xf32> to vector<1024x1xf32>
    %mul3A_27 = arith.mulf %mul3A_25, %mul3A_26 : vector<1024x1xf32>
    %add3A_28 = arith.addf %broadcast_in_dim3A, %mul3A_27 : vector<1024x1xf32>
    %mul3A_29 = arith.mulf %add3A, %add3A : vector<1024x16xf32>
    %reduce_sum3A_30 = arith.constant dense<0.000000e+00> : vector<1024xf32>
    %reduce_sum3A_31 = vector.multi_reduction <add>, %mul3A_29, %reduce_sum3A_30 [1] : vector<1024x16xf32> to vector<1024xf32>
    %broadcast_in_dim3A_32 = vector.shape_cast %reduce_sum3A_31 : vector<1024xf32> to vector<1024x1xf32>
    %sub3A = arith.subf %broadcast_in_dim3A_32, %add3A_28 : vector<1024x1xf32>
    %mul3A_33 = arith.constant 5.000000e-01 : f32
    %mul3A_34 = vector.broadcast %mul3A_33 : f32 to vector<1024x1xf32>
    %mul3A_35 = arith.mulf %mul3A_34, %sub3A : vector<1024x1xf32>
    %get3A_36 = arith.constant 0 : index
    %get3A_37 = arith.constant 0 : index
    %get3A_38 = vector.load %arg4[%get3A_36, %get3A_37] : memref<432x128xf32, #tpu.memory_space<vmem>>, vector<432x128xf32>
    %dot_general3A_39 = arith.constant dense<0.000000e+00> : vector<1024x128xf32>
    %dot_general3A_40 = tpu.matmul %get3A_1, %get3A_38, %dot_general3A_39 {dimension_numbers = #tpu.dot_dimension_numbers<[1], [0], [0], [1], [0, 0, 1, 1], [], []>, transpose_lhs_hint = false} : vector<1024x432xf32>, vector<432x128xf32>, vector<1024x128xf32> -> vector<1024x128xf32>
    %get3A_41 = arith.constant 0 : index
    %get3A_42 = arith.constant 0 : index
    %get3A_43 = vector.load %arg5[%get3A_41, %get3A_42] : memref<1x128xf32, #tpu.memory_space<vmem>>, vector<1x128xf32>
    %mul3A_44 = vector.broadcast %get3A_4 : vector<1024x1xf32> to vector<1024x128xf32>
    %mul3A_45 = vector.broadcast %get3A_43 : vector<1x128xf32> to vector<1024x128xf32>
    %mul3A_46 = arith.mulf %mul3A_44, %mul3A_45 : vector<1024x128xf32>
    %add3A_47 = arith.addf %dot_general3A_40, %mul3A_46 : vector<1024x128xf32>
    %get3A_48 = arith.constant 0 : index
    %get3A_49 = arith.constant 0 : index
    %get3A_50 = vector.load %arg6[%get3A_48, %get3A_49] : memref<1x128xf32, #tpu.memory_space<vmem>>, vector<1x128xf32>
    %add3A_51 = vector.broadcast %get3A_50 : vector<1x128xf32> to vector<1024x128xf32>
    %add3A_52 = arith.addf %add3A_47, %add3A_51 : vector<1024x128xf32>
    %max3A = arith.constant 0.000000e+00 : f32
    %max3A_53 = vector.broadcast %max3A : f32 to vector<1024x128xf32>
    %max3A_54 = arith.maximumf %add3A_52, %max3A_53 : vector<1024x128xf32>
    %get3A_55 = arith.constant 0 : index
    %get3A_56 = arith.constant 0 : index
    %get3A_57 = vector.load %arg7[%get3A_55, %get3A_56] : memref<128x64xf32, #tpu.memory_space<vmem>>, vector<128x64xf32>
    %dot_general3A_58 = arith.constant dense<0.000000e+00> : vector<1024x64xf32>
    %dot_general3A_59 = tpu.matmul %max3A_54, %get3A_57, %dot_general3A_58 {dimension_numbers = #tpu.dot_dimension_numbers<[1], [0], [0], [1], [0, 0, 1, 1], [], []>, transpose_lhs_hint = false} : vector<1024x128xf32>, vector<128x64xf32>, vector<1024x64xf32> -> vector<1024x64xf32>
    %get3A_60 = arith.constant 0 : index
    %get3A_61 = arith.constant 0 : index
    %get3A_62 = vector.load %arg8[%get3A_60, %get3A_61] : memref<1x64xf32, #tpu.memory_space<vmem>>, vector<1x64xf32>
    %add3A_63 = vector.broadcast %get3A_62 : vector<1x64xf32> to vector<1024x64xf32>
    %add3A_64 = arith.addf %dot_general3A_59, %add3A_63 : vector<1024x64xf32>
    %max3A_65 = arith.constant 0.000000e+00 : f32
    %max3A_66 = vector.broadcast %max3A_65 : f32 to vector<1024x64xf32>
    %max3A_67 = arith.maximumf %add3A_64, %max3A_66 : vector<1024x64xf32>
    %get3A_68 = arith.constant 0 : index
    %get3A_69 = arith.constant 0 : index
    %get3A_70 = vector.load %arg9[%get3A_68, %get3A_69] : memref<1x64xf32, #tpu.memory_space<vmem>>, vector<1x64xf32>
    %mul3A_71 = vector.broadcast %get3A_70 : vector<1x64xf32> to vector<1024x64xf32>
    %mul3A_72 = arith.mulf %max3A_67, %mul3A_71 : vector<1024x64xf32>
    %reduce_sum3A_73 = arith.constant dense<0.000000e+00> : vector<1024xf32>
    %reduce_sum3A_74 = vector.multi_reduction <add>, %mul3A_72, %reduce_sum3A_73 [1] : vector<1024x64xf32> to vector<1024xf32>
    %broadcast_in_dim3A_75 = vector.shape_cast %reduce_sum3A_74 : vector<1024xf32> to vector<1024x1xf32>
    %add3A_76 = vector.broadcast %get3A_10 : vector<1x1xf32> to vector<1024x1xf32>
    %add3A_77 = arith.addf %broadcast_in_dim3A_75, %add3A_76 : vector<1024x1xf32>
    %mul3A_78 = vector.broadcast %get3A_7 : vector<1x1xf32> to vector<1024x1xf32>
    %mul3A_79 = arith.mulf %get3A_4, %mul3A_78 : vector<1024x1xf32>
    %add3A_80 = arith.addf %mul3A_79, %mul3A_35 : vector<1024x1xf32>
    %add3A_81 = arith.addf %add3A_80, %add3A_77 : vector<1024x1xf32>
    %neg3A = arith.constant 0.000000e+00 : f32
    %neg3A_82 = vector.broadcast %neg3A : f32 to vector<1024x1xf32>
    %neg3A_83 = arith.subf %neg3A_82, %add3A_81 : vector<1024x1xf32>
    %exp3A = math.exp %neg3A_83 : vector<1024x1xf32>
    %add3A_84 = arith.constant 1.000000e+00 : f32
    %add3A_85 = vector.broadcast %add3A_84 : f32 to vector<1024x1xf32>
    %add3A_86 = arith.addf %add3A_85, %exp3A : vector<1024x1xf32>
    %div3A = arith.constant 1.000000e+00 : f32
    %div3A_87 = vector.broadcast %div3A : f32 to vector<1024x1xf32>
    %div3A_88 = arith.divf %div3A_87, %add3A_86 : vector<1024x1xf32>
    %squeeze3A = vector.shape_cast %div3A_88 : vector<1024x1xf32> to vector<1024xf32>
    %swap3A = arith.constant 0 : index
    %swap3A_89 = vector.load %arg12[%swap3A] : memref<1024xf32, #tpu.memory_space<vmem>>, vector<1024xf32>
    tpu.vector_store %arg12[%swap3A], %squeeze3A {strides = array<i32>} : memref<1024xf32, #tpu.memory_space<vmem>>, vector<1024xf32>,
    return
  }
  func.func @transform_0(%arg0: i32) -> (i32, i32) {
    %c0_i32 = arith.constant 0 : i32
    %c0_i32_0 = arith.constant 0 : i32
    return %arg0, %c0_i32 : i32, i32
  }
  func.func @transform_1(%arg0: i32) -> (i32, i32) {
    %c0_i32 = arith.constant 0 : i32
    %c0_i32_0 = arith.constant 0 : i32
    return %arg0, %c0_i32 : i32, i32
  }
  func.func @transform_2(%arg0: i32) -> (i32, i32) {
    %c0_i32 = arith.constant 0 : i32
    %c0_i32_0 = arith.constant 0 : i32
    %c0_i32_1 = arith.constant 0 : i32
    return %c0_i32, %c0_i32_0 : i32, i32
  }
  func.func @transform_3(%arg0: i32) -> (i32, i32) {
    %c0_i32 = arith.constant 0 : i32
    %c0_i32_0 = arith.constant 0 : i32
    %c0_i32_1 = arith.constant 0 : i32
    return %c0_i32, %c0_i32_0 : i32, i32
  }
  func.func @transform_4(%arg0: i32) -> (i32, i32) {
    %c0_i32 = arith.constant 0 : i32
    %c0_i32_0 = arith.constant 0 : i32
    %c0_i32_1 = arith.constant 0 : i32
    return %c0_i32, %c0_i32_0 : i32, i32
  }
  func.func @transform_5(%arg0: i32) -> (i32, i32) {
    %c0_i32 = arith.constant 0 : i32
    %c0_i32_0 = arith.constant 0 : i32
    %c0_i32_1 = arith.constant 0 : i32
    return %c0_i32, %c0_i32_0 : i32, i32
  }
  func.func @transform_6(%arg0: i32) -> (i32, i32) {
    %c0_i32 = arith.constant 0 : i32
    %c0_i32_0 = arith.constant 0 : i32
    %c0_i32_1 = arith.constant 0 : i32
    return %c0_i32, %c0_i32_0 : i32, i32
  }
  func.func @transform_7(%arg0: i32) -> (i32, i32) {
    %c0_i32 = arith.constant 0 : i32
    %c0_i32_0 = arith.constant 0 : i32
    %c0_i32_1 = arith.constant 0 : i32
    return %c0_i32, %c0_i32_0 : i32, i32
  }
  func.func @transform_8(%arg0: i32) -> (i32, i32) {
    %c0_i32 = arith.constant 0 : i32
    %c0_i32_0 = arith.constant 0 : i32
    %c0_i32_1 = arith.constant 0 : i32
    return %c0_i32, %c0_i32_0 : i32, i32
  }
  func.func @transform_9(%arg0: i32) -> (i32, i32) {
    %c0_i32 = arith.constant 0 : i32
    %c0_i32_0 = arith.constant 0 : i32
    %c0_i32_1 = arith.constant 0 : i32
    return %c0_i32, %c0_i32_0 : i32, i32
  }
  func.func @transform_10(%arg0: i32) -> (i32, i32) {
    %c0_i32 = arith.constant 0 : i32
    %c0_i32_0 = arith.constant 0 : i32
    %c0_i32_1 = arith.constant 0 : i32
    return %c0_i32, %c0_i32_0 : i32, i32
  }
  func.func @transform_11(%arg0: i32) -> i32 {
    %c0_i32 = arith.constant 0 : i32
    return %arg0 : i32
  }
}

</mosaic_0001>

<sc_bundles>
// kernel: kernel.5.cloned.1.call-start
scs
__scs_entry_jumppad:
0x0: {  	(pc) =	sbr.rel $0x88, $3  }
0x1: {  	(tag) =	ssettag $0x0;
	lr =	simm.s32 $0x1  }
0x2: {  	[smem:$0x3F62] =	sst lr;
	_ =	strace $0xD0000000  }
0x3: {  	_ = 	snop  }
0x4: {  	_ = 	snop  }
0x5: {  	_ = 	snop  }
0x6: {  	_ = 	snop  }
0x7: {  	_ = 	snop  }
__scs_overlays_trampoline_lowered:
0x8: {  	[smem:$0x3F71] =	sst s0  }
0x9: {  	[smem:$0x3F72] =	sst s1  }
0xa: {  	[smem:$0x3F73] =	sst s2  }
0xb: {  	[smem:$0x3F74] =	sst s3  }
0xc: {  	[smem:$0x3F75] =	sst s4  }
0xd: {  	[smem:$0x3F76] =	sst s5  }
0xe: {  	[smem:$0x3F77] =	sst s6  }
0xf: {  	[smem:$0x3F78] =	sst s7  }
0x10: {  	[smem:$0x3F79] =	sst s8  }
0x11: {  	[smem:$0x3F7A] =	sst s9;
	s0 =	simm.s32 @!p0 $0x0  }
0x12: {  	s1 =	sld [smem:$0x3F60];
	s0 =	simm.s32 @p0 $0x1  }
0x13: {  	[smem:$0x3F7B] =	sst s0;
	s0 =	simm.s32 @!p1 $0x0  }
0x14: {  	s2 =	sld [smem:$0x3F5F];
	s0 =	simm.s32 @p1 $0x1  }
0x15: {  	[smem:$0x3F7C] =	sst s0;
	s0 =	simm.s32 @!p2 $0x0  }
0x16: {  	s3 =	sld [smem:$0x3FDB];
	s0 =	simm.s32 @p2 $0x1  }
0x17: {  	s4 =	simm.s32 $0x1BF5;
	[smem:$0x3F7E] =	sst s0  }
0x18: {  	s0 =	sld [smem:$0x3F61];
	_ =	swait.ge [sflag:s4], $0x0  }
0x19: {  	s7 =	sld [smem:$0x3F62]  }
0x1a: {  	s8 =	sadd.s32 $0xFFFFE003, lr  }
0x1b: {  	s9 =	sadd.s32 $0xFFFFFEF7, lr;
	s5 =	simm.s32 $0xFFFFFFFF;
	p2 =	slt.u32 s8, $0xFFFFF086  }
0x1c: {  	p1 =	slt.u32 s9, $0xF7A;
	s5 =	simm.s32 @!p2 $0x0  }
0x1d: {  	s5 =	simm.s32 @p1 $0x1;
	p0 =	seq.s32 s7, s2  }
0x1e: {  	s7 =	smul.u32 @!p0 $0xF7A, s2;
	p2 =	seq.s32 @!p0 s5, $0x0  }
0x1f: {  	s9 =	smul.u32 $0xF7A, s1;
	s8 =	simm.s32 @!p0 $0x1BF5;
	p2 =	por !p2, p0  }
0x20: {  	[sflag:s8] =	ssyncset.s32 @!p0 $0xFFFFF086;
	s6 =	sadd.s32 @!p0 s3, s7;
	s7 =	simm.s32 @!p0 $0x108  }
0x21: {  	s3 =	sadd.s32 s3, s9;
	s6 =	sadd.s32 @!p0 $0x88, s6;
	s7 =	simm.s32 @p2 $0x1082  }
0x22: {  	[simem:s7], [sflag:s8] =	dma.local @!p0 [hbm:s6], $0xF7A  }
0x23: {  	s9 =	sor.u32 $0xD0000000, s2;
	s6 =	simm.s32 $0x108;
	_ =	swait.ge @!p0 [sflag:s8], $0x0  }
0x24: {  	s3 =	sadd.s32 $0x88, s3;
	s6 =	simm.s32 @!p1 $0x1082;
	[sflag:s4] =	ssyncset.s32 $0xFFFFF086  }
0x25: {  	[simem:s6], [sflag:s4] =	dma.local [hbm:s3], $0xF7A  }
0x26: {  	[smem:$0x3F62] =	sst s1;
	(tag) =	ssettag s2;
	_ =	strace s9  }
0x27: {  	s1 =	sld [smem:$0x3F72]  }
0x28: {  	s2 =	sld [smem:$0x3F73]  }
0x29: {  	s4 =	sld [smem:$0x3F75]  }
0x2a: {  	p0 =	seq.s32 s5, $0x0;
	s5 =	sld [smem:$0x3F76]  }
0x2b: {  	s6 =	sld [smem:$0x3F77]  }
0x2c: {  	s7 =	sld [smem:$0x3F78]  }
0x2d: {  	s3 =	simm.s32 $0x108;
	s8 =	sld [smem:$0x3F79]  }
0x2e: {  	s3 =	simm.s32 @!p0 $0x1082;
	s9 =	sld [smem:$0x3F7A]  }
0x2f: {  	lr =	sadd.s32 s0, s3;
	s0 =	sld [smem:$0x3F71]  }
0x30: {  	s3 =	sld [smem:$0x3F74]  }
0x31: {  	[smem:$0x3F7D] =	sst s10  }
0x32: {  	s10 =	sld [smem:$0x3F7B];
	_ =	sdelay $0x3  }
0x33: {  	p0 =	seq.s32 s10, $0x1;
	s10 =	sld [smem:$0x3F7D];
	_ =	sdelay $0x3  }
0x34: {  	[smem:$0x3F7D] =	sst s10  }
0x35: {  	s10 =	sld [smem:$0x3F7C];
	_ =	sdelay $0x3  }
0x36: {  	p1 =	seq.s32 s10, $0x1;
	s10 =	sld [smem:$0x3F7D];
	_ =	sdelay $0x3  }
0x37: {  	[smem:$0x3F7D] =	sst s10  }
0x38: {  	s10 =	sld [smem:$0x3F7E]  }
0x39: {  	_ = 	snop;
	(pc) =	sbr.ind lr, $3  }
0x3a: {  	_ = 	snop  }
0x3b: {  	_ = 	snop  }
0x3c: {  	p2 =	seq.s32 s10, $0x1;
	s10 =	sld [smem:$0x3F7D]  }
0x3d: {  	_ =	shalt  }
0x3e: {  	_ =	shalt  }
0x3f: {  	_ =	shalt  }
0x40: {  	_ =	shalt  }
0x41: {  	_ =	shalt  }
0x42: {  	_ =	shalt  }
0x43: {  	_ =	shalt  }
0x44: {  	_ =	shalt  }
0x45: {  	_ =	shalt  }
0x46: {  	_ =	shalt  }
0x47: {  	_ =	shalt  }
0x48: {  	_ =	shalt  }
0x49: {  	_ =	shalt  }
0x4a: {  	_ =	shalt  }
0x4b: {  	_ =	shalt  }
0x4c: {  	_ =	shalt  }
0x4d: {  	_ =	shalt  }
0x4e: {  	_ =	shalt  }
0x4f: {  	_ =	shalt  }
0x50: {  	_ =	shalt  }
0x51: {  	_ =	shalt  }
0x52: {  	_ =	shalt  }
0x53: {  	_ =	shalt  }
0x54: {  	_ =	shalt  }
0x55: {  	_ =	shalt  }
0x56: {  	_ =	shalt  }
0x57: {  	_ =	shalt  }
0x58: {  	_ =	shalt  }
0x59: {  	_ =	shalt  }
0x5a: {  	_ =	shalt  }
0x5b: {  	_ =	shalt  }
0x5c: {  	_ =	shalt  }
0x5d: {  	_ =	shalt  }
0x5e: {  	_ =	shalt  }
0x5f: {  	_ =	shalt  }
0x60: {  	_ =	shalt  }
0x61: {  	_ =	shalt  }
0x62: {  	_ =	shalt  }
0x63: {  	_ =	shalt  }
0x64: {  	_ =	shalt  }
0x65: {  	_ =	shalt  }
0x66: {  	_ =	shalt  }
0x67: {  	_ =	shalt  }
0x68: {  	_ =	shalt  }
0x69: {  	_ =	shalt  }
0x6a: {  	_ =	shalt  }
0x6b: {  	_ =	shalt  }
0x6c: {  	_ =	shalt  }
0x6d: {  	_ =	shalt  }
0x6e: {  	_ =	shalt  }
0x6f: {  	_ =	shalt  }
0x70: {  	_ =	shalt  }
0x71: {  	_ =	shalt  }
0x72: {  	_ =	shalt  }
0x73: {  	_ =	shalt  }
0x74: {  	_ =	shalt  }
0x75: {  	_ =	shalt  }
0x76: {  	_ =	shalt  }
0x77: {  	_ =	shalt  }
0x78: {  	_ =	shalt  }
0x79: {  	_ =	shalt  }
0x7a: {  	_ =	shalt  }
0x7b: {  	_ =	shalt  }
0x7c: {  	_ =	shalt  }
0x7d: {  	_ =	shalt  }
0x7e: {  	_ =	shalt  }
0x7f: {  	_ =	shalt  }
0x80: {  	_ =	shalt  }
0x81: {  	_ =	shalt  }
0x82: {  	_ =	shalt  }
0x83: {  	_ =	shalt  }
0x84: {  	_ =	shalt  }
0x85: {  	_ =	shalt  }
0x86: {  	_ =	shalt  }
0x87: {  	_ =	shalt  }
.Lfunc_end0:
.L_simem_size_0:
called_computation_lowered:
.L_overlay_start_0:
0x88: {  	s2 =	sld [smem:$0x3FD9]  }
0x89: {  	s3 =	sld [smem:$0x3FFE];
	_ =	sdelay $0x1  }
0x8a: {  	s1 =	srdreg.scid  }
0x8b: {  	s0 =	sand.u32 $0x1, s1  }
0x8c: {  	s17 =	sshll.u32 s0, $0xA;
	s2 =	sadd.s32 s3, s2  }
0x8d: {  	s2 =	sadd.s32 s2, s17  }
0x8e: {  	[smem:$0x3F89] =	sst s2  }
0x8f: {  	_ = 	snop  }
0x90: {  	s18 =	sld [smem:$0x3FC9];
	(tm) =	ssettm $0x1  }
0x91: {  	s19 =	sld [smem:$0x3FFB];
	_ =	sdelay $0x3  }
0x92: {  	_ =	strace s19  }
0x93: {  	s2 =	sld [smem:$0x3FFC];
	_ =	sdelay $0x3  }
0x94: {  	_ =	strace s2  }
0x95: {  	s2 =	sld [smem:$0x3FFD];
	_ =	sdelay $0x3  }
0x96: {  	_ =	strace s2  }
0x97: {  	_ =	strace $0x8FFFFFFF  }
0x98: {  	s20 =	sld [smem:$0x3FDB];
	_ =	sdelay $0x1  }
0x99: {  	s4 =	simm.s32 $_scs_section_size  }
0x9a: {  	s5 =	simm.s32 $_size__tile_overlayer_lowered;
	s6 =	simm.s32 $_tile_overlayer_lowered  }
0x9b: {  	s7 =	simm.s32 $0x1BFF;
	s21 =	sshll.u32 s6, $0x1;
	s4 =	sadd.s32 s4, s20  }
0x9c: {  	s22 =	simm.s32 $0x0;
	s5 =	sshll.u32 s5, $0x1;
	s6 =	sadd.s32 s21, s4  }
0x9d: {  	[timem:s22], [sflag:s7] =	dma.local [hbm:s6], s5  }
0x9e: {  	_ =	swait.ge [sflag:s7], s5  }
0x9f: {  	s5 =	ssub.s32 $0x0, s5;
	[sflag:s7] =	ssyncset.done $0x0  }
0xa0: {  	[sflag:s7] =	ssyncadd.s32 s5;
	_ =	sdelay $0x1  }
0xa1: {  	s23 =	simm.s32 $0x1B8B  }
0xa2: {  	_ =	swait.ge [sflag:s23], $0x1  }
0xa3: {  	[sflag:s23] =	ssyncset.done $0x0  }
0xa4: {  	[sflag:s23] =	ssyncadd.s32 $0xFFFFFFFF  }
0xa5: {  	s5 =	sld [smem:$0x0]  }
0xa6: {  	s6 =	sand.u32 $0xFFFFFFFE, s1  }
0xa7: {  	p0 =	sne.s32 s1, s6  }
0xa8: {  	s6 =	sshll.u32 @p0 s6, $0xE  }
0xa9: {  	s6 =	sadd.s32 @p0 $0x11B8D, s6;
	s7 =	sshll.u32 @p0 s5, $0x11  }
0xaa: {  	s6 =	sor.u32 @p0 s7, s6  }
0xab: {  	[sflag:s6] =	ssyncadd.remote.s32 @p0 $0x1;
	_ =	sdelay $0x1  }
0xac: {  	s6 =	simm.s32 @p0 $0x1B8D  }
0xad: {  	_ =	swait.eq @p0 [sflag:s6], $0x1  }
0xae: {  	[sflag:s6] =	ssyncadd.s32 @p0 $0xFFFFFFFF  }
0xaf: {  	s7 =	sshll.u32 @!p0 s1, $0xE  }
0xb0: {  	s7 =	sor.u32 @!p0 $0x4000, s7;
	s6 =	simm.s32 @!p0 $0x1B8D  }
0xb1: {  	s5 =	sshll.u32 @!p0 s5, $0x11;
	s7 =	sadd.s32 @!p0 $0x11B8D, s7;
	_ =	swait.eq @!p0 [sflag:s6], $0x1  }
0xb2: {  	s5 =	sor.u32 @!p0 s5, s7;
	[sflag:s6] =	ssyncadd.s32 @!p0 $0xFFFFFFFF  }
0xb3: {  	s25 =	simm.s32 $0x1B8E;
	s24 =	sld [smem:$0x3FFE];
	[sflag:s5] =	ssyncadd.remote.s32 @!p0 $0x1  }
0xb4: {  	s26 =	simm.s32 $execute0_lowered;
	[smem:$0x3FD2] =	sst s25  }
0xb5: {  	s6 =	sshll.u32 s26, $0x1;
	_ =	strace $0x80000049;
	[dreg:$0x1] =	wrdreg $0xFFFFFFFF  }
0xb6: {  	s28 =	simm.s32 $_size_execute0_lowered;
	s4 =	sadd.s32 s4, s6;
	[dreg:$0x0] =	wrdreg $0x0  }
0xb7: {  	s6 =	sshll.u32 s28, $0x1;
	[dreg:$0x2] =	wrdreg s4  }
0xb8: {  	[dreg:$0x3] =	wrdreg s6  }
0xb9: {  	[dreg:$0x4] =	wrdreg $0xC0  }
0xba: {  	_ =	task [dreg:s22], $0x5FFFF  }
0xbb: {  	[dreg:$0x1] =	wrdreg $0xFFFFFFFF  }
0xbc: {  	[dreg:$0x0] =	wrdreg $0x60  }
0xbd: {  	[dreg:$0x2] =	wrdreg s18  }
0xbe: {  	[dreg:$0x3] =	wrdreg s24  }
0xbf: {  	[dreg:$0x4] =	wrdreg $0x9  }
0xc0: {  	_ =	task.clear_ibuf [dreg:s22], $0x5FFFF;
	_ =	strace $0x90000049  }
0xc1: {  	s29 =	simm.s32 $0x9;
	_ =	strace $0x8000004B  }
0xc2: {  	_ =	swait.ge [sflag:s29], $0x1  }
0xc3: {  	[sflag:s29] =	ssyncadd.s32 $0xFFFFFFFF  }
0xc4: {  	_ =	strace $0x9000004B  }
0xc5: {  	_ =	sfence  }
0xc6: {  	s30 =	sld [smem:$0x0];
	_ =	sdelay $0x2  }
0xc7: {  	s31 =	sshll.u32 s1, $0xD;
	s1 =	sshrl.u32 s1, $0x2  }
0xc8: {  	s4 =	sand.u32 $0x4000, s31;
	s1 =	sadd.s32 s1, s30  }
0xc9: {  	s0 =	sor.u32 s4, s0;
	s1 =	sshll.u32 s1, $0x11  }
0xca: {  	s0 =	sor.u32 s1, s0  }
0xcb: {  	s0 =	sadd.s32 $0x8F2B, s0  }
0xcc: {  	[sflag:s0] =	ssyncadd.remote.s32 $0x1  }
0xcd: {  	_ =	sfence.sel $0xFFFF  }
0xce: {  	[dreg:$0x0] =	wrdreg $0xFFFFFFFF;
	(pc) =	sbr.abs _section_cstart, $3  }
0xcf: {  	[dreg:$0x1] =	wrdreg $0xFFFFFFFF  }
0xd0: {  	_ =	task.clear_ibuf [dreg:s22], $0x2FFFF;
	_ =	strace $0x9FFFFFFF  }
0xd1: {  	(tm) =	ssettm $0x7FFFFFFF  }
tec
execute0_lowered:
.L_overlay_start_1:
0x0: {  	(tag) =	ssettag $0x1  }
0x1: {  	s1 =	srdreg.scid  }
0x2: {  	s3 =	rddreg [dreg:$0x0];
	s0 =	stileid.u32  }
0x3: {  	s8 =	rddreg [dreg:$0x1];
	s2 =	simm.s32 $0x0;
	s6 =	sand.u32 $0x1, s1  }
0x4: {  	s5 =	sshll.u32 s0, $0x9;
	s1 =	rddreg [dreg:$0x2];
	s4 =	sshll.u32 s6, $0xD  }
0x5: {  	s7 =	simm.s32 $0x1;
	[smem:$0x7FF] =	sst s2;
	s9 =	sor.u32 s5, s4  }
0x6: {  	_ =	strace $0x8000004A;
	s10 =	ssub.s32 $0x2, s6;
	s4 =	sshrl.u32 s9, $0x3  }
0x7: {  	s6 =	simm.s32 $0x200;
	s4 =	sadd.s32 s3, s4;
	s3 =	simm.s32 $0x2  }
0x8: {  	[tilespmem:s2], [sflag:$0x2] =	stream.linear.gather [hbm4b:s4+s2], $0x200, $0x38;
	[tilespmem:$0x2200] =	vst v63  }
0x9: {  	s5 =	sadd.s32 $0x15CD200, s8;
	s11 =	sshrl.u32 s10, $0x1;
	_ =	swait.ge [sflag:s3], $0x200  }
0xa: {  	s9 =	sshll.u32 s9, $0x1;
	s31 =	ssub.s32 s10, s11;
	[sflag:s3] =	ssyncset.done $0x0  }
0xb: {  	s8 =	sadd.s32 s9, s8;
	s9 =	smax.u32 s31, $0x1;
	[sflag:s3] =	ssyncadd.s32 $0xFFFFFE00  }
0xc: {  	[tilespmem:s6], [sflag:$0x1] =	stream.indirect.gather [hbm4b:s5+s6], $0x10, s2, s6, $0xb8;
	[tilespmem:$0x2200] =	vst v63  }
0xd: {  	p0 =	sne.s32 s9, $0x1;
	_ =	swait.ge [sflag:s7], $0x2000  }
.Ltmp0:
0xe: {  	[sflag:s7] =	ssyncset.done $0x0;
	(pc) =	sbr.rel @!p0 .LBB2_2-.Ltmp0, $4  }
0xf: {  	s8 =	sadd.s32 $0xF6800, s8;
	[sflag:s7] =	ssyncadd.s32 $0xFFFFE000  }
0x10: {  	[hbm4b:s8+s2] =	stream.linear.scatter [tilespmem:s6], [sflag:$0x2], $0x2000, $0x38;
	[tilespmem:$0x2200] =	vst v63  }
0x11: {  	_ =	swait.ge [sflag:s3], $0x2000  }
0x12: {  	s9 =	sadd.s32 $0xFFFFFFFF, s9;
	[sflag:s3] =	ssyncset.done $0x0  }
.LBB2_1:
0x13: {  	p0 =	sne.s32 s9, $0x1;
	s9 =	sadd.s32 $0xFFFFFFFF, s9;
	[sflag:s3] =	ssyncadd.s32 $0xFFFFE000  }
0x14: {  	[tilespmem:s2], [sflag:$0x2] =	stream.linear.gather [hbm4b:s4+s2], $0x200, $0x38;
	[tilespmem:$0x2200] =	vst v63  }
0x15: {  	_ =	swait.ge [sflag:s3], $0x200  }
0x16: {  	[sflag:s3] =	ssyncset.done $0x0  }
0x17: {  	[sflag:s3] =	ssyncadd.s32 $0xFFFFFE00  }
0x18: {  	[tilespmem:s6], [sflag:$0x1] =	stream.indirect.gather [hbm4b:s5+s6], $0x10, s2, s6, $0xb8;
	[tilespmem:$0x2200] =	vst v63  }
0x19: {  	_ =	swait.ge [sflag:s7], $0x2000  }
.Ltmp1:
0x1a: {  	[sflag:s7] =	ssyncset.done $0x0;
	(pc) =	sbr.rel @p0 .LBB2_1-.Ltmp1, $4  }
0x1b: {  	[sflag:s7] =	ssyncadd.s32 $0xFFFFE000  }
0x1c: {  	[hbm4b:s8+s2] =	stream.linear.scatter [tilespmem:s6], [sflag:$0x2], $0x2000, $0x38;
	[tilespmem:$0x2200] =	vst v63  }
0x1d: {  	_ =	swait.ge [sflag:s3], $0x2000  }
0x1e: {  	[sflag:s3] =	ssyncset.done $0x0  }
.LBB2_2:
0x1f: {  	[sflag:s3] =	ssyncadd.s32 $0xFFFFE000  }
0x20: {  	_ =	sfence.sel $0x180000  }
0x21: {  	[bflag:$0x0] =	sbarrier.arrive $0xFFFF  }
0x22: {  	p0 =	sne.s32 s0, $0x0;
	_ =	strace $0x9000004A  }
0x23: {  	s0 =	sadd.s32 @!p0 $0x100000, s1;
	[bflag:$0x2] =	sbarrier.arrive $0xFFFF  }
0x24: {  	[sflag:s0] =	ssyncadd.tile.s32 @!p0 $0x1;
	_ =	shalt  }
.Lfunc_end2:
_tile_overlayer_lowered:
.L_overlay_start_2:
0x25: {  	(tag) =	ssettag $0x2  }
0x26: {  	s0 =	rddreg [dreg:$0x0];
	s2 =	stileid.u32  }
0x27: {  	s1 =	rddreg [dreg:$0x1];
	p0 =	sne.s32 s2, $0x0  }
0x28: {  	s3 =	rddreg [dreg:$0x2];
	[bflag:$0x3] =	sbarrier.arrive $0xFFFF;
	s2 =	simm.s32 @!p0 $0x1C02  }
0x29: {  	[timem:s3], [sflag:s2] =	dma.local @!p0 [hbm:s0], s1  }
0x2a: {  	s0 =	simm.s32 @!p0 $0x2  }
0x2b: {  	_ =	swait.ge @!p0 [sflag:s0], s1  }
0x2c: {  	s1 =	ssub.s32 @!p0 $0x0, s1;
	[sflag:s0] =	ssyncset.done @!p0 $0x0  }
0x2d: {  	[sflag:s0] =	ssyncadd.s32 @!p0 s1  }
0x2e: {  	[bflag:$0x3] =	sbarrier.arrive $0xFFFF  }
0x2f: {  	_ =	shalt  }

// kernel: kernel.8.cloned.1.call-start
scs
__scs_entry_jumppad:
0x0: {  	(pc) =	sbr.rel $0x88, $3  }
0x1: {  	(tag) =	ssettag $0x0;
	lr =	simm.s32 $0x1  }
0x2: {  	[smem:$0x3F62] =	sst lr;
	_ =	strace $0xD0000000  }
0x3: {  	_ = 	snop  }
0x4: {  	_ = 	snop  }
0x5: {  	_ = 	snop  }
0x6: {  	_ = 	snop  }
0x7: {  	_ = 	snop  }
__scs_overlays_trampoline_lowered:
0x8: {  	[smem:$0x3F71] =	sst s0  }
0x9: {  	[smem:$0x3F72] =	sst s1  }
0xa: {  	[smem:$0x3F73] =	sst s2  }
0xb: {  	[smem:$0x3F74] =	sst s3  }
0xc: {  	[smem:$0x3F75] =	sst s4  }
0xd: {  	[smem:$0x3F76] =	sst s5  }
0xe: {  	[smem:$0x3F77] =	sst s6  }
0xf: {  	[smem:$0x3F78] =	sst s7  }
0x10: {  	[smem:$0x3F79] =	sst s8  }
0x11: {  	[smem:$0x3F7A] =	sst s9;
	s0 =	simm.s32 @!p0 $0x0  }
0x12: {  	s1 =	sld [smem:$0x3F60];
	s0 =	simm.s32 @p0 $0x1  }
0x13: {  	[smem:$0x3F7B] =	sst s0;
	s0 =	simm.s32 @!p1 $0x0  }
0x14: {  	s2 =	sld [smem:$0x3F5F];
	s0 =	simm.s32 @p1 $0x1  }
0x15: {  	[smem:$0x3F7C] =	sst s0;
	s0 =	simm.s32 @!p2 $0x0  }
0x16: {  	s3 =	sld [smem:$0x3FDB];
	s0 =	simm.s32 @p2 $0x1  }
0x17: {  	s4 =	simm.s32 $0x1BF5;
	[smem:$0x3F7E] =	sst s0  }
0x18: {  	s0 =	sld [smem:$0x3F61];
	_ =	swait.ge [sflag:s4], $0x0  }
0x19: {  	s7 =	sld [smem:$0x3F62]  }
0x1a: {  	s8 =	sadd.s32 $0xFFFFE003, lr  }
0x1b: {  	s9 =	sadd.s32 $0xFFFFFEF7, lr;
	s5 =	simm.s32 $0xFFFFFFFF;
	p2 =	slt.u32 s8, $0xFFFFF086  }
0x1c: {  	p1 =	slt.u32 s9, $0xF7A;
	s5 =	simm.s32 @!p2 $0x0  }
0x1d: {  	s5 =	simm.s32 @p1 $0x1;
	p0 =	seq.s32 s7, s2  }
0x1e: {  	s7 =	smul.u32 @!p0 $0xF7A, s2;
	p2 =	seq.s32 @!p0 s5, $0x0  }
0x1f: {  	s9 =	smul.u32 $0xF7A, s1;
	s8 =	simm.s32 @!p0 $0x1BF5;
	p2 =	por !p2, p0  }
0x20: {  	[sflag:s8] =	ssyncset.s32 @!p0 $0xFFFFF086;
	s6 =	sadd.s32 @!p0 s3, s7;
	s7 =	simm.s32 @!p0 $0x108  }
0x21: {  	s3 =	sadd.s32 s3, s9;
	s6 =	sadd.s32 @!p0 $0x88, s6;
	s7 =	simm.s32 @p2 $0x1082  }
0x22: {  	[simem:s7], [sflag:s8] =	dma.local @!p0 [hbm:s6], $0xF7A  }
0x23: {  	s9 =	sor.u32 $0xD0000000, s2;
	s6 =	simm.s32 $0x108;
	_ =	swait.ge @!p0 [sflag:s8], $0x0  }
0x24: {  	s3 =	sadd.s32 $0x88, s3;
	s6 =	simm.s32 @!p1 $0x1082;
	[sflag:s4] =	ssyncset.s32 $0xFFFFF086  }
0x25: {  	[simem:s6], [sflag:s4] =	dma.local [hbm:s3], $0xF7A  }
0x26: {  	[smem:$0x3F62] =	sst s1;
	(tag) =	ssettag s2;
	_ =	strace s9  }
0x27: {  	s1 =	sld [smem:$0x3F72]  }
0x28: {  	s2 =	sld [smem:$0x3F73]  }
0x29: {  	s4 =	sld [smem:$0x3F75]  }
0x2a: {  	p0 =	seq.s32 s5, $0x0;
	s5 =	sld [smem:$0x3F76]  }
0x2b: {  	s6 =	sld [smem:$0x3F77]  }
0x2c: {  	s7 =	sld [smem:$0x3F78]  }
0x2d: {  	s3 =	simm.s32 $0x108;
	s8 =	sld [smem:$0x3F79]  }
0x2e: {  	s3 =	simm.s32 @!p0 $0x1082;
	s9 =	sld [smem:$0x3F7A]  }
0x2f: {  	lr =	sadd.s32 s0, s3;
	s0 =	sld [smem:$0x3F71]  }
0x30: {  	s3 =	sld [smem:$0x3F74]  }
0x31: {  	[smem:$0x3F7D] =	sst s10  }
0x32: {  	s10 =	sld [smem:$0x3F7B];
	_ =	sdelay $0x3  }
0x33: {  	p0 =	seq.s32 s10, $0x1;
	s10 =	sld [smem:$0x3F7D];
	_ =	sdelay $0x3  }
0x34: {  	[smem:$0x3F7D] =	sst s10  }
0x35: {  	s10 =	sld [smem:$0x3F7C];
	_ =	sdelay $0x3  }
0x36: {  	p1 =	seq.s32 s10, $0x1;
	s10 =	sld [smem:$0x3F7D];
	_ =	sdelay $0x3  }
0x37: {  	[smem:$0x3F7D] =	sst s10  }
0x38: {  	s10 =	sld [smem:$0x3F7E]  }
0x39: {  	_ = 	snop;
	(pc) =	sbr.ind lr, $3  }
0x3a: {  	_ = 	snop  }
0x3b: {  	_ = 	snop  }
0x3c: {  	p2 =	seq.s32 s10, $0x1;
	s10 =	sld [smem:$0x3F7D]  }
0x3d: {  	_ =	shalt  }
0x3e: {  	_ =	shalt  }
0x3f: {  	_ =	shalt  }
0x40: {  	_ =	shalt  }
0x41: {  	_ =	shalt  }
0x42: {  	_ =	shalt  }
0x43: {  	_ =	shalt  }
0x44: {  	_ =	shalt  }
0x45: {  	_ =	shalt  }
0x46: {  	_ =	shalt  }
0x47: {  	_ =	shalt  }
0x48: {  	_ =	shalt  }
0x49: {  	_ =	shalt  }
0x4a: {  	_ =	shalt  }
0x4b: {  	_ =	shalt  }
0x4c: {  	_ =	shalt  }
0x4d: {  	_ =	shalt  }
0x4e: {  	_ =	shalt  }
0x4f: {  	_ =	shalt  }
0x50: {  	_ =	shalt  }
0x51: {  	_ =	shalt  }
0x52: {  	_ =	shalt  }
0x53: {  	_ =	shalt  }
0x54: {  	_ =	shalt  }
0x55: {  	_ =	shalt  }
0x56: {  	_ =	shalt  }
0x57: {  	_ =	shalt  }
0x58: {  	_ =	shalt  }
0x59: {  	_ =	shalt  }
0x5a: {  	_ =	shalt  }
0x5b: {  	_ =	shalt  }
0x5c: {  	_ =	shalt  }
0x5d: {  	_ =	shalt  }
0x5e: {  	_ =	shalt  }
0x5f: {  	_ =	shalt  }
0x60: {  	_ =	shalt  }
0x61: {  	_ =	shalt  }
0x62: {  	_ =	shalt  }
0x63: {  	_ =	shalt  }
0x64: {  	_ =	shalt  }
0x65: {  	_ =	shalt  }
0x66: {  	_ =	shalt  }
0x67: {  	_ =	shalt  }
0x68: {  	_ =	shalt  }
0x69: {  	_ =	shalt  }
0x6a: {  	_ =	shalt  }
0x6b: {  	_ =	shalt  }
0x6c: {  	_ =	shalt  }
0x6d: {  	_ =	shalt  }
0x6e: {  	_ =	shalt  }
0x6f: {  	_ =	shalt  }
0x70: {  	_ =	shalt  }
0x71: {  	_ =	shalt  }
0x72: {  	_ =	shalt  }
0x73: {  	_ =	shalt  }
0x74: {  	_ =	shalt  }
0x75: {  	_ =	shalt  }
0x76: {  	_ =	shalt  }
0x77: {  	_ =	shalt  }
0x78: {  	_ =	shalt  }
0x79: {  	_ =	shalt  }
0x7a: {  	_ =	shalt  }
0x7b: {  	_ =	shalt  }
0x7c: {  	_ =	shalt  }
0x7d: {  	_ =	shalt  }
0x7e: {  	_ =	shalt  }
0x7f: {  	_ =	shalt  }
0x80: {  	_ =	shalt  }
0x81: {  	_ =	shalt  }
0x82: {  	_ =	shalt  }
0x83: {  	_ =	shalt  }
0x84: {  	_ =	shalt  }
0x85: {  	_ =	shalt  }
0x86: {  	_ =	shalt  }
0x87: {  	_ =	shalt  }
.Lfunc_end0:
.L_simem_size_0:
called_computation.1_lowered:
.L_overlay_start_0:
0x88: {  	s2 =	sld [smem:$0x3FD9]  }
0x89: {  	s3 =	sld [smem:$0x3FFE];
	_ =	sdelay $0x1  }
0x8a: {  	s4 =	srdreg.scid  }
0x8b: {  	s1 =	sand.u32 $0x1, s4  }
0x8c: {  	s0 =	sshll.u32 s1, $0xA;
	s2 =	sadd.s32 s3, s2  }
0x8d: {  	s2 =	sadd.s32 s2, s0  }
0x8e: {  	[smem:$0x3F89] =	sst s2  }
0x8f: {  	_ = 	snop  }
0x90: {  	s3 =	sld [smem:$0x3FC7]  }
0x91: {  	s5 =	sld [smem:$0x3FC5]  }
0x92: {  	s6 =	sld [smem:$0x3FC4]  }
0x93: {  	s7 =	sld [smem:$0x3FC3]  }
0x94: {  	s8 =	sld [smem:$0x3FC2]  }
0x95: {  	s9 =	sld [smem:$0x3FC1]  }
0x96: {  	s10 =	sld [smem:$0x3FC0]  }
0x97: {  	s11 =	sld [smem:$0x3FBF]  }
0x98: {  	s12 =	sld [smem:$0x3FBE]  }
0x99: {  	s13 =	sld [smem:$0x3FBD]  }
0x9a: {  	s14 =	sld [smem:$0x3FBC]  }
0x9b: {  	s15 =	sld [smem:$0x3FBB]  }
0x9c: {  	s18 =	sld [smem:$0x3FBA]  }
0x9d: {  	s19 =	sld [smem:$0x3FB9]  }
0x9e: {  	s20 =	sld [smem:$0x3FB8]  }
0x9f: {  	s21 =	sld [smem:$0x3FB7]  }
0xa0: {  	s22 =	sld [smem:$0x3FB6]  }
0xa1: {  	s23 =	sld [smem:$0x3FB5]  }
0xa2: {  	s24 =	sld [smem:$0x3FB4]  }
0xa3: {  	s25 =	sld [smem:$0x3FB3]  }
0xa4: {  	s26 =	sld [smem:$0x3FB2]  }
0xa5: {  	s28 =	sld [smem:$0x3FB1]  }
0xa6: {  	s29 =	sld [smem:$0x3FB0]  }
0xa7: {  	s17 =	sld [smem:$0x3FD0];
	(tm) =	ssettm $0x1  }
0xa8: {  	s16 =	sld [smem:$0x3FFB];
	_ =	sdelay $0x3  }
0xa9: {  	_ =	strace s16  }
0xaa: {  	s16 =	sld [smem:$0x3FFC];
	_ =	sdelay $0x3  }
0xab: {  	_ =	strace s16  }
0xac: {  	s16 =	sld [smem:$0x3FFD];
	_ =	sdelay $0x3  }
0xad: {  	_ =	strace s16  }
0xae: {  	_ =	strace $0x8FFFFFFF  }
0xaf: {  	s2 =	sld [smem:$0x3FDB];
	_ =	sdelay $0x1  }
0xb0: {  	s30 =	simm.s32 $_scs_section_size  }
0xb1: {  	s31 =	simm.s32 $_size__tile_task_arg_handler_lowered;
	s0 =	simm.s32 $_tile_task_arg_handler_lowered  }
0xb2: {  	s0 =	sshll.u32 s0, $0x1;
	s16 =	sshll.u32 s31, $0x1;
	s30 =	sadd.s32 s30, s2  }
0xb3: {  	s31 =	simm.s32 $0x1BFF;
	s2 =	simm.s32 $0x60;
	s0 =	sadd.s32 s0, s30  }
0xb4: {  	[timem:s2], [sflag:s31] =	dma.local [hbm:s0], s16  }
0xb5: {  	_ =	swait.ge [sflag:s31], s16  }
0xb6: {  	s2 =	ssub.s32 $0x0, s16;
	s16 =	simm.s32 $_tile_overlayer_lowered;
	[sflag:s31] =	ssyncset.done $0x0  }
0xb7: {  	s0 =	sshll.u32 s16, $0x1;
	s16 =	simm.s32 $_size__tile_overlayer_lowered;
	[sflag:s31] =	ssyncadd.s32 s2  }
0xb8: {  	s2 =	sshll.u32 s16, $0x1;
	s0 =	sadd.s32 s0, s30;
	s16 =	simm.s32 $0x0  }
0xb9: {  	[timem:s16], [sflag:s31] =	dma.local [hbm:s0], s2  }
0xba: {  	_ =	swait.ge [sflag:s31], s2  }
0xbb: {  	s2 =	ssub.s32 $0x0, s2;
	[sflag:s31] =	ssyncset.done $0x0  }
0xbc: {  	[sflag:s31] =	ssyncadd.s32 s2;
	_ =	sdelay $0x1  }
0xbd: {  	s31 =	simm.s32 $0x1B8B  }
0xbe: {  	_ =	swait.ge [sflag:s31], $0x1  }
0xbf: {  	[sflag:s31] =	ssyncset.done $0x0  }
0xc0: {  	s2 =	simm.s32 $0x1B8E;
	s0 =	sld [smem:$0x3FFE];
	[sflag:s31] =	ssyncadd.s32 $0xFFFFFFFF  }
0xc1: {  	s31 =	simm.s32 $execute0_lowered;
	[smem:$0x3FD2] =	sst s2  }
0xc2: {  	s2 =	sshll.u32 s31, $0x1;
	_ =	strace $0x80000046;
	[dreg:$0x1] =	wrdreg $0xFFFFFFFF  }
0xc3: {  	s31 =	simm.s32 $_size_execute0_lowered;
	s2 =	sadd.s32 s30, s2;
	[dreg:$0x0] =	wrdreg $0x0  }
0xc4: {  	s31 =	sshll.u32 s31, $0x1;
	[dreg:$0x2] =	wrdreg s2  }
0xc5: {  	[dreg:$0x3] =	wrdreg s31  }
0xc6: {  	[dreg:$0x4] =	wrdreg $0xC0  }
0xc7: {  	_ =	task [dreg:s16], $0x5FFFF  }
0xc8: {  	[dreg:$0x1] =	wrdreg $0xFFFFFFFF  }
0xc9: {  	[dreg:$0x0] =	wrdreg $0x30  }
0xca: {  	[dreg:$0x2] =	wrdreg $0x0  }
0xcb: {  	[dreg:$0x3] =	wrdreg s18  }
0xcc: {  	[dreg:$0x4] =	wrdreg s19  }
0xcd: {  	[dreg:$0x5] =	wrdreg s20  }
0xce: {  	[dreg:$0x6] =	wrdreg s21  }
0xcf: {  	[dreg:$0x7] =	wrdreg s22  }
0xd0: {  	[dreg:$0x8] =	wrdreg s23  }
0xd1: {  	[dreg:$0x9] =	wrdreg s24  }
0xd2: {  	[dreg:$0xa] =	wrdreg s25  }
0xd3: {  	[dreg:$0xb] =	wrdreg s26  }
0xd4: {  	[dreg:$0xc] =	wrdreg s28  }
0xd5: {  	[dreg:$0xd] =	wrdreg s29  }
0xd6: {  	[dreg:$0xe] =	wrdreg s0  }
0xd7: {  	[dreg:$0xf] =	wrdreg s17  }
0xd8: {  	_ =	task [dreg:s16], $0x10FFFF  }
0xd9: {  	[dreg:$0x1] =	wrdreg $0xFFFFFFFF  }
0xda: {  	[dreg:$0x0] =	wrdreg $0x30  }
0xdb: {  	[dreg:$0x2] =	wrdreg $0xD  }
0xdc: {  	[dreg:$0x3] =	wrdreg $0x15B000  }
0xdd: {  	[dreg:$0x4] =	wrdreg $0xA  }
0xde: {  	_ =	task [dreg:s16], $0x5FFFF  }
0xdf: {  	s25 =	sld [smem:$0x3FC8]  }
0xe0: {  	[dreg:$0x1] =	wrdreg $0xFFFFFFFF  }
0xe1: {  	s26 =	sld [smem:$0x3FC6]  }
0xe2: {  	[dreg:$0x0] =	wrdreg $0x60  }
0xe3: {  	[dreg:$0x2] =	wrdreg s25  }
0xe4: {  	[dreg:$0x3] =	wrdreg s3  }
0xe5: {  	[dreg:$0x4] =	wrdreg s26  }
0xe6: {  	[dreg:$0x5] =	wrdreg s5  }
0xe7: {  	[dreg:$0x6] =	wrdreg s6  }
0xe8: {  	[dreg:$0x7] =	wrdreg s7  }
0xe9: {  	[dreg:$0x8] =	wrdreg s8  }
0xea: {  	[dreg:$0x9] =	wrdreg s9  }
0xeb: {  	[dreg:$0xa] =	wrdreg s10  }
0xec: {  	[dreg:$0xb] =	wrdreg s11  }
0xed: {  	[dreg:$0xc] =	wrdreg s12  }
0xee: {  	[dreg:$0xd] =	wrdreg s13  }
0xef: {  	[dreg:$0xe] =	wrdreg s14  }
0xf0: {  	[dreg:$0xf] =	wrdreg s15  }
0xf1: {  	_ =	task.clear_ibuf [dreg:s16], $0x10FFFF;
	_ =	strace $0x90000046  }
0xf2: {  	s28 =	simm.s32 $0xA;
	_ =	strace $0x80000048  }
0xf3: {  	_ =	swait.ge [sflag:s28], $0x1  }
0xf4: {  	[sflag:s28] =	ssyncadd.s32 $0xFFFFFFFF  }
0xf5: {  	_ =	strace $0x90000048  }
0xf6: {  	_ =	sfence  }
0xf7: {  	s29 =	sld [smem:$0x0];
	_ =	sdelay $0x2  }
0xf8: {  	s30 =	sshll.u32 s4, $0xD;
	s31 =	sshrl.u32 s4, $0x2  }
0xf9: {  	s2 =	sand.u32 $0x4000, s30;
	s0 =	sadd.s32 s31, s29  }
0xfa: {  	s1 =	sor.u32 s2, s1;
	s0 =	sshll.u32 s0, $0x11  }
0xfb: {  	s0 =	sor.u32 s0, s1  }
0xfc: {  	s0 =	sadd.s32 $0x8F2B, s0  }
0xfd: {  	[sflag:s0] =	ssyncadd.remote.s32 $0x1  }
0xfe: {  	_ =	sfence.sel $0xFFFF  }
0xff: {  	[dreg:$0x0] =	wrdreg $0xFFFFFFFF;
	(pc) =	sbr.abs _section_cstart, $3  }
0x100: {  	[dreg:$0x1] =	wrdreg $0xFFFFFFFF  }
0x101: {  	_ =	task.clear_ibuf [dreg:s16], $0x2FFFF;
	_ =	strace $0x9FFFFFFF  }
0x102: {  	(tm) =	ssettm $0x7FFFFFFF  }
0x103: {  	_ =	shalt  }
tec
_tile_task_arg_handler_lowered:
.L_overlay_start_1:
0x0: {  	(tag) =	ssettag $0x1  }
0x1: {  	s0 =	rddreg [dreg:$0x0]  }
0x2: {  	s1 =	rddreg [dreg:$0x1]  }
0x3: {  	s2 =	rddreg [dreg:$0x2]  }
0x4: {  	s3 =	rddreg [dreg:$0x3]  }
0x5: {  	s4 =	rddreg [dreg:$0x4]  }
0x6: {  	s5 =	rddreg [dreg:$0x5]  }
0x7: {  	s6 =	rddreg [dreg:$0x6]  }
0x8: {  	s7 =	rddreg [dreg:$0x7]  }
0x9: {  	s8 =	rddreg [dreg:$0x8]  }
0xa: {  	s9 =	rddreg [dreg:$0x9]  }
0xb: {  	s10 =	rddreg [dreg:$0xa]  }
0xc: {  	s11 =	rddreg [dreg:$0xb]  }
0xd: {  	s12 =	rddreg [dreg:$0xc]  }
0xe: {  	s13 =	rddreg [dreg:$0xd]  }
0xf: {  	[smem:s0] =	sst s1  }
0x10: {  	[smem:s0+$0x1] =	sst s2  }
0x11: {  	[smem:s0+$0x2] =	sst s3  }
0x12: {  	[smem:s0+$0x3] =	sst s4  }
0x13: {  	[smem:s0+$0x4] =	sst s5  }
0x14: {  	[smem:s0+$0x5] =	sst s6  }
0x15: {  	[smem:s0+$0x6] =	sst s7  }
0x16: {  	[smem:s0+$0x7] =	sst s8  }
0x17: {  	[smem:s0+$0x8] =	sst s9  }
0x18: {  	[smem:s0+$0x9] =	sst s10  }
0x19: {  	[smem:s0+$0xA] =	sst s11  }
0x1a: {  	[smem:s0+$0xB] =	sst s12  }
0x1b: {  	[smem:s0+$0xC] =	sst s13;
	_ =	shalt  }
.Lfunc_end2:
execute0_lowered:
.L_overlay_start_2:
0x1c: {  	(tag) =	ssettag $0x2  }
0x1d: {  	s5 =	rddreg [dreg:$0x0]  }
0x1e: {  	s6 =	rddreg [dreg:$0x2]  }
0x1f: {  	s8 =	rddreg [dreg:$0x4]  }
0x20: {  	s9 =	rddreg [dreg:$0x5]  }
0x21: {  	s10 =	rddreg [dreg:$0x6]  }
0x22: {  	s11 =	rddreg [dreg:$0x7]  }
0x23: {  	s12 =	rddreg [dreg:$0x8]  }
0x24: {  	s13 =	rddreg [dreg:$0x9]  }
0x25: {  	s14 =	rddreg [dreg:$0xa]  }
0x26: {  	s15 =	rddreg [dreg:$0xb]  }
0x27: {  	s16 =	rddreg [dreg:$0xc]  }
0x28: {  	s17 =	rddreg [dreg:$0xd];
	s0 =	simm.s32 $0x0  }
0x29: {  	[smem:$0x7FF] =	sst s0  }
0x2a: {  	s18 =	sld [smem:$0x0]  }
0x2b: {  	s19 =	sld [smem:$0x1]  }
0x2c: {  	s20 =	sld [smem:$0x2]  }
0x2d: {  	s21 =	sld [smem:$0x3]  }
0x2e: {  	s22 =	sld [smem:$0x4]  }
0x2f: {  	s23 =	sld [smem:$0x5]  }
0x30: {  	s24 =	sld [smem:$0x6]  }
0x31: {  	s25 =	sld [smem:$0x7]  }
0x32: {  	s26 =	sld [smem:$0x8]  }
0x33: {  	s28 =	sld [smem:$0x9]  }
0x34: {  	s1 =	srdreg.scid;
	s29 =	sld [smem:$0xA]  }
0x35: {  	s1 =	sand.u32 $0x1, s1;
	s3 =	sld [smem:$0xC]  }
0x36: {  	s4 =	sshll.u32 s1, $0x4;
	s1 =	ssub.s32 $0x2, s1;
	s2 =	sld [smem:$0xB]  }
0x37: {  	s7 =	stileid.u32;
	s31 =	sld [smem:$0xE];
	s30 =	sshrl.u32 s1, $0x1  }
0x38: {  	[dreg:$0xf] =	wrdreg s3;
	s3 =	ssub.s32 s1, s30;
	s30 =	sor.u32 s7, s4  }
0x39: {  	s4 =	sld [smem:$0xD];
	s1 =	sshll.u32 s30, $0x6  }
0x3a: {  	[dreg:$0xe] =	wrdreg s31;
	s5 =	sadd.s32 s5, s1  }
0x3b: {  	_ =	strace $0x80000047;
	[dreg:$0x10] =	wrdreg s5  }
0x3c: {  	s6 =	sadd.s32 s6, s1;
	s5 =	rddreg [dreg:$0x1]  }
0x3d: {  	[dreg:$0x12] =	wrdreg s6  }
0x3e: {  	s8 =	sadd.s32 s8, s1;
	s6 =	rddreg [dreg:$0x3]  }
0x3f: {  	s9 =	sadd.s32 s9, s1;
	[dreg:$0x14] =	wrdreg s8  }
0x40: {  	s10 =	sadd.s32 s10, s1;
	[dreg:$0x15] =	wrdreg s9  }
0x41: {  	s11 =	sadd.s32 s11, s1;
	[dreg:$0x16] =	wrdreg s10  }
0x42: {  	s12 =	sadd.s32 s12, s1;
	[dreg:$0x17] =	wrdreg s11  }
0x43: {  	s13 =	sadd.s32 s13, s1;
	[dreg:$0x18] =	wrdreg s12  }
0x44: {  	[dreg:$0x19] =	wrdreg s13;
	s8 =	sadd.s32 s15, s1  }
0x45: {  	s9 =	sadd.s32 s16, s1;
	[dreg:$0x1b] =	wrdreg s8  }
0x46: {  	s10 =	sadd.s32 s17, s1;
	[dreg:$0x1c] =	wrdreg s9  }
0x47: {  	s11 =	sadd.s32 s18, s1;
	[dreg:$0x1d] =	wrdreg s10  }
0x48: {  	s12 =	sadd.s32 s19, s1;
	[dreg:$0x1e] =	wrdreg s11  }
0x49: {  	s13 =	sadd.s32 s20, s1;
	[dreg:$0x1f] =	wrdreg s12  }
0x4a: {  	s15 =	sadd.s32 s22, s1;
	[smem:$0x7B2] =	sst s13  }
0x4b: {  	s16 =	sadd.s32 s23, s1;
	[smem:$0x7B4] =	sst s15  }
0x4c: {  	s17 =	sadd.s32 $0x503E00, s2;
	[smem:$0x7B5] =	sst s16  }
0x4d: {  	s18 =	sadd.s32 $0x4D3000, s2;
	[smem:$0x7B6] =	sst s17  }
0x4e: {  	s19 =	sadd.s32 s24, s1;
	[smem:$0x7B7] =	sst s18  }
0x4f: {  	s20 =	sadd.s32 $0x4A2200, s2;
	[smem:$0x7B8] =	sst s19  }
0x50: {  	s22 =	sadd.s32 s25, s1;
	[smem:$0x7B9] =	sst s20  }
0x51: {  	s23 =	sadd.s32 $0x440600, s2;
	[smem:$0x7BB] =	sst s22  }
0x52: {  	s24 =	sadd.s32 $0x40F800, s2;
	[smem:$0x7BC] =	sst s23  }
0x53: {  	s25 =	sadd.s32 s26, s1;
	[smem:$0x7BD] =	sst s24  }
0x54: {  	s26 =	sadd.s32 $0x3DEA00, s2;
	[smem:$0x7BE] =	sst s25  }
0x55: {  	s5 =	sadd.s32 s5, s1;
	[smem:$0x7BF] =	sst s26  }
0x56: {  	s8 =	sadd.s32 s28, s1;
	[dreg:$0x11] =	wrdreg s5  }
0x57: {  	s9 =	sadd.s32 $0x31B200, s2;
	[smem:$0x7C1] =	sst s8  }
0x58: {  	s10 =	sadd.s32 $0x2EA400, s2;
	[smem:$0x7C2] =	sst s9  }
0x59: {  	s11 =	sadd.s32 $0x2B9600, s2;
	[smem:$0x7C3] =	sst s10  }
0x5a: {  	s12 =	sadd.s32 $0x288800, s2;
	[smem:$0x7C5] =	sst s11  }
0x5b: {  	s15 =	sadd.s32 $0x226C00, s2;
	[smem:$0x7C6] =	sst s12  }
0x5c: {  	s16 =	sadd.s32 $0x34C000, s2;
	[smem:$0x7C8] =	sst s15  }
0x5d: {  	s17 =	sadd.s32 $0x1F5E00, s2;
	[smem:$0x7C9] =	sst s16  }
0x5e: {  	s18 =	sadd.s32 $0x1C5000, s2;
	[smem:$0x7CA] =	sst s17  }
0x5f: {  	s19 =	sadd.s32 $0x629200, s2;
	[smem:$0x7CB] =	sst s18  }
0x60: {  	s20 =	sadd.s32 $0x5F8400, s2;
	[smem:$0x7CC] =	sst s19  }
0x61: {  	s22 =	sadd.s32 $0x5C7600, s2;
	[smem:$0x7CD] =	sst s20  }
0x62: {  	s23 =	sadd.s32 $0x596800, s2;
	[smem:$0x7CE] =	sst s22  }
0x63: {  	s24 =	sadd.s32 $0x565A00, s2;
	[smem:$0x7CF] =	sst s23  }
0x64: {  	s25 =	sadd.s32 $0x534C00, s2;
	[smem:$0x7D0] =	sst s24  }
0x65: {  	s26 =	sadd.s32 $0x65A000, s2;
	[smem:$0x7D1] =	sst s25  }
0x66: {  	s5 =	sadd.s32 s6, s1;
	[smem:$0x7D2] =	sst s26  }
0x67: {  	s6 =	sadd.s32 s14, s1;
	[dreg:$0x13] =	wrdreg s5  }
0x68: {  	s14 =	sadd.s32 s21, s1;
	[dreg:$0x1a] =	wrdreg s6  }
0x69: {  	s31 =	smul.u32 $0x6400, s30;
	s21 =	sadd.s32 $0x471400, s2;
	[smem:$0x7B3] =	sst s14  }
0x6a: {  	s30 =	smul.u32 $0x34000, s30;
	s1 =	sadd.s32 s29, s1;
	[smem:$0x7BA] =	sst s21  }
0x6b: {  	s13 =	sshrl.u32 s31, $0x3;
	s6 =	sadd.s32 $0x37CE00, s2;
	[smem:$0x7C4] =	sst s1  }
0x6c: {  	s14 =	sadd.s32 $0x257A00, s2;
	s1 =	sadd.s32 s13, s2;
	[smem:$0x7C0] =	sst s6  }
0x6d: {  	s21 =	sshrl.u32 s30, $0x3;
	s30 =	sadd.s32 $0x3ADC00, s2;
	[smem:$0x7C7] =	sst s14  }
0x6e: {  	[smem:$0x7D3] =	sst s30;
	s8 =	sadd.s32 $0xD800, s1  }
0x6f: {  	s9 =	sadd.s32 $0xD990, s1;
	[smem:$0x7D4] =	sst s8  }
0x70: {  	s10 =	sadd.s32 $0xDB20, s1;
	[smem:$0x7D5] =	sst s9  }
0x71: {  	s11 =	sadd.s32 $0xDCB0, s1;
	[smem:$0x7D6] =	sst s10  }
0x72: {  	s12 =	sadd.s32 $0xDE40, s1;
	[smem:$0x7D7] =	sst s11  }
0x73: {  	s13 =	sadd.s32 $0xDFD0, s1;
	[smem:$0x7D8] =	sst s12  }
0x74: {  	s14 =	sadd.s32 $0xE160, s1;
	[smem:$0x7D9] =	sst s13  }
0x75: {  	s5 =	sadd.s32 s21, s2;
	s1 =	sadd.s32 $0xE2F0, s1;
	[smem:$0x7DA] =	sst s14  }
0x76: {  	[smem:$0x7DB] =	sst s1;
	s15 =	sadd.s32 $0x26800, s5  }
0x77: {  	s16 =	sadd.s32 $0x26802, s5;
	[smem:$0x7DC] =	sst s15  }
0x78: {  	s17 =	sadd.s32 $0x26804, s5;
	[smem:$0x7DD] =	sst s16  }
0x79: {  	s18 =	sadd.s32 $0x26806, s5;
	[smem:$0x7DE] =	sst s17  }
0x7a: {  	s19 =	sadd.s32 $0x26808, s5;
	[smem:$0x7DF] =	sst s18  }
0x7b: {  	s20 =	sadd.s32 $0x2680A, s5;
	[smem:$0x7E0] =	sst s19  }
0x7c: {  	s21 =	sadd.s32 $0x2680C, s5;
	[smem:$0x7E1] =	sst s20  }
0x7d: {  	s22 =	sadd.s32 $0x2680E, s5;
	[smem:$0x7E2] =	sst s21  }
0x7e: {  	s23 =	sadd.s32 $0x26810, s5;
	[smem:$0x7E3] =	sst s22  }
0x7f: {  	s24 =	sadd.s32 $0x26812, s5;
	[smem:$0x7E4] =	sst s23  }
0x80: {  	s25 =	sadd.s32 $0x26814, s5;
	[smem:$0x7E5] =	sst s24  }
0x81: {  	s31 =	sshll.u32 s7, $0xA;
	s30 =	sadd.s32 $0x26816, s5;
	[smem:$0x7E6] =	sst s25  }
0x82: {  	s28 =	sadd.s32 s31, s4;
	s31 =	sadd.s32 $0x26818, s5;
	[smem:$0x7E7] =	sst s30  }
0x83: {  	s26 =	sadd.s32 $0x194200, s2;
	s2 =	sadd.s32 $0x2681A, s5;
	[smem:$0x7E8] =	sst s31  }
0x84: {  	s6 =	sadd.s32 $0x2681C, s5;
	[smem:$0x7E9] =	sst s2  }
0x85: {  	s8 =	sadd.s32 $0x2681E, s5;
	[smem:$0x7EA] =	sst s6  }
0x86: {  	s9 =	sadd.s32 $0x26820, s5;
	[smem:$0x7EB] =	sst s8  }
0x87: {  	s10 =	sadd.s32 $0x26822, s5;
	[smem:$0x7EC] =	sst s9  }
0x88: {  	s11 =	sadd.s32 $0x26824, s5;
	[smem:$0x7ED] =	sst s10  }
0x89: {  	s12 =	sadd.s32 $0x26826, s5;
	[smem:$0x7EE] =	sst s11  }
0x8a: {  	s13 =	sadd.s32 $0x26828, s5;
	[smem:$0x7EF] =	sst s12  }
0x8b: {  	s29 =	simm.s32 $0x0;
	s14 =	sadd.s32 $0x2682A, s5;
	[smem:$0x7F0] =	sst s13  }
0x8c: {  	[smem:$0x7F1] =	sst s14;
	s15 =	sadd.s32 $0x2682C, s5;
	s16 =	sadd.s32 $0x2682E, s5  }
0x8d: {  	s17 =	sadd.s32 $0x26830, s5;
	s18 =	sadd.s32 $0x26832, s5;
	[smem:$0x7F2] =	sst s15  }
0x8e: {  	s19 =	sadd.s32 $0x27532, s5;
	s20 =	sadd.s32 $0x28232, s5;
	[smem:$0x7F3] =	sst s16  }
0x8f: {  	s21 =	sadd.s32 $0x28F32, s5;
	s22 =	sadd.s32 $0x29C32, s5;
	[smem:$0x7F4] =	sst s17  }
0x90: {  	s23 =	sadd.s32 $0x2A932, s5;
	s24 =	sadd.s32 $0x2B632, s5;
	[smem:$0x7F5] =	sst s18  }
0x91: {  	s25 =	sadd.s32 $0x2C332, s5;
	s30 =	smax.u32 s3, $0x1;
	[smem:$0x7F6] =	sst s19  }
0x92: {  	s31 =	sshll.u32 s7, $0x6;
	s14 =	simm.s32 $0x200;
	[smem:$0x7F7] =	sst s20  }
0x93: {  	s9 =	simm.s32 $0x3200;
	s10 =	simm.s32 $0x2;
	[smem:$0x7F8] =	sst s21  }
0x94: {  	s11 =	simm.s32 $0x1A0;
	s12 =	simm.s32 $0x3;
	[smem:$0x7F9] =	sst s22  }
0x95: {  	s13 =	simm.s32 $0x7200;
	s2 =	simm.s32 $0x600;
	[smem:$0x7FA] =	sst s23  }
0x96: {  	s3 =	simm.s32 $0xA00;
	s5 =	simm.s32 $0xC00;
	[smem:$0x7FB] =	sst s24  }
0x97: {  	s6 =	simm.s32 $0xE00;
	s7 =	simm.s32 $0x1200;
	[smem:$0x7FC] =	sst s25  }
0x98: {  	s8 =	simm.s32 $0x1600;
	[smem:$0x7FD] =	sst s30;
	s17 =	simm.s32 $0x1  }
0x99: {  	s18 =	simm.s32 $0x5200;
	s19 =	simm.s32 $0x10;
	s20 =	simm.s32 $0x4  }
0x9a: {  	s21 =	simm.s32 $0x14680;
	s22 =	simm.s32 $0xC80;
	s23 =	simm.s32 $0x7E80  }
0x9b: {  	v1 =	vimm.f32 $0.0e+00;
	v0 =	vmov s31;
	s25 =	simm.s32 $0x15700;
	s15 =	simm.s32 $0x1000;
	s16 =	simm.s32 $0x1400  }
.LBB3_1:
0x9c: {  	s30 =	rddreg [dreg:$0x10]  }
0x9d: {  	[tilespmem:s0], [sflag:$0x1] =	stream.linear.gather [hbm4b:s30+s0], $0x200, $0x38;
	[tilespmem:$0x15F00] =	vst v63  }
0x9e: {  	s30 =	rddreg [dreg:$0x11]  }
0x9f: {  	[tilespmem:s14], [sflag:$0x1] =	stream.linear.gather [hbm4b:s30+s0], $0x200, $0x38;
	[tilespmem:$0x15F00] =	vst v63  }
0xa0: {  	s31 =	simm.s32 $0x400;
	s30 =	rddreg [dreg:$0x12]  }
0xa1: {  	[tilespmem:s31], [sflag:$0x1] =	stream.linear.gather [hbm4b:s30+s0], $0x200, $0x38;
	[tilespmem:$0x15F00] =	vst v63  }
0xa2: {  	s30 =	rddreg [dreg:$0x13]  }
0xa3: {  	[tilespmem:s2], [sflag:$0x1] =	stream.linear.gather [hbm4b:s30+s0], $0x200, $0x38;
	[tilespmem:$0x15F00] =	vst v63  }
0xa4: {  	s1 =	simm.s32 $0x800;
	s30 =	rddreg [dreg:$0x14]  }
0xa5: {  	[tilespmem:s1], [sflag:$0x1] =	stream.linear.gather [hbm4b:s30+s0], $0x200, $0x38;
	[tilespmem:$0x15F00] =	vst v63  }
0xa6: {  	s30 =	rddreg [dreg:$0x15]  }
0xa7: {  	[tilespmem:s3], [sflag:$0x1] =	stream.linear.gather [hbm4b:s30+s0], $0x200, $0x38;
	[tilespmem:$0x15F00] =	vst v63  }
0xa8: {  	s30 =	rddreg [dreg:$0x16]  }
0xa9: {  	[tilespmem:s5], [sflag:$0x1] =	stream.linear.gather [hbm4b:s30+s0], $0x200, $0x38;
	[tilespmem:$0x15F00] =	vst v63  }
0xaa: {  	s30 =	rddreg [dreg:$0x17]  }
0xab: {  	[tilespmem:s6], [sflag:$0x1] =	stream.linear.gather [hbm4b:s30+s0], $0x200, $0x38;
	[tilespmem:$0x15F00] =	vst v63  }
0xac: {  	s30 =	rddreg [dreg:$0x18]  }
0xad: {  	[tilespmem:s15], [sflag:$0x1] =	stream.linear.gather [hbm4b:s30+s0], $0x200, $0x38;
	[tilespmem:$0x15F00] =	vst v63  }
0xae: {  	s30 =	rddreg [dreg:$0x19]  }
0xaf: {  	[tilespmem:s7], [sflag:$0x1] =	stream.linear.gather [hbm4b:s30+s0], $0x200, $0x38;
	[tilespmem:$0x15F00] =	vst v63  }
0xb0: {  	s30 =	rddreg [dreg:$0x1a]  }
0xb1: {  	[tilespmem:s16], [sflag:$0x1] =	stream.linear.gather [hbm4b:s30+s0], $0x200, $0x38;
	[tilespmem:$0x15F00] =	vst v63  }
0xb2: {  	s30 =	rddreg [dreg:$0x1b]  }
0xb3: {  	[tilespmem:s8], [sflag:$0x1] =	stream.linear.gather [hbm4b:s30+s0], $0x200, $0x38;
	[tilespmem:$0x15F00] =	vst v63  }
0xb4: {  	s24 =	simm.s32 $0x1800;
	s30 =	rddreg [dreg:$0x1c]  }
0xb5: {  	[tilespmem:s24], [sflag:$0x1] =	stream.linear.gather [hbm4b:s30+s0], $0x200, $0x38;
	[tilespmem:$0x15F00] =	vst v63  }
0xb6: {  	s30 =	rddreg [dreg:$0x1d];
	s24 =	simm.s32 $0x1A00  }
0xb7: {  	[tilespmem:s24], [sflag:$0x1] =	stream.linear.gather [hbm4b:s30+s0], $0x200, $0x38;
	[tilespmem:$0x15F00] =	vst v63  }
0xb8: {  	s30 =	rddreg [dreg:$0x1e];
	s24 =	simm.s32 $0x1C00  }
0xb9: {  	[tilespmem:s24], [sflag:$0x1] =	stream.linear.gather [hbm4b:s30+s0], $0x200, $0x38;
	[tilespmem:$0x15F00] =	vst v63  }
0xba: {  	s30 =	rddreg [dreg:$0x1f];
	s24 =	simm.s32 $0x1E00  }
0xbb: {  	[tilespmem:s24], [sflag:$0x1] =	stream.linear.gather [hbm4b:s30+s0], $0x200, $0x38;
	[tilespmem:$0x15F00] =	vst v63  }
0xbc: {  	s30 =	sld [smem:$0x7B2];
	_ =	sdelay $0x1  }
0xbd: {  	s24 =	simm.s32 $0x2000  }
0xbe: {  	[tilespmem:s24], [sflag:$0x1] =	stream.linear.gather [hbm4b:s30+s0], $0x200, $0x38;
	[tilespmem:$0x15F00] =	vst v63  }
0xbf: {  	s30 =	sld [smem:$0x7B3];
	_ =	sdelay $0x1  }
0xc0: {  	s24 =	simm.s32 $0x2200  }
0xc1: {  	[tilespmem:s24], [sflag:$0x1] =	stream.linear.gather [hbm4b:s30+s0], $0x200, $0x38;
	[tilespmem:$0x15F00] =	vst v63  }
0xc2: {  	s30 =	sld [smem:$0x7B4];
	_ =	sdelay $0x1  }
0xc3: {  	s24 =	simm.s32 $0x2400  }
0xc4: {  	[tilespmem:s24], [sflag:$0x1] =	stream.linear.gather [hbm4b:s30+s0], $0x200, $0x38;
	[tilespmem:$0x15F00] =	vst v63  }
0xc5: {  	s30 =	sld [smem:$0x7B5];
	_ =	sdelay $0x1  }
0xc6: {  	s24 =	simm.s32 $0x2600  }
0xc7: {  	[tilespmem:s24], [sflag:$0x1] =	stream.linear.gather [hbm4b:s30+s0], $0x200, $0x38;
	[tilespmem:$0x15F00] =	vst v63  }
0xc8: {  	s30 =	sld [smem:$0x7B8];
	_ =	sdelay $0x1  }
0xc9: {  	s24 =	simm.s32 $0x2800  }
0xca: {  	[tilespmem:s24], [sflag:$0x1] =	stream.linear.gather [hbm4b:s30+s0], $0x200, $0x38;
	[tilespmem:$0x15F00] =	vst v63  }
0xcb: {  	s30 =	sld [smem:$0x7BB];
	_ =	sdelay $0x1  }
0xcc: {  	s24 =	simm.s32 $0x2A00  }
0xcd: {  	[tilespmem:s24], [sflag:$0x1] =	stream.linear.gather [hbm4b:s30+s0], $0x200, $0x38;
	[tilespmem:$0x15F00] =	vst v63  }
0xce: {  	s30 =	sld [smem:$0x7BE];
	_ =	sdelay $0x1  }
0xcf: {  	s24 =	simm.s32 $0x2C00  }
0xd0: {  	[tilespmem:s24], [sflag:$0x1] =	stream.linear.gather [hbm4b:s30+s0], $0x200, $0x38;
	[tilespmem:$0x15F00] =	vst v63  }
0xd1: {  	s30 =	sld [smem:$0x7C1];
	_ =	sdelay $0x1  }
0xd2: {  	s24 =	simm.s32 $0x2E00  }
0xd3: {  	[tilespmem:s24], [sflag:$0x1] =	stream.linear.gather [hbm4b:s30+s0], $0x200, $0x38;
	[tilespmem:$0x15F00] =	vst v63  }
0xd4: {  	s30 =	sld [smem:$0x7C4];
	_ =	sdelay $0x1  }
0xd5: {  	s24 =	simm.s32 $0x3000  }
0xd6: {  	[tilespmem:s24], [sflag:$0x1] =	stream.linear.gather [hbm4b:s30+s0], $0x200, $0x38;
	[tilespmem:$0x15F00] =	vst v63  }
0xd7: {  	_ =	swait.ge [sflag:s17], $0x200  }
0xd8: {  	[sflag:s17] =	ssyncset.done $0x0  }
0xd9: {  	[sflag:s17] =	ssyncadd.s32 $0xFFFFFE00  }
0xda: {  	_ =	swait.ge [sflag:s17], $0x200  }
0xdb: {  	[sflag:s17] =	ssyncset.done $0x0  }
0xdc: {  	[sflag:s17] =	ssyncadd.s32 $0xFFFFFE00  }
0xdd: {  	_ =	swait.ge [sflag:s17], $0x200  }
0xde: {  	[sflag:s17] =	ssyncset.done $0x0  }
0xdf: {  	[sflag:s17] =	ssyncadd.s32 $0xFFFFFE00  }
0xe0: {  	_ =	swait.ge [sflag:s17], $0x200  }
0xe1: {  	[sflag:s17] =	ssyncset.done $0x0  }
0xe2: {  	[sflag:s17] =	ssyncadd.s32 $0xFFFFFE00  }
0xe3: {  	_ =	swait.ge [sflag:s17], $0x200  }
0xe4: {  	[sflag:s17] =	ssyncset.done $0x0  }
0xe5: {  	[sflag:s17] =	ssyncadd.s32 $0xFFFFFE00  }
0xe6: {  	_ =	swait.ge [sflag:s17], $0x200  }
0xe7: {  	[sflag:s17] =	ssyncset.done $0x0  }
0xe8: {  	[sflag:s17] =	ssyncadd.s32 $0xFFFFFE00  }
0xe9: {  	_ =	swait.ge [sflag:s17], $0x200  }
0xea: {  	[sflag:s17] =	ssyncset.done $0x0  }
0xeb: {  	[sflag:s17] =	ssyncadd.s32 $0xFFFFFE00  }
0xec: {  	_ =	swait.ge [sflag:s17], $0x200  }
0xed: {  	[sflag:s17] =	ssyncset.done $0x0  }
0xee: {  	[sflag:s17] =	ssyncadd.s32 $0xFFFFFE00  }
0xef: {  	_ =	swait.ge [sflag:s17], $0x200  }
0xf0: {  	[sflag:s17] =	ssyncset.done $0x0  }
0xf1: {  	[sflag:s17] =	ssyncadd.s32 $0xFFFFFE00  }
0xf2: {  	_ =	swait.ge [sflag:s17], $0x200  }
0xf3: {  	[sflag:s17] =	ssyncset.done $0x0  }
0xf4: {  	[sflag:s17] =	ssyncadd.s32 $0xFFFFFE00  }
0xf5: {  	_ =	swait.ge [sflag:s17], $0x200  }
0xf6: {  	[sflag:s17] =	ssyncset.done $0x0  }
0xf7: {  	[sflag:s17] =	ssyncadd.s32 $0xFFFFFE00  }
0xf8: {  	_ =	swait.ge [sflag:s17], $0x200  }
0xf9: {  	[sflag:s17] =	ssyncset.done $0x0  }
0xfa: {  	[sflag:s17] =	ssyncadd.s32 $0xFFFFFE00  }
0xfb: {  	_ =	swait.ge [sflag:s17], $0x200  }
0xfc: {  	[sflag:s17] =	ssyncset.done $0x0  }
0xfd: {  	[sflag:s17] =	ssyncadd.s32 $0xFFFFFE00  }
0xfe: {  	_ =	swait.ge [sflag:s17], $0x200  }
0xff: {  	[sflag:s17] =	ssyncset.done $0x0  }
0x100: {  	[sflag:s17] =	ssyncadd.s32 $0xFFFFFE00  }
0x101: {  	_ =	swait.ge [sflag:s17], $0x200  }
0x102: {  	[sflag:s17] =	ssyncset.done $0x0  }
0x103: {  	[sflag:s17] =	ssyncadd.s32 $0xFFFFFE00  }
0x104: {  	_ =	swait.ge [sflag:s17], $0x200  }
0x105: {  	[sflag:s17] =	ssyncset.done $0x0  }
0x106: {  	[sflag:s17] =	ssyncadd.s32 $0xFFFFFE00  }
0x107: {  	_ =	swait.ge [sflag:s17], $0x200  }
0x108: {  	[sflag:s17] =	ssyncset.done $0x0  }
0x109: {  	[sflag:s17] =	ssyncadd.s32 $0xFFFFFE00  }
0x10a: {  	_ =	swait.ge [sflag:s17], $0x200  }
0x10b: {  	[sflag:s17] =	ssyncset.done $0x0  }
0x10c: {  	[sflag:s17] =	ssyncadd.s32 $0xFFFFFE00  }
0x10d: {  	_ =	swait.ge [sflag:s17], $0x200  }
0x10e: {  	[sflag:s17] =	ssyncset.done $0x0  }
0x10f: {  	[sflag:s17] =	ssyncadd.s32 $0xFFFFFE00  }
0x110: {  	_ =	swait.ge [sflag:s17], $0x200  }
0x111: {  	[sflag:s17] =	ssyncset.done $0x0  }
0x112: {  	[sflag:s17] =	ssyncadd.s32 $0xFFFFFE00  }
0x113: {  	_ =	swait.ge [sflag:s17], $0x200  }
0x114: {  	[sflag:s17] =	ssyncset.done $0x0  }
0x115: {  	[sflag:s17] =	ssyncadd.s32 $0xFFFFFE00  }
0x116: {  	_ =	swait.ge [sflag:s17], $0x200  }
0x117: {  	[sflag:s17] =	ssyncset.done $0x0  }
0x118: {  	[sflag:s17] =	ssyncadd.s32 $0xFFFFFE00  }
0x119: {  	_ =	swait.ge [sflag:s17], $0x200  }
0x11a: {  	[sflag:s17] =	ssyncset.done $0x0  }
0x11b: {  	[sflag:s17] =	ssyncadd.s32 $0xFFFFFE00  }
0x11c: {  	_ =	swait.ge [sflag:s17], $0x200  }
0x11d: {  	[sflag:s17] =	ssyncset.done $0x0  }
0x11e: {  	[sflag:s17] =	ssyncadd.s32 $0xFFFFFE00  }
0x11f: {  	_ =	swait.ge [sflag:s17], $0x200  }
0x120: {  	s30 =	sld [smem:$0x7B6]  }
0x121: {  	[sflag:s17] =	ssyncset.done $0x0  }
0x122: {  	[sflag:s17] =	ssyncadd.s32 $0xFFFFFE00  }
0x123: {  	[tilespmem:s9], [sflag:$0x2] =	stream.indirect.gather [hbm4b:s30+s14], $0x10, s0, s14, $0xb8;
	[tilespmem:$0x15F00] =	vst v63  }
0x124: {  	s30 =	sld [smem:$0x7B7];
	_ =	sdelay $0x2  }
0x125: {  	[tilespmem:s18], [sflag:$0x3] =	stream.indirect.gather [hbm4b:s30+s14], $0x10, s14, s14, $0xb8;
	[tilespmem:$0x15F00] =	vst v63  }
0x126: {  	_ =	swait.ge [sflag:s10], $0x2000  }
0x127: {  	s30 =	sld [smem:$0x7DC]  }
0x128: {  	[sflag:s10] =	ssyncset.done $0x0  }
0x129: {  	[sflag:s10] =	ssyncadd.s32 $0xFFFFE000  }
0x12a: {  	[hbm4b:s30+s19] =	stream.strided.scatter [tilespmem:s9], [sflag:$0x4], $0x2000, s11, s19, $0x38;
	[tilespmem:$0x15F00] =	vst v63  }
0x12b: {  	_ =	swait.ge [sflag:s20], $0x2000  }
0x12c: {  	s30 =	sld [smem:$0x7B9]  }
0x12d: {  	[sflag:s20] =	ssyncset.done $0x0  }
0x12e: {  	[sflag:s20] =	ssyncadd.s32 $0xFFFFE000  }
0x12f: {  	[tilespmem:s9], [sflag:$0x2] =	stream.indirect.gather [hbm4b:s30+s14], $0x10, s31, s14, $0xb8;
	[tilespmem:$0x15F00] =	vst v63  }
0x130: {  	_ =	swait.ge [sflag:s12], $0x2000  }
0x131: {  	s30 =	sld [smem:$0x7DD]  }
0x132: {  	[sflag:s12] =	ssyncset.done $0x0  }
0x133: {  	[sflag:s12] =	ssyncadd.s32 $0xFFFFE000  }
0x134: {  	[hbm4b:s30+s19] =	stream.strided.scatter [tilespmem:s18], [sflag:$0x4], $0x2000, s11, s19, $0x38;
	[tilespmem:$0x15F00] =	vst v63  }
0x135: {  	_ =	swait.ge [sflag:s20], $0x2000  }
0x136: {  	s30 =	sld [smem:$0x7BA]  }
0x137: {  	[sflag:s20] =	ssyncset.done $0x0  }
0x138: {  	[sflag:s20] =	ssyncadd.s32 $0xFFFFE000  }
0x139: {  	[tilespmem:s18], [sflag:$0x3] =	stream.indirect.gather [hbm4b:s30+s14], $0x10, s2, s14, $0xb8;
	[tilespmem:$0x15F00] =	vst v63  }
0x13a: {  	_ =	swait.ge [sflag:s10], $0x2000  }
0x13b: {  	s30 =	sld [smem:$0x7DE]  }
0x13c: {  	[sflag:s10] =	ssyncset.done $0x0  }
0x13d: {  	[sflag:s10] =	ssyncadd.s32 $0xFFFFE000  }
0x13e: {  	[hbm4b:s30+s19] =	stream.strided.scatter [tilespmem:s9], [sflag:$0x4], $0x2000, s11, s19, $0x38;
	[tilespmem:$0x15F00] =	vst v63  }
0x13f: {  	_ =	swait.ge [sflag:s20], $0x2000  }
0x140: {  	s30 =	sld [smem:$0x7BC]  }
0x141: {  	[sflag:s20] =	ssyncset.done $0x0  }
0x142: {  	[sflag:s20] =	ssyncadd.s32 $0xFFFFE000  }
0x143: {  	[tilespmem:s9], [sflag:$0x2] =	stream.indirect.gather [hbm4b:s30+s14], $0x10, s1, s14, $0xb8;
	[tilespmem:$0x15F00] =	vst v63  }
0x144: {  	_ =	swait.ge [sflag:s12], $0x2000  }
0x145: {  	s30 =	sld [smem:$0x7DF]  }
0x146: {  	[sflag:s12] =	ssyncset.done $0x0  }
0x147: {  	[sflag:s12] =	ssyncadd.s32 $0xFFFFE000  }
0x148: {  	[hbm4b:s30+s19] =	stream.strided.scatter [tilespmem:s18], [sflag:$0x4], $0x2000, s11, s19, $0x38;
	[tilespmem:$0x15F00] =	vst v63  }
0x149: {  	_ =	swait.ge [sflag:s20], $0x2000  }
0x14a: {  	s30 =	sld [smem:$0x7BD]  }
0x14b: {  	[sflag:s20] =	ssyncset.done $0x0  }
0x14c: {  	[sflag:s20] =	ssyncadd.s32 $0xFFFFE000  }
0x14d: {  	[tilespmem:s18], [sflag:$0x3] =	stream.indirect.gather [hbm4b:s30+s14], $0x10, s3, s14, $0xb8;
	[tilespmem:$0x15F00] =	vst v63  }
0x14e: {  	_ =	swait.ge [sflag:s10], $0x2000  }
0x14f: {  	s30 =	sld [smem:$0x7E0]  }
0x150: {  	[sflag:s10] =	ssyncset.done $0x0  }
0x151: {  	[sflag:s10] =	ssyncadd.s32 $0xFFFFE000  }
0x152: {  	[hbm4b:s30+s19] =	stream.strided.scatter [tilespmem:s9], [sflag:$0x4], $0x2000, s11, s19, $0x38;
	[tilespmem:$0x15F00] =	vst v63  }
0x153: {  	_ =	swait.ge [sflag:s20], $0x2000  }
0x154: {  	s30 =	sld [smem:$0x7BF]  }
0x155: {  	[sflag:s20] =	ssyncset.done $0x0  }
0x156: {  	[sflag:s20] =	ssyncadd.s32 $0xFFFFE000  }
0x157: {  	[tilespmem:s9], [sflag:$0x2] =	stream.indirect.gather [hbm4b:s30+s14], $0x10, s5, s14, $0xb8;
	[tilespmem:$0x15F00] =	vst v63  }
0x158: {  	_ =	swait.ge [sflag:s12], $0x2000  }
0x159: {  	s30 =	sld [smem:$0x7E1]  }
0x15a: {  	[sflag:s12] =	ssyncset.done $0x0  }
0x15b: {  	[sflag:s12] =	ssyncadd.s32 $0xFFFFE000  }
0x15c: {  	[hbm4b:s30+s19] =	stream.strided.scatter [tilespmem:s18], [sflag:$0x4], $0x2000, s11, s19, $0x38;
	[tilespmem:$0x15F00] =	vst v63  }
0x15d: {  	_ =	swait.ge [sflag:s20], $0x2000  }
0x15e: {  	s30 =	sld [smem:$0x7C0]  }
0x15f: {  	[sflag:s20] =	ssyncset.done $0x0  }
0x160: {  	[sflag:s20] =	ssyncadd.s32 $0xFFFFE000  }
0x161: {  	[tilespmem:s18], [sflag:$0x3] =	stream.indirect.gather [hbm4b:s30+s14], $0x10, s6, s14, $0xb8;
	[tilespmem:$0x15F00] =	vst v63  }
0x162: {  	_ =	swait.ge [sflag:s10], $0x2000  }
0x163: {  	s30 =	sld [smem:$0x7E2]  }
0x164: {  	[sflag:s10] =	ssyncset.done $0x0  }
0x165: {  	[sflag:s10] =	ssyncadd.s32 $0xFFFFE000  }
0x166: {  	[hbm4b:s30+s19] =	stream.strided.scatter [tilespmem:s9], [sflag:$0x4], $0x2000, s11, s19, $0x38;
	[tilespmem:$0x15F00] =	vst v63  }
0x167: {  	_ =	swait.ge [sflag:s20], $0x2000  }
0x168: {  	s30 =	sld [smem:$0x7C9]  }
0x169: {  	[sflag:s20] =	ssyncset.done $0x0  }
0x16a: {  	[sflag:s20] =	ssyncadd.s32 $0xFFFFE000  }
0x16b: {  	[tilespmem:s9], [sflag:$0x2] =	stream.indirect.gather [hbm4b:s30+s14], $0x10, s15, s14, $0xb8;
	[tilespmem:$0x15F00] =	vst v63  }
0x16c: {  	_ =	swait.ge [sflag:s12], $0x2000  }
0x16d: {  	s30 =	sld [smem:$0x7E3]  }
0x16e: {  	[sflag:s12] =	ssyncset.done $0x0  }
0x16f: {  	[sflag:s12] =	ssyncadd.s32 $0xFFFFE000  }
0x170: {  	[hbm4b:s30+s19] =	stream.strided.scatter [tilespmem:s18], [sflag:$0x4], $0x2000, s11, s19, $0x38;
	[tilespmem:$0x15F00] =	vst v63  }
0x171: {  	_ =	swait.ge [sflag:s20], $0x2000  }
0x172: {  	s30 =	sld [smem:$0x7C2]  }
0x173: {  	[sflag:s20] =	ssyncset.done $0x0  }
0x174: {  	[sflag:s20] =	ssyncadd.s32 $0xFFFFE000  }
0x175: {  	[tilespmem:s18], [sflag:$0x3] =	stream.indirect.gather [hbm4b:s30+s14], $0x10, s7, s14, $0xb8;
	[tilespmem:$0x15F00] =	vst v63  }
0x176: {  	_ =	swait.ge [sflag:s10], $0x2000  }
0x177: {  	s30 =	sld [smem:$0x7E4]  }
0x178: {  	[sflag:s10] =	ssyncset.done $0x0  }
0x179: {  	[sflag:s10] =	ssyncadd.s32 $0xFFFFE000  }
0x17a: {  	[hbm4b:s30+s19] =	stream.strided.scatter [tilespmem:s9], [sflag:$0x4], $0x2000, s11, s19, $0x38;
	[tilespmem:$0x15F00] =	vst v63  }
0x17b: {  	_ =	swait.ge [sflag:s20], $0x2000  }
0x17c: {  	s30 =	sld [smem:$0x7C3]  }
0x17d: {  	[sflag:s20] =	ssyncset.done $0x0  }
0x17e: {  	[sflag:s20] =	ssyncadd.s32 $0xFFFFE000  }
0x17f: {  	[tilespmem:s9], [sflag:$0x2] =	stream.indirect.gather [hbm4b:s30+s14], $0x10, s16, s14, $0xb8;
	[tilespmem:$0x15F00] =	vst v63  }
0x180: {  	_ =	swait.ge [sflag:s12], $0x2000  }
0x181: {  	s30 =	sld [smem:$0x7E5]  }
0x182: {  	[sflag:s12] =	ssyncset.done $0x0  }
0x183: {  	[sflag:s12] =	ssyncadd.s32 $0xFFFFE000  }
0x184: {  	[hbm4b:s30+s19] =	stream.strided.scatter [tilespmem:s18], [sflag:$0x4], $0x2000, s11, s19, $0x38;
	[tilespmem:$0x15F00] =	vst v63  }
0x185: {  	_ =	swait.ge [sflag:s20], $0x2000  }
0x186: {  	s30 =	sld [smem:$0x7C5]  }
0x187: {  	[sflag:s20] =	ssyncset.done $0x0  }
0x188: {  	[sflag:s20] =	ssyncadd.s32 $0xFFFFE000  }
0x189: {  	[tilespmem:s18], [sflag:$0x3] =	stream.indirect.gather [hbm4b:s30+s14], $0x10, s8, s14, $0xb8;
	[tilespmem:$0x15F00] =	vst v63  }
0x18a: {  	_ =	swait.ge [sflag:s10], $0x2000  }
0x18b: {  	s30 =	sld [smem:$0x7E6]  }
0x18c: {  	[sflag:s10] =	ssyncset.done $0x0  }
0x18d: {  	[sflag:s10] =	ssyncadd.s32 $0xFFFFE000  }
0x18e: {  	[hbm4b:s30+s19] =	stream.strided.scatter [tilespmem:s9], [sflag:$0x4], $0x2000, s11, s19, $0x38;
	[tilespmem:$0x15F00] =	vst v63  }
0x18f: {  	_ =	swait.ge [sflag:s20], $0x2000  }
0x190: {  	s30 =	sld [smem:$0x7C6]  }
0x191: {  	[sflag:s20] =	ssyncset.done $0x0  }
0x192: {  	s1 =	simm.s32 $0x1800;
	[sflag:s20] =	ssyncadd.s32 $0xFFFFE000  }
0x193: {  	[tilespmem:s9], [sflag:$0x2] =	stream.indirect.gather [hbm4b:s30+s14], $0x10, s1, s14, $0xb8;
	[tilespmem:$0x15F00] =	vst v63  }
0x194: {  	_ =	swait.ge [sflag:s12], $0x2000  }
0x195: {  	s30 =	sld [smem:$0x7E7]  }
0x196: {  	[sflag:s12] =	ssyncset.done $0x0  }
0x197: {  	[sflag:s12] =	ssyncadd.s32 $0xFFFFE000  }
0x198: {  	[hbm4b:s30+s19] =	stream.strided.scatter [tilespmem:s18], [sflag:$0x4], $0x2000, s11, s19, $0x38;
	[tilespmem:$0x15F00] =	vst v63  }
0x199: {  	_ =	swait.ge [sflag:s20], $0x2000  }
0x19a: {  	s30 =	sld [smem:$0x7C7]  }
0x19b: {  	[sflag:s20] =	ssyncset.done $0x0  }
0x19c: {  	s1 =	simm.s32 $0x1A00;
	[sflag:s20] =	ssyncadd.s32 $0xFFFFE000  }
0x19d: {  	[tilespmem:s18], [sflag:$0x3] =	stream.indirect.gather [hbm4b:s30+s14], $0x10, s1, s14, $0xb8;
	[tilespmem:$0x15F00] =	vst v63  }
0x19e: {  	_ =	swait.ge [sflag:s10], $0x2000  }
0x19f: {  	s30 =	sld [smem:$0x7E8]  }
0x1a0: {  	[sflag:s10] =	ssyncset.done $0x0  }
0x1a1: {  	[sflag:s10] =	ssyncadd.s32 $0xFFFFE000  }
0x1a2: {  	[hbm4b:s30+s19] =	stream.strided.scatter [tilespmem:s9], [sflag:$0x4], $0x2000, s11, s19, $0x38;
	[tilespmem:$0x15F00] =	vst v63  }
0x1a3: {  	_ =	swait.ge [sflag:s20], $0x2000  }
0x1a4: {  	s30 =	sld [smem:$0x7C8]  }
0x1a5: {  	[sflag:s20] =	ssyncset.done $0x0  }
0x1a6: {  	s1 =	simm.s32 $0x1C00;
	[sflag:s20] =	ssyncadd.s32 $0xFFFFE000  }
0x1a7: {  	[tilespmem:s9], [sflag:$0x2] =	stream.indirect.gather [hbm4b:s30+s14], $0x10, s1, s14, $0xb8;
	[tilespmem:$0x15F00] =	vst v63  }
0x1a8: {  	_ =	swait.ge [sflag:s12], $0x2000  }
0x1a9: {  	s30 =	sld [smem:$0x7E9]  }
0x1aa: {  	[sflag:s12] =	ssyncset.done $0x0  }
0x1ab: {  	[sflag:s12] =	ssyncadd.s32 $0xFFFFE000  }
0x1ac: {  	[hbm4b:s30+s19] =	stream.strided.scatter [tilespmem:s18], [sflag:$0x4], $0x2000, s11, s19, $0x38;
	[tilespmem:$0x15F00] =	vst v63  }
0x1ad: {  	_ =	swait.ge [sflag:s20], $0x2000  }
0x1ae: {  	s30 =	sld [smem:$0x7CA]  }
0x1af: {  	[sflag:s20] =	ssyncset.done $0x0  }
0x1b0: {  	s1 =	simm.s32 $0x1E00;
	[sflag:s20] =	ssyncadd.s32 $0xFFFFE000  }
0x1b1: {  	[tilespmem:s18], [sflag:$0x3] =	stream.indirect.gather [hbm4b:s30+s14], $0x10, s1, s14, $0xb8;
	[tilespmem:$0x15F00] =	vst v63  }
0x1b2: {  	_ =	swait.ge [sflag:s10], $0x2000  }
0x1b3: {  	s30 =	sld [smem:$0x7EA]  }
0x1b4: {  	[sflag:s10] =	ssyncset.done $0x0  }
0x1b5: {  	[sflag:s10] =	ssyncadd.s32 $0xFFFFE000  }
0x1b6: {  	[hbm4b:s30+s19] =	stream.strided.scatter [tilespmem:s9], [sflag:$0x4], $0x2000, s11, s19, $0x38;
	[tilespmem:$0x15F00] =	vst v63  }
0x1b7: {  	_ =	swait.ge [sflag:s20], $0x2000  }
0x1b8: {  	s30 =	sld [smem:$0x7CB]  }
0x1b9: {  	[sflag:s20] =	ssyncset.done $0x0  }
0x1ba: {  	s1 =	simm.s32 $0x2000;
	[sflag:s20] =	ssyncadd.s32 $0xFFFFE000  }
0x1bb: {  	[tilespmem:s9], [sflag:$0x2] =	stream.indirect.gather [hbm4b:s30+s14], $0x10, s1, s14, $0xb8;
	[tilespmem:$0x15F00] =	vst v63  }
0x1bc: {  	_ =	swait.ge [sflag:s12], $0x2000  }
0x1bd: {  	s30 =	sld [smem:$0x7EB]  }
0x1be: {  	[sflag:s12] =	ssyncset.done $0x0  }
0x1bf: {  	[sflag:s12] =	ssyncadd.s32 $0xFFFFE000  }
0x1c0: {  	[hbm4b:s30+s19] =	stream.strided.scatter [tilespmem:s18], [sflag:$0x4], $0x2000, s11, s19, $0x38;
	[tilespmem:$0x15F00] =	vst v63  }
0x1c1: {  	_ =	swait.ge [sflag:s20], $0x2000  }
0x1c2: {  	s30 =	sld [smem:$0x7D2]  }
0x1c3: {  	[sflag:s20] =	ssyncset.done $0x0  }
0x1c4: {  	s1 =	simm.s32 $0x2200;
	[sflag:s20] =	ssyncadd.s32 $0xFFFFE000  }
0x1c5: {  	[tilespmem:s18], [sflag:$0x3] =	stream.indirect.gather [hbm4b:s30+s14], $0x10, s1, s14, $0xb8;
	[tilespmem:$0x15F00] =	vst v63  }
0x1c6: {  	_ =	swait.ge [sflag:s10], $0x2000  }
0x1c7: {  	s30 =	sld [smem:$0x7EC]  }
0x1c8: {  	[sflag:s10] =	ssyncset.done $0x0  }
0x1c9: {  	[sflag:s10] =	ssyncadd.s32 $0xFFFFE000  }
0x1ca: {  	[hbm4b:s30+s19] =	stream.strided.scatter [tilespmem:s9], [sflag:$0x4], $0x2000, s11, s19, $0x38;
	[tilespmem:$0x15F00] =	vst v63  }
0x1cb: {  	_ =	swait.ge [sflag:s20], $0x2000  }
0x1cc: {  	s30 =	sld [smem:$0x7CC]  }
0x1cd: {  	[sflag:s20] =	ssyncset.done $0x0  }
0x1ce: {  	s1 =	simm.s32 $0x2400;
	[sflag:s20] =	ssyncadd.s32 $0xFFFFE000  }
0x1cf: {  	[tilespmem:s9], [sflag:$0x2] =	stream.indirect.gather [hbm4b:s30+s14], $0x10, s1, s14, $0xb8;
	[tilespmem:$0x15F00] =	vst v63  }
0x1d0: {  	_ =	swait.ge [sflag:s12], $0x2000  }
0x1d1: {  	s30 =	sld [smem:$0x7ED]  }
0x1d2: {  	[sflag:s12] =	ssyncset.done $0x0  }
0x1d3: {  	[sflag:s12] =	ssyncadd.s32 $0xFFFFE000  }
0x1d4: {  	[hbm4b:s30+s19] =	stream.strided.scatter [tilespmem:s18], [sflag:$0x4], $0x2000, s11, s19, $0x38;
	[tilespmem:$0x15F00] =	vst v63  }
0x1d5: {  	_ =	swait.ge [sflag:s20], $0x2000  }
0x1d6: {  	s30 =	sld [smem:$0x7CD]  }
0x1d7: {  	[sflag:s20] =	ssyncset.done $0x0  }
0x1d8: {  	s1 =	simm.s32 $0x2600;
	[sflag:s20] =	ssyncadd.s32 $0xFFFFE000  }
0x1d9: {  	[tilespmem:s18], [sflag:$0x3] =	stream.indirect.gather [hbm4b:s30+s14], $0x10, s1, s14, $0xb8;
	[tilespmem:$0x15F00] =	vst v63  }
0x1da: {  	_ =	swait.ge [sflag:s10], $0x2000  }
0x1db: {  	s30 =	sld [smem:$0x7EE]  }
0x1dc: {  	[sflag:s10] =	ssyncset.done $0x0  }
0x1dd: {  	[sflag:s10] =	ssyncadd.s32 $0xFFFFE000  }
0x1de: {  	[hbm4b:s30+s19] =	stream.strided.scatter [tilespmem:s9], [sflag:$0x4], $0x2000, s11, s19, $0x38;
	[tilespmem:$0x15F00] =	vst v63  }
0x1df: {  	_ =	swait.ge [sflag:s20], $0x2000  }
0x1e0: {  	s30 =	sld [smem:$0x7CE]  }
0x1e1: {  	[sflag:s20] =	ssyncset.done $0x0  }
0x1e2: {  	s1 =	simm.s32 $0x2800;
	[sflag:s20] =	ssyncadd.s32 $0xFFFFE000  }
0x1e3: {  	[tilespmem:s9], [sflag:$0x2] =	stream.indirect.gather [hbm4b:s30+s14], $0x10, s1, s14, $0xb8;
	[tilespmem:$0x15F00] =	vst v63  }
0x1e4: {  	_ =	swait.ge [sflag:s12], $0x2000  }
0x1e5: {  	s30 =	sld [smem:$0x7EF]  }
0x1e6: {  	[sflag:s12] =	ssyncset.done $0x0  }
0x1e7: {  	[sflag:s12] =	ssyncadd.s32 $0xFFFFE000  }
0x1e8: {  	[hbm4b:s30+s19] =	stream.strided.scatter [tilespmem:s18], [sflag:$0x4], $0x2000, s11, s19, $0x38;
	[tilespmem:$0x15F00] =	vst v63  }
0x1e9: {  	_ =	swait.ge [sflag:s20], $0x2000  }
0x1ea: {  	s30 =	sld [smem:$0x7CF]  }
0x1eb: {  	[sflag:s20] =	ssyncset.done $0x0  }
0x1ec: {  	s1 =	simm.s32 $0x2A00;
	[sflag:s20] =	ssyncadd.s32 $0xFFFFE000  }
0x1ed: {  	[tilespmem:s18], [sflag:$0x3] =	stream.indirect.gather [hbm4b:s30+s14], $0x10, s1, s14, $0xb8;
	[tilespmem:$0x15F00] =	vst v63  }
0x1ee: {  	_ =	swait.ge [sflag:s10], $0x2000  }
0x1ef: {  	s30 =	sld [smem:$0x7F0]  }
0x1f0: {  	[sflag:s10] =	ssyncset.done $0x0  }
0x1f1: {  	[sflag:s10] =	ssyncadd.s32 $0xFFFFE000  }
0x1f2: {  	[hbm4b:s30+s19] =	stream.strided.scatter [tilespmem:s9], [sflag:$0x4], $0x2000, s11, s19, $0x38;
	[tilespmem:$0x15F00] =	vst v63  }
0x1f3: {  	_ =	swait.ge [sflag:s20], $0x2000  }
0x1f4: {  	s30 =	sld [smem:$0x7D0]  }
0x1f5: {  	[sflag:s20] =	ssyncset.done $0x0  }
0x1f6: {  	s1 =	simm.s32 $0x2C00;
	[sflag:s20] =	ssyncadd.s32 $0xFFFFE000  }
0x1f7: {  	[tilespmem:s9], [sflag:$0x2] =	stream.indirect.gather [hbm4b:s30+s14], $0x10, s1, s14, $0xb8;
	[tilespmem:$0x15F00] =	vst v63  }
0x1f8: {  	_ =	swait.ge [sflag:s12], $0x2000  }
0x1f9: {  	s30 =	sld [smem:$0x7F1]  }
0x1fa: {  	[sflag:s12] =	ssyncset.done $0x0  }
0x1fb: {  	[sflag:s12] =	ssyncadd.s32 $0xFFFFE000  }
0x1fc: {  	[hbm4b:s30+s19] =	stream.strided.scatter [tilespmem:s18], [sflag:$0x4], $0x2000, s11, s19, $0x38;
	[tilespmem:$0x15F00] =	vst v63  }
0x1fd: {  	_ =	swait.ge [sflag:s20], $0x2000  }
0x1fe: {  	s30 =	sld [smem:$0x7D1]  }
0x1ff: {  	[sflag:s20] =	ssyncset.done $0x0  }
0x200: {  	s1 =	simm.s32 $0x2E00;
	[sflag:s20] =	ssyncadd.s32 $0xFFFFE000  }
0x201: {  	[tilespmem:s18], [sflag:$0x3] =	stream.indirect.gather [hbm4b:s30+s14], $0x10, s1, s14, $0xb8;
	[tilespmem:$0x15F00] =	vst v63  }
0x202: {  	_ =	swait.ge [sflag:s10], $0x2000  }
0x203: {  	s30 =	sld [smem:$0x7F2]  }
0x204: {  	[sflag:s10] =	ssyncset.done $0x0  }
0x205: {  	[sflag:s10] =	ssyncadd.s32 $0xFFFFE000  }
0x206: {  	[hbm4b:s30+s19] =	stream.strided.scatter [tilespmem:s9], [sflag:$0x4], $0x2000, s11, s19, $0x38;
	[tilespmem:$0x15F00] =	vst v63  }
0x207: {  	_ =	swait.ge [sflag:s20], $0x2000  }
0x208: {  	s30 =	sld [smem:$0x7D3]  }
0x209: {  	[sflag:s20] =	ssyncset.done $0x0  }
0x20a: {  	s24 =	simm.s32 $0x3000;
	[sflag:s20] =	ssyncadd.s32 $0xFFFFE000  }
0x20b: {  	[tilespmem:s9], [sflag:$0x2] =	stream.indirect.gather [hbm4b:s30+s14], $0x10, s24, s14, $0xb8;
	[tilespmem:$0x15F00] =	vst v63  }
0x20c: {  	_ =	swait.ge [sflag:s12], $0x2000  }
0x20d: {  	s30 =	sld [smem:$0x7F3]  }
0x20e: {  	[sflag:s12] =	ssyncset.done $0x0  }
0x20f: {  	[sflag:s12] =	ssyncadd.s32 $0xFFFFE000  }
0x210: {  	[hbm4b:s30+s19] =	stream.strided.scatter [tilespmem:s18], [sflag:$0x4], $0x2000, s11, s19, $0x38;
	[tilespmem:$0x15F00] =	vst v63  }
0x211: {  	_ =	swait.ge [sflag:s20], $0x2000  }
0x212: {  	[sflag:s20] =	ssyncset.done $0x0  }
0x213: {  	[sflag:s20] =	ssyncadd.s32 $0xFFFFE000  }
0x214: {  	_ =	swait.ge [sflag:s10], $0x2000  }
0x215: {  	s30 =	sld [smem:$0x7F4]  }
0x216: {  	[sflag:s10] =	ssyncset.done $0x0  }
0x217: {  	[sflag:s10] =	ssyncadd.s32 $0xFFFFE000  }
0x218: {  	[hbm4b:s30+s19] =	stream.strided.scatter [tilespmem:s9], [sflag:$0x4], $0x2000, s11, s19, $0x38;
	[tilespmem:$0x15F00] =	vst v63  }
0x219: {  	_ =	swait.ge [sflag:s20], $0x2000  }
0x21a: {  	[sflag:s20] =	ssyncset.done $0x0  }
0x21b: {  	s30 =	rddreg [dreg:$0xf];
	[sflag:s20] =	ssyncadd.s32 $0xFFFFE000  }
0x21c: {  	[tilespmem:s21], [sflag:$0x4] =	stream.linear.gather [hbm4b:s30+s0], $0xC80, $0x38;
	[tilespmem:$0x15F00] =	vst v63  }
0x21d: {  	_ =	swait.ge [sflag:s20], $0xC80  }
0x21e: {  	[sflag:s20] =	ssyncset.done $0x0  }
0x21f: {  	s31 =	simm.s32 $0x40;
	s30 =	simm.s32 $0x0;
	[sflag:s20] =	ssyncadd.s32 $0xFFFFF380  }
.LBB3_2:
0x220: {  	p0 =	sne.s32 s31, $0x31C0;
	v2 =	vld [tilespmem:s30+$0x14680];
	_ =	sdelay $0x1  }
.Ltmp0:
0x221: {  	(pc) =	sbr.rel @p0 .LBB3_2-.Ltmp0, $3  }
0x222: {  	_ =	sdelay $0x1  }
0x223: {  	v2 =	vadd.s32 v0, v2  }
0x224: {  	[tilespmem:s30+$0x14680] =	vst v2;
	s30 =	sshra.s32 s31, $0x2;
	s31 =	sadd.s32 $0x40, s31  }
0x225: {  	v2 =	vld [tilespmem:s30+$0x14680];
	_ =	sdelay $0x4  }
0x226: {  	v2 =	vadd.s32 v0, v2  }
0x227: {  	s31 =	simm.s32 $0x0;
	[tilespmem:s30+$0x14680] =	vst v2;
	s30 =	simm.s32 $0x40  }
.LBB3_4:
0x228: {  	p0 =	sne.s32 s30, $0xFC0;
	[tilespmem:s31+$0x15300] =	vst v1;
	s31 =	smov.u32 s30;
	s30 =	sadd.s32 $0x40, s30  }
.Ltmp1:
0x229: {  	(pc) =	sbr.rel @p0 .LBB3_4-.Ltmp1, $2  }
0x22a: {  	_ =	sdelay $0x2  }
0x22b: {  	s31 =	sshra.s32 s31, $0x2  }
0x22c: {  	s30 =	sld [smem:$0x7D4];
	_ =	sdelay $0x1  }
0x22d: {  	[tilespmem:s31+$0x15300] =	vst v1  }
0x22e: {  	[tilespmem:s13], [sflag:$0x4] =	stream.linear.gather [hbm4b:s30+s0], $0xC80, $0x38;
	[tilespmem:$0x15F00] =	vst v63  }
0x22f: {  	_ =	swait.ge [sflag:s20], $0xC80  }
0x230: {  	[sflag:s20] =	ssyncset.done $0x0  }
0x231: {  	[sflag:s20] =	ssyncadd.s32 $0xFFFFF380  }
0x232: {  	[tilespmem:s23], [sflag:$0x2] =	stream.indirect.gather [hbm4b:s26+s22], $0x10, s13, s22, $0xb8;
	[tilespmem:$0x15F00] =	vst v63  }
0x233: {  	_ =	swait.ge [sflag:s10], $0xC800  }
0x234: {  	[sflag:s10] =	ssyncset.done $0x0  }
0x235: {  	s1 =	simm.s32 $0x15300;
	[sflag:s10] =	ssyncadd.s32 $0xFFFF3800  }
0x236: {  	[spmem:s28] =	stream.linear.scatter [tilespmem:s1], [sflag:$0x4], $0x400, $0x38;
	[tilespmem:$0x15F00] =	vst v63  }
0x237: {  	_ =	swait.ge [sflag:s20], $0x400  }
0x238: {  	[sflag:s20] =	ssyncset.done $0x0  }
0x239: {  	[sflag:s20] =	ssyncadd.s32 $0xFFFFFC00  }
0x23a: {  	[spmem:s4] =	stream.indirect.scatter.add.f32 [tilespmem:s23], [sflag:$0x4], $0x10, s21, s22, $0xb8;
	[tilespmem:$0x15F00] =	vst v63  }
0x23b: {  	_ =	swait.ge [sflag:s20], $0xC800  }
0x23c: {  	[sflag:s20] =	ssyncset.done $0x0  }
0x23d: {  	[sflag:s20] =	ssyncadd.s32 $0xFFFF3800  }
0x23e: {  	[tilespmem:s25], [sflag:$0x4] =	stream.linear.gather [spmem:s28], $0x400, $0x38;
	[tilespmem:$0x15F00] =	vst v63  }
0x23f: {  	_ =	swait.ge [sflag:s20], $0x400  }
0x240: {  	s24 =	sld [smem:$0x7F5]  }
0x241: {  	[sflag:s20] =	ssyncset.done $0x0  }
0x242: {  	[sflag:s20] =	ssyncadd.s32 $0xFFFFFC00  }
0x243: {  	[hbm4b:s24+s19] =	stream.strided.scatter [tilespmem:s25], [sflag:$0x4], $0x400, s11, s19, $0x38;
	[tilespmem:$0x15F00] =	vst v63  }
0x244: {  	_ =	swait.ge [sflag:s20], $0x400  }
0x245: {  	s31 =	sld [smem:$0x7D5]  }
0x246: {  	[sflag:s20] =	ssyncset.done $0x0  }
0x247: {  	[sflag:s20] =	ssyncadd.s32 $0xFFFFFC00  }
0x248: {  	[tilespmem:s13], [sflag:$0x4] =	stream.linear.gather [hbm4b:s31+s0], $0xC80, $0x38;
	[tilespmem:$0x15F00] =	vst v63  }
0x249: {  	_ =	swait.ge [sflag:s20], $0xC80  }
0x24a: {  	[sflag:s20] =	ssyncset.done $0x0  }
0x24b: {  	[sflag:s20] =	ssyncadd.s32 $0xFFFFF380  }
0x24c: {  	[tilespmem:s23], [sflag:$0x2] =	stream.indirect.gather [hbm4b:s26+s22], $0x10, s13, s22, $0xb8;
	[tilespmem:$0x15F00] =	vst v63  }
0x24d: {  	_ =	swait.ge [sflag:s10], $0xC800  }
0x24e: {  	[sflag:s10] =	ssyncset.done $0x0  }
0x24f: {  	[sflag:s10] =	ssyncadd.s32 $0xFFFF3800  }
0x250: {  	[spmem:s28] =	stream.linear.scatter [tilespmem:s1], [sflag:$0x4], $0x400, $0x38;
	[tilespmem:$0x15F00] =	vst v63  }
0x251: {  	_ =	swait.ge [sflag:s20], $0x400  }
0x252: {  	[sflag:s20] =	ssyncset.done $0x0  }
0x253: {  	[sflag:s20] =	ssyncadd.s32 $0xFFFFFC00  }
0x254: {  	[spmem:s4] =	stream.indirect.scatter.add.f32 [tilespmem:s23], [sflag:$0x4], $0x10, s21, s22, $0xb8;
	[tilespmem:$0x15F00] =	vst v63  }
0x255: {  	_ =	swait.ge [sflag:s20], $0xC800  }
0x256: {  	[sflag:s20] =	ssyncset.done $0x0  }
0x257: {  	[sflag:s20] =	ssyncadd.s32 $0xFFFF3800  }
0x258: {  	[tilespmem:s25], [sflag:$0x4] =	stream.linear.gather [spmem:s28], $0x400, $0x38;
	[tilespmem:$0x15F00] =	vst v63  }
0x259: {  	_ =	swait.ge [sflag:s20], $0x400  }
0x25a: {  	s24 =	sld [smem:$0x7F6]  }
0x25b: {  	[sflag:s20] =	ssyncset.done $0x0  }
0x25c: {  	[sflag:s20] =	ssyncadd.s32 $0xFFFFFC00  }
0x25d: {  	[hbm4b:s24+s19] =	stream.strided.scatter [tilespmem:s25], [sflag:$0x4], $0x400, s11, s19, $0x38;
	[tilespmem:$0x15F00] =	vst v63  }
0x25e: {  	_ =	swait.ge [sflag:s20], $0x400  }
0x25f: {  	s31 =	sld [smem:$0x7D6]  }
0x260: {  	[sflag:s20] =	ssyncset.done $0x0  }
0x261: {  	[sflag:s20] =	ssyncadd.s32 $0xFFFFFC00  }
0x262: {  	[tilespmem:s13], [sflag:$0x4] =	stream.linear.gather [hbm4b:s31+s0], $0xC80, $0x38;
	[tilespmem:$0x15F00] =	vst v63  }
0x263: {  	_ =	swait.ge [sflag:s20], $0xC80  }
0x264: {  	[sflag:s20] =	ssyncset.done $0x0  }
0x265: {  	[sflag:s20] =	ssyncadd.s32 $0xFFFFF380  }
0x266: {  	[tilespmem:s23], [sflag:$0x2] =	stream.indirect.gather [hbm4b:s26+s22], $0x10, s13, s22, $0xb8;
	[tilespmem:$0x15F00] =	vst v63  }
0x267: {  	_ =	swait.ge [sflag:s10], $0xC800  }
0x268: {  	[sflag:s10] =	ssyncset.done $0x0  }
0x269: {  	[sflag:s10] =	ssyncadd.s32 $0xFFFF3800  }
0x26a: {  	[spmem:s28] =	stream.linear.scatter [tilespmem:s1], [sflag:$0x4], $0x400, $0x38;
	[tilespmem:$0x15F00] =	vst v63  }
0x26b: {  	_ =	swait.ge [sflag:s20], $0x400  }
0x26c: {  	[sflag:s20] =	ssyncset.done $0x0  }
0x26d: {  	[sflag:s20] =	ssyncadd.s32 $0xFFFFFC00  }
0x26e: {  	[spmem:s4] =	stream.indirect.scatter.add.f32 [tilespmem:s23], [sflag:$0x4], $0x10, s21, s22, $0xb8;
	[tilespmem:$0x15F00] =	vst v63  }
0x26f: {  	_ =	swait.ge [sflag:s20], $0xC800  }
0x270: {  	[sflag:s20] =	ssyncset.done $0x0  }
0x271: {  	[sflag:s20] =	ssyncadd.s32 $0xFFFF3800  }
0x272: {  	[tilespmem:s25], [sflag:$0x4] =	stream.linear.gather [spmem:s28], $0x400, $0x38;
	[tilespmem:$0x15F00] =	vst v63  }
0x273: {  	_ =	swait.ge [sflag:s20], $0x400  }
0x274: {  	s24 =	sld [smem:$0x7F7]  }
0x275: {  	[sflag:s20] =	ssyncset.done $0x0  }
0x276: {  	[sflag:s20] =	ssyncadd.s32 $0xFFFFFC00  }
0x277: {  	[hbm4b:s24+s19] =	stream.strided.scatter [tilespmem:s25], [sflag:$0x4], $0x400, s11, s19, $0x38;
	[tilespmem:$0x15F00] =	vst v63  }
0x278: {  	_ =	swait.ge [sflag:s20], $0x400  }
0x279: {  	s31 =	sld [smem:$0x7D7]  }
0x27a: {  	[sflag:s20] =	ssyncset.done $0x0  }
0x27b: {  	[sflag:s20] =	ssyncadd.s32 $0xFFFFFC00  }
0x27c: {  	[tilespmem:s13], [sflag:$0x4] =	stream.linear.gather [hbm4b:s31+s0], $0xC80, $0x38;
	[tilespmem:$0x15F00] =	vst v63  }
0x27d: {  	_ =	swait.ge [sflag:s20], $0xC80  }
0x27e: {  	[sflag:s20] =	ssyncset.done $0x0  }
0x27f: {  	[sflag:s20] =	ssyncadd.s32 $0xFFFFF380  }
0x280: {  	[tilespmem:s23], [sflag:$0x2] =	stream.indirect.gather [hbm4b:s26+s22], $0x10, s13, s22, $0xb8;
	[tilespmem:$0x15F00] =	vst v63  }
0x281: {  	_ =	swait.ge [sflag:s10], $0xC800  }
0x282: {  	[sflag:s10] =	ssyncset.done $0x0  }
0x283: {  	[sflag:s10] =	ssyncadd.s32 $0xFFFF3800  }
0x284: {  	[spmem:s28] =	stream.linear.scatter [tilespmem:s1], [sflag:$0x4], $0x400, $0x38;
	[tilespmem:$0x15F00] =	vst v63  }
0x285: {  	_ =	swait.ge [sflag:s20], $0x400  }
0x286: {  	[sflag:s20] =	ssyncset.done $0x0  }
0x287: {  	[sflag:s20] =	ssyncadd.s32 $0xFFFFFC00  }
0x288: {  	[spmem:s4] =	stream.indirect.scatter.add.f32 [tilespmem:s23], [sflag:$0x4], $0x10, s21, s22, $0xb8;
	[tilespmem:$0x15F00] =	vst v63  }
0x289: {  	_ =	swait.ge [sflag:s20], $0xC800  }
0x28a: {  	[sflag:s20] =	ssyncset.done $0x0  }
0x28b: {  	[sflag:s20] =	ssyncadd.s32 $0xFFFF3800  }
0x28c: {  	[tilespmem:s25], [sflag:$0x4] =	stream.linear.gather [spmem:s28], $0x400, $0x38;
	[tilespmem:$0x15F00] =	vst v63  }
0x28d: {  	_ =	swait.ge [sflag:s20], $0x400  }
0x28e: {  	s24 =	sld [smem:$0x7F8]  }
0x28f: {  	[sflag:s20] =	ssyncset.done $0x0  }
0x290: {  	[sflag:s20] =	ssyncadd.s32 $0xFFFFFC00  }
0x291: {  	[hbm4b:s24+s19] =	stream.strided.scatter [tilespmem:s25], [sflag:$0x4], $0x400, s11, s19, $0x38;
	[tilespmem:$0x15F00] =	vst v63  }
0x292: {  	_ =	swait.ge [sflag:s20], $0x400  }
0x293: {  	s31 =	sld [smem:$0x7D8]  }
0x294: {  	[sflag:s20] =	ssyncset.done $0x0  }
0x295: {  	[sflag:s20] =	ssyncadd.s32 $0xFFFFFC00  }
0x296: {  	[tilespmem:s13], [sflag:$0x4] =	stream.linear.gather [hbm4b:s31+s0], $0xC80, $0x38;
	[tilespmem:$0x15F00] =	vst v63  }
0x297: {  	_ =	swait.ge [sflag:s20], $0xC80  }
0x298: {  	[sflag:s20] =	ssyncset.done $0x0  }
0x299: {  	[sflag:s20] =	ssyncadd.s32 $0xFFFFF380  }
0x29a: {  	[tilespmem:s23], [sflag:$0x2] =	stream.indirect.gather [hbm4b:s26+s22], $0x10, s13, s22, $0xb8;
	[tilespmem:$0x15F00] =	vst v63  }
0x29b: {  	_ =	swait.ge [sflag:s10], $0xC800  }
0x29c: {  	[sflag:s10] =	ssyncset.done $0x0  }
0x29d: {  	[sflag:s10] =	ssyncadd.s32 $0xFFFF3800  }
0x29e: {  	[spmem:s28] =	stream.linear.scatter [tilespmem:s1], [sflag:$0x4], $0x400, $0x38;
	[tilespmem:$0x15F00] =	vst v63  }
0x29f: {  	_ =	swait.ge [sflag:s20], $0x400  }
0x2a0: {  	[sflag:s20] =	ssyncset.done $0x0  }
0x2a1: {  	[sflag:s20] =	ssyncadd.s32 $0xFFFFFC00  }
0x2a2: {  	[spmem:s4] =	stream.indirect.scatter.add.f32 [tilespmem:s23], [sflag:$0x4], $0x10, s21, s22, $0xb8;
	[tilespmem:$0x15F00] =	vst v63  }
0x2a3: {  	_ =	swait.ge [sflag:s20], $0xC800  }
0x2a4: {  	[sflag:s20] =	ssyncset.done $0x0  }
0x2a5: {  	[sflag:s20] =	ssyncadd.s32 $0xFFFF3800  }
0x2a6: {  	[tilespmem:s25], [sflag:$0x4] =	stream.linear.gather [spmem:s28], $0x400, $0x38;
	[tilespmem:$0x15F00] =	vst v63  }
0x2a7: {  	_ =	swait.ge [sflag:s20], $0x400  }
0x2a8: {  	s24 =	sld [smem:$0x7F9]  }
0x2a9: {  	[sflag:s20] =	ssyncset.done $0x0  }
0x2aa: {  	[sflag:s20] =	ssyncadd.s32 $0xFFFFFC00  }
0x2ab: {  	[hbm4b:s24+s19] =	stream.strided.scatter [tilespmem:s25], [sflag:$0x4], $0x400, s11, s19, $0x38;
	[tilespmem:$0x15F00] =	vst v63  }
0x2ac: {  	_ =	swait.ge [sflag:s20], $0x400  }
0x2ad: {  	s31 =	sld [smem:$0x7D9]  }
0x2ae: {  	[sflag:s20] =	ssyncset.done $0x0  }
0x2af: {  	[sflag:s20] =	ssyncadd.s32 $0xFFFFFC00  }
0x2b0: {  	[tilespmem:s13], [sflag:$0x4] =	stream.linear.gather [hbm4b:s31+s0], $0xC80, $0x38;
	[tilespmem:$0x15F00] =	vst v63  }
0x2b1: {  	_ =	swait.ge [sflag:s20], $0xC80  }
0x2b2: {  	[sflag:s20] =	ssyncset.done $0x0  }
0x2b3: {  	[sflag:s20] =	ssyncadd.s32 $0xFFFFF380  }
0x2b4: {  	[tilespmem:s23], [sflag:$0x2] =	stream.indirect.gather [hbm4b:s26+s22], $0x10, s13, s22, $0xb8;
	[tilespmem:$0x15F00] =	vst v63  }
0x2b5: {  	_ =	swait.ge [sflag:s10], $0xC800  }
0x2b6: {  	[sflag:s10] =	ssyncset.done $0x0  }
0x2b7: {  	[sflag:s10] =	ssyncadd.s32 $0xFFFF3800  }
0x2b8: {  	[spmem:s28] =	stream.linear.scatter [tilespmem:s1], [sflag:$0x4], $0x400, $0x38;
	[tilespmem:$0x15F00] =	vst v63  }
0x2b9: {  	_ =	swait.ge [sflag:s20], $0x400  }
0x2ba: {  	[sflag:s20] =	ssyncset.done $0x0  }
0x2bb: {  	[sflag:s20] =	ssyncadd.s32 $0xFFFFFC00  }
0x2bc: {  	[spmem:s4] =	stream.indirect.scatter.add.f32 [tilespmem:s23], [sflag:$0x4], $0x10, s21, s22, $0xb8;
	[tilespmem:$0x15F00] =	vst v63  }
0x2bd: {  	_ =	swait.ge [sflag:s20], $0xC800  }
0x2be: {  	[sflag:s20] =	ssyncset.done $0x0  }
0x2bf: {  	[sflag:s20] =	ssyncadd.s32 $0xFFFF3800  }
0x2c0: {  	[tilespmem:s25], [sflag:$0x4] =	stream.linear.gather [spmem:s28], $0x400, $0x38;
	[tilespmem:$0x15F00] =	vst v63  }
0x2c1: {  	_ =	swait.ge [sflag:s20], $0x400  }
0x2c2: {  	s24 =	sld [smem:$0x7FA]  }
0x2c3: {  	[sflag:s20] =	ssyncset.done $0x0  }
0x2c4: {  	[sflag:s20] =	ssyncadd.s32 $0xFFFFFC00  }
0x2c5: {  	[hbm4b:s24+s19] =	stream.strided.scatter [tilespmem:s25], [sflag:$0x4], $0x400, s11, s19, $0x38;
	[tilespmem:$0x15F00] =	vst v63  }
0x2c6: {  	_ =	swait.ge [sflag:s20], $0x400  }
0x2c7: {  	s31 =	sld [smem:$0x7DA]  }
0x2c8: {  	[sflag:s20] =	ssyncset.done $0x0  }
0x2c9: {  	[sflag:s20] =	ssyncadd.s32 $0xFFFFFC00  }
0x2ca: {  	[tilespmem:s13], [sflag:$0x4] =	stream.linear.gather [hbm4b:s31+s0], $0xC80, $0x38;
	[tilespmem:$0x15F00] =	vst v63  }
0x2cb: {  	_ =	swait.ge [sflag:s20], $0xC80  }
0x2cc: {  	[sflag:s20] =	ssyncset.done $0x0  }
0x2cd: {  	[sflag:s20] =	ssyncadd.s32 $0xFFFFF380  }
0x2ce: {  	[tilespmem:s23], [sflag:$0x2] =	stream.indirect.gather [hbm4b:s26+s22], $0x10, s13, s22, $0xb8;
	[tilespmem:$0x15F00] =	vst v63  }
0x2cf: {  	_ =	swait.ge [sflag:s10], $0xC800  }
0x2d0: {  	[sflag:s10] =	ssyncset.done $0x0  }
0x2d1: {  	[sflag:s10] =	ssyncadd.s32 $0xFFFF3800  }
0x2d2: {  	[spmem:s28] =	stream.linear.scatter [tilespmem:s1], [sflag:$0x4], $0x400, $0x38;
	[tilespmem:$0x15F00] =	vst v63  }
0x2d3: {  	_ =	swait.ge [sflag:s20], $0x400  }
0x2d4: {  	[sflag:s20] =	ssyncset.done $0x0  }
0x2d5: {  	[sflag:s20] =	ssyncadd.s32 $0xFFFFFC00  }
0x2d6: {  	[spmem:s4] =	stream.indirect.scatter.add.f32 [tilespmem:s23], [sflag:$0x4], $0x10, s21, s22, $0xb8;
	[tilespmem:$0x15F00] =	vst v63  }
0x2d7: {  	_ =	swait.ge [sflag:s20], $0xC800  }
0x2d8: {  	[sflag:s20] =	ssyncset.done $0x0  }
0x2d9: {  	[sflag:s20] =	ssyncadd.s32 $0xFFFF3800  }
0x2da: {  	[tilespmem:s25], [sflag:$0x4] =	stream.linear.gather [spmem:s28], $0x400, $0x38;
	[tilespmem:$0x15F00] =	vst v63  }
0x2db: {  	_ =	swait.ge [sflag:s20], $0x400  }
0x2dc: {  	s24 =	sld [smem:$0x7FB]  }
0x2dd: {  	[sflag:s20] =	ssyncset.done $0x0  }
0x2de: {  	[sflag:s20] =	ssyncadd.s32 $0xFFFFFC00  }
0x2df: {  	[hbm4b:s24+s19] =	stream.strided.scatter [tilespmem:s25], [sflag:$0x4], $0x400, s11, s19, $0x38;
	[tilespmem:$0x15F00] =	vst v63  }
0x2e0: {  	_ =	swait.ge [sflag:s20], $0x400  }
0x2e1: {  	s31 =	sld [smem:$0x7DB]  }
0x2e2: {  	[sflag:s20] =	ssyncset.done $0x0  }
0x2e3: {  	[sflag:s20] =	ssyncadd.s32 $0xFFFFFC00  }
0x2e4: {  	[tilespmem:s13], [sflag:$0x4] =	stream.linear.gather [hbm4b:s31+s0], $0xC80, $0x38;
	[tilespmem:$0x15F00] =	vst v63  }
0x2e5: {  	_ =	swait.ge [sflag:s20], $0xC80  }
0x2e6: {  	[sflag:s20] =	ssyncset.done $0x0  }
0x2e7: {  	[sflag:s20] =	ssyncadd.s32 $0xFFFFF380  }
0x2e8: {  	[tilespmem:s23], [sflag:$0x2] =	stream.indirect.gather [hbm4b:s26+s22], $0x10, s13, s22, $0xb8;
	[tilespmem:$0x15F00] =	vst v63  }
0x2e9: {  	_ =	swait.ge [sflag:s10], $0xC800  }
0x2ea: {  	[sflag:s10] =	ssyncset.done $0x0  }
0x2eb: {  	[sflag:s10] =	ssyncadd.s32 $0xFFFF3800  }
0x2ec: {  	[spmem:s28] =	stream.linear.scatter [tilespmem:s1], [sflag:$0x4], $0x400, $0x38;
	[tilespmem:$0x15F00] =	vst v63  }
0x2ed: {  	_ =	swait.ge [sflag:s20], $0x400  }
0x2ee: {  	[sflag:s20] =	ssyncset.done $0x0  }
0x2ef: {  	[sflag:s20] =	ssyncadd.s32 $0xFFFFFC00  }
0x2f0: {  	[spmem:s4] =	stream.indirect.scatter.add.f32 [tilespmem:s23], [sflag:$0x4], $0x10, s21, s22, $0xb8;
	[tilespmem:$0x15F00] =	vst v63  }
0x2f1: {  	_ =	swait.ge [sflag:s20], $0xC800  }
0x2f2: {  	[sflag:s20] =	ssyncset.done $0x0  }
0x2f3: {  	[sflag:s20] =	ssyncadd.s32 $0xFFFF3800  }
0x2f4: {  	[tilespmem:s25], [sflag:$0x4] =	stream.linear.gather [spmem:s28], $0x400, $0x38;
	[tilespmem:$0x15F00] =	vst v63  }
0x2f5: {  	_ =	swait.ge [sflag:s20], $0x400  }
0x2f6: {  	s24 =	sld [smem:$0x7FC]  }
0x2f7: {  	[sflag:s20] =	ssyncset.done $0x0  }
0x2f8: {  	[sflag:s20] =	ssyncadd.s32 $0xFFFFFC00  }
0x2f9: {  	[hbm4b:s24+s19] =	stream.strided.scatter [tilespmem:s25], [sflag:$0x4], $0x400, s11, s19, $0x38;
	[tilespmem:$0x15F00] =	vst v63  }
0x2fa: {  	_ =	swait.ge [sflag:s20], $0x400  }
0x2fb: {  	s31 =	sld [smem:$0x7FD];
	_ =	sdelay $0x1  }
0x2fc: {  	s29 =	sadd.s32 $0x1, s29  }
0x2fd: {  	p0 =	sne.s32 s29, s31  }
.Ltmp2:
0x2fe: {  	_ = 	snop;
	(pc) =	sbr.rel @p0 .LBB3_1-.Ltmp2, $3  }
0x2ff: {  	_ =	sdelay $0x1  }
0x300: {  	[sflag:s20] =	ssyncset.done $0x0  }
0x301: {  	[sflag:s20] =	ssyncadd.s32 $0xFFFFFC00  }
0x302: {  	_ =	sfence.sel $0x180000  }
0x303: {  	[bflag:$0x0] =	sbarrier.arrive $0xFFFF  }
0x304: {  	_ =	strace $0x90000047  }
0x305: {  	s0 =	stileid.u32;
	[bflag:$0x2] =	sbarrier.arrive $0xFFFF  }
0x306: {  	p0 =	sne.s32 s0, $0x0;
	s0 =	rddreg [dreg:$0xe]  }
0x307: {  	s0 =	sadd.s32 @!p0 $0x100000, s0  }
0x308: {  	[sflag:s0] =	ssyncadd.tile.s32 @!p0 $0x1;
	_ =	shalt  }
.Lfunc_end3:
_tile_overlayer_lowered:
.L_overlay_start_3:
0x309: {  	(tag) =	ssettag $0x3  }
0x30a: {  	s0 =	rddreg [dreg:$0x0];
	s2 =	stileid.u32  }
0x30b: {  	s1 =	rddreg [dreg:$0x1];
	p0 =	sne.s32 s2, $0x0  }
0x30c: {  	s3 =	rddreg [dreg:$0x2];
	[bflag:$0x3] =	sbarrier.arrive $0xFFFF;
	s2 =	simm.s32 @!p0 $0x1C04  }
0x30d: {  	[timem:s3], [sflag:s2] =	dma.local @!p0 [hbm:s0], s1  }
0x30e: {  	s0 =	simm.s32 @!p0 $0x4  }
0x30f: {  	_ =	swait.ge @!p0 [sflag:s0], s1  }
0x310: {  	s1 =	ssub.s32 @!p0 $0x0, s1;
	[sflag:s0] =	ssyncset.done @!p0 $0x0  }
0x311: {  	[sflag:s0] =	ssyncadd.s32 @!p0 s1  }
0x312: {  	[bflag:$0x3] =	sbarrier.arrive $0xFFFF  }
0x313: {  	_ =	shalt  }

</sc_bundles>
